<compile_context>
chip_gen: v7x
topology: tpu7x:2x2x1
jax: 0.10.2.dev20260603
libtpu: 0.0.44.dev20260713+nightly
codegen_flags: <defaults>
</compile_context>

<pallas_src>
import functools

import jax
import jax.numpy as jnp
from jax import lax
from jax.experimental import pallas as pl
from jax.experimental.pallas import tpu as pltpu
from jax.experimental.pallas import tpu_sc as plsc

N = 10000
E = 320000
D = 128

NC = 2
NS = 16
NW = NC * NS
CHUNK = 96
NCH = 108
EP = NW * NCH * CHUNK
NP = 10112
RPS = NP // NS
NIDX = 4
NSTRIPE = RPS // CHUNK
RTAIL = RPS - NSTRIPE * CHUNK
PAD_DST = N


def _make_sc_aggregate(with_counts, nrows):
    mesh = plsc.VectorSubcoreMesh(core_axis_name="c", subcore_axis_name="s")
    la = nrows - 1

    out_type = [jax.ShapeDtypeStruct((NC * NP, D), jnp.float32)]
    scratch = [
        [pltpu.VMEM((2, CHUNK), jnp.int32)] * NIDX,
        [pltpu.VMEM((CHUNK, D), jnp.float32)] * nrows,
        pltpu.VMEM_SHARED((NP, D), jnp.float32),
        [pltpu.SemaphoreType.DMA] * NIDX,
        [pltpu.SemaphoreType.DMA] * nrows,
        [pltpu.SemaphoreType.DMA] * nrows,
    ]
    if with_counts:
        out_type.append(jax.ShapeDtypeStruct((NC * NP, 16), jnp.float32))
        scratch += [
            pltpu.VMEM((CHUNK, 16), jnp.float32),
            pltpu.VMEM_SHARED((NP, 16), jnp.float32),
        ]

    @functools.partial(
        pl.kernel,
        out_type=out_type,
        mesh=mesh,
        compiler_params=pltpu.CompilerParams(use_tc_tiling_on_sc=False),
        scratch_types=scratch,
    )
    def k(*refs):
        if with_counts:
            (x_hbm, ei_hbm, zf_hbm, zc_hbm, ones_hbm,
             outf_hbm, outc_hbm, idxs, rows, acc, isem, gsem, ssem,
             onesv, cacc) = refs
        else:
            (x_hbm, ei_hbm, zf_hbm,
             outf_hbm, idxs, rows, acc, isem, gsem, ssem) = refs
        c = lax.axis_index("c")
        s = lax.axis_index("s")
        wid = s * NC + c

        def idx_load(m, q):
            return pltpu.make_async_copy(ei_hbm.at[wid * NCH + m], idxs[q],
                                         isem[q])

        def gather(m, b, q):
            return pltpu.make_async_copy(x_hbm.at[idxs[q].at[0]], rows[b],
                                         gsem[b])

        def scat(b, q):
            return pltpu.make_async_copy(rows[b], acc.at[idxs[q].at[1]],
                                         ssem[b])

        def cscat(b, q):
            return pltpu.make_async_copy(onesv, cacc.at[idxs[q].at[1]],
                                         ssem[b])

        pltpu.sync_copy(zf_hbm.at[pl.ds(0, CHUNK)], rows[0])
        for j in range(NSTRIPE):
            pltpu.sync_copy(rows[0], acc.at[pl.ds(s * RPS + j * CHUNK, CHUNK)])
        pltpu.sync_copy(rows[0].at[pl.ds(0, RTAIL)],
                        acc.at[pl.ds(s * RPS + NSTRIPE * CHUNK, RTAIL)])
        if with_counts:
            pltpu.sync_copy(zc_hbm.at[pl.ds(0, CHUNK)], onesv)
            for j in range(NSTRIPE):
                pltpu.sync_copy(onesv, cacc.at[pl.ds(s * RPS + j * CHUNK, CHUNK)])
            pltpu.sync_copy(onesv.at[pl.ds(0, RTAIL)],
                            cacc.at[pl.ds(s * RPS + NSTRIPE * CHUNK, RTAIL)])
            pltpu.sync_copy(ones_hbm, onesv)
        plsc.subcore_barrier()

        for m0 in range(la + 1):
            idx_load(m0, m0 % NIDX).start()
        for m0 in range(la):
            idx_load(m0, m0 % NIDX).wait()
            gather(m0, m0 % nrows, m0 % NIDX).start()

        UNROLL = nrows * NIDX // (2 if nrows % 2 == 0 else 1)
        assert UNROLL % nrows == 0 and UNROLL % NIDX == 0 and NCH % UNROLL == 0

        def body(g, carry):
            for u in range(UNROLL):
                m = g * UNROLL + u
                b, q = u % nrows, u % NIDX
                bd = (u - 1) % nrows
                qd = (u - 1) % NIDX
                qg = (u + la) % NIDX
                qp = (u + la + 1) % NIDX
                gather(m, b, q).wait()
                scat(b, q).start(add=True)
                if with_counts:
                    cscat(b, q).start(add=True)

                @pl.when(m > 0)
                def _():
                    scat(bd, qd).wait()
                    if with_counts:
                        cscat(bd, qd).wait()

                mn = lax.rem(m + la, NCH)
                idx_load(mn, qg).wait()
                gather(mn, bd, qg).start()
                mn2 = lax.rem(m + la + 1, NCH)
                idx_load(mn2, qp).start()
            return carry

        lax.fori_loop(0, NCH // UNROLL, body, 0)

        for w in range(la):
            mw = NCH - la + w
            gather(w, (mw - 1) % nrows, (NCH + w) % NIDX).wait()
        scat((NCH - 1) % nrows, (NCH - 1) % NIDX).wait()
        if with_counts:
            cscat((NCH - 1) % nrows, (NCH - 1) % NIDX).wait()
        idx_load(la, (NCH + la) % NIDX).wait()
        plsc.subcore_barrier()

        ob = c * NP + s * RPS
        for j in range(NSTRIPE):
            pltpu.sync_copy(acc.at[pl.ds(s * RPS + j * CHUNK, CHUNK)], rows[0])
            pltpu.sync_copy(rows[0], outf_hbm.at[pl.ds(ob + j * CHUNK, CHUNK)])
        pltpu.sync_copy(acc.at[pl.ds(s * RPS + NSTRIPE * CHUNK, RTAIL)],
                        rows[0].at[pl.ds(0, RTAIL)])
        pltpu.sync_copy(rows[0].at[pl.ds(0, RTAIL)],
                        outf_hbm.at[pl.ds(ob + NSTRIPE * CHUNK, RTAIL)])
        if with_counts:
            for j in range(NSTRIPE):
                pltpu.sync_copy(cacc.at[pl.ds(s * RPS + j * CHUNK, CHUNK)], onesv)
                pltpu.sync_copy(onesv, outc_hbm.at[pl.ds(ob + j * CHUNK, CHUNK)])
            pltpu.sync_copy(cacc.at[pl.ds(s * RPS + NSTRIPE * CHUNK, RTAIL)],
                            onesv.at[pl.ds(0, RTAIL)])
            pltpu.sync_copy(onesv.at[pl.ds(0, RTAIL)],
                            outc_hbm.at[pl.ds(ob + NSTRIPE * CHUNK, RTAIL)])

    return k


def _elu(v):
    return jnp.where(v > 0, v, jnp.exp(jnp.minimum(v, 0.0)) - 1.0)


def _softplus(v):
    return jnp.maximum(v, 0.0) + jnp.log(1.0 + jnp.exp(-jnp.abs(v)))


def _dot_t(a, w):
    return lax.dot_general(a, w, (((1,), (1,)), ((), ())),
                           preferred_element_type=jnp.float32)


TCB = 1000


def _tc_res_body(x, r1w, r1b, r2w, r2b, res1_o, res2_o):
    res1_o[...] = _dot_t(x[...], r1w[...]) + r1b[...]
    res2_o[...] = _dot_t(x[...], r2w[...]) + r2b[...]


def _tc1_body(x, pf, pc, wl1, bl1, wr1, h1_o, inv_o):
    agg = pf[0] + pf[1]
    cnt = (pc[0] + pc[1])[:, 0:1]
    inv = 1.0 / jnp.maximum(cnt, 1.0)
    mean = agg * inv
    lin = _dot_t(mean, wl1[...]) + bl1[...] + _dot_t(x[...], wr1[...])
    h1_o[...] = _elu(lin)
    inv_o[...] = inv


def _tc2_body(h1, pf, inv, res1, res2, wl2, bl2, wr2,
              f1w, f1b, f2w, f2b, f3w, f3b, out_o):
    agg = pf[0] + pf[1]
    mean = agg * inv[...]
    h = _elu(_dot_t(mean, wl2[...]) + bl2[...] + _dot_t(h1[...], wr2[...]))
    h = h + res1[...]
    h = _elu(_dot_t(h, f1w[...]) + f1b[...])
    h = _elu(_dot_t(h, f2w[...]) + f2b[...]) + res2[...]
    out_o[...] = _softplus(_dot_t(h, f3w[...]) + f3b[...])


def _row_spec(width=D):
    return pl.BlockSpec((TCB, width), lambda i: (i, 0))


def _part_spec(width):
    return pl.BlockSpec((NC, TCB, width), lambda i: (0, i, 0))


def _w_spec():
    return pl.BlockSpec((D, D), lambda i: (0, 0))


def _b_spec():
    return pl.BlockSpec((1, D), lambda i: (0, 0))


def kernel(x, edge_index, conv1_Wl, conv1_bl, conv1_Wr, conv2_Wl, conv2_bl,
           conv2_Wr, res1_W, res1_b, res2_W, res2_b, fc1_W, fc1_b, fc2_W,
           fc2_b, fc3_W, fc3_b):
    ei = edge_index.astype(jnp.int32)
    npad = EP - E
    pad = jnp.stack([jnp.arange(npad, dtype=jnp.int32) % N,
                     PAD_DST + jnp.arange(npad, dtype=jnp.int32) % (NP - N)])
    ei_chunks = (jnp.concatenate([ei, pad], axis=1)
                 .reshape(2, NW * NCH, CHUNK).transpose(1, 0, 2))
    zf = jnp.zeros((CHUNK, D), jnp.float32)
    zc = jnp.zeros((CHUNK, 16), jnp.float32)
    ones_c = jnp.ones((CHUNK, 16), jnp.float32)

    grid = (N // TCB,)
    res1, res2 = pl.pallas_call(
        _tc_res_body,
        grid=grid,
        in_specs=[_row_spec(), _w_spec(), _b_spec(), _w_spec(), _b_spec()],
        out_specs=[_row_spec(), _row_spec()],
        out_shape=[jax.ShapeDtypeStruct((N, D), jnp.float32)] * 2,
    )(x, res1_W, res1_b.reshape(1, D), res2_W, res2_b.reshape(1, D))

    pf1, pc1 = _make_sc_aggregate(True, 3)(x, ei_chunks, zf, zc, ones_c)
    pf1 = pf1.reshape(NC, NP, D)
    pc1 = pc1.reshape(NC, NP, 16)

    h1, inv = pl.pallas_call(
        _tc1_body,
        grid=grid,
        in_specs=[
            _row_spec(), _part_spec(D), _part_spec(16),
            _w_spec(), _b_spec(), _w_spec(),
        ],
        out_specs=[_row_spec(), _row_spec(1)],
        out_shape=[jax.ShapeDtypeStruct((N, D), jnp.float32),
                   jax.ShapeDtypeStruct((N, 1), jnp.float32)],
    )(x, pf1, pc1, conv1_Wl, conv1_bl.reshape(1, D), conv1_Wr)

    (pf2,) = _make_sc_aggregate(False, 3)(h1, ei_chunks, zf)
    pf2 = pf2.reshape(NC, NP, D)

    out = pl.pallas_call(
        _tc2_body,
        grid=grid,
        in_specs=[
            _row_spec(), _part_spec(D), _row_spec(1), _row_spec(), _row_spec(),
            _w_spec(), _b_spec(), _w_spec(),
            _w_spec(), _b_spec(), _w_spec(), _b_spec(), _w_spec(), _b_spec(),
        ],
        out_specs=_row_spec(),
        out_shape=jax.ShapeDtypeStruct((N, D), jnp.float32),
    )(h1, pf2, inv, res1, res2,
      conv2_Wl, conv2_bl.reshape(1, D), conv2_Wr,
      fc1_W, fc1_b.reshape(1, D), fc2_W, fc2_b.reshape(1, D),
      fc3_W, fc3_b.reshape(1, D))

    return out

# --- scband reference (transcript-rebuilt; emitter-appended) ---
"""Pipeline reference for scband-gene-program-model-gcn-22651657519232 (READ-ONLY COPY).

The authoritative reference and input builder live on the scoring server;
editing this copy changes nothing except your own understanding.
"""

import jax, jax.numpy as jnp
import numpy as np

N, E, D, H, M, O = 10000, 320000, 128, 128, 128, 128


def _sage(x, src, dst, Wl, bl, Wr, n):
    # PyG SAGEConv default: mean aggregation of neighbor messages + root weight
    msg = x[src]
    s = jax.ops.segment_sum(msg, dst, num_segments=n)
    cnt = jax.ops.segment_sum(jnp.ones((src.shape[0],), dtype=x.dtype), dst, num_segments=n)
    mean = s / jnp.clip(cnt, 1.0)[:, None]
    return mean @ Wl.T + bl + x @ Wr.T


def setup_inputs(seed: int = 0):
    key = jax.random.key(seed)
    ks = jax.random.split(key, 16)
    x = jax.random.normal(ks[0], (N, D), dtype=jnp.float32)
    edge_index = jax.random.randint(ks[1], (2, E), 0, N)
    sc = 0.05
    p = lambda k, shape: jax.random.normal(k, shape, dtype=jnp.float32) * sc
    return {
        'x': x,
        'edge_index': edge_index,
        'conv1_Wl': p(ks[2], (H, D)), 'conv1_bl': jnp.zeros((H,), jnp.float32), 'conv1_Wr': p(ks[3], (H, D)),
        'conv2_Wl': p(ks[4], (H, H)), 'conv2_bl': jnp.zeros((H,), jnp.float32), 'conv2_Wr': p(ks[5], (H, H)),
        'res1_W': p(ks[6], (H, D)), 'res1_b': jnp.zeros((H,), jnp.float32),
        'res2_W': p(ks[7], (H, D)), 'res2_b': jnp.zeros((H,), jnp.float32),
        'fc1_W': p(ks[8], (M, H)), 'fc1_b': jnp.zeros((M,), jnp.float32),
        'fc2_W': p(ks[9], (M, M)), 'fc2_b': jnp.zeros((M,), jnp.float32),
        'fc3_W': p(ks[10], (O, M)), 'fc3_b': jnp.zeros((O,), jnp.float32),
    }


def reference(x, edge_index, conv1_Wl, conv1_bl, conv1_Wr, conv2_Wl, conv2_bl, conv2_Wr,
              res1_W, res1_b, res2_W, res2_b, fc1_W, fc1_b, fc2_W, fc2_b, fc3_W, fc3_b):
    n = x.shape[0]
    src = edge_index[0]
    dst = edge_index[1]
    res1 = x @ res1_W.T + res1_b
    res2 = x @ res2_W.T + res2_b
    h = jax.nn.elu(_sage(x, src, dst, conv1_Wl, conv1_bl, conv1_Wr, n))
    # dropout p=0.0 -> identity
    h = jax.nn.elu(_sage(h, src, dst, conv2_Wl, conv2_bl, conv2_Wr, n)) + res1
    h = jax.nn.elu(h @ fc1_W.T + fc1_b)
    h = jax.nn.elu(h @ fc2_W.T + fc2_b) + res2
    return jax.nn.softplus(h @ fc3_W.T + fc3_b)

if __name__ == "__main__":
    import jax
    _d = setup_inputs()
    print(jax.jit(kernel)(*tuple(_d.values())))

</pallas_src>

<mosaic_0001>
#map = affine_map<(d0, d1) -> (0, 0)>
#map1 = affine_map<(d0, d1) -> (0, 0, 0)>
module attributes {stable_mosaic.version = 14 : i64} {
  func.func @k(%arg0: i32, %arg1: i32, %arg2: memref<10000x128xf32, #tpu.memory_space<hbm>>, %arg3: memref<3456x2x96xi32, #tpu.memory_space<hbm>>, %arg4: memref<96x128xf32, #tpu.memory_space<hbm>>, %arg5: memref<20224x128xf32, #tpu.memory_space<hbm>>, %arg6: memref<2x96xi32, #tpu.memory_space<vmem>>, %arg7: memref<2x96xi32, #tpu.memory_space<vmem>>, %arg8: memref<2x96xi32, #tpu.memory_space<vmem>>, %arg9: memref<2x96xi32, #tpu.memory_space<vmem>>, %arg10: memref<96x128xf32, #tpu.memory_space<vmem>>, %arg11: memref<96x128xf32, #tpu.memory_space<vmem>>, %arg12: memref<96x128xf32, #tpu.memory_space<vmem>>, %arg13: memref<10112x128xf32, #tpu.memory_space<vmem_shared>>, %arg14: memref<!tpu.dma_semaphore, #tpu.memory_space<semaphore_mem>>, %arg15: memref<!tpu.dma_semaphore, #tpu.memory_space<semaphore_mem>>, %arg16: memref<!tpu.dma_semaphore, #tpu.memory_space<semaphore_mem>>, %arg17: memref<!tpu.dma_semaphore, #tpu.memory_space<semaphore_mem>>, %arg18: memref<!tpu.dma_semaphore, #tpu.memory_space<semaphore_mem>>, %arg19: memref<!tpu.dma_semaphore, #tpu.memory_space<semaphore_mem>>, %arg20: memref<!tpu.dma_semaphore, #tpu.memory_space<semaphore_mem>>, %arg21: memref<!tpu.dma_semaphore, #tpu.memory_space<semaphore_mem>>, %arg22: memref<!tpu.dma_semaphore, #tpu.memory_space<semaphore_mem>>, %arg23: memref<!tpu.dma_semaphore, #tpu.memory_space<semaphore_mem>>) attributes {dimension_semantics = [#tpu.dimension_semantics<core_parallel>, #tpu.dimension_semantics<subcore_parallel>], iteration_bounds = array<i64: 2, 16>, scalar_prefetch = 0 : i64, scratch_operands = 18 : i64, tpu.core_type = #tpu.core_type<sc_vector_subcore>, window_params = [{transform_indices = #map}, {transform_indices = #map1}, {transform_indices = #map}, {transform_indices = #map}]} {
    %mul3A = arith.constant 2 : i32
    %mul3A_0 = arith.muli %arg1, %mul3A : i32
    %add3A = arith.addi %mul3A_0, %arg0 : i32
    "tpu.region"() ({
      %run_scoped3A = tpu.sem_alloc : memref<!tpu.dma_semaphore, #tpu.memory_space<semaphore_mem>>
      %dma_start3A_187 = arith.constant 0 : i32
      %dma_start3A_188 = arith.constant 0 : i32
      %dma_start3A_189 = tpu.memref_slice %arg4[%dma_start3A_187, %dma_start3A_188] : memref<96x128xf32, #tpu.memory_space<hbm>> -> memref<96x128xf32, #tpu.memory_space<hbm>>
      %dma_start3A_190 = arith.constant 0 : i32
      %dma_start3A_191 = arith.constant 0 : i32
      %dma_start3A_192 = tpu.memref_slice %arg4[%dma_start3A_190, %dma_start3A_191] : memref<96x128xf32, #tpu.memory_space<hbm>> -> memref<96x128xf32, #tpu.memory_space<hbm>>
      tpu.enqueue_dma source(%dma_start3A_192 : memref<96x128xf32, #tpu.memory_space<hbm>>) target(%arg10 : memref<96x128xf32, #tpu.memory_space<vmem>>) target_semaphore(%run_scoped3A : memref<!tpu.dma_semaphore, #tpu.memory_space<semaphore_mem>>)
      %dma_wait3A_193 = arith.constant 0 : i32
      %dma_wait3A_194 = arith.constant 0 : i32
      %dma_wait3A_195 = tpu.memref_slice %arg4[%dma_wait3A_193, %dma_wait3A_194] : memref<96x128xf32, #tpu.memory_space<hbm>> -> memref<96x128xf32, #tpu.memory_space<hbm>>
      %dma_wait3A_196 = arith.constant 0 : i32
      %dma_wait3A_197 = arith.constant 0 : i32
      %dma_wait3A_198 = tpu.memref_slice %arg4[%dma_wait3A_196, %dma_wait3A_197] : memref<96x128xf32, #tpu.memory_space<hbm>> -> memref<96x128xf32, #tpu.memory_space<hbm>>
      tpu.wait_dma2 semaphore(%run_scoped3A : memref<!tpu.dma_semaphore, #tpu.memory_space<semaphore_mem>>) src(%dma_wait3A_198 : memref<96x128xf32, #tpu.memory_space<hbm>>) dst(%arg10 : memref<96x128xf32, #tpu.memory_space<vmem>>)
      tpu.yield
    }) : () -> ()
    %mul3A_1 = arith.constant 632 : i32
    %mul3A_2 = arith.muli %arg1, %mul3A_1 : i32
    %add3A_3 = arith.constant 0 : i32
    %add3A_4 = arith.addi %mul3A_2, %add3A_3 : i32
    "tpu.region"() ({
      %run_scoped3A = tpu.sem_alloc : memref<!tpu.dma_semaphore, #tpu.memory_space<semaphore_mem>>
      %dma_start3A_187 = arith.constant 0 : i32
      %dma_start3A_188 = tpu.memref_slice %arg13[%add3A_4, %dma_start3A_187] : memref<10112x128xf32, #tpu.memory_space<vmem_shared>> -> memref<96x128xf32, #tpu.memory_space<vmem_shared>>
      %dma_start3A_189 = arith.constant 0 : i32
      %dma_start3A_190 = tpu.memref_slice %arg13[%add3A_4, %dma_start3A_189] : memref<10112x128xf32, #tpu.memory_space<vmem_shared>> -> memref<96x128xf32, #tpu.memory_space<vmem_shared>>
      tpu.enqueue_dma source(%arg10 : memref<96x128xf32, #tpu.memory_space<vmem>>) target(%dma_start3A_190 : memref<96x128xf32, #tpu.memory_space<vmem_shared>>) target_semaphore(%run_scoped3A : memref<!tpu.dma_semaphore, #tpu.memory_space<semaphore_mem>>)
      %dma_wait3A_191 = arith.constant 0 : i32
      %dma_wait3A_192 = tpu.memref_slice %arg13[%add3A_4, %dma_wait3A_191] : memref<10112x128xf32, #tpu.memory_space<vmem_shared>> -> memref<96x128xf32, #tpu.memory_space<vmem_shared>>
      %dma_wait3A_193 = arith.constant 0 : i32
      %dma_wait3A_194 = tpu.memref_slice %arg13[%add3A_4, %dma_wait3A_193] : memref<10112x128xf32, #tpu.memory_space<vmem_shared>> -> memref<96x128xf32, #tpu.memory_space<vmem_shared>>
      tpu.wait_dma2 semaphore(%run_scoped3A : memref<!tpu.dma_semaphore, #tpu.memory_space<semaphore_mem>>) src(%arg10 : memref<96x128xf32, #tpu.memory_space<vmem>>) dst(%dma_wait3A_194 : memref<96x128xf32, #tpu.memory_space<vmem_shared>>)
      tpu.yield
    }) : () -> ()
    %mul3A_5 = arith.constant 632 : i32
    %mul3A_6 = arith.muli %arg1, %mul3A_5 : i32
    %add3A_7 = arith.constant 96 : i32
    %add3A_8 = arith.addi %mul3A_6, %add3A_7 : i32
    "tpu.region"() ({
      %run_scoped3A = tpu.sem_alloc : memref<!tpu.dma_semaphore, #tpu.memory_space<semaphore_mem>>
      %dma_start3A_187 = arith.constant 0 : i32
      %dma_start3A_188 = tpu.memref_slice %arg13[%add3A_8, %dma_start3A_187] : memref<10112x128xf32, #tpu.memory_space<vmem_shared>> -> memref<96x128xf32, #tpu.memory_space<vmem_shared>>
      %dma_start3A_189 = arith.constant 0 : i32
      %dma_start3A_190 = tpu.memref_slice %arg13[%add3A_8, %dma_start3A_189] : memref<10112x128xf32, #tpu.memory_space<vmem_shared>> -> memref<96x128xf32, #tpu.memory_space<vmem_shared>>
      tpu.enqueue_dma source(%arg10 : memref<96x128xf32, #tpu.memory_space<vmem>>) target(%dma_start3A_190 : memref<96x128xf32, #tpu.memory_space<vmem_shared>>) target_semaphore(%run_scoped3A : memref<!tpu.dma_semaphore, #tpu.memory_space<semaphore_mem>>)
      %dma_wait3A_191 = arith.constant 0 : i32
      %dma_wait3A_192 = tpu.memref_slice %arg13[%add3A_8, %dma_wait3A_191] : memref<10112x128xf32, #tpu.memory_space<vmem_shared>> -> memref<96x128xf32, #tpu.memory_space<vmem_shared>>
      %dma_wait3A_193 = arith.constant 0 : i32
      %dma_wait3A_194 = tpu.memref_slice %arg13[%add3A_8, %dma_wait3A_193] : memref<10112x128xf32, #tpu.memory_space<vmem_shared>> -> memref<96x128xf32, #tpu.memory_space<vmem_shared>>
      tpu.wait_dma2 semaphore(%run_scoped3A : memref<!tpu.dma_semaphore, #tpu.memory_space<semaphore_mem>>) src(%arg10 : memref<96x128xf32, #tpu.memory_space<vmem>>) dst(%dma_wait3A_194 : memref<96x128xf32, #tpu.memory_space<vmem_shared>>)
      tpu.yield
    }) : () -> ()
    %mul3A_9 = arith.constant 632 : i32
    %mul3A_10 = arith.muli %arg1, %mul3A_9 : i32
    %add3A_11 = arith.constant 192 : i32
    %add3A_12 = arith.addi %mul3A_10, %add3A_11 : i32
    "tpu.region"() ({
      %run_scoped3A = tpu.sem_alloc : memref<!tpu.dma_semaphore, #tpu.memory_space<semaphore_mem>>
      %dma_start3A_187 = arith.constant 0 : i32
      %dma_start3A_188 = tpu.memref_slice %arg13[%add3A_12, %dma_start3A_187] : memref<10112x128xf32, #tpu.memory_space<vmem_shared>> -> memref<96x128xf32, #tpu.memory_space<vmem_shared>>
      %dma_start3A_189 = arith.constant 0 : i32
      %dma_start3A_190 = tpu.memref_slice %arg13[%add3A_12, %dma_start3A_189] : memref<10112x128xf32, #tpu.memory_space<vmem_shared>> -> memref<96x128xf32, #tpu.memory_space<vmem_shared>>
      tpu.enqueue_dma source(%arg10 : memref<96x128xf32, #tpu.memory_space<vmem>>) target(%dma_start3A_190 : memref<96x128xf32, #tpu.memory_space<vmem_shared>>) target_semaphore(%run_scoped3A : memref<!tpu.dma_semaphore, #tpu.memory_space<semaphore_mem>>)
      %dma_wait3A_191 = arith.constant 0 : i32
      %dma_wait3A_192 = tpu.memref_slice %arg13[%add3A_12, %dma_wait3A_191] : memref<10112x128xf32, #tpu.memory_space<vmem_shared>> -> memref<96x128xf32, #tpu.memory_space<vmem_shared>>
      %dma_wait3A_193 = arith.constant 0 : i32
      %dma_wait3A_194 = tpu.memref_slice %arg13[%add3A_12, %dma_wait3A_193] : memref<10112x128xf32, #tpu.memory_space<vmem_shared>> -> memref<96x128xf32, #tpu.memory_space<vmem_shared>>
      tpu.wait_dma2 semaphore(%run_scoped3A : memref<!tpu.dma_semaphore, #tpu.memory_space<semaphore_mem>>) src(%arg10 : memref<96x128xf32, #tpu.memory_space<vmem>>) dst(%dma_wait3A_194 : memref<96x128xf32, #tpu.memory_space<vmem_shared>>)
      tpu.yield
    }) : () -> ()
    %mul3A_13 = arith.constant 632 : i32
    %mul3A_14 = arith.muli %arg1, %mul3A_13 : i32
    %add3A_15 = arith.constant 288 : i32
    %add3A_16 = arith.addi %mul3A_14, %add3A_15 : i32
    "tpu.region"() ({
      %run_scoped3A = tpu.sem_alloc : memref<!tpu.dma_semaphore, #tpu.memory_space<semaphore_mem>>
      %dma_start3A_187 = arith.constant 0 : i32
      %dma_start3A_188 = tpu.memref_slice %arg13[%add3A_16, %dma_start3A_187] : memref<10112x128xf32, #tpu.memory_space<vmem_shared>> -> memref<96x128xf32, #tpu.memory_space<vmem_shared>>
      %dma_start3A_189 = arith.constant 0 : i32
      %dma_start3A_190 = tpu.memref_slice %arg13[%add3A_16, %dma_start3A_189] : memref<10112x128xf32, #tpu.memory_space<vmem_shared>> -> memref<96x128xf32, #tpu.memory_space<vmem_shared>>
      tpu.enqueue_dma source(%arg10 : memref<96x128xf32, #tpu.memory_space<vmem>>) target(%dma_start3A_190 : memref<96x128xf32, #tpu.memory_space<vmem_shared>>) target_semaphore(%run_scoped3A : memref<!tpu.dma_semaphore, #tpu.memory_space<semaphore_mem>>)
      %dma_wait3A_191 = arith.constant 0 : i32
      %dma_wait3A_192 = tpu.memref_slice %arg13[%add3A_16, %dma_wait3A_191] : memref<10112x128xf32, #tpu.memory_space<vmem_shared>> -> memref<96x128xf32, #tpu.memory_space<vmem_shared>>
      %dma_wait3A_193 = arith.constant 0 : i32
      %dma_wait3A_194 = tpu.memref_slice %arg13[%add3A_16, %dma_wait3A_193] : memref<10112x128xf32, #tpu.memory_space<vmem_shared>> -> memref<96x128xf32, #tpu.memory_space<vmem_shared>>
      tpu.wait_dma2 semaphore(%run_scoped3A : memref<!tpu.dma_semaphore, #tpu.memory_space<semaphore_mem>>) src(%arg10 : memref<96x128xf32, #tpu.memory_space<vmem>>) dst(%dma_wait3A_194 : memref<96x128xf32, #tpu.memory_space<vmem_shared>>)
      tpu.yield
    }) : () -> ()
    %mul3A_17 = arith.constant 632 : i32
    %mul3A_18 = arith.muli %arg1, %mul3A_17 : i32
    %add3A_19 = arith.constant 384 : i32
    %add3A_20 = arith.addi %mul3A_18, %add3A_19 : i32
    "tpu.region"() ({
      %run_scoped3A = tpu.sem_alloc : memref<!tpu.dma_semaphore, #tpu.memory_space<semaphore_mem>>
      %dma_start3A_187 = arith.constant 0 : i32
      %dma_start3A_188 = tpu.memref_slice %arg13[%add3A_20, %dma_start3A_187] : memref<10112x128xf32, #tpu.memory_space<vmem_shared>> -> memref<96x128xf32, #tpu.memory_space<vmem_shared>>
      %dma_start3A_189 = arith.constant 0 : i32
      %dma_start3A_190 = tpu.memref_slice %arg13[%add3A_20, %dma_start3A_189] : memref<10112x128xf32, #tpu.memory_space<vmem_shared>> -> memref<96x128xf32, #tpu.memory_space<vmem_shared>>
      tpu.enqueue_dma source(%arg10 : memref<96x128xf32, #tpu.memory_space<vmem>>) target(%dma_start3A_190 : memref<96x128xf32, #tpu.memory_space<vmem_shared>>) target_semaphore(%run_scoped3A : memref<!tpu.dma_semaphore, #tpu.memory_space<semaphore_mem>>)
      %dma_wait3A_191 = arith.constant 0 : i32
      %dma_wait3A_192 = tpu.memref_slice %arg13[%add3A_20, %dma_wait3A_191] : memref<10112x128xf32, #tpu.memory_space<vmem_shared>> -> memref<96x128xf32, #tpu.memory_space<vmem_shared>>
      %dma_wait3A_193 = arith.constant 0 : i32
      %dma_wait3A_194 = tpu.memref_slice %arg13[%add3A_20, %dma_wait3A_193] : memref<10112x128xf32, #tpu.memory_space<vmem_shared>> -> memref<96x128xf32, #tpu.memory_space<vmem_shared>>
      tpu.wait_dma2 semaphore(%run_scoped3A : memref<!tpu.dma_semaphore, #tpu.memory_space<semaphore_mem>>) src(%arg10 : memref<96x128xf32, #tpu.memory_space<vmem>>) dst(%dma_wait3A_194 : memref<96x128xf32, #tpu.memory_space<vmem_shared>>)
      tpu.yield
    }) : () -> ()
    %mul3A_21 = arith.constant 632 : i32
    %mul3A_22 = arith.muli %arg1, %mul3A_21 : i32
    %add3A_23 = arith.constant 480 : i32
    %add3A_24 = arith.addi %mul3A_22, %add3A_23 : i32
    "tpu.region"() ({
      %run_scoped3A = tpu.sem_alloc : memref<!tpu.dma_semaphore, #tpu.memory_space<semaphore_mem>>
      %dma_start3A_187 = arith.constant 0 : i32
      %dma_start3A_188 = tpu.memref_slice %arg13[%add3A_24, %dma_start3A_187] : memref<10112x128xf32, #tpu.memory_space<vmem_shared>> -> memref<96x128xf32, #tpu.memory_space<vmem_shared>>
      %dma_start3A_189 = arith.constant 0 : i32
      %dma_start3A_190 = tpu.memref_slice %arg13[%add3A_24, %dma_start3A_189] : memref<10112x128xf32, #tpu.memory_space<vmem_shared>> -> memref<96x128xf32, #tpu.memory_space<vmem_shared>>
      tpu.enqueue_dma source(%arg10 : memref<96x128xf32, #tpu.memory_space<vmem>>) target(%dma_start3A_190 : memref<96x128xf32, #tpu.memory_space<vmem_shared>>) target_semaphore(%run_scoped3A : memref<!tpu.dma_semaphore, #tpu.memory_space<semaphore_mem>>)
      %dma_wait3A_191 = arith.constant 0 : i32
      %dma_wait3A_192 = tpu.memref_slice %arg13[%add3A_24, %dma_wait3A_191] : memref<10112x128xf32, #tpu.memory_space<vmem_shared>> -> memref<96x128xf32, #tpu.memory_space<vmem_shared>>
      %dma_wait3A_193 = arith.constant 0 : i32
      %dma_wait3A_194 = tpu.memref_slice %arg13[%add3A_24, %dma_wait3A_193] : memref<10112x128xf32, #tpu.memory_space<vmem_shared>> -> memref<96x128xf32, #tpu.memory_space<vmem_shared>>
      tpu.wait_dma2 semaphore(%run_scoped3A : memref<!tpu.dma_semaphore, #tpu.memory_space<semaphore_mem>>) src(%arg10 : memref<96x128xf32, #tpu.memory_space<vmem>>) dst(%dma_wait3A_194 : memref<96x128xf32, #tpu.memory_space<vmem_shared>>)
      tpu.yield
    }) : () -> ()
    %mul3A_25 = arith.constant 632 : i32
    %mul3A_26 = arith.muli %arg1, %mul3A_25 : i32
    %add3A_27 = arith.constant 576 : i32
    %add3A_28 = arith.addi %mul3A_26, %add3A_27 : i32
    "tpu.region"() ({
      %run_scoped3A = tpu.sem_alloc : memref<!tpu.dma_semaphore, #tpu.memory_space<semaphore_mem>>
      %dma_start3A_187 = arith.constant 0 : i32
      %dma_start3A_188 = arith.constant 0 : i32
      %dma_start3A_189 = tpu.memref_slice %arg10[%dma_start3A_187, %dma_start3A_188] : memref<96x128xf32, #tpu.memory_space<vmem>> -> memref<56x128xf32, #tpu.memory_space<vmem>>
      %dma_start3A_190 = arith.constant 0 : i32
      %dma_start3A_191 = tpu.memref_slice %arg13[%add3A_28, %dma_start3A_190] : memref<10112x128xf32, #tpu.memory_space<vmem_shared>> -> memref<56x128xf32, #tpu.memory_space<vmem_shared>>
      %dma_start3A_192 = arith.constant 0 : i32
      %dma_start3A_193 = tpu.memref_slice %arg13[%add3A_28, %dma_start3A_192] : memref<10112x128xf32, #tpu.memory_space<vmem_shared>> -> memref<56x128xf32, #tpu.memory_space<vmem_shared>>
      %dma_start3A_194 = arith.constant 0 : i32
      %dma_start3A_195 = arith.constant 0 : i32
      %dma_start3A_196 = tpu.memref_slice %arg10[%dma_start3A_194, %dma_start3A_195] : memref<96x128xf32, #tpu.memory_space<vmem>> -> memref<56x128xf32, #tpu.memory_space<vmem>>
      tpu.enqueue_dma source(%dma_start3A_196 : memref<56x128xf32, #tpu.memory_space<vmem>>) target(%dma_start3A_193 : memref<56x128xf32, #tpu.memory_space<vmem_shared>>) target_semaphore(%run_scoped3A : memref<!tpu.dma_semaphore, #tpu.memory_space<semaphore_mem>>)
      %dma_wait3A_197 = arith.constant 0 : i32
      %dma_wait3A_198 = arith.constant 0 : i32
      %dma_wait3A_199 = tpu.memref_slice %arg10[%dma_wait3A_197, %dma_wait3A_198] : memref<96x128xf32, #tpu.memory_space<vmem>> -> memref<56x128xf32, #tpu.memory_space<vmem>>
      %dma_wait3A_200 = arith.constant 0 : i32
      %dma_wait3A_201 = tpu.memref_slice %arg13[%add3A_28, %dma_wait3A_200] : memref<10112x128xf32, #tpu.memory_space<vmem_shared>> -> memref<56x128xf32, #tpu.memory_space<vmem_shared>>
      %dma_wait3A_202 = arith.constant 0 : i32
      %dma_wait3A_203 = tpu.memref_slice %arg13[%add3A_28, %dma_wait3A_202] : memref<10112x128xf32, #tpu.memory_space<vmem_shared>> -> memref<56x128xf32, #tpu.memory_space<vmem_shared>>
      %dma_wait3A_204 = arith.constant 0 : i32
      %dma_wait3A_205 = arith.constant 0 : i32
      %dma_wait3A_206 = tpu.memref_slice %arg10[%dma_wait3A_204, %dma_wait3A_205] : memref<96x128xf32, #tpu.memory_space<vmem>> -> memref<56x128xf32, #tpu.memory_space<vmem>>
      tpu.wait_dma2 semaphore(%run_scoped3A : memref<!tpu.dma_semaphore, #tpu.memory_space<semaphore_mem>>) src(%dma_wait3A_206 : memref<56x128xf32, #tpu.memory_space<vmem>>) dst(%dma_wait3A_203 : memref<56x128xf32, #tpu.memory_space<vmem_shared>>)
      tpu.yield
    }) : () -> ()
    %barrier3A = arith.constant 0 : index
    tpu.barrier barrier_id(%barrier3A)
    %mul3A_29 = arith.constant 108 : i32
    %mul3A_30 = arith.muli %add3A, %mul3A_29 : i32
    %add3A_31 = arith.constant 0 : i32
    %add3A_32 = arith.addi %mul3A_30, %add3A_31 : i32
    %dma_start3A = arith.constant 0 : i32
    %dma_start3A_33 = arith.constant 0 : i32
    %dma_start3A_34 = tpu.memref_slice %arg3[%add3A_32, %dma_start3A, %dma_start3A_33] : memref<3456x2x96xi32, #tpu.memory_space<hbm>> -> memref<1x2x96xi32, #tpu.memory_space<hbm>>
    %dma_start3A_35 = tpu.memref_squeeze %dma_start3A_34 : memref<1x2x96xi32, #tpu.memory_space<hbm>> -> memref<2x96xi32, #tpu.memory_space<hbm>>
    %dma_start3A_36 = arith.constant 0 : i32
    %dma_start3A_37 = arith.constant 0 : i32
    %dma_start3A_38 = tpu.memref_slice %arg3[%add3A_32, %dma_start3A_36, %dma_start3A_37] : memref<3456x2x96xi32, #tpu.memory_space<hbm>> -> memref<1x2x96xi32, #tpu.memory_space<hbm>>
    %dma_start3A_39 = tpu.memref_squeeze %dma_start3A_38 : memref<1x2x96xi32, #tpu.memory_space<hbm>> -> memref<2x96xi32, #tpu.memory_space<hbm>>
    tpu.enqueue_dma source(%dma_start3A_39 : memref<2x96xi32, #tpu.memory_space<hbm>>) target(%arg6 : memref<2x96xi32, #tpu.memory_space<vmem>>) target_semaphore(%arg14 : memref<!tpu.dma_semaphore, #tpu.memory_space<semaphore_mem>>)
    %mul3A_40 = arith.constant 108 : i32
    %mul3A_41 = arith.muli %add3A, %mul3A_40 : i32
    %add3A_42 = arith.constant 1 : i32
    %add3A_43 = arith.addi %mul3A_41, %add3A_42 : i32
    %dma_start3A_44 = arith.constant 0 : i32
    %dma_start3A_45 = arith.constant 0 : i32
    %dma_start3A_46 = tpu.memref_slice %arg3[%add3A_43, %dma_start3A_44, %dma_start3A_45] : memref<3456x2x96xi32, #tpu.memory_space<hbm>> -> memref<1x2x96xi32, #tpu.memory_space<hbm>>
    %dma_start3A_47 = tpu.memref_squeeze %dma_start3A_46 : memref<1x2x96xi32, #tpu.memory_space<hbm>> -> memref<2x96xi32, #tpu.memory_space<hbm>>
    %dma_start3A_48 = arith.constant 0 : i32
    %dma_start3A_49 = arith.constant 0 : i32
    %dma_start3A_50 = tpu.memref_slice %arg3[%add3A_43, %dma_start3A_48, %dma_start3A_49] : memref<3456x2x96xi32, #tpu.memory_space<hbm>> -> memref<1x2x96xi32, #tpu.memory_space<hbm>>
    %dma_start3A_51 = tpu.memref_squeeze %dma_start3A_50 : memref<1x2x96xi32, #tpu.memory_space<hbm>> -> memref<2x96xi32, #tpu.memory_space<hbm>>
    tpu.enqueue_dma source(%dma_start3A_51 : memref<2x96xi32, #tpu.memory_space<hbm>>) target(%arg7 : memref<2x96xi32, #tpu.memory_space<vmem>>) target_semaphore(%arg15 : memref<!tpu.dma_semaphore, #tpu.memory_space<semaphore_mem>>)
    %mul3A_52 = arith.constant 108 : i32
    %mul3A_53 = arith.muli %add3A, %mul3A_52 : i32
    %add3A_54 = arith.constant 2 : i32
    %add3A_55 = arith.addi %mul3A_53, %add3A_54 : i32
    %dma_start3A_56 = arith.constant 0 : i32
    %dma_start3A_57 = arith.constant 0 : i32
    %dma_start3A_58 = tpu.memref_slice %arg3[%add3A_55, %dma_start3A_56, %dma_start3A_57] : memref<3456x2x96xi32, #tpu.memory_space<hbm>> -> memref<1x2x96xi32, #tpu.memory_space<hbm>>
    %dma_start3A_59 = tpu.memref_squeeze %dma_start3A_58 : memref<1x2x96xi32, #tpu.memory_space<hbm>> -> memref<2x96xi32, #tpu.memory_space<hbm>>
    %dma_start3A_60 = arith.constant 0 : i32
    %dma_start3A_61 = arith.constant 0 : i32
    %dma_start3A_62 = tpu.memref_slice %arg3[%add3A_55, %dma_start3A_60, %dma_start3A_61] : memref<3456x2x96xi32, #tpu.memory_space<hbm>> -> memref<1x2x96xi32, #tpu.memory_space<hbm>>
    %dma_start3A_63 = tpu.memref_squeeze %dma_start3A_62 : memref<1x2x96xi32, #tpu.memory_space<hbm>> -> memref<2x96xi32, #tpu.memory_space<hbm>>
    tpu.enqueue_dma source(%dma_start3A_63 : memref<2x96xi32, #tpu.memory_space<hbm>>) target(%arg8 : memref<2x96xi32, #tpu.memory_space<vmem>>) target_semaphore(%arg16 : memref<!tpu.dma_semaphore, #tpu.memory_space<semaphore_mem>>)
    %mul3A_64 = arith.constant 108 : i32
    %mul3A_65 = arith.muli %add3A, %mul3A_64 : i32
    %add3A_66 = arith.constant 0 : i32
    %add3A_67 = arith.addi %mul3A_65, %add3A_66 : i32
    %dma_wait3A = arith.constant 0 : i32
    %dma_wait3A_68 = arith.constant 0 : i32
    %dma_wait3A_69 = tpu.memref_slice %arg3[%add3A_67, %dma_wait3A, %dma_wait3A_68] : memref<3456x2x96xi32, #tpu.memory_space<hbm>> -> memref<1x2x96xi32, #tpu.memory_space<hbm>>
    %dma_wait3A_70 = tpu.memref_squeeze %dma_wait3A_69 : memref<1x2x96xi32, #tpu.memory_space<hbm>> -> memref<2x96xi32, #tpu.memory_space<hbm>>
    %dma_wait3A_71 = arith.constant 0 : i32
    %dma_wait3A_72 = arith.constant 0 : i32
    %dma_wait3A_73 = tpu.memref_slice %arg3[%add3A_67, %dma_wait3A_71, %dma_wait3A_72] : memref<3456x2x96xi32, #tpu.memory_space<hbm>> -> memref<1x2x96xi32, #tpu.memory_space<hbm>>
    %dma_wait3A_74 = tpu.memref_squeeze %dma_wait3A_73 : memref<1x2x96xi32, #tpu.memory_space<hbm>> -> memref<2x96xi32, #tpu.memory_space<hbm>>
    tpu.wait_dma2 semaphore(%arg14 : memref<!tpu.dma_semaphore, #tpu.memory_space<semaphore_mem>>) src(%dma_wait3A_74 : memref<2x96xi32, #tpu.memory_space<hbm>>) dst(%arg6 : memref<2x96xi32, #tpu.memory_space<vmem>>)
    %dma_start3A_75 = arith.constant 0 : i32
    %dma_start3A_76 = arith.constant 0 : i32
    %dma_start3A_77 = tpu.memref_slice %arg6[%dma_start3A_75, %dma_start3A_76] : memref<2x96xi32, #tpu.memory_space<vmem>> -> memref<1x96xi32, #tpu.memory_space<vmem>>
    %dma_start3A_78 = tpu.memref_squeeze %dma_start3A_77 : memref<1x96xi32, #tpu.memory_space<vmem>> -> memref<96xi32, #tpu.memory_space<vmem>>
    %dma_start3A_79 = arith.constant 0 : i32
    %dma_start3A_80 = arith.constant 0 : i32
    %dma_start3A_81 = tpu.memref_slice %arg2[%dma_start3A_79, %dma_start3A_80] : memref<10000x128xf32, #tpu.memory_space<hbm>> -> memref<10000x128xf32, #tpu.memory_space<hbm>>
    tpu.enqueue_indirect_dma source(%dma_start3A_81 : memref<10000x128xf32, #tpu.memory_space<hbm>>) target(%arg10 : memref<96x128xf32, #tpu.memory_space<vmem>>) offsets(%dma_start3A_78 : memref<96xi32, #tpu.memory_space<vmem>>) semaphore(%arg18 : memref<!tpu.dma_semaphore, #tpu.memory_space<semaphore_mem>>)
    %mul3A_82 = arith.constant 108 : i32
    %mul3A_83 = arith.muli %add3A, %mul3A_82 : i32
    %add3A_84 = arith.constant 1 : i32
    %add3A_85 = arith.addi %mul3A_83, %add3A_84 : i32
    %dma_wait3A_86 = arith.constant 0 : i32
    %dma_wait3A_87 = arith.constant 0 : i32
    %dma_wait3A_88 = tpu.memref_slice %arg3[%add3A_85, %dma_wait3A_86, %dma_wait3A_87] : memref<3456x2x96xi32, #tpu.memory_space<hbm>> -> memref<1x2x96xi32, #tpu.memory_space<hbm>>
    %dma_wait3A_89 = tpu.memref_squeeze %dma_wait3A_88 : memref<1x2x96xi32, #tpu.memory_space<hbm>> -> memref<2x96xi32, #tpu.memory_space<hbm>>
    %dma_wait3A_90 = arith.constant 0 : i32
    %dma_wait3A_91 = arith.constant 0 : i32
    %dma_wait3A_92 = tpu.memref_slice %arg3[%add3A_85, %dma_wait3A_90, %dma_wait3A_91] : memref<3456x2x96xi32, #tpu.memory_space<hbm>> -> memref<1x2x96xi32, #tpu.memory_space<hbm>>
    %dma_wait3A_93 = tpu.memref_squeeze %dma_wait3A_92 : memref<1x2x96xi32, #tpu.memory_space<hbm>> -> memref<2x96xi32, #tpu.memory_space<hbm>>
    tpu.wait_dma2 semaphore(%arg15 : memref<!tpu.dma_semaphore, #tpu.memory_space<semaphore_mem>>) src(%dma_wait3A_93 : memref<2x96xi32, #tpu.memory_space<hbm>>) dst(%arg7 : memref<2x96xi32, #tpu.memory_space<vmem>>)
    %dma_start3A_94 = arith.constant 0 : i32
    %dma_start3A_95 = arith.constant 0 : i32
    %dma_start3A_96 = tpu.memref_slice %arg7[%dma_start3A_94, %dma_start3A_95] : memref<2x96xi32, #tpu.memory_space<vmem>> -> memref<1x96xi32, #tpu.memory_space<vmem>>
    %dma_start3A_97 = tpu.memref_squeeze %dma_start3A_96 : memref<1x96xi32, #tpu.memory_space<vmem>> -> memref<96xi32, #tpu.memory_space<vmem>>
    %dma_start3A_98 = arith.constant 0 : i32
    %dma_start3A_99 = arith.constant 0 : i32
    %dma_start3A_100 = tpu.memref_slice %arg2[%dma_start3A_98, %dma_start3A_99] : memref<10000x128xf32, #tpu.memory_space<hbm>> -> memref<10000x128xf32, #tpu.memory_space<hbm>>
    tpu.enqueue_indirect_dma source(%dma_start3A_100 : memref<10000x128xf32, #tpu.memory_space<hbm>>) target(%arg11 : memref<96x128xf32, #tpu.memory_space<vmem>>) offsets(%dma_start3A_97 : memref<96xi32, #tpu.memory_space<vmem>>) semaphore(%arg19 : memref<!tpu.dma_semaphore, #tpu.memory_space<semaphore_mem>>)
    %scan3A = arith.constant 0 : i32
    %scan3A_101 = arith.constant 0 : i32
    %scan3A_102 = arith.constant 9 : i32
    %scan3A_103 = arith.addi %scan3A_101, %scan3A_102 : i32
    %scan3A_104 = arith.constant 1 : i32
    scf.for %scan3A_187 = %scan3A_101 to %scan3A_103 step %scan3A_104  : i32 {
      %mul3A_188 = arith.constant 12 : i32
      %mul3A_189 = arith.muli %scan3A_187, %mul3A_188 : i32
      %add3A_190 = arith.constant 0 : i32
      %add3A_191 = arith.addi %mul3A_189, %add3A_190 : i32
      %dma_wait3A_192 = arith.constant 0 : i32
      %dma_wait3A_193 = arith.constant 0 : i32
      %dma_wait3A_194 = tpu.memref_slice %arg6[%dma_wait3A_192, %dma_wait3A_193] : memref<2x96xi32, #tpu.memory_space<vmem>> -> memref<1x96xi32, #tpu.memory_space<vmem>>
      %dma_wait3A_195 = tpu.memref_squeeze %dma_wait3A_194 : memref<1x96xi32, #tpu.memory_space<vmem>> -> memref<96xi32, #tpu.memory_space<vmem>>
      %dma_wait3A_196 = arith.constant 0 : i32
      %dma_wait3A_197 = arith.constant 0 : i32
      %dma_wait3A_198 = tpu.memref_slice %arg2[%dma_wait3A_196, %dma_wait3A_197] : memref<10000x128xf32, #tpu.memory_space<hbm>> -> memref<10000x128xf32, #tpu.memory_space<hbm>>
      tpu.wait_indirect_dma semaphore(%arg18 : memref<!tpu.dma_semaphore, #tpu.memory_space<semaphore_mem>>) src(%dma_wait3A_198 : memref<10000x128xf32, #tpu.memory_space<hbm>>) dst(%arg10 : memref<96x128xf32, #tpu.memory_space<vmem>>)
      %dma_start3A_199 = arith.constant 1 : i32
      %dma_start3A_200 = arith.constant 0 : i32
      %dma_start3A_201 = tpu.memref_slice %arg6[%dma_start3A_199, %dma_start3A_200] : memref<2x96xi32, #tpu.memory_space<vmem>> -> memref<1x96xi32, #tpu.memory_space<vmem>>
      %dma_start3A_202 = tpu.memref_squeeze %dma_start3A_201 : memref<1x96xi32, #tpu.memory_space<vmem>> -> memref<96xi32, #tpu.memory_space<vmem>>
      %dma_start3A_203 = arith.constant 0 : i32
      %dma_start3A_204 = arith.constant 0 : i32
      %dma_start3A_205 = tpu.memref_slice %arg13[%dma_start3A_203, %dma_start3A_204] : memref<10112x128xf32, #tpu.memory_space<vmem_shared>> -> memref<10112x128xf32, #tpu.memory_space<vmem_shared>>
      tpu.enqueue_indirect_dma source(%arg10 : memref<96x128xf32, #tpu.memory_space<vmem>>) target(%dma_start3A_205 : memref<10112x128xf32, #tpu.memory_space<vmem_shared>>) offsets(%dma_start3A_202 : memref<96xi32, #tpu.memory_space<vmem>>) semaphore(%arg21 : memref<!tpu.dma_semaphore, #tpu.memory_space<semaphore_mem>>) {add = true}
      %gt3A = arith.constant 0 : i32
      %gt3A_206 = arith.cmpi sgt, %add3A_191, %gt3A : i32
      %convert_element_type3A = arith.extui %gt3A_206 : i1 to i32
      %cond3A = arith.constant 0 : i32
      %cond3A_207 = arith.cmpi ne, %convert_element_type3A, %cond3A : i32
      scf.if %cond3A_207 {
        %dma_wait3A_928 = arith.constant 1 : i32
        %dma_wait3A_929 = arith.constant 0 : i32
        %dma_wait3A_930 = tpu.memref_slice %arg9[%dma_wait3A_928, %dma_wait3A_929] : memref<2x96xi32, #tpu.memory_space<vmem>> -> memref<1x96xi32, #tpu.memory_space<vmem>>
        %dma_wait3A_931 = tpu.memref_squeeze %dma_wait3A_930 : memref<1x96xi32, #tpu.memory_space<vmem>> -> memref<96xi32, #tpu.memory_space<vmem>>
        %dma_wait3A_932 = arith.constant 0 : i32
        %dma_wait3A_933 = arith.constant 0 : i32
        %dma_wait3A_934 = tpu.memref_slice %arg13[%dma_wait3A_932, %dma_wait3A_933] : memref<10112x128xf32, #tpu.memory_space<vmem_shared>> -> memref<10112x128xf32, #tpu.memory_space<vmem_shared>>
        tpu.wait_indirect_dma semaphore(%arg23 : memref<!tpu.dma_semaphore, #tpu.memory_space<semaphore_mem>>) src(%arg12 : memref<96x128xf32, #tpu.memory_space<vmem>>) dst(%dma_wait3A_934 : memref<10112x128xf32, #tpu.memory_space<vmem_shared>>)
      } else {
      }
      %add3A_208 = arith.constant 2 : i32
      %add3A_209 = arith.addi %add3A_191, %add3A_208 : i32
      %rem3A = arith.constant 108 : i32
      %rem3A_210 = arith.remsi %add3A_209, %rem3A : i32
      %mul3A_211 = arith.constant 108 : i32
      %mul3A_212 = arith.muli %add3A, %mul3A_211 : i32
      %add3A_213 = arith.addi %mul3A_212, %rem3A_210 : i32
      %dma_wait3A_214 = arith.constant 0 : i32
      %dma_wait3A_215 = arith.constant 0 : i32
      %dma_wait3A_216 = tpu.memref_slice %arg3[%add3A_213, %dma_wait3A_214, %dma_wait3A_215] : memref<3456x2x96xi32, #tpu.memory_space<hbm>> -> memref<1x2x96xi32, #tpu.memory_space<hbm>>
      %dma_wait3A_217 = tpu.memref_squeeze %dma_wait3A_216 : memref<1x2x96xi32, #tpu.memory_space<hbm>> -> memref<2x96xi32, #tpu.memory_space<hbm>>
      %dma_wait3A_218 = arith.constant 0 : i32
      %dma_wait3A_219 = arith.constant 0 : i32
      %dma_wait3A_220 = tpu.memref_slice %arg3[%add3A_213, %dma_wait3A_218, %dma_wait3A_219] : memref<3456x2x96xi32, #tpu.memory_space<hbm>> -> memref<1x2x96xi32, #tpu.memory_space<hbm>>
      %dma_wait3A_221 = tpu.memref_squeeze %dma_wait3A_220 : memref<1x2x96xi32, #tpu.memory_space<hbm>> -> memref<2x96xi32, #tpu.memory_space<hbm>>
      tpu.wait_dma2 semaphore(%arg16 : memref<!tpu.dma_semaphore, #tpu.memory_space<semaphore_mem>>) src(%dma_wait3A_221 : memref<2x96xi32, #tpu.memory_space<hbm>>) dst(%arg8 : memref<2x96xi32, #tpu.memory_space<vmem>>)
      %dma_start3A_222 = arith.constant 0 : i32
      %dma_start3A_223 = arith.constant 0 : i32
      %dma_start3A_224 = tpu.memref_slice %arg8[%dma_start3A_222, %dma_start3A_223] : memref<2x96xi32, #tpu.memory_space<vmem>> -> memref<1x96xi32, #tpu.memory_space<vmem>>
      %dma_start3A_225 = tpu.memref_squeeze %dma_start3A_224 : memref<1x96xi32, #tpu.memory_space<vmem>> -> memref<96xi32, #tpu.memory_space<vmem>>
      %dma_start3A_226 = arith.constant 0 : i32
      %dma_start3A_227 = arith.constant 0 : i32
      %dma_start3A_228 = tpu.memref_slice %arg2[%dma_start3A_226, %dma_start3A_227] : memref<10000x128xf32, #tpu.memory_space<hbm>> -> memref<10000x128xf32, #tpu.memory_space<hbm>>
      tpu.enqueue_indirect_dma source(%dma_start3A_228 : memref<10000x128xf32, #tpu.memory_space<hbm>>) target(%arg12 : memref<96x128xf32, #tpu.memory_space<vmem>>) offsets(%dma_start3A_225 : memref<96xi32, #tpu.memory_space<vmem>>) semaphore(%arg20 : memref<!tpu.dma_semaphore, #tpu.memory_space<semaphore_mem>>)
      %add3A_229 = arith.constant 2 : i32
      %add3A_230 = arith.addi %add3A_191, %add3A_229 : i32
      %add3A_231 = arith.constant 1 : i32
      %add3A_232 = arith.addi %add3A_230, %add3A_231 : i32
      %rem3A_233 = arith.constant 108 : i32
      %rem3A_234 = arith.remsi %add3A_232, %rem3A_233 : i32
      %mul3A_235 = arith.constant 108 : i32
      %mul3A_236 = arith.muli %add3A, %mul3A_235 : i32
      %add3A_237 = arith.addi %mul3A_236, %rem3A_234 : i32
      %dma_start3A_238 = arith.constant 0 : i32
      %dma_start3A_239 = arith.constant 0 : i32
      %dma_start3A_240 = tpu.memref_slice %arg3[%add3A_237, %dma_start3A_238, %dma_start3A_239] : memref<3456x2x96xi32, #tpu.memory_space<hbm>> -> memref<1x2x96xi32, #tpu.memory_space<hbm>>
      %dma_start3A_241 = tpu.memref_squeeze %dma_start3A_240 : memref<1x2x96xi32, #tpu.memory_space<hbm>> -> memref<2x96xi32, #tpu.memory_space<hbm>>
      %dma_start3A_242 = arith.constant 0 : i32
      %dma_start3A_243 = arith.constant 0 : i32
      %dma_start3A_244 = tpu.memref_slice %arg3[%add3A_237, %dma_start3A_242, %dma_start3A_243] : memref<3456x2x96xi32, #tpu.memory_space<hbm>> -> memref<1x2x96xi32, #tpu.memory_space<hbm>>
      %dma_start3A_245 = tpu.memref_squeeze %dma_start3A_244 : memref<1x2x96xi32, #tpu.memory_space<hbm>> -> memref<2x96xi32, #tpu.memory_space<hbm>>
      tpu.enqueue_dma source(%dma_start3A_245 : memref<2x96xi32, #tpu.memory_space<hbm>>) target(%arg9 : memref<2x96xi32, #tpu.memory_space<vmem>>) target_semaphore(%arg17 : memref<!tpu.dma_semaphore, #tpu.memory_space<semaphore_mem>>)
      %mul3A_246 = arith.constant 12 : i32
      %mul3A_247 = arith.muli %scan3A_187, %mul3A_246 : i32
      %add3A_248 = arith.constant 1 : i32
      %add3A_249 = arith.addi %mul3A_247, %add3A_248 : i32
      %dma_wait3A_250 = arith.constant 0 : i32
      %dma_wait3A_251 = arith.constant 0 : i32
      %dma_wait3A_252 = tpu.memref_slice %arg7[%dma_wait3A_250, %dma_wait3A_251] : memref<2x96xi32, #tpu.memory_space<vmem>> -> memref<1x96xi32, #tpu.memory_space<vmem>>
      %dma_wait3A_253 = tpu.memref_squeeze %dma_wait3A_252 : memref<1x96xi32, #tpu.memory_space<vmem>> -> memref<96xi32, #tpu.memory_space<vmem>>
      %dma_wait3A_254 = arith.constant 0 : i32
      %dma_wait3A_255 = arith.constant 0 : i32
      %dma_wait3A_256 = tpu.memref_slice %arg2[%dma_wait3A_254, %dma_wait3A_255] : memref<10000x128xf32, #tpu.memory_space<hbm>> -> memref<10000x128xf32, #tpu.memory_space<hbm>>
      tpu.wait_indirect_dma semaphore(%arg19 : memref<!tpu.dma_semaphore, #tpu.memory_space<semaphore_mem>>) src(%dma_wait3A_256 : memref<10000x128xf32, #tpu.memory_space<hbm>>) dst(%arg11 : memref<96x128xf32, #tpu.memory_space<vmem>>)
      %dma_start3A_257 = arith.constant 1 : i32
      %dma_start3A_258 = arith.constant 0 : i32
      %dma_start3A_259 = tpu.memref_slice %arg7[%dma_start3A_257, %dma_start3A_258] : memref<2x96xi32, #tpu.memory_space<vmem>> -> memref<1x96xi32, #tpu.memory_space<vmem>>
      %dma_start3A_260 = tpu.memref_squeeze %dma_start3A_259 : memref<1x96xi32, #tpu.memory_space<vmem>> -> memref<96xi32, #tpu.memory_space<vmem>>
      %dma_start3A_261 = arith.constant 0 : i32
      %dma_start3A_262 = arith.constant 0 : i32
      %dma_start3A_263 = tpu.memref_slice %arg13[%dma_start3A_261, %dma_start3A_262] : memref<10112x128xf32, #tpu.memory_space<vmem_shared>> -> memref<10112x128xf32, #tpu.memory_space<vmem_shared>>
      tpu.enqueue_indirect_dma source(%arg11 : memref<96x128xf32, #tpu.memory_space<vmem>>) target(%dma_start3A_263 : memref<10112x128xf32, #tpu.memory_space<vmem_shared>>) offsets(%dma_start3A_260 : memref<96xi32, #tpu.memory_space<vmem>>) semaphore(%arg22 : memref<!tpu.dma_semaphore, #tpu.memory_space<semaphore_mem>>) {add = true}
      %gt3A_264 = arith.constant 0 : i32
      %gt3A_265 = arith.cmpi sgt, %add3A_249, %gt3A_264 : i32
      %convert_element_type3A_266 = arith.extui %gt3A_265 : i1 to i32
      %cond3A_267 = arith.constant 0 : i32
      %cond3A_268 = arith.cmpi ne, %convert_element_type3A_266, %cond3A_267 : i32
      scf.if %cond3A_268 {
        %dma_wait3A_928 = arith.constant 1 : i32
        %dma_wait3A_929 = arith.constant 0 : i32
        %dma_wait3A_930 = tpu.memref_slice %arg6[%dma_wait3A_928, %dma_wait3A_929] : memref<2x96xi32, #tpu.memory_space<vmem>> -> memref<1x96xi32, #tpu.memory_space<vmem>>
        %dma_wait3A_931 = tpu.memref_squeeze %dma_wait3A_930 : memref<1x96xi32, #tpu.memory_space<vmem>> -> memref<96xi32, #tpu.memory_space<vmem>>
        %dma_wait3A_932 = arith.constant 0 : i32
        %dma_wait3A_933 = arith.constant 0 : i32
        %dma_wait3A_934 = tpu.memref_slice %arg13[%dma_wait3A_932, %dma_wait3A_933] : memref<10112x128xf32, #tpu.memory_space<vmem_shared>> -> memref<10112x128xf32, #tpu.memory_space<vmem_shared>>
        tpu.wait_indirect_dma semaphore(%arg21 : memref<!tpu.dma_semaphore, #tpu.memory_space<semaphore_mem>>) src(%arg10 : memref<96x128xf32, #tpu.memory_space<vmem>>) dst(%dma_wait3A_934 : memref<10112x128xf32, #tpu.memory_space<vmem_shared>>)
      } else {
      }
      %add3A_269 = arith.constant 2 : i32
      %add3A_270 = arith.addi %add3A_249, %add3A_269 : i32
      %rem3A_271 = arith.constant 108 : i32
      %rem3A_272 = arith.remsi %add3A_270, %rem3A_271 : i32
      %mul3A_273 = arith.constant 108 : i32
      %mul3A_274 = arith.muli %add3A, %mul3A_273 : i32
      %add3A_275 = arith.addi %mul3A_274, %rem3A_272 : i32
      %dma_wait3A_276 = arith.constant 0 : i32
      %dma_wait3A_277 = arith.constant 0 : i32
      %dma_wait3A_278 = tpu.memref_slice %arg3[%add3A_275, %dma_wait3A_276, %dma_wait3A_277] : memref<3456x2x96xi32, #tpu.memory_space<hbm>> -> memref<1x2x96xi32, #tpu.memory_space<hbm>>
      %dma_wait3A_279 = tpu.memref_squeeze %dma_wait3A_278 : memref<1x2x96xi32, #tpu.memory_space<hbm>> -> memref<2x96xi32, #tpu.memory_space<hbm>>
      %dma_wait3A_280 = arith.constant 0 : i32
      %dma_wait3A_281 = arith.constant 0 : i32
      %dma_wait3A_282 = tpu.memref_slice %arg3[%add3A_275, %dma_wait3A_280, %dma_wait3A_281] : memref<3456x2x96xi32, #tpu.memory_space<hbm>> -> memref<1x2x96xi32, #tpu.memory_space<hbm>>
      %dma_wait3A_283 = tpu.memref_squeeze %dma_wait3A_282 : memref<1x2x96xi32, #tpu.memory_space<hbm>> -> memref<2x96xi32, #tpu.memory_space<hbm>>
      tpu.wait_dma2 semaphore(%arg17 : memref<!tpu.dma_semaphore, #tpu.memory_space<semaphore_mem>>) src(%dma_wait3A_283 : memref<2x96xi32, #tpu.memory_space<hbm>>) dst(%arg9 : memref<2x96xi32, #tpu.memory_space<vmem>>)
      %dma_start3A_284 = arith.constant 0 : i32
      %dma_start3A_285 = arith.constant 0 : i32
      %dma_start3A_286 = tpu.memref_slice %arg9[%dma_start3A_284, %dma_start3A_285] : memref<2x96xi32, #tpu.memory_space<vmem>> -> memref<1x96xi32, #tpu.memory_space<vmem>>
      %dma_start3A_287 = tpu.memref_squeeze %dma_start3A_286 : memref<1x96xi32, #tpu.memory_space<vmem>> -> memref<96xi32, #tpu.memory_space<vmem>>
      %dma_start3A_288 = arith.constant 0 : i32
      %dma_start3A_289 = arith.constant 0 : i32
      %dma_start3A_290 = tpu.memref_slice %arg2[%dma_start3A_288, %dma_start3A_289] : memref<10000x128xf32, #tpu.memory_space<hbm>> -> memref<10000x128xf32, #tpu.memory_space<hbm>>
      tpu.enqueue_indirect_dma source(%dma_start3A_290 : memref<10000x128xf32, #tpu.memory_space<hbm>>) target(%arg10 : memref<96x128xf32, #tpu.memory_space<vmem>>) offsets(%dma_start3A_287 : memref<96xi32, #tpu.memory_space<vmem>>) semaphore(%arg18 : memref<!tpu.dma_semaphore, #tpu.memory_space<semaphore_mem>>)
      %add3A_291 = arith.constant 2 : i32
      %add3A_292 = arith.addi %add3A_249, %add3A_291 : i32
      %add3A_293 = arith.constant 1 : i32
      %add3A_294 = arith.addi %add3A_292, %add3A_293 : i32
      %rem3A_295 = arith.constant 108 : i32
      %rem3A_296 = arith.remsi %add3A_294, %rem3A_295 : i32
      %mul3A_297 = arith.constant 108 : i32
      %mul3A_298 = arith.muli %add3A, %mul3A_297 : i32
      %add3A_299 = arith.addi %mul3A_298, %rem3A_296 : i32
      %dma_start3A_300 = arith.constant 0 : i32
      %dma_start3A_301 = arith.constant 0 : i32
      %dma_start3A_302 = tpu.memref_slice %arg3[%add3A_299, %dma_start3A_300, %dma_start3A_301] : memref<3456x2x96xi32, #tpu.memory_space<hbm>> -> memref<1x2x96xi32, #tpu.memory_space<hbm>>
      %dma_start3A_303 = tpu.memref_squeeze %dma_start3A_302 : memref<1x2x96xi32, #tpu.memory_space<hbm>> -> memref<2x96xi32, #tpu.memory_space<hbm>>
      %dma_start3A_304 = arith.constant 0 : i32
      %dma_start3A_305 = arith.constant 0 : i32
      %dma_start3A_306 = tpu.memref_slice %arg3[%add3A_299, %dma_start3A_304, %dma_start3A_305] : memref<3456x2x96xi32, #tpu.memory_space<hbm>> -> memref<1x2x96xi32, #tpu.memory_space<hbm>>
      %dma_start3A_307 = tpu.memref_squeeze %dma_start3A_306 : memref<1x2x96xi32, #tpu.memory_space<hbm>> -> memref<2x96xi32, #tpu.memory_space<hbm>>
      tpu.enqueue_dma source(%dma_start3A_307 : memref<2x96xi32, #tpu.memory_space<hbm>>) target(%arg6 : memref<2x96xi32, #tpu.memory_space<vmem>>) target_semaphore(%arg14 : memref<!tpu.dma_semaphore, #tpu.memory_space<semaphore_mem>>)
      %mul3A_308 = arith.constant 12 : i32
      %mul3A_309 = arith.muli %scan3A_187, %mul3A_308 : i32
      %add3A_310 = arith.constant 2 : i32
      %add3A_311 = arith.addi %mul3A_309, %add3A_310 : i32
      %dma_wait3A_312 = arith.constant 0 : i32
      %dma_wait3A_313 = arith.constant 0 : i32
      %dma_wait3A_314 = tpu.memref_slice %arg8[%dma_wait3A_312, %dma_wait3A_313] : memref<2x96xi32, #tpu.memory_space<vmem>> -> memref<1x96xi32, #tpu.memory_space<vmem>>
      %dma_wait3A_315 = tpu.memref_squeeze %dma_wait3A_314 : memref<1x96xi32, #tpu.memory_space<vmem>> -> memref<96xi32, #tpu.memory_space<vmem>>
      %dma_wait3A_316 = arith.constant 0 : i32
      %dma_wait3A_317 = arith.constant 0 : i32
      %dma_wait3A_318 = tpu.memref_slice %arg2[%dma_wait3A_316, %dma_wait3A_317] : memref<10000x128xf32, #tpu.memory_space<hbm>> -> memref<10000x128xf32, #tpu.memory_space<hbm>>
      tpu.wait_indirect_dma semaphore(%arg20 : memref<!tpu.dma_semaphore, #tpu.memory_space<semaphore_mem>>) src(%dma_wait3A_318 : memref<10000x128xf32, #tpu.memory_space<hbm>>) dst(%arg12 : memref<96x128xf32, #tpu.memory_space<vmem>>)
      %dma_start3A_319 = arith.constant 1 : i32
      %dma_start3A_320 = arith.constant 0 : i32
      %dma_start3A_321 = tpu.memref_slice %arg8[%dma_start3A_319, %dma_start3A_320] : memref<2x96xi32, #tpu.memory_space<vmem>> -> memref<1x96xi32, #tpu.memory_space<vmem>>
      %dma_start3A_322 = tpu.memref_squeeze %dma_start3A_321 : memref<1x96xi32, #tpu.memory_space<vmem>> -> memref<96xi32, #tpu.memory_space<vmem>>
      %dma_start3A_323 = arith.constant 0 : i32
      %dma_start3A_324 = arith.constant 0 : i32
      %dma_start3A_325 = tpu.memref_slice %arg13[%dma_start3A_323, %dma_start3A_324] : memref<10112x128xf32, #tpu.memory_space<vmem_shared>> -> memref<10112x128xf32, #tpu.memory_space<vmem_shared>>
      tpu.enqueue_indirect_dma source(%arg12 : memref<96x128xf32, #tpu.memory_space<vmem>>) target(%dma_start3A_325 : memref<10112x128xf32, #tpu.memory_space<vmem_shared>>) offsets(%dma_start3A_322 : memref<96xi32, #tpu.memory_space<vmem>>) semaphore(%arg23 : memref<!tpu.dma_semaphore, #tpu.memory_space<semaphore_mem>>) {add = true}
      %gt3A_326 = arith.constant 0 : i32
      %gt3A_327 = arith.cmpi sgt, %add3A_311, %gt3A_326 : i32
      %convert_element_type3A_328 = arith.extui %gt3A_327 : i1 to i32
      %cond3A_329 = arith.constant 0 : i32
      %cond3A_330 = arith.cmpi ne, %convert_element_type3A_328, %cond3A_329 : i32
      scf.if %cond3A_330 {
        %dma_wait3A_928 = arith.constant 1 : i32
        %dma_wait3A_929 = arith.constant 0 : i32
        %dma_wait3A_930 = tpu.memref_slice %arg7[%dma_wait3A_928, %dma_wait3A_929] : memref<2x96xi32, #tpu.memory_space<vmem>> -> memref<1x96xi32, #tpu.memory_space<vmem>>
        %dma_wait3A_931 = tpu.memref_squeeze %dma_wait3A_930 : memref<1x96xi32, #tpu.memory_space<vmem>> -> memref<96xi32, #tpu.memory_space<vmem>>
        %dma_wait3A_932 = arith.constant 0 : i32
        %dma_wait3A_933 = arith.constant 0 : i32
        %dma_wait3A_934 = tpu.memref_slice %arg13[%dma_wait3A_932, %dma_wait3A_933] : memref<10112x128xf32, #tpu.memory_space<vmem_shared>> -> memref<10112x128xf32, #tpu.memory_space<vmem_shared>>
        tpu.wait_indirect_dma semaphore(%arg22 : memref<!tpu.dma_semaphore, #tpu.memory_space<semaphore_mem>>) src(%arg11 : memref<96x128xf32, #tpu.memory_space<vmem>>) dst(%dma_wait3A_934 : memref<10112x128xf32, #tpu.memory_space<vmem_shared>>)
      } else {
      }
      %add3A_331 = arith.constant 2 : i32
      %add3A_332 = arith.addi %add3A_311, %add3A_331 : i32
      %rem3A_333 = arith.constant 108 : i32
      %rem3A_334 = arith.remsi %add3A_332, %rem3A_333 : i32
      %mul3A_335 = arith.constant 108 : i32
      %mul3A_336 = arith.muli %add3A, %mul3A_335 : i32
      %add3A_337 = arith.addi %mul3A_336, %rem3A_334 : i32
      %dma_wait3A_338 = arith.constant 0 : i32
      %dma_wait3A_339 = arith.constant 0 : i32
      %dma_wait3A_340 = tpu.memref_slice %arg3[%add3A_337, %dma_wait3A_338, %dma_wait3A_339] : memref<3456x2x96xi32, #tpu.memory_space<hbm>> -> memref<1x2x96xi32, #tpu.memory_space<hbm>>
      %dma_wait3A_341 = tpu.memref_squeeze %dma_wait3A_340 : memref<1x2x96xi32, #tpu.memory_space<hbm>> -> memref<2x96xi32, #tpu.memory_space<hbm>>
      %dma_wait3A_342 = arith.constant 0 : i32
      %dma_wait3A_343 = arith.constant 0 : i32
      %dma_wait3A_344 = tpu.memref_slice %arg3[%add3A_337, %dma_wait3A_342, %dma_wait3A_343] : memref<3456x2x96xi32, #tpu.memory_space<hbm>> -> memref<1x2x96xi32, #tpu.memory_space<hbm>>
      %dma_wait3A_345 = tpu.memref_squeeze %dma_wait3A_344 : memref<1x2x96xi32, #tpu.memory_space<hbm>> -> memref<2x96xi32, #tpu.memory_space<hbm>>
      tpu.wait_dma2 semaphore(%arg14 : memref<!tpu.dma_semaphore, #tpu.memory_space<semaphore_mem>>) src(%dma_wait3A_345 : memref<2x96xi32, #tpu.memory_space<hbm>>) dst(%arg6 : memref<2x96xi32, #tpu.memory_space<vmem>>)
      %dma_start3A_346 = arith.constant 0 : i32
      %dma_start3A_347 = arith.constant 0 : i32
      %dma_start3A_348 = tpu.memref_slice %arg6[%dma_start3A_346, %dma_start3A_347] : memref<2x96xi32, #tpu.memory_space<vmem>> -> memref<1x96xi32, #tpu.memory_space<vmem>>
      %dma_start3A_349 = tpu.memref_squeeze %dma_start3A_348 : memref<1x96xi32, #tpu.memory_space<vmem>> -> memref<96xi32, #tpu.memory_space<vmem>>
      %dma_start3A_350 = arith.constant 0 : i32
      %dma_start3A_351 = arith.constant 0 : i32
      %dma_start3A_352 = tpu.memref_slice %arg2[%dma_start3A_350, %dma_start3A_351] : memref<10000x128xf32, #tpu.memory_space<hbm>> -> memref<10000x128xf32, #tpu.memory_space<hbm>>
      tpu.enqueue_indirect_dma source(%dma_start3A_352 : memref<10000x128xf32, #tpu.memory_space<hbm>>) target(%arg11 : memref<96x128xf32, #tpu.memory_space<vmem>>) offsets(%dma_start3A_349 : memref<96xi32, #tpu.memory_space<vmem>>) semaphore(%arg19 : memref<!tpu.dma_semaphore, #tpu.memory_space<semaphore_mem>>)
      %add3A_353 = arith.constant 2 : i32
      %add3A_354 = arith.addi %add3A_311, %add3A_353 : i32
      %add3A_355 = arith.constant 1 : i32
      %add3A_356 = arith.addi %add3A_354, %add3A_355 : i32
      %rem3A_357 = arith.constant 108 : i32
      %rem3A_358 = arith.remsi %add3A_356, %rem3A_357 : i32
      %mul3A_359 = arith.constant 108 : i32
      %mul3A_360 = arith.muli %add3A, %mul3A_359 : i32
      %add3A_361 = arith.addi %mul3A_360, %rem3A_358 : i32
      %dma_start3A_362 = arith.constant 0 : i32
      %dma_start3A_363 = arith.constant 0 : i32
      %dma_start3A_364 = tpu.memref_slice %arg3[%add3A_361, %dma_start3A_362, %dma_start3A_363] : memref<3456x2x96xi32, #tpu.memory_space<hbm>> -> memref<1x2x96xi32, #tpu.memory_space<hbm>>
      %dma_start3A_365 = tpu.memref_squeeze %dma_start3A_364 : memref<1x2x96xi32, #tpu.memory_space<hbm>> -> memref<2x96xi32, #tpu.memory_space<hbm>>
      %dma_start3A_366 = arith.constant 0 : i32
      %dma_start3A_367 = arith.constant 0 : i32
      %dma_start3A_368 = tpu.memref_slice %arg3[%add3A_361, %dma_start3A_366, %dma_start3A_367] : memref<3456x2x96xi32, #tpu.memory_space<hbm>> -> memref<1x2x96xi32, #tpu.memory_space<hbm>>
      %dma_start3A_369 = tpu.memref_squeeze %dma_start3A_368 : memref<1x2x96xi32, #tpu.memory_space<hbm>> -> memref<2x96xi32, #tpu.memory_space<hbm>>
      tpu.enqueue_dma source(%dma_start3A_369 : memref<2x96xi32, #tpu.memory_space<hbm>>) target(%arg7 : memref<2x96xi32, #tpu.memory_space<vmem>>) target_semaphore(%arg15 : memref<!tpu.dma_semaphore, #tpu.memory_space<semaphore_mem>>)
      %mul3A_370 = arith.constant 12 : i32
      %mul3A_371 = arith.muli %scan3A_187, %mul3A_370 : i32
      %add3A_372 = arith.constant 3 : i32
      %add3A_373 = arith.addi %mul3A_371, %add3A_372 : i32
      %dma_wait3A_374 = arith.constant 0 : i32
      %dma_wait3A_375 = arith.constant 0 : i32
      %dma_wait3A_376 = tpu.memref_slice %arg9[%dma_wait3A_374, %dma_wait3A_375] : memref<2x96xi32, #tpu.memory_space<vmem>> -> memref<1x96xi32, #tpu.memory_space<vmem>>
      %dma_wait3A_377 = tpu.memref_squeeze %dma_wait3A_376 : memref<1x96xi32, #tpu.memory_space<vmem>> -> memref<96xi32, #tpu.memory_space<vmem>>
      %dma_wait3A_378 = arith.constant 0 : i32
      %dma_wait3A_379 = arith.constant 0 : i32
      %dma_wait3A_380 = tpu.memref_slice %arg2[%dma_wait3A_378, %dma_wait3A_379] : memref<10000x128xf32, #tpu.memory_space<hbm>> -> memref<10000x128xf32, #tpu.memory_space<hbm>>
      tpu.wait_indirect_dma semaphore(%arg18 : memref<!tpu.dma_semaphore, #tpu.memory_space<semaphore_mem>>) src(%dma_wait3A_380 : memref<10000x128xf32, #tpu.memory_space<hbm>>) dst(%arg10 : memref<96x128xf32, #tpu.memory_space<vmem>>)
      %dma_start3A_381 = arith.constant 1 : i32
      %dma_start3A_382 = arith.constant 0 : i32
      %dma_start3A_383 = tpu.memref_slice %arg9[%dma_start3A_381, %dma_start3A_382] : memref<2x96xi32, #tpu.memory_space<vmem>> -> memref<1x96xi32, #tpu.memory_space<vmem>>
      %dma_start3A_384 = tpu.memref_squeeze %dma_start3A_383 : memref<1x96xi32, #tpu.memory_space<vmem>> -> memref<96xi32, #tpu.memory_space<vmem>>
      %dma_start3A_385 = arith.constant 0 : i32
      %dma_start3A_386 = arith.constant 0 : i32
      %dma_start3A_387 = tpu.memref_slice %arg13[%dma_start3A_385, %dma_start3A_386] : memref<10112x128xf32, #tpu.memory_space<vmem_shared>> -> memref<10112x128xf32, #tpu.memory_space<vmem_shared>>
      tpu.enqueue_indirect_dma source(%arg10 : memref<96x128xf32, #tpu.memory_space<vmem>>) target(%dma_start3A_387 : memref<10112x128xf32, #tpu.memory_space<vmem_shared>>) offsets(%dma_start3A_384 : memref<96xi32, #tpu.memory_space<vmem>>) semaphore(%arg21 : memref<!tpu.dma_semaphore, #tpu.memory_space<semaphore_mem>>) {add = true}
      %gt3A_388 = arith.constant 0 : i32
      %gt3A_389 = arith.cmpi sgt, %add3A_373, %gt3A_388 : i32
      %convert_element_type3A_390 = arith.extui %gt3A_389 : i1 to i32
      %cond3A_391 = arith.constant 0 : i32
      %cond3A_392 = arith.cmpi ne, %convert_element_type3A_390, %cond3A_391 : i32
      scf.if %cond3A_392 {
        %dma_wait3A_928 = arith.constant 1 : i32
        %dma_wait3A_929 = arith.constant 0 : i32
        %dma_wait3A_930 = tpu.memref_slice %arg8[%dma_wait3A_928, %dma_wait3A_929] : memref<2x96xi32, #tpu.memory_space<vmem>> -> memref<1x96xi32, #tpu.memory_space<vmem>>
        %dma_wait3A_931 = tpu.memref_squeeze %dma_wait3A_930 : memref<1x96xi32, #tpu.memory_space<vmem>> -> memref<96xi32, #tpu.memory_space<vmem>>
        %dma_wait3A_932 = arith.constant 0 : i32
        %dma_wait3A_933 = arith.constant 0 : i32
        %dma_wait3A_934 = tpu.memref_slice %arg13[%dma_wait3A_932, %dma_wait3A_933] : memref<10112x128xf32, #tpu.memory_space<vmem_shared>> -> memref<10112x128xf32, #tpu.memory_space<vmem_shared>>
        tpu.wait_indirect_dma semaphore(%arg23 : memref<!tpu.dma_semaphore, #tpu.memory_space<semaphore_mem>>) src(%arg12 : memref<96x128xf32, #tpu.memory_space<vmem>>) dst(%dma_wait3A_934 : memref<10112x128xf32, #tpu.memory_space<vmem_shared>>)
      } else {
      }
      %add3A_393 = arith.constant 2 : i32
      %add3A_394 = arith.addi %add3A_373, %add3A_393 : i32
      %rem3A_395 = arith.constant 108 : i32
      %rem3A_396 = arith.remsi %add3A_394, %rem3A_395 : i32
      %mul3A_397 = arith.constant 108 : i32
      %mul3A_398 = arith.muli %add3A, %mul3A_397 : i32
      %add3A_399 = arith.addi %mul3A_398, %rem3A_396 : i32
      %dma_wait3A_400 = arith.constant 0 : i32
      %dma_wait3A_401 = arith.constant 0 : i32
      %dma_wait3A_402 = tpu.memref_slice %arg3[%add3A_399, %dma_wait3A_400, %dma_wait3A_401] : memref<3456x2x96xi32, #tpu.memory_space<hbm>> -> memref<1x2x96xi32, #tpu.memory_space<hbm>>
      %dma_wait3A_403 = tpu.memref_squeeze %dma_wait3A_402 : memref<1x2x96xi32, #tpu.memory_space<hbm>> -> memref<2x96xi32, #tpu.memory_space<hbm>>
      %dma_wait3A_404 = arith.constant 0 : i32
      %dma_wait3A_405 = arith.constant 0 : i32
      %dma_wait3A_406 = tpu.memref_slice %arg3[%add3A_399, %dma_wait3A_404, %dma_wait3A_405] : memref<3456x2x96xi32, #tpu.memory_space<hbm>> -> memref<1x2x96xi32, #tpu.memory_space<hbm>>
      %dma_wait3A_407 = tpu.memref_squeeze %dma_wait3A_406 : memref<1x2x96xi32, #tpu.memory_space<hbm>> -> memref<2x96xi32, #tpu.memory_space<hbm>>
      tpu.wait_dma2 semaphore(%arg15 : memref<!tpu.dma_semaphore, #tpu.memory_space<semaphore_mem>>) src(%dma_wait3A_407 : memref<2x96xi32, #tpu.memory_space<hbm>>) dst(%arg7 : memref<2x96xi32, #tpu.memory_space<vmem>>)
      %dma_start3A_408 = arith.constant 0 : i32
      %dma_start3A_409 = arith.constant 0 : i32
      %dma_start3A_410 = tpu.memref_slice %arg7[%dma_start3A_408, %dma_start3A_409] : memref<2x96xi32, #tpu.memory_space<vmem>> -> memref<1x96xi32, #tpu.memory_space<vmem>>
      %dma_start3A_411 = tpu.memref_squeeze %dma_start3A_410 : memref<1x96xi32, #tpu.memory_space<vmem>> -> memref<96xi32, #tpu.memory_space<vmem>>
      %dma_start3A_412 = arith.constant 0 : i32
      %dma_start3A_413 = arith.constant 0 : i32
      %dma_start3A_414 = tpu.memref_slice %arg2[%dma_start3A_412, %dma_start3A_413] : memref<10000x128xf32, #tpu.memory_space<hbm>> -> memref<10000x128xf32, #tpu.memory_space<hbm>>
      tpu.enqueue_indirect_dma source(%dma_start3A_414 : memref<10000x128xf32, #tpu.memory_space<hbm>>) target(%arg12 : memref<96x128xf32, #tpu.memory_space<vmem>>) offsets(%dma_start3A_411 : memref<96xi32, #tpu.memory_space<vmem>>) semaphore(%arg20 : memref<!tpu.dma_semaphore, #tpu.memory_space<semaphore_mem>>)
      %add3A_415 = arith.constant 2 : i32
      %add3A_416 = arith.addi %add3A_373, %add3A_415 : i32
      %add3A_417 = arith.constant 1 : i32
      %add3A_418 = arith.addi %add3A_416, %add3A_417 : i32
      %rem3A_419 = arith.constant 108 : i32
      %rem3A_420 = arith.remsi %add3A_418, %rem3A_419 : i32
      %mul3A_421 = arith.constant 108 : i32
      %mul3A_422 = arith.muli %add3A, %mul3A_421 : i32
      %add3A_423 = arith.addi %mul3A_422, %rem3A_420 : i32
      %dma_start3A_424 = arith.constant 0 : i32
      %dma_start3A_425 = arith.constant 0 : i32
      %dma_start3A_426 = tpu.memref_slice %arg3[%add3A_423, %dma_start3A_424, %dma_start3A_425] : memref<3456x2x96xi32, #tpu.memory_space<hbm>> -> memref<1x2x96xi32, #tpu.memory_space<hbm>>
      %dma_start3A_427 = tpu.memref_squeeze %dma_start3A_426 : memref<1x2x96xi32, #tpu.memory_space<hbm>> -> memref<2x96xi32, #tpu.memory_space<hbm>>
      %dma_start3A_428 = arith.constant 0 : i32
      %dma_start3A_429 = arith.constant 0 : i32
      %dma_start3A_430 = tpu.memref_slice %arg3[%add3A_423, %dma_start3A_428, %dma_start3A_429] : memref<3456x2x96xi32, #tpu.memory_space<hbm>> -> memref<1x2x96xi32, #tpu.memory_space<hbm>>
      %dma_start3A_431 = tpu.memref_squeeze %dma_start3A_430 : memref<1x2x96xi32, #tpu.memory_space<hbm>> -> memref<2x96xi32, #tpu.memory_space<hbm>>
      tpu.enqueue_dma source(%dma_start3A_431 : memref<2x96xi32, #tpu.memory_space<hbm>>) target(%arg8 : memref<2x96xi32, #tpu.memory_space<vmem>>) target_semaphore(%arg16 : memref<!tpu.dma_semaphore, #tpu.memory_space<semaphore_mem>>)
      %mul3A_432 = arith.constant 12 : i32
      %mul3A_433 = arith.muli %scan3A_187, %mul3A_432 : i32
      %add3A_434 = arith.constant 4 : i32
      %add3A_435 = arith.addi %mul3A_433, %add3A_434 : i32
      %dma_wait3A_436 = arith.constant 0 : i32
      %dma_wait3A_437 = arith.constant 0 : i32
      %dma_wait3A_438 = tpu.memref_slice %arg6[%dma_wait3A_436, %dma_wait3A_437] : memref<2x96xi32, #tpu.memory_space<vmem>> -> memref<1x96xi32, #tpu.memory_space<vmem>>
      %dma_wait3A_439 = tpu.memref_squeeze %dma_wait3A_438 : memref<1x96xi32, #tpu.memory_space<vmem>> -> memref<96xi32, #tpu.memory_space<vmem>>
      %dma_wait3A_440 = arith.constant 0 : i32
      %dma_wait3A_441 = arith.constant 0 : i32
      %dma_wait3A_442 = tpu.memref_slice %arg2[%dma_wait3A_440, %dma_wait3A_441] : memref<10000x128xf32, #tpu.memory_space<hbm>> -> memref<10000x128xf32, #tpu.memory_space<hbm>>
      tpu.wait_indirect_dma semaphore(%arg19 : memref<!tpu.dma_semaphore, #tpu.memory_space<semaphore_mem>>) src(%dma_wait3A_442 : memref<10000x128xf32, #tpu.memory_space<hbm>>) dst(%arg11 : memref<96x128xf32, #tpu.memory_space<vmem>>)
      %dma_start3A_443 = arith.constant 1 : i32
      %dma_start3A_444 = arith.constant 0 : i32
      %dma_start3A_445 = tpu.memref_slice %arg6[%dma_start3A_443, %dma_start3A_444] : memref<2x96xi32, #tpu.memory_space<vmem>> -> memref<1x96xi32, #tpu.memory_space<vmem>>
      %dma_start3A_446 = tpu.memref_squeeze %dma_start3A_445 : memref<1x96xi32, #tpu.memory_space<vmem>> -> memref<96xi32, #tpu.memory_space<vmem>>
      %dma_start3A_447 = arith.constant 0 : i32
      %dma_start3A_448 = arith.constant 0 : i32
      %dma_start3A_449 = tpu.memref_slice %arg13[%dma_start3A_447, %dma_start3A_448] : memref<10112x128xf32, #tpu.memory_space<vmem_shared>> -> memref<10112x128xf32, #tpu.memory_space<vmem_shared>>
      tpu.enqueue_indirect_dma source(%arg11 : memref<96x128xf32, #tpu.memory_space<vmem>>) target(%dma_start3A_449 : memref<10112x128xf32, #tpu.memory_space<vmem_shared>>) offsets(%dma_start3A_446 : memref<96xi32, #tpu.memory_space<vmem>>) semaphore(%arg22 : memref<!tpu.dma_semaphore, #tpu.memory_space<semaphore_mem>>) {add = true}
      %gt3A_450 = arith.constant 0 : i32
      %gt3A_451 = arith.cmpi sgt, %add3A_435, %gt3A_450 : i32
      %convert_element_type3A_452 = arith.extui %gt3A_451 : i1 to i32
      %cond3A_453 = arith.constant 0 : i32
      %cond3A_454 = arith.cmpi ne, %convert_element_type3A_452, %cond3A_453 : i32
      scf.if %cond3A_454 {
        %dma_wait3A_928 = arith.constant 1 : i32
        %dma_wait3A_929 = arith.constant 0 : i32
        %dma_wait3A_930 = tpu.memref_slice %arg9[%dma_wait3A_928, %dma_wait3A_929] : memref<2x96xi32, #tpu.memory_space<vmem>> -> memref<1x96xi32, #tpu.memory_space<vmem>>
        %dma_wait3A_931 = tpu.memref_squeeze %dma_wait3A_930 : memref<1x96xi32, #tpu.memory_space<vmem>> -> memref<96xi32, #tpu.memory_space<vmem>>
        %dma_wait3A_932 = arith.constant 0 : i32
        %dma_wait3A_933 = arith.constant 0 : i32
        %dma_wait3A_934 = tpu.memref_slice %arg13[%dma_wait3A_932, %dma_wait3A_933] : memref<10112x128xf32, #tpu.memory_space<vmem_shared>> -> memref<10112x128xf32, #tpu.memory_space<vmem_shared>>
        tpu.wait_indirect_dma semaphore(%arg21 : memref<!tpu.dma_semaphore, #tpu.memory_space<semaphore_mem>>) src(%arg10 : memref<96x128xf32, #tpu.memory_space<vmem>>) dst(%dma_wait3A_934 : memref<10112x128xf32, #tpu.memory_space<vmem_shared>>)
      } else {
      }
      %add3A_455 = arith.constant 2 : i32
      %add3A_456 = arith.addi %add3A_435, %add3A_455 : i32
      %rem3A_457 = arith.constant 108 : i32
      %rem3A_458 = arith.remsi %add3A_456, %rem3A_457 : i32
      %mul3A_459 = arith.constant 108 : i32
      %mul3A_460 = arith.muli %add3A, %mul3A_459 : i32
      %add3A_461 = arith.addi %mul3A_460, %rem3A_458 : i32
      %dma_wait3A_462 = arith.constant 0 : i32
      %dma_wait3A_463 = arith.constant 0 : i32
      %dma_wait3A_464 = tpu.memref_slice %arg3[%add3A_461, %dma_wait3A_462, %dma_wait3A_463] : memref<3456x2x96xi32, #tpu.memory_space<hbm>> -> memref<1x2x96xi32, #tpu.memory_space<hbm>>
      %dma_wait3A_465 = tpu.memref_squeeze %dma_wait3A_464 : memref<1x2x96xi32, #tpu.memory_space<hbm>> -> memref<2x96xi32, #tpu.memory_space<hbm>>
      %dma_wait3A_466 = arith.constant 0 : i32
      %dma_wait3A_467 = arith.constant 0 : i32
      %dma_wait3A_468 = tpu.memref_slice %arg3[%add3A_461, %dma_wait3A_466, %dma_wait3A_467] : memref<3456x2x96xi32, #tpu.memory_space<hbm>> -> memref<1x2x96xi32, #tpu.memory_space<hbm>>
      %dma_wait3A_469 = tpu.memref_squeeze %dma_wait3A_468 : memref<1x2x96xi32, #tpu.memory_space<hbm>> -> memref<2x96xi32, #tpu.memory_space<hbm>>
      tpu.wait_dma2 semaphore(%arg16 : memref<!tpu.dma_semaphore, #tpu.memory_space<semaphore_mem>>) src(%dma_wait3A_469 : memref<2x96xi32, #tpu.memory_space<hbm>>) dst(%arg8 : memref<2x96xi32, #tpu.memory_space<vmem>>)
      %dma_start3A_470 = arith.constant 0 : i32
      %dma_start3A_471 = arith.constant 0 : i32
      %dma_start3A_472 = tpu.memref_slice %arg8[%dma_start3A_470, %dma_start3A_471] : memref<2x96xi32, #tpu.memory_space<vmem>> -> memref<1x96xi32, #tpu.memory_space<vmem>>
      %dma_start3A_473 = tpu.memref_squeeze %dma_start3A_472 : memref<1x96xi32, #tpu.memory_space<vmem>> -> memref<96xi32, #tpu.memory_space<vmem>>
      %dma_start3A_474 = arith.constant 0 : i32
      %dma_start3A_475 = arith.constant 0 : i32
      %dma_start3A_476 = tpu.memref_slice %arg2[%dma_start3A_474, %dma_start3A_475] : memref<10000x128xf32, #tpu.memory_space<hbm>> -> memref<10000x128xf32, #tpu.memory_space<hbm>>
      tpu.enqueue_indirect_dma source(%dma_start3A_476 : memref<10000x128xf32, #tpu.memory_space<hbm>>) target(%arg10 : memref<96x128xf32, #tpu.memory_space<vmem>>) offsets(%dma_start3A_473 : memref<96xi32, #tpu.memory_space<vmem>>) semaphore(%arg18 : memref<!tpu.dma_semaphore, #tpu.memory_space<semaphore_mem>>)
      %add3A_477 = arith.constant 2 : i32
      %add3A_478 = arith.addi %add3A_435, %add3A_477 : i32
      %add3A_479 = arith.constant 1 : i32
      %add3A_480 = arith.addi %add3A_478, %add3A_479 : i32
      %rem3A_481 = arith.constant 108 : i32
      %rem3A_482 = arith.remsi %add3A_480, %rem3A_481 : i32
      %mul3A_483 = arith.constant 108 : i32
      %mul3A_484 = arith.muli %add3A, %mul3A_483 : i32
      %add3A_485 = arith.addi %mul3A_484, %rem3A_482 : i32
      %dma_start3A_486 = arith.constant 0 : i32
      %dma_start3A_487 = arith.constant 0 : i32
      %dma_start3A_488 = tpu.memref_slice %arg3[%add3A_485, %dma_start3A_486, %dma_start3A_487] : memref<3456x2x96xi32, #tpu.memory_space<hbm>> -> memref<1x2x96xi32, #tpu.memory_space<hbm>>
      %dma_start3A_489 = tpu.memref_squeeze %dma_start3A_488 : memref<1x2x96xi32, #tpu.memory_space<hbm>> -> memref<2x96xi32, #tpu.memory_space<hbm>>
      %dma_start3A_490 = arith.constant 0 : i32
      %dma_start3A_491 = arith.constant 0 : i32
      %dma_start3A_492 = tpu.memref_slice %arg3[%add3A_485, %dma_start3A_490, %dma_start3A_491] : memref<3456x2x96xi32, #tpu.memory_space<hbm>> -> memref<1x2x96xi32, #tpu.memory_space<hbm>>
      %dma_start3A_493 = tpu.memref_squeeze %dma_start3A_492 : memref<1x2x96xi32, #tpu.memory_space<hbm>> -> memref<2x96xi32, #tpu.memory_space<hbm>>
      tpu.enqueue_dma source(%dma_start3A_493 : memref<2x96xi32, #tpu.memory_space<hbm>>) target(%arg9 : memref<2x96xi32, #tpu.memory_space<vmem>>) target_semaphore(%arg17 : memref<!tpu.dma_semaphore, #tpu.memory_space<semaphore_mem>>)
      %mul3A_494 = arith.constant 12 : i32
      %mul3A_495 = arith.muli %scan3A_187, %mul3A_494 : i32
      %add3A_496 = arith.constant 5 : i32
      %add3A_497 = arith.addi %mul3A_495, %add3A_496 : i32
      %dma_wait3A_498 = arith.constant 0 : i32
      %dma_wait3A_499 = arith.constant 0 : i32
      %dma_wait3A_500 = tpu.memref_slice %arg7[%dma_wait3A_498, %dma_wait3A_499] : memref<2x96xi32, #tpu.memory_space<vmem>> -> memref<1x96xi32, #tpu.memory_space<vmem>>
      %dma_wait3A_501 = tpu.memref_squeeze %dma_wait3A_500 : memref<1x96xi32, #tpu.memory_space<vmem>> -> memref<96xi32, #tpu.memory_space<vmem>>
      %dma_wait3A_502 = arith.constant 0 : i32
      %dma_wait3A_503 = arith.constant 0 : i32
      %dma_wait3A_504 = tpu.memref_slice %arg2[%dma_wait3A_502, %dma_wait3A_503] : memref<10000x128xf32, #tpu.memory_space<hbm>> -> memref<10000x128xf32, #tpu.memory_space<hbm>>
      tpu.wait_indirect_dma semaphore(%arg20 : memref<!tpu.dma_semaphore, #tpu.memory_space<semaphore_mem>>) src(%dma_wait3A_504 : memref<10000x128xf32, #tpu.memory_space<hbm>>) dst(%arg12 : memref<96x128xf32, #tpu.memory_space<vmem>>)
      %dma_start3A_505 = arith.constant 1 : i32
      %dma_start3A_506 = arith.constant 0 : i32
      %dma_start3A_507 = tpu.memref_slice %arg7[%dma_start3A_505, %dma_start3A_506] : memref<2x96xi32, #tpu.memory_space<vmem>> -> memref<1x96xi32, #tpu.memory_space<vmem>>
      %dma_start3A_508 = tpu.memref_squeeze %dma_start3A_507 : memref<1x96xi32, #tpu.memory_space<vmem>> -> memref<96xi32, #tpu.memory_space<vmem>>
      %dma_start3A_509 = arith.constant 0 : i32
      %dma_start3A_510 = arith.constant 0 : i32
      %dma_start3A_511 = tpu.memref_slice %arg13[%dma_start3A_509, %dma_start3A_510] : memref<10112x128xf32, #tpu.memory_space<vmem_shared>> -> memref<10112x128xf32, #tpu.memory_space<vmem_shared>>
      tpu.enqueue_indirect_dma source(%arg12 : memref<96x128xf32, #tpu.memory_space<vmem>>) target(%dma_start3A_511 : memref<10112x128xf32, #tpu.memory_space<vmem_shared>>) offsets(%dma_start3A_508 : memref<96xi32, #tpu.memory_space<vmem>>) semaphore(%arg23 : memref<!tpu.dma_semaphore, #tpu.memory_space<semaphore_mem>>) {add = true}
      %gt3A_512 = arith.constant 0 : i32
      %gt3A_513 = arith.cmpi sgt, %add3A_497, %gt3A_512 : i32
      %convert_element_type3A_514 = arith.extui %gt3A_513 : i1 to i32
      %cond3A_515 = arith.constant 0 : i32
      %cond3A_516 = arith.cmpi ne, %convert_element_type3A_514, %cond3A_515 : i32
      scf.if %cond3A_516 {
        %dma_wait3A_928 = arith.constant 1 : i32
        %dma_wait3A_929 = arith.constant 0 : i32
        %dma_wait3A_930 = tpu.memref_slice %arg6[%dma_wait3A_928, %dma_wait3A_929] : memref<2x96xi32, #tpu.memory_space<vmem>> -> memref<1x96xi32, #tpu.memory_space<vmem>>
        %dma_wait3A_931 = tpu.memref_squeeze %dma_wait3A_930 : memref<1x96xi32, #tpu.memory_space<vmem>> -> memref<96xi32, #tpu.memory_space<vmem>>
        %dma_wait3A_932 = arith.constant 0 : i32
        %dma_wait3A_933 = arith.constant 0 : i32
        %dma_wait3A_934 = tpu.memref_slice %arg13[%dma_wait3A_932, %dma_wait3A_933] : memref<10112x128xf32, #tpu.memory_space<vmem_shared>> -> memref<10112x128xf32, #tpu.memory_space<vmem_shared>>
        tpu.wait_indirect_dma semaphore(%arg22 : memref<!tpu.dma_semaphore, #tpu.memory_space<semaphore_mem>>) src(%arg11 : memref<96x128xf32, #tpu.memory_space<vmem>>) dst(%dma_wait3A_934 : memref<10112x128xf32, #tpu.memory_space<vmem_shared>>)
      } else {
      }
      %add3A_517 = arith.constant 2 : i32
      %add3A_518 = arith.addi %add3A_497, %add3A_517 : i32
      %rem3A_519 = arith.constant 108 : i32
      %rem3A_520 = arith.remsi %add3A_518, %rem3A_519 : i32
      %mul3A_521 = arith.constant 108 : i32
      %mul3A_522 = arith.muli %add3A, %mul3A_521 : i32
      %add3A_523 = arith.addi %mul3A_522, %rem3A_520 : i32
      %dma_wait3A_524 = arith.constant 0 : i32
      %dma_wait3A_525 = arith.constant 0 : i32
      %dma_wait3A_526 = tpu.memref_slice %arg3[%add3A_523, %dma_wait3A_524, %dma_wait3A_525] : memref<3456x2x96xi32, #tpu.memory_space<hbm>> -> memref<1x2x96xi32, #tpu.memory_space<hbm>>
      %dma_wait3A_527 = tpu.memref_squeeze %dma_wait3A_526 : memref<1x2x96xi32, #tpu.memory_space<hbm>> -> memref<2x96xi32, #tpu.memory_space<hbm>>
      %dma_wait3A_528 = arith.constant 0 : i32
      %dma_wait3A_529 = arith.constant 0 : i32
      %dma_wait3A_530 = tpu.memref_slice %arg3[%add3A_523, %dma_wait3A_528, %dma_wait3A_529] : memref<3456x2x96xi32, #tpu.memory_space<hbm>> -> memref<1x2x96xi32, #tpu.memory_space<hbm>>
      %dma_wait3A_531 = tpu.memref_squeeze %dma_wait3A_530 : memref<1x2x96xi32, #tpu.memory_space<hbm>> -> memref<2x96xi32, #tpu.memory_space<hbm>>
      tpu.wait_dma2 semaphore(%arg17 : memref<!tpu.dma_semaphore, #tpu.memory_space<semaphore_mem>>) src(%dma_wait3A_531 : memref<2x96xi32, #tpu.memory_space<hbm>>) dst(%arg9 : memref<2x96xi32, #tpu.memory_space<vmem>>)
      %dma_start3A_532 = arith.constant 0 : i32
      %dma_start3A_533 = arith.constant 0 : i32
      %dma_start3A_534 = tpu.memref_slice %arg9[%dma_start3A_532, %dma_start3A_533] : memref<2x96xi32, #tpu.memory_space<vmem>> -> memref<1x96xi32, #tpu.memory_space<vmem>>
      %dma_start3A_535 = tpu.memref_squeeze %dma_start3A_534 : memref<1x96xi32, #tpu.memory_space<vmem>> -> memref<96xi32, #tpu.memory_space<vmem>>
      %dma_start3A_536 = arith.constant 0 : i32
      %dma_start3A_537 = arith.constant 0 : i32
      %dma_start3A_538 = tpu.memref_slice %arg2[%dma_start3A_536, %dma_start3A_537] : memref<10000x128xf32, #tpu.memory_space<hbm>> -> memref<10000x128xf32, #tpu.memory_space<hbm>>
      tpu.enqueue_indirect_dma source(%dma_start3A_538 : memref<10000x128xf32, #tpu.memory_space<hbm>>) target(%arg11 : memref<96x128xf32, #tpu.memory_space<vmem>>) offsets(%dma_start3A_535 : memref<96xi32, #tpu.memory_space<vmem>>) semaphore(%arg19 : memref<!tpu.dma_semaphore, #tpu.memory_space<semaphore_mem>>)
      %add3A_539 = arith.constant 2 : i32
      %add3A_540 = arith.addi %add3A_497, %add3A_539 : i32
      %add3A_541 = arith.constant 1 : i32
      %add3A_542 = arith.addi %add3A_540, %add3A_541 : i32
      %rem3A_543 = arith.constant 108 : i32
      %rem3A_544 = arith.remsi %add3A_542, %rem3A_543 : i32
      %mul3A_545 = arith.constant 108 : i32
      %mul3A_546 = arith.muli %add3A, %mul3A_545 : i32
      %add3A_547 = arith.addi %mul3A_546, %rem3A_544 : i32
      %dma_start3A_548 = arith.constant 0 : i32
      %dma_start3A_549 = arith.constant 0 : i32
      %dma_start3A_550 = tpu.memref_slice %arg3[%add3A_547, %dma_start3A_548, %dma_start3A_549] : memref<3456x2x96xi32, #tpu.memory_space<hbm>> -> memref<1x2x96xi32, #tpu.memory_space<hbm>>
      %dma_start3A_551 = tpu.memref_squeeze %dma_start3A_550 : memref<1x2x96xi32, #tpu.memory_space<hbm>> -> memref<2x96xi32, #tpu.memory_space<hbm>>
      %dma_start3A_552 = arith.constant 0 : i32
      %dma_start3A_553 = arith.constant 0 : i32
      %dma_start3A_554 = tpu.memref_slice %arg3[%add3A_547, %dma_start3A_552, %dma_start3A_553] : memref<3456x2x96xi32, #tpu.memory_space<hbm>> -> memref<1x2x96xi32, #tpu.memory_space<hbm>>
      %dma_start3A_555 = tpu.memref_squeeze %dma_start3A_554 : memref<1x2x96xi32, #tpu.memory_space<hbm>> -> memref<2x96xi32, #tpu.memory_space<hbm>>
      tpu.enqueue_dma source(%dma_start3A_555 : memref<2x96xi32, #tpu.memory_space<hbm>>) target(%arg6 : memref<2x96xi32, #tpu.memory_space<vmem>>) target_semaphore(%arg14 : memref<!tpu.dma_semaphore, #tpu.memory_space<semaphore_mem>>)
      %mul3A_556 = arith.constant 12 : i32
      %mul3A_557 = arith.muli %scan3A_187, %mul3A_556 : i32
      %add3A_558 = arith.constant 6 : i32
      %add3A_559 = arith.addi %mul3A_557, %add3A_558 : i32
      %dma_wait3A_560 = arith.constant 0 : i32
      %dma_wait3A_561 = arith.constant 0 : i32
      %dma_wait3A_562 = tpu.memref_slice %arg8[%dma_wait3A_560, %dma_wait3A_561] : memref<2x96xi32, #tpu.memory_space<vmem>> -> memref<1x96xi32, #tpu.memory_space<vmem>>
      %dma_wait3A_563 = tpu.memref_squeeze %dma_wait3A_562 : memref<1x96xi32, #tpu.memory_space<vmem>> -> memref<96xi32, #tpu.memory_space<vmem>>
      %dma_wait3A_564 = arith.constant 0 : i32
      %dma_wait3A_565 = arith.constant 0 : i32
      %dma_wait3A_566 = tpu.memref_slice %arg2[%dma_wait3A_564, %dma_wait3A_565] : memref<10000x128xf32, #tpu.memory_space<hbm>> -> memref<10000x128xf32, #tpu.memory_space<hbm>>
      tpu.wait_indirect_dma semaphore(%arg18 : memref<!tpu.dma_semaphore, #tpu.memory_space<semaphore_mem>>) src(%dma_wait3A_566 : memref<10000x128xf32, #tpu.memory_space<hbm>>) dst(%arg10 : memref<96x128xf32, #tpu.memory_space<vmem>>)
      %dma_start3A_567 = arith.constant 1 : i32
      %dma_start3A_568 = arith.constant 0 : i32
      %dma_start3A_569 = tpu.memref_slice %arg8[%dma_start3A_567, %dma_start3A_568] : memref<2x96xi32, #tpu.memory_space<vmem>> -> memref<1x96xi32, #tpu.memory_space<vmem>>
      %dma_start3A_570 = tpu.memref_squeeze %dma_start3A_569 : memref<1x96xi32, #tpu.memory_space<vmem>> -> memref<96xi32, #tpu.memory_space<vmem>>
      %dma_start3A_571 = arith.constant 0 : i32
      %dma_start3A_572 = arith.constant 0 : i32
      %dma_start3A_573 = tpu.memref_slice %arg13[%dma_start3A_571, %dma_start3A_572] : memref<10112x128xf32, #tpu.memory_space<vmem_shared>> -> memref<10112x128xf32, #tpu.memory_space<vmem_shared>>
      tpu.enqueue_indirect_dma source(%arg10 : memref<96x128xf32, #tpu.memory_space<vmem>>) target(%dma_start3A_573 : memref<10112x128xf32, #tpu.memory_space<vmem_shared>>) offsets(%dma_start3A_570 : memref<96xi32, #tpu.memory_space<vmem>>) semaphore(%arg21 : memref<!tpu.dma_semaphore, #tpu.memory_space<semaphore_mem>>) {add = true}
      %gt3A_574 = arith.constant 0 : i32
      %gt3A_575 = arith.cmpi sgt, %add3A_559, %gt3A_574 : i32
      %convert_element_type3A_576 = arith.extui %gt3A_575 : i1 to i32
      %cond3A_577 = arith.constant 0 : i32
      %cond3A_578 = arith.cmpi ne, %convert_element_type3A_576, %cond3A_577 : i32
      scf.if %cond3A_578 {
        %dma_wait3A_928 = arith.constant 1 : i32
        %dma_wait3A_929 = arith.constant 0 : i32
        %dma_wait3A_930 = tpu.memref_slice %arg7[%dma_wait3A_928, %dma_wait3A_929] : memref<2x96xi32, #tpu.memory_space<vmem>> -> memref<1x96xi32, #tpu.memory_space<vmem>>
        %dma_wait3A_931 = tpu.memref_squeeze %dma_wait3A_930 : memref<1x96xi32, #tpu.memory_space<vmem>> -> memref<96xi32, #tpu.memory_space<vmem>>
        %dma_wait3A_932 = arith.constant 0 : i32
        %dma_wait3A_933 = arith.constant 0 : i32
        %dma_wait3A_934 = tpu.memref_slice %arg13[%dma_wait3A_932, %dma_wait3A_933] : memref<10112x128xf32, #tpu.memory_space<vmem_shared>> -> memref<10112x128xf32, #tpu.memory_space<vmem_shared>>
        tpu.wait_indirect_dma semaphore(%arg23 : memref<!tpu.dma_semaphore, #tpu.memory_space<semaphore_mem>>) src(%arg12 : memref<96x128xf32, #tpu.memory_space<vmem>>) dst(%dma_wait3A_934 : memref<10112x128xf32, #tpu.memory_space<vmem_shared>>)
      } else {
      }
      %add3A_579 = arith.constant 2 : i32
      %add3A_580 = arith.addi %add3A_559, %add3A_579 : i32
      %rem3A_581 = arith.constant 108 : i32
      %rem3A_582 = arith.remsi %add3A_580, %rem3A_581 : i32
      %mul3A_583 = arith.constant 108 : i32
      %mul3A_584 = arith.muli %add3A, %mul3A_583 : i32
      %add3A_585 = arith.addi %mul3A_584, %rem3A_582 : i32
      %dma_wait3A_586 = arith.constant 0 : i32
      %dma_wait3A_587 = arith.constant 0 : i32
      %dma_wait3A_588 = tpu.memref_slice %arg3[%add3A_585, %dma_wait3A_586, %dma_wait3A_587] : memref<3456x2x96xi32, #tpu.memory_space<hbm>> -> memref<1x2x96xi32, #tpu.memory_space<hbm>>
      %dma_wait3A_589 = tpu.memref_squeeze %dma_wait3A_588 : memref<1x2x96xi32, #tpu.memory_space<hbm>> -> memref<2x96xi32, #tpu.memory_space<hbm>>
      %dma_wait3A_590 = arith.constant 0 : i32
      %dma_wait3A_591 = arith.constant 0 : i32
      %dma_wait3A_592 = tpu.memref_slice %arg3[%add3A_585, %dma_wait3A_590, %dma_wait3A_591] : memref<3456x2x96xi32, #tpu.memory_space<hbm>> -> memref<1x2x96xi32, #tpu.memory_space<hbm>>
      %dma_wait3A_593 = tpu.memref_squeeze %dma_wait3A_592 : memref<1x2x96xi32, #tpu.memory_space<hbm>> -> memref<2x96xi32, #tpu.memory_space<hbm>>
      tpu.wait_dma2 semaphore(%arg14 : memref<!tpu.dma_semaphore, #tpu.memory_space<semaphore_mem>>) src(%dma_wait3A_593 : memref<2x96xi32, #tpu.memory_space<hbm>>) dst(%arg6 : memref<2x96xi32, #tpu.memory_space<vmem>>)
      %dma_start3A_594 = arith.constant 0 : i32
      %dma_start3A_595 = arith.constant 0 : i32
      %dma_start3A_596 = tpu.memref_slice %arg6[%dma_start3A_594, %dma_start3A_595] : memref<2x96xi32, #tpu.memory_space<vmem>> -> memref<1x96xi32, #tpu.memory_space<vmem>>
      %dma_start3A_597 = tpu.memref_squeeze %dma_start3A_596 : memref<1x96xi32, #tpu.memory_space<vmem>> -> memref<96xi32, #tpu.memory_space<vmem>>
      %dma_start3A_598 = arith.constant 0 : i32
      %dma_start3A_599 = arith.constant 0 : i32
      %dma_start3A_600 = tpu.memref_slice %arg2[%dma_start3A_598, %dma_start3A_599] : memref<10000x128xf32, #tpu.memory_space<hbm>> -> memref<10000x128xf32, #tpu.memory_space<hbm>>
      tpu.enqueue_indirect_dma source(%dma_start3A_600 : memref<10000x128xf32, #tpu.memory_space<hbm>>) target(%arg12 : memref<96x128xf32, #tpu.memory_space<vmem>>) offsets(%dma_start3A_597 : memref<96xi32, #tpu.memory_space<vmem>>) semaphore(%arg20 : memref<!tpu.dma_semaphore, #tpu.memory_space<semaphore_mem>>)
      %add3A_601 = arith.constant 2 : i32
      %add3A_602 = arith.addi %add3A_559, %add3A_601 : i32
      %add3A_603 = arith.constant 1 : i32
      %add3A_604 = arith.addi %add3A_602, %add3A_603 : i32
      %rem3A_605 = arith.constant 108 : i32
      %rem3A_606 = arith.remsi %add3A_604, %rem3A_605 : i32
      %mul3A_607 = arith.constant 108 : i32
      %mul3A_608 = arith.muli %add3A, %mul3A_607 : i32
      %add3A_609 = arith.addi %mul3A_608, %rem3A_606 : i32
      %dma_start3A_610 = arith.constant 0 : i32
      %dma_start3A_611 = arith.constant 0 : i32
      %dma_start3A_612 = tpu.memref_slice %arg3[%add3A_609, %dma_start3A_610, %dma_start3A_611] : memref<3456x2x96xi32, #tpu.memory_space<hbm>> -> memref<1x2x96xi32, #tpu.memory_space<hbm>>
      %dma_start3A_613 = tpu.memref_squeeze %dma_start3A_612 : memref<1x2x96xi32, #tpu.memory_space<hbm>> -> memref<2x96xi32, #tpu.memory_space<hbm>>
      %dma_start3A_614 = arith.constant 0 : i32
      %dma_start3A_615 = arith.constant 0 : i32
      %dma_start3A_616 = tpu.memref_slice %arg3[%add3A_609, %dma_start3A_614, %dma_start3A_615] : memref<3456x2x96xi32, #tpu.memory_space<hbm>> -> memref<1x2x96xi32, #tpu.memory_space<hbm>>
      %dma_start3A_617 = tpu.memref_squeeze %dma_start3A_616 : memref<1x2x96xi32, #tpu.memory_space<hbm>> -> memref<2x96xi32, #tpu.memory_space<hbm>>
      tpu.enqueue_dma source(%dma_start3A_617 : memref<2x96xi32, #tpu.memory_space<hbm>>) target(%arg7 : memref<2x96xi32, #tpu.memory_space<vmem>>) target_semaphore(%arg15 : memref<!tpu.dma_semaphore, #tpu.memory_space<semaphore_mem>>)
      %mul3A_618 = arith.constant 12 : i32
      %mul3A_619 = arith.muli %scan3A_187, %mul3A_618 : i32
      %add3A_620 = arith.constant 7 : i32
      %add3A_621 = arith.addi %mul3A_619, %add3A_620 : i32
      %dma_wait3A_622 = arith.constant 0 : i32
      %dma_wait3A_623 = arith.constant 0 : i32
      %dma_wait3A_624 = tpu.memref_slice %arg9[%dma_wait3A_622, %dma_wait3A_623] : memref<2x96xi32, #tpu.memory_space<vmem>> -> memref<1x96xi32, #tpu.memory_space<vmem>>
      %dma_wait3A_625 = tpu.memref_squeeze %dma_wait3A_624 : memref<1x96xi32, #tpu.memory_space<vmem>> -> memref<96xi32, #tpu.memory_space<vmem>>
      %dma_wait3A_626 = arith.constant 0 : i32
      %dma_wait3A_627 = arith.constant 0 : i32
      %dma_wait3A_628 = tpu.memref_slice %arg2[%dma_wait3A_626, %dma_wait3A_627] : memref<10000x128xf32, #tpu.memory_space<hbm>> -> memref<10000x128xf32, #tpu.memory_space<hbm>>
      tpu.wait_indirect_dma semaphore(%arg19 : memref<!tpu.dma_semaphore, #tpu.memory_space<semaphore_mem>>) src(%dma_wait3A_628 : memref<10000x128xf32, #tpu.memory_space<hbm>>) dst(%arg11 : memref<96x128xf32, #tpu.memory_space<vmem>>)
      %dma_start3A_629 = arith.constant 1 : i32
      %dma_start3A_630 = arith.constant 0 : i32
      %dma_start3A_631 = tpu.memref_slice %arg9[%dma_start3A_629, %dma_start3A_630] : memref<2x96xi32, #tpu.memory_space<vmem>> -> memref<1x96xi32, #tpu.memory_space<vmem>>
      %dma_start3A_632 = tpu.memref_squeeze %dma_start3A_631 : memref<1x96xi32, #tpu.memory_space<vmem>> -> memref<96xi32, #tpu.memory_space<vmem>>
      %dma_start3A_633 = arith.constant 0 : i32
      %dma_start3A_634 = arith.constant 0 : i32
      %dma_start3A_635 = tpu.memref_slice %arg13[%dma_start3A_633, %dma_start3A_634] : memref<10112x128xf32, #tpu.memory_space<vmem_shared>> -> memref<10112x128xf32, #tpu.memory_space<vmem_shared>>
      tpu.enqueue_indirect_dma source(%arg11 : memref<96x128xf32, #tpu.memory_space<vmem>>) target(%dma_start3A_635 : memref<10112x128xf32, #tpu.memory_space<vmem_shared>>) offsets(%dma_start3A_632 : memref<96xi32, #tpu.memory_space<vmem>>) semaphore(%arg22 : memref<!tpu.dma_semaphore, #tpu.memory_space<semaphore_mem>>) {add = true}
      %gt3A_636 = arith.constant 0 : i32
      %gt3A_637 = arith.cmpi sgt, %add3A_621, %gt3A_636 : i32
      %convert_element_type3A_638 = arith.extui %gt3A_637 : i1 to i32
      %cond3A_639 = arith.constant 0 : i32
      %cond3A_640 = arith.cmpi ne, %convert_element_type3A_638, %cond3A_639 : i32
      scf.if %cond3A_640 {
        %dma_wait3A_928 = arith.constant 1 : i32
        %dma_wait3A_929 = arith.constant 0 : i32
        %dma_wait3A_930 = tpu.memref_slice %arg8[%dma_wait3A_928, %dma_wait3A_929] : memref<2x96xi32, #tpu.memory_space<vmem>> -> memref<1x96xi32, #tpu.memory_space<vmem>>
        %dma_wait3A_931 = tpu.memref_squeeze %dma_wait3A_930 : memref<1x96xi32, #tpu.memory_space<vmem>> -> memref<96xi32, #tpu.memory_space<vmem>>
        %dma_wait3A_932 = arith.constant 0 : i32
        %dma_wait3A_933 = arith.constant 0 : i32
        %dma_wait3A_934 = tpu.memref_slice %arg13[%dma_wait3A_932, %dma_wait3A_933] : memref<10112x128xf32, #tpu.memory_space<vmem_shared>> -> memref<10112x128xf32, #tpu.memory_space<vmem_shared>>
        tpu.wait_indirect_dma semaphore(%arg21 : memref<!tpu.dma_semaphore, #tpu.memory_space<semaphore_mem>>) src(%arg10 : memref<96x128xf32, #tpu.memory_space<vmem>>) dst(%dma_wait3A_934 : memref<10112x128xf32, #tpu.memory_space<vmem_shared>>)
      } else {
      }
      %add3A_641 = arith.constant 2 : i32
      %add3A_642 = arith.addi %add3A_621, %add3A_641 : i32
      %rem3A_643 = arith.constant 108 : i32
      %rem3A_644 = arith.remsi %add3A_642, %rem3A_643 : i32
      %mul3A_645 = arith.constant 108 : i32
      %mul3A_646 = arith.muli %add3A, %mul3A_645 : i32
      %add3A_647 = arith.addi %mul3A_646, %rem3A_644 : i32
      %dma_wait3A_648 = arith.constant 0 : i32
      %dma_wait3A_649 = arith.constant 0 : i32
      %dma_wait3A_650 = tpu.memref_slice %arg3[%add3A_647, %dma_wait3A_648, %dma_wait3A_649] : memref<3456x2x96xi32, #tpu.memory_space<hbm>> -> memref<1x2x96xi32, #tpu.memory_space<hbm>>
      %dma_wait3A_651 = tpu.memref_squeeze %dma_wait3A_650 : memref<1x2x96xi32, #tpu.memory_space<hbm>> -> memref<2x96xi32, #tpu.memory_space<hbm>>
      %dma_wait3A_652 = arith.constant 0 : i32
      %dma_wait3A_653 = arith.constant 0 : i32
      %dma_wait3A_654 = tpu.memref_slice %arg3[%add3A_647, %dma_wait3A_652, %dma_wait3A_653] : memref<3456x2x96xi32, #tpu.memory_space<hbm>> -> memref<1x2x96xi32, #tpu.memory_space<hbm>>
      %dma_wait3A_655 = tpu.memref_squeeze %dma_wait3A_654 : memref<1x2x96xi32, #tpu.memory_space<hbm>> -> memref<2x96xi32, #tpu.memory_space<hbm>>
      tpu.wait_dma2 semaphore(%arg15 : memref<!tpu.dma_semaphore, #tpu.memory_space<semaphore_mem>>) src(%dma_wait3A_655 : memref<2x96xi32, #tpu.memory_space<hbm>>) dst(%arg7 : memref<2x96xi32, #tpu.memory_space<vmem>>)
      %dma_start3A_656 = arith.constant 0 : i32
      %dma_start3A_657 = arith.constant 0 : i32
      %dma_start3A_658 = tpu.memref_slice %arg7[%dma_start3A_656, %dma_start3A_657] : memref<2x96xi32, #tpu.memory_space<vmem>> -> memref<1x96xi32, #tpu.memory_space<vmem>>
      %dma_start3A_659 = tpu.memref_squeeze %dma_start3A_658 : memref<1x96xi32, #tpu.memory_space<vmem>> -> memref<96xi32, #tpu.memory_space<vmem>>
      %dma_start3A_660 = arith.constant 0 : i32
      %dma_start3A_661 = arith.constant 0 : i32
      %dma_start3A_662 = tpu.memref_slice %arg2[%dma_start3A_660, %dma_start3A_661] : memref<10000x128xf32, #tpu.memory_space<hbm>> -> memref<10000x128xf32, #tpu.memory_space<hbm>>
      tpu.enqueue_indirect_dma source(%dma_start3A_662 : memref<10000x128xf32, #tpu.memory_space<hbm>>) target(%arg10 : memref<96x128xf32, #tpu.memory_space<vmem>>) offsets(%dma_start3A_659 : memref<96xi32, #tpu.memory_space<vmem>>) semaphore(%arg18 : memref<!tpu.dma_semaphore, #tpu.memory_space<semaphore_mem>>)
      %add3A_663 = arith.constant 2 : i32
      %add3A_664 = arith.addi %add3A_621, %add3A_663 : i32
      %add3A_665 = arith.constant 1 : i32
      %add3A_666 = arith.addi %add3A_664, %add3A_665 : i32
      %rem3A_667 = arith.constant 108 : i32
      %rem3A_668 = arith.remsi %add3A_666, %rem3A_667 : i32
      %mul3A_669 = arith.constant 108 : i32
      %mul3A_670 = arith.muli %add3A, %mul3A_669 : i32
      %add3A_671 = arith.addi %mul3A_670, %rem3A_668 : i32
      %dma_start3A_672 = arith.constant 0 : i32
      %dma_start3A_673 = arith.constant 0 : i32
      %dma_start3A_674 = tpu.memref_slice %arg3[%add3A_671, %dma_start3A_672, %dma_start3A_673] : memref<3456x2x96xi32, #tpu.memory_space<hbm>> -> memref<1x2x96xi32, #tpu.memory_space<hbm>>
      %dma_start3A_675 = tpu.memref_squeeze %dma_start3A_674 : memref<1x2x96xi32, #tpu.memory_space<hbm>> -> memref<2x96xi32, #tpu.memory_space<hbm>>
      %dma_start3A_676 = arith.constant 0 : i32
      %dma_start3A_677 = arith.constant 0 : i32
      %dma_start3A_678 = tpu.memref_slice %arg3[%add3A_671, %dma_start3A_676, %dma_start3A_677] : memref<3456x2x96xi32, #tpu.memory_space<hbm>> -> memref<1x2x96xi32, #tpu.memory_space<hbm>>
      %dma_start3A_679 = tpu.memref_squeeze %dma_start3A_678 : memref<1x2x96xi32, #tpu.memory_space<hbm>> -> memref<2x96xi32, #tpu.memory_space<hbm>>
      tpu.enqueue_dma source(%dma_start3A_679 : memref<2x96xi32, #tpu.memory_space<hbm>>) target(%arg8 : memref<2x96xi32, #tpu.memory_space<vmem>>) target_semaphore(%arg16 : memref<!tpu.dma_semaphore, #tpu.memory_space<semaphore_mem>>)
      %mul3A_680 = arith.constant 12 : i32
      %mul3A_681 = arith.muli %scan3A_187, %mul3A_680 : i32
      %add3A_682 = arith.constant 8 : i32
      %add3A_683 = arith.addi %mul3A_681, %add3A_682 : i32
      %dma_wait3A_684 = arith.constant 0 : i32
      %dma_wait3A_685 = arith.constant 0 : i32
      %dma_wait3A_686 = tpu.memref_slice %arg6[%dma_wait3A_684, %dma_wait3A_685] : memref<2x96xi32, #tpu.memory_space<vmem>> -> memref<1x96xi32, #tpu.memory_space<vmem>>
      %dma_wait3A_687 = tpu.memref_squeeze %dma_wait3A_686 : memref<1x96xi32, #tpu.memory_space<vmem>> -> memref<96xi32, #tpu.memory_space<vmem>>
      %dma_wait3A_688 = arith.constant 0 : i32
      %dma_wait3A_689 = arith.constant 0 : i32
      %dma_wait3A_690 = tpu.memref_slice %arg2[%dma_wait3A_688, %dma_wait3A_689] : memref<10000x128xf32, #tpu.memory_space<hbm>> -> memref<10000x128xf32, #tpu.memory_space<hbm>>
      tpu.wait_indirect_dma semaphore(%arg20 : memref<!tpu.dma_semaphore, #tpu.memory_space<semaphore_mem>>) src(%dma_wait3A_690 : memref<10000x128xf32, #tpu.memory_space<hbm>>) dst(%arg12 : memref<96x128xf32, #tpu.memory_space<vmem>>)
      %dma_start3A_691 = arith.constant 1 : i32
      %dma_start3A_692 = arith.constant 0 : i32
      %dma_start3A_693 = tpu.memref_slice %arg6[%dma_start3A_691, %dma_start3A_692] : memref<2x96xi32, #tpu.memory_space<vmem>> -> memref<1x96xi32, #tpu.memory_space<vmem>>
      %dma_start3A_694 = tpu.memref_squeeze %dma_start3A_693 : memref<1x96xi32, #tpu.memory_space<vmem>> -> memref<96xi32, #tpu.memory_space<vmem>>
      %dma_start3A_695 = arith.constant 0 : i32
      %dma_start3A_696 = arith.constant 0 : i32
      %dma_start3A_697 = tpu.memref_slice %arg13[%dma_start3A_695, %dma_start3A_696] : memref<10112x128xf32, #tpu.memory_space<vmem_shared>> -> memref<10112x128xf32, #tpu.memory_space<vmem_shared>>
      tpu.enqueue_indirect_dma source(%arg12 : memref<96x128xf32, #tpu.memory_space<vmem>>) target(%dma_start3A_697 : memref<10112x128xf32, #tpu.memory_space<vmem_shared>>) offsets(%dma_start3A_694 : memref<96xi32, #tpu.memory_space<vmem>>) semaphore(%arg23 : memref<!tpu.dma_semaphore, #tpu.memory_space<semaphore_mem>>) {add = true}
      %gt3A_698 = arith.constant 0 : i32
      %gt3A_699 = arith.cmpi sgt, %add3A_683, %gt3A_698 : i32
      %convert_element_type3A_700 = arith.extui %gt3A_699 : i1 to i32
      %cond3A_701 = arith.constant 0 : i32
      %cond3A_702 = arith.cmpi ne, %convert_element_type3A_700, %cond3A_701 : i32
      scf.if %cond3A_702 {
        %dma_wait3A_928 = arith.constant 1 : i32
        %dma_wait3A_929 = arith.constant 0 : i32
        %dma_wait3A_930 = tpu.memref_slice %arg9[%dma_wait3A_928, %dma_wait3A_929] : memref<2x96xi32, #tpu.memory_space<vmem>> -> memref<1x96xi32, #tpu.memory_space<vmem>>
        %dma_wait3A_931 = tpu.memref_squeeze %dma_wait3A_930 : memref<1x96xi32, #tpu.memory_space<vmem>> -> memref<96xi32, #tpu.memory_space<vmem>>
        %dma_wait3A_932 = arith.constant 0 : i32
        %dma_wait3A_933 = arith.constant 0 : i32
        %dma_wait3A_934 = tpu.memref_slice %arg13[%dma_wait3A_932, %dma_wait3A_933] : memref<10112x128xf32, #tpu.memory_space<vmem_shared>> -> memref<10112x128xf32, #tpu.memory_space<vmem_shared>>
        tpu.wait_indirect_dma semaphore(%arg22 : memref<!tpu.dma_semaphore, #tpu.memory_space<semaphore_mem>>) src(%arg11 : memref<96x128xf32, #tpu.memory_space<vmem>>) dst(%dma_wait3A_934 : memref<10112x128xf32, #tpu.memory_space<vmem_shared>>)
      } else {
      }
      %add3A_703 = arith.constant 2 : i32
      %add3A_704 = arith.addi %add3A_683, %add3A_703 : i32
      %rem3A_705 = arith.constant 108 : i32
      %rem3A_706 = arith.remsi %add3A_704, %rem3A_705 : i32
      %mul3A_707 = arith.constant 108 : i32
      %mul3A_708 = arith.muli %add3A, %mul3A_707 : i32
      %add3A_709 = arith.addi %mul3A_708, %rem3A_706 : i32
      %dma_wait3A_710 = arith.constant 0 : i32
      %dma_wait3A_711 = arith.constant 0 : i32
      %dma_wait3A_712 = tpu.memref_slice %arg3[%add3A_709, %dma_wait3A_710, %dma_wait3A_711] : memref<3456x2x96xi32, #tpu.memory_space<hbm>> -> memref<1x2x96xi32, #tpu.memory_space<hbm>>
      %dma_wait3A_713 = tpu.memref_squeeze %dma_wait3A_712 : memref<1x2x96xi32, #tpu.memory_space<hbm>> -> memref<2x96xi32, #tpu.memory_space<hbm>>
      %dma_wait3A_714 = arith.constant 0 : i32
      %dma_wait3A_715 = arith.constant 0 : i32
      %dma_wait3A_716 = tpu.memref_slice %arg3[%add3A_709, %dma_wait3A_714, %dma_wait3A_715] : memref<3456x2x96xi32, #tpu.memory_space<hbm>> -> memref<1x2x96xi32, #tpu.memory_space<hbm>>
      %dma_wait3A_717 = tpu.memref_squeeze %dma_wait3A_716 : memref<1x2x96xi32, #tpu.memory_space<hbm>> -> memref<2x96xi32, #tpu.memory_space<hbm>>
      tpu.wait_dma2 semaphore(%arg16 : memref<!tpu.dma_semaphore, #tpu.memory_space<semaphore_mem>>) src(%dma_wait3A_717 : memref<2x96xi32, #tpu.memory_space<hbm>>) dst(%arg8 : memref<2x96xi32, #tpu.memory_space<vmem>>)
      %dma_start3A_718 = arith.constant 0 : i32
      %dma_start3A_719 = arith.constant 0 : i32
      %dma_start3A_720 = tpu.memref_slice %arg8[%dma_start3A_718, %dma_start3A_719] : memref<2x96xi32, #tpu.memory_space<vmem>> -> memref<1x96xi32, #tpu.memory_space<vmem>>
      %dma_start3A_721 = tpu.memref_squeeze %dma_start3A_720 : memref<1x96xi32, #tpu.memory_space<vmem>> -> memref<96xi32, #tpu.memory_space<vmem>>
      %dma_start3A_722 = arith.constant 0 : i32
      %dma_start3A_723 = arith.constant 0 : i32
      %dma_start3A_724 = tpu.memref_slice %arg2[%dma_start3A_722, %dma_start3A_723] : memref<10000x128xf32, #tpu.memory_space<hbm>> -> memref<10000x128xf32, #tpu.memory_space<hbm>>
      tpu.enqueue_indirect_dma source(%dma_start3A_724 : memref<10000x128xf32, #tpu.memory_space<hbm>>) target(%arg11 : memref<96x128xf32, #tpu.memory_space<vmem>>) offsets(%dma_start3A_721 : memref<96xi32, #tpu.memory_space<vmem>>) semaphore(%arg19 : memref<!tpu.dma_semaphore, #tpu.memory_space<semaphore_mem>>)
      %add3A_725 = arith.constant 2 : i32
      %add3A_726 = arith.addi %add3A_683, %add3A_725 : i32
      %add3A_727 = arith.constant 1 : i32
      %add3A_728 = arith.addi %add3A_726, %add3A_727 : i32
      %rem3A_729 = arith.constant 108 : i32
      %rem3A_730 = arith.remsi %add3A_728, %rem3A_729 : i32
      %mul3A_731 = arith.constant 108 : i32
      %mul3A_732 = arith.muli %add3A, %mul3A_731 : i32
      %add3A_733 = arith.addi %mul3A_732, %rem3A_730 : i32
      %dma_start3A_734 = arith.constant 0 : i32
      %dma_start3A_735 = arith.constant 0 : i32
      %dma_start3A_736 = tpu.memref_slice %arg3[%add3A_733, %dma_start3A_734, %dma_start3A_735] : memref<3456x2x96xi32, #tpu.memory_space<hbm>> -> memref<1x2x96xi32, #tpu.memory_space<hbm>>
      %dma_start3A_737 = tpu.memref_squeeze %dma_start3A_736 : memref<1x2x96xi32, #tpu.memory_space<hbm>> -> memref<2x96xi32, #tpu.memory_space<hbm>>
      %dma_start3A_738 = arith.constant 0 : i32
      %dma_start3A_739 = arith.constant 0 : i32
      %dma_start3A_740 = tpu.memref_slice %arg3[%add3A_733, %dma_start3A_738, %dma_start3A_739] : memref<3456x2x96xi32, #tpu.memory_space<hbm>> -> memref<1x2x96xi32, #tpu.memory_space<hbm>>
      %dma_start3A_741 = tpu.memref_squeeze %dma_start3A_740 : memref<1x2x96xi32, #tpu.memory_space<hbm>> -> memref<2x96xi32, #tpu.memory_space<hbm>>
      tpu.enqueue_dma source(%dma_start3A_741 : memref<2x96xi32, #tpu.memory_space<hbm>>) target(%arg9 : memref<2x96xi32, #tpu.memory_space<vmem>>) target_semaphore(%arg17 : memref<!tpu.dma_semaphore, #tpu.memory_space<semaphore_mem>>)
      %mul3A_742 = arith.constant 12 : i32
      %mul3A_743 = arith.muli %scan3A_187, %mul3A_742 : i32
      %add3A_744 = arith.constant 9 : i32
      %add3A_745 = arith.addi %mul3A_743, %add3A_744 : i32
      %dma_wait3A_746 = arith.constant 0 : i32
      %dma_wait3A_747 = arith.constant 0 : i32
      %dma_wait3A_748 = tpu.memref_slice %arg7[%dma_wait3A_746, %dma_wait3A_747] : memref<2x96xi32, #tpu.memory_space<vmem>> -> memref<1x96xi32, #tpu.memory_space<vmem>>
      %dma_wait3A_749 = tpu.memref_squeeze %dma_wait3A_748 : memref<1x96xi32, #tpu.memory_space<vmem>> -> memref<96xi32, #tpu.memory_space<vmem>>
      %dma_wait3A_750 = arith.constant 0 : i32
      %dma_wait3A_751 = arith.constant 0 : i32
      %dma_wait3A_752 = tpu.memref_slice %arg2[%dma_wait3A_750, %dma_wait3A_751] : memref<10000x128xf32, #tpu.memory_space<hbm>> -> memref<10000x128xf32, #tpu.memory_space<hbm>>
      tpu.wait_indirect_dma semaphore(%arg18 : memref<!tpu.dma_semaphore, #tpu.memory_space<semaphore_mem>>) src(%dma_wait3A_752 : memref<10000x128xf32, #tpu.memory_space<hbm>>) dst(%arg10 : memref<96x128xf32, #tpu.memory_space<vmem>>)
      %dma_start3A_753 = arith.constant 1 : i32
      %dma_start3A_754 = arith.constant 0 : i32
      %dma_start3A_755 = tpu.memref_slice %arg7[%dma_start3A_753, %dma_start3A_754] : memref<2x96xi32, #tpu.memory_space<vmem>> -> memref<1x96xi32, #tpu.memory_space<vmem>>
      %dma_start3A_756 = tpu.memref_squeeze %dma_start3A_755 : memref<1x96xi32, #tpu.memory_space<vmem>> -> memref<96xi32, #tpu.memory_space<vmem>>
      %dma_start3A_757 = arith.constant 0 : i32
      %dma_start3A_758 = arith.constant 0 : i32
      %dma_start3A_759 = tpu.memref_slice %arg13[%dma_start3A_757, %dma_start3A_758] : memref<10112x128xf32, #tpu.memory_space<vmem_shared>> -> memref<10112x128xf32, #tpu.memory_space<vmem_shared>>
      tpu.enqueue_indirect_dma source(%arg10 : memref<96x128xf32, #tpu.memory_space<vmem>>) target(%dma_start3A_759 : memref<10112x128xf32, #tpu.memory_space<vmem_shared>>) offsets(%dma_start3A_756 : memref<96xi32, #tpu.memory_space<vmem>>) semaphore(%arg21 : memref<!tpu.dma_semaphore, #tpu.memory_space<semaphore_mem>>) {add = true}
      %gt3A_760 = arith.constant 0 : i32
      %gt3A_761 = arith.cmpi sgt, %add3A_745, %gt3A_760 : i32
      %convert_element_type3A_762 = arith.extui %gt3A_761 : i1 to i32
      %cond3A_763 = arith.constant 0 : i32
      %cond3A_764 = arith.cmpi ne, %convert_element_type3A_762, %cond3A_763 : i32
      scf.if %cond3A_764 {
        %dma_wait3A_928 = arith.constant 1 : i32
        %dma_wait3A_929 = arith.constant 0 : i32
        %dma_wait3A_930 = tpu.memref_slice %arg6[%dma_wait3A_928, %dma_wait3A_929] : memref<2x96xi32, #tpu.memory_space<vmem>> -> memref<1x96xi32, #tpu.memory_space<vmem>>
        %dma_wait3A_931 = tpu.memref_squeeze %dma_wait3A_930 : memref<1x96xi32, #tpu.memory_space<vmem>> -> memref<96xi32, #tpu.memory_space<vmem>>
        %dma_wait3A_932 = arith.constant 0 : i32
        %dma_wait3A_933 = arith.constant 0 : i32
        %dma_wait3A_934 = tpu.memref_slice %arg13[%dma_wait3A_932, %dma_wait3A_933] : memref<10112x128xf32, #tpu.memory_space<vmem_shared>> -> memref<10112x128xf32, #tpu.memory_space<vmem_shared>>
        tpu.wait_indirect_dma semaphore(%arg23 : memref<!tpu.dma_semaphore, #tpu.memory_space<semaphore_mem>>) src(%arg12 : memref<96x128xf32, #tpu.memory_space<vmem>>) dst(%dma_wait3A_934 : memref<10112x128xf32, #tpu.memory_space<vmem_shared>>)
      } else {
      }
      %add3A_765 = arith.constant 2 : i32
      %add3A_766 = arith.addi %add3A_745, %add3A_765 : i32
      %rem3A_767 = arith.constant 108 : i32
      %rem3A_768 = arith.remsi %add3A_766, %rem3A_767 : i32
      %mul3A_769 = arith.constant 108 : i32
      %mul3A_770 = arith.muli %add3A, %mul3A_769 : i32
      %add3A_771 = arith.addi %mul3A_770, %rem3A_768 : i32
      %dma_wait3A_772 = arith.constant 0 : i32
      %dma_wait3A_773 = arith.constant 0 : i32
      %dma_wait3A_774 = tpu.memref_slice %arg3[%add3A_771, %dma_wait3A_772, %dma_wait3A_773] : memref<3456x2x96xi32, #tpu.memory_space<hbm>> -> memref<1x2x96xi32, #tpu.memory_space<hbm>>
      %dma_wait3A_775 = tpu.memref_squeeze %dma_wait3A_774 : memref<1x2x96xi32, #tpu.memory_space<hbm>> -> memref<2x96xi32, #tpu.memory_space<hbm>>
      %dma_wait3A_776 = arith.constant 0 : i32
      %dma_wait3A_777 = arith.constant 0 : i32
      %dma_wait3A_778 = tpu.memref_slice %arg3[%add3A_771, %dma_wait3A_776, %dma_wait3A_777] : memref<3456x2x96xi32, #tpu.memory_space<hbm>> -> memref<1x2x96xi32, #tpu.memory_space<hbm>>
      %dma_wait3A_779 = tpu.memref_squeeze %dma_wait3A_778 : memref<1x2x96xi32, #tpu.memory_space<hbm>> -> memref<2x96xi32, #tpu.memory_space<hbm>>
      tpu.wait_dma2 semaphore(%arg17 : memref<!tpu.dma_semaphore, #tpu.memory_space<semaphore_mem>>) src(%dma_wait3A_779 : memref<2x96xi32, #tpu.memory_space<hbm>>) dst(%arg9 : memref<2x96xi32, #tpu.memory_space<vmem>>)
      %dma_start3A_780 = arith.constant 0 : i32
      %dma_start3A_781 = arith.constant 0 : i32
      %dma_start3A_782 = tpu.memref_slice %arg9[%dma_start3A_780, %dma_start3A_781] : memref<2x96xi32, #tpu.memory_space<vmem>> -> memref<1x96xi32, #tpu.memory_space<vmem>>
      %dma_start3A_783 = tpu.memref_squeeze %dma_start3A_782 : memref<1x96xi32, #tpu.memory_space<vmem>> -> memref<96xi32, #tpu.memory_space<vmem>>
      %dma_start3A_784 = arith.constant 0 : i32
      %dma_start3A_785 = arith.constant 0 : i32
      %dma_start3A_786 = tpu.memref_slice %arg2[%dma_start3A_784, %dma_start3A_785] : memref<10000x128xf32, #tpu.memory_space<hbm>> -> memref<10000x128xf32, #tpu.memory_space<hbm>>
      tpu.enqueue_indirect_dma source(%dma_start3A_786 : memref<10000x128xf32, #tpu.memory_space<hbm>>) target(%arg12 : memref<96x128xf32, #tpu.memory_space<vmem>>) offsets(%dma_start3A_783 : memref<96xi32, #tpu.memory_space<vmem>>) semaphore(%arg20 : memref<!tpu.dma_semaphore, #tpu.memory_space<semaphore_mem>>)
      %add3A_787 = arith.constant 2 : i32
      %add3A_788 = arith.addi %add3A_745, %add3A_787 : i32
      %add3A_789 = arith.constant 1 : i32
      %add3A_790 = arith.addi %add3A_788, %add3A_789 : i32
      %rem3A_791 = arith.constant 108 : i32
      %rem3A_792 = arith.remsi %add3A_790, %rem3A_791 : i32
      %mul3A_793 = arith.constant 108 : i32
      %mul3A_794 = arith.muli %add3A, %mul3A_793 : i32
      %add3A_795 = arith.addi %mul3A_794, %rem3A_792 : i32
      %dma_start3A_796 = arith.constant 0 : i32
      %dma_start3A_797 = arith.constant 0 : i32
      %dma_start3A_798 = tpu.memref_slice %arg3[%add3A_795, %dma_start3A_796, %dma_start3A_797] : memref<3456x2x96xi32, #tpu.memory_space<hbm>> -> memref<1x2x96xi32, #tpu.memory_space<hbm>>
      %dma_start3A_799 = tpu.memref_squeeze %dma_start3A_798 : memref<1x2x96xi32, #tpu.memory_space<hbm>> -> memref<2x96xi32, #tpu.memory_space<hbm>>
      %dma_start3A_800 = arith.constant 0 : i32
      %dma_start3A_801 = arith.constant 0 : i32
      %dma_start3A_802 = tpu.memref_slice %arg3[%add3A_795, %dma_start3A_800, %dma_start3A_801] : memref<3456x2x96xi32, #tpu.memory_space<hbm>> -> memref<1x2x96xi32, #tpu.memory_space<hbm>>
      %dma_start3A_803 = tpu.memref_squeeze %dma_start3A_802 : memref<1x2x96xi32, #tpu.memory_space<hbm>> -> memref<2x96xi32, #tpu.memory_space<hbm>>
      tpu.enqueue_dma source(%dma_start3A_803 : memref<2x96xi32, #tpu.memory_space<hbm>>) target(%arg6 : memref<2x96xi32, #tpu.memory_space<vmem>>) target_semaphore(%arg14 : memref<!tpu.dma_semaphore, #tpu.memory_space<semaphore_mem>>)
      %mul3A_804 = arith.constant 12 : i32
      %mul3A_805 = arith.muli %scan3A_187, %mul3A_804 : i32
      %add3A_806 = arith.constant 10 : i32
      %add3A_807 = arith.addi %mul3A_805, %add3A_806 : i32
      %dma_wait3A_808 = arith.constant 0 : i32
      %dma_wait3A_809 = arith.constant 0 : i32
      %dma_wait3A_810 = tpu.memref_slice %arg8[%dma_wait3A_808, %dma_wait3A_809] : memref<2x96xi32, #tpu.memory_space<vmem>> -> memref<1x96xi32, #tpu.memory_space<vmem>>
      %dma_wait3A_811 = tpu.memref_squeeze %dma_wait3A_810 : memref<1x96xi32, #tpu.memory_space<vmem>> -> memref<96xi32, #tpu.memory_space<vmem>>
      %dma_wait3A_812 = arith.constant 0 : i32
      %dma_wait3A_813 = arith.constant 0 : i32
      %dma_wait3A_814 = tpu.memref_slice %arg2[%dma_wait3A_812, %dma_wait3A_813] : memref<10000x128xf32, #tpu.memory_space<hbm>> -> memref<10000x128xf32, #tpu.memory_space<hbm>>
      tpu.wait_indirect_dma semaphore(%arg19 : memref<!tpu.dma_semaphore, #tpu.memory_space<semaphore_mem>>) src(%dma_wait3A_814 : memref<10000x128xf32, #tpu.memory_space<hbm>>) dst(%arg11 : memref<96x128xf32, #tpu.memory_space<vmem>>)
      %dma_start3A_815 = arith.constant 1 : i32
      %dma_start3A_816 = arith.constant 0 : i32
      %dma_start3A_817 = tpu.memref_slice %arg8[%dma_start3A_815, %dma_start3A_816] : memref<2x96xi32, #tpu.memory_space<vmem>> -> memref<1x96xi32, #tpu.memory_space<vmem>>
      %dma_start3A_818 = tpu.memref_squeeze %dma_start3A_817 : memref<1x96xi32, #tpu.memory_space<vmem>> -> memref<96xi32, #tpu.memory_space<vmem>>
      %dma_start3A_819 = arith.constant 0 : i32
      %dma_start3A_820 = arith.constant 0 : i32
      %dma_start3A_821 = tpu.memref_slice %arg13[%dma_start3A_819, %dma_start3A_820] : memref<10112x128xf32, #tpu.memory_space<vmem_shared>> -> memref<10112x128xf32, #tpu.memory_space<vmem_shared>>
      tpu.enqueue_indirect_dma source(%arg11 : memref<96x128xf32, #tpu.memory_space<vmem>>) target(%dma_start3A_821 : memref<10112x128xf32, #tpu.memory_space<vmem_shared>>) offsets(%dma_start3A_818 : memref<96xi32, #tpu.memory_space<vmem>>) semaphore(%arg22 : memref<!tpu.dma_semaphore, #tpu.memory_space<semaphore_mem>>) {add = true}
      %gt3A_822 = arith.constant 0 : i32
      %gt3A_823 = arith.cmpi sgt, %add3A_807, %gt3A_822 : i32
      %convert_element_type3A_824 = arith.extui %gt3A_823 : i1 to i32
      %cond3A_825 = arith.constant 0 : i32
      %cond3A_826 = arith.cmpi ne, %convert_element_type3A_824, %cond3A_825 : i32
      scf.if %cond3A_826 {
        %dma_wait3A_928 = arith.constant 1 : i32
        %dma_wait3A_929 = arith.constant 0 : i32
        %dma_wait3A_930 = tpu.memref_slice %arg7[%dma_wait3A_928, %dma_wait3A_929] : memref<2x96xi32, #tpu.memory_space<vmem>> -> memref<1x96xi32, #tpu.memory_space<vmem>>
        %dma_wait3A_931 = tpu.memref_squeeze %dma_wait3A_930 : memref<1x96xi32, #tpu.memory_space<vmem>> -> memref<96xi32, #tpu.memory_space<vmem>>
        %dma_wait3A_932 = arith.constant 0 : i32
        %dma_wait3A_933 = arith.constant 0 : i32
        %dma_wait3A_934 = tpu.memref_slice %arg13[%dma_wait3A_932, %dma_wait3A_933] : memref<10112x128xf32, #tpu.memory_space<vmem_shared>> -> memref<10112x128xf32, #tpu.memory_space<vmem_shared>>
        tpu.wait_indirect_dma semaphore(%arg21 : memref<!tpu.dma_semaphore, #tpu.memory_space<semaphore_mem>>) src(%arg10 : memref<96x128xf32, #tpu.memory_space<vmem>>) dst(%dma_wait3A_934 : memref<10112x128xf32, #tpu.memory_space<vmem_shared>>)
      } else {
      }
      %add3A_827 = arith.constant 2 : i32
      %add3A_828 = arith.addi %add3A_807, %add3A_827 : i32
      %rem3A_829 = arith.constant 108 : i32
      %rem3A_830 = arith.remsi %add3A_828, %rem3A_829 : i32
      %mul3A_831 = arith.constant 108 : i32
      %mul3A_832 = arith.muli %add3A, %mul3A_831 : i32
      %add3A_833 = arith.addi %mul3A_832, %rem3A_830 : i32
      %dma_wait3A_834 = arith.constant 0 : i32
      %dma_wait3A_835 = arith.constant 0 : i32
      %dma_wait3A_836 = tpu.memref_slice %arg3[%add3A_833, %dma_wait3A_834, %dma_wait3A_835] : memref<3456x2x96xi32, #tpu.memory_space<hbm>> -> memref<1x2x96xi32, #tpu.memory_space<hbm>>
      %dma_wait3A_837 = tpu.memref_squeeze %dma_wait3A_836 : memref<1x2x96xi32, #tpu.memory_space<hbm>> -> memref<2x96xi32, #tpu.memory_space<hbm>>
      %dma_wait3A_838 = arith.constant 0 : i32
      %dma_wait3A_839 = arith.constant 0 : i32
      %dma_wait3A_840 = tpu.memref_slice %arg3[%add3A_833, %dma_wait3A_838, %dma_wait3A_839] : memref<3456x2x96xi32, #tpu.memory_space<hbm>> -> memref<1x2x96xi32, #tpu.memory_space<hbm>>
      %dma_wait3A_841 = tpu.memref_squeeze %dma_wait3A_840 : memref<1x2x96xi32, #tpu.memory_space<hbm>> -> memref<2x96xi32, #tpu.memory_space<hbm>>
      tpu.wait_dma2 semaphore(%arg14 : memref<!tpu.dma_semaphore, #tpu.memory_space<semaphore_mem>>) src(%dma_wait3A_841 : memref<2x96xi32, #tpu.memory_space<hbm>>) dst(%arg6 : memref<2x96xi32, #tpu.memory_space<vmem>>)
      %dma_start3A_842 = arith.constant 0 : i32
      %dma_start3A_843 = arith.constant 0 : i32
      %dma_start3A_844 = tpu.memref_slice %arg6[%dma_start3A_842, %dma_start3A_843] : memref<2x96xi32, #tpu.memory_space<vmem>> -> memref<1x96xi32, #tpu.memory_space<vmem>>
      %dma_start3A_845 = tpu.memref_squeeze %dma_start3A_844 : memref<1x96xi32, #tpu.memory_space<vmem>> -> memref<96xi32, #tpu.memory_space<vmem>>
      %dma_start3A_846 = arith.constant 0 : i32
      %dma_start3A_847 = arith.constant 0 : i32
      %dma_start3A_848 = tpu.memref_slice %arg2[%dma_start3A_846, %dma_start3A_847] : memref<10000x128xf32, #tpu.memory_space<hbm>> -> memref<10000x128xf32, #tpu.memory_space<hbm>>
      tpu.enqueue_indirect_dma source(%dma_start3A_848 : memref<10000x128xf32, #tpu.memory_space<hbm>>) target(%arg10 : memref<96x128xf32, #tpu.memory_space<vmem>>) offsets(%dma_start3A_845 : memref<96xi32, #tpu.memory_space<vmem>>) semaphore(%arg18 : memref<!tpu.dma_semaphore, #tpu.memory_space<semaphore_mem>>)
      %add3A_849 = arith.constant 2 : i32
      %add3A_850 = arith.addi %add3A_807, %add3A_849 : i32
      %add3A_851 = arith.constant 1 : i32
      %add3A_852 = arith.addi %add3A_850, %add3A_851 : i32
      %rem3A_853 = arith.constant 108 : i32
      %rem3A_854 = arith.remsi %add3A_852, %rem3A_853 : i32
      %mul3A_855 = arith.constant 108 : i32
      %mul3A_856 = arith.muli %add3A, %mul3A_855 : i32
      %add3A_857 = arith.addi %mul3A_856, %rem3A_854 : i32
      %dma_start3A_858 = arith.constant 0 : i32
      %dma_start3A_859 = arith.constant 0 : i32
      %dma_start3A_860 = tpu.memref_slice %arg3[%add3A_857, %dma_start3A_858, %dma_start3A_859] : memref<3456x2x96xi32, #tpu.memory_space<hbm>> -> memref<1x2x96xi32, #tpu.memory_space<hbm>>
      %dma_start3A_861 = tpu.memref_squeeze %dma_start3A_860 : memref<1x2x96xi32, #tpu.memory_space<hbm>> -> memref<2x96xi32, #tpu.memory_space<hbm>>
      %dma_start3A_862 = arith.constant 0 : i32
      %dma_start3A_863 = arith.constant 0 : i32
      %dma_start3A_864 = tpu.memref_slice %arg3[%add3A_857, %dma_start3A_862, %dma_start3A_863] : memref<3456x2x96xi32, #tpu.memory_space<hbm>> -> memref<1x2x96xi32, #tpu.memory_space<hbm>>
      %dma_start3A_865 = tpu.memref_squeeze %dma_start3A_864 : memref<1x2x96xi32, #tpu.memory_space<hbm>> -> memref<2x96xi32, #tpu.memory_space<hbm>>
      tpu.enqueue_dma source(%dma_start3A_865 : memref<2x96xi32, #tpu.memory_space<hbm>>) target(%arg7 : memref<2x96xi32, #tpu.memory_space<vmem>>) target_semaphore(%arg15 : memref<!tpu.dma_semaphore, #tpu.memory_space<semaphore_mem>>)
      %mul3A_866 = arith.constant 12 : i32
      %mul3A_867 = arith.muli %scan3A_187, %mul3A_866 : i32
      %add3A_868 = arith.constant 11 : i32
      %add3A_869 = arith.addi %mul3A_867, %add3A_868 : i32
      %dma_wait3A_870 = arith.constant 0 : i32
      %dma_wait3A_871 = arith.constant 0 : i32
      %dma_wait3A_872 = tpu.memref_slice %arg9[%dma_wait3A_870, %dma_wait3A_871] : memref<2x96xi32, #tpu.memory_space<vmem>> -> memref<1x96xi32, #tpu.memory_space<vmem>>
      %dma_wait3A_873 = tpu.memref_squeeze %dma_wait3A_872 : memref<1x96xi32, #tpu.memory_space<vmem>> -> memref<96xi32, #tpu.memory_space<vmem>>
      %dma_wait3A_874 = arith.constant 0 : i32
      %dma_wait3A_875 = arith.constant 0 : i32
      %dma_wait3A_876 = tpu.memref_slice %arg2[%dma_wait3A_874, %dma_wait3A_875] : memref<10000x128xf32, #tpu.memory_space<hbm>> -> memref<10000x128xf32, #tpu.memory_space<hbm>>
      tpu.wait_indirect_dma semaphore(%arg20 : memref<!tpu.dma_semaphore, #tpu.memory_space<semaphore_mem>>) src(%dma_wait3A_876 : memref<10000x128xf32, #tpu.memory_space<hbm>>) dst(%arg12 : memref<96x128xf32, #tpu.memory_space<vmem>>)
      %dma_start3A_877 = arith.constant 1 : i32
      %dma_start3A_878 = arith.constant 0 : i32
      %dma_start3A_879 = tpu.memref_slice %arg9[%dma_start3A_877, %dma_start3A_878] : memref<2x96xi32, #tpu.memory_space<vmem>> -> memref<1x96xi32, #tpu.memory_space<vmem>>
      %dma_start3A_880 = tpu.memref_squeeze %dma_start3A_879 : memref<1x96xi32, #tpu.memory_space<vmem>> -> memref<96xi32, #tpu.memory_space<vmem>>
      %dma_start3A_881 = arith.constant 0 : i32
      %dma_start3A_882 = arith.constant 0 : i32
      %dma_start3A_883 = tpu.memref_slice %arg13[%dma_start3A_881, %dma_start3A_882] : memref<10112x128xf32, #tpu.memory_space<vmem_shared>> -> memref<10112x128xf32, #tpu.memory_space<vmem_shared>>
      tpu.enqueue_indirect_dma source(%arg12 : memref<96x128xf32, #tpu.memory_space<vmem>>) target(%dma_start3A_883 : memref<10112x128xf32, #tpu.memory_space<vmem_shared>>) offsets(%dma_start3A_880 : memref<96xi32, #tpu.memory_space<vmem>>) semaphore(%arg23 : memref<!tpu.dma_semaphore, #tpu.memory_space<semaphore_mem>>) {add = true}
      %gt3A_884 = arith.constant 0 : i32
      %gt3A_885 = arith.cmpi sgt, %add3A_869, %gt3A_884 : i32
      %convert_element_type3A_886 = arith.extui %gt3A_885 : i1 to i32
      %cond3A_887 = arith.constant 0 : i32
      %cond3A_888 = arith.cmpi ne, %convert_element_type3A_886, %cond3A_887 : i32
      scf.if %cond3A_888 {
        %dma_wait3A_928 = arith.constant 1 : i32
        %dma_wait3A_929 = arith.constant 0 : i32
        %dma_wait3A_930 = tpu.memref_slice %arg8[%dma_wait3A_928, %dma_wait3A_929] : memref<2x96xi32, #tpu.memory_space<vmem>> -> memref<1x96xi32, #tpu.memory_space<vmem>>
        %dma_wait3A_931 = tpu.memref_squeeze %dma_wait3A_930 : memref<1x96xi32, #tpu.memory_space<vmem>> -> memref<96xi32, #tpu.memory_space<vmem>>
        %dma_wait3A_932 = arith.constant 0 : i32
        %dma_wait3A_933 = arith.constant 0 : i32
        %dma_wait3A_934 = tpu.memref_slice %arg13[%dma_wait3A_932, %dma_wait3A_933] : memref<10112x128xf32, #tpu.memory_space<vmem_shared>> -> memref<10112x128xf32, #tpu.memory_space<vmem_shared>>
        tpu.wait_indirect_dma semaphore(%arg22 : memref<!tpu.dma_semaphore, #tpu.memory_space<semaphore_mem>>) src(%arg11 : memref<96x128xf32, #tpu.memory_space<vmem>>) dst(%dma_wait3A_934 : memref<10112x128xf32, #tpu.memory_space<vmem_shared>>)
      } else {
      }
      %add3A_889 = arith.constant 2 : i32
      %add3A_890 = arith.addi %add3A_869, %add3A_889 : i32
      %rem3A_891 = arith.constant 108 : i32
      %rem3A_892 = arith.remsi %add3A_890, %rem3A_891 : i32
      %mul3A_893 = arith.constant 108 : i32
      %mul3A_894 = arith.muli %add3A, %mul3A_893 : i32
      %add3A_895 = arith.addi %mul3A_894, %rem3A_892 : i32
      %dma_wait3A_896 = arith.constant 0 : i32
      %dma_wait3A_897 = arith.constant 0 : i32
      %dma_wait3A_898 = tpu.memref_slice %arg3[%add3A_895, %dma_wait3A_896, %dma_wait3A_897] : memref<3456x2x96xi32, #tpu.memory_space<hbm>> -> memref<1x2x96xi32, #tpu.memory_space<hbm>>
      %dma_wait3A_899 = tpu.memref_squeeze %dma_wait3A_898 : memref<1x2x96xi32, #tpu.memory_space<hbm>> -> memref<2x96xi32, #tpu.memory_space<hbm>>
      %dma_wait3A_900 = arith.constant 0 : i32
      %dma_wait3A_901 = arith.constant 0 : i32
      %dma_wait3A_902 = tpu.memref_slice %arg3[%add3A_895, %dma_wait3A_900, %dma_wait3A_901] : memref<3456x2x96xi32, #tpu.memory_space<hbm>> -> memref<1x2x96xi32, #tpu.memory_space<hbm>>
      %dma_wait3A_903 = tpu.memref_squeeze %dma_wait3A_902 : memref<1x2x96xi32, #tpu.memory_space<hbm>> -> memref<2x96xi32, #tpu.memory_space<hbm>>
      tpu.wait_dma2 semaphore(%arg15 : memref<!tpu.dma_semaphore, #tpu.memory_space<semaphore_mem>>) src(%dma_wait3A_903 : memref<2x96xi32, #tpu.memory_space<hbm>>) dst(%arg7 : memref<2x96xi32, #tpu.memory_space<vmem>>)
      %dma_start3A_904 = arith.constant 0 : i32
      %dma_start3A_905 = arith.constant 0 : i32
      %dma_start3A_906 = tpu.memref_slice %arg7[%dma_start3A_904, %dma_start3A_905] : memref<2x96xi32, #tpu.memory_space<vmem>> -> memref<1x96xi32, #tpu.memory_space<vmem>>
      %dma_start3A_907 = tpu.memref_squeeze %dma_start3A_906 : memref<1x96xi32, #tpu.memory_space<vmem>> -> memref<96xi32, #tpu.memory_space<vmem>>
      %dma_start3A_908 = arith.constant 0 : i32
      %dma_start3A_909 = arith.constant 0 : i32
      %dma_start3A_910 = tpu.memref_slice %arg2[%dma_start3A_908, %dma_start3A_909] : memref<10000x128xf32, #tpu.memory_space<hbm>> -> memref<10000x128xf32, #tpu.memory_space<hbm>>
      tpu.enqueue_indirect_dma source(%dma_start3A_910 : memref<10000x128xf32, #tpu.memory_space<hbm>>) target(%arg11 : memref<96x128xf32, #tpu.memory_space<vmem>>) offsets(%dma_start3A_907 : memref<96xi32, #tpu.memory_space<vmem>>) semaphore(%arg19 : memref<!tpu.dma_semaphore, #tpu.memory_space<semaphore_mem>>)
      %add3A_911 = arith.constant 2 : i32
      %add3A_912 = arith.addi %add3A_869, %add3A_911 : i32
      %add3A_913 = arith.constant 1 : i32
      %add3A_914 = arith.addi %add3A_912, %add3A_913 : i32
      %rem3A_915 = arith.constant 108 : i32
      %rem3A_916 = arith.remsi %add3A_914, %rem3A_915 : i32
      %mul3A_917 = arith.constant 108 : i32
      %mul3A_918 = arith.muli %add3A, %mul3A_917 : i32
      %add3A_919 = arith.addi %mul3A_918, %rem3A_916 : i32
      %dma_start3A_920 = arith.constant 0 : i32
      %dma_start3A_921 = arith.constant 0 : i32
      %dma_start3A_922 = tpu.memref_slice %arg3[%add3A_919, %dma_start3A_920, %dma_start3A_921] : memref<3456x2x96xi32, #tpu.memory_space<hbm>> -> memref<1x2x96xi32, #tpu.memory_space<hbm>>
      %dma_start3A_923 = tpu.memref_squeeze %dma_start3A_922 : memref<1x2x96xi32, #tpu.memory_space<hbm>> -> memref<2x96xi32, #tpu.memory_space<hbm>>
      %dma_start3A_924 = arith.constant 0 : i32
      %dma_start3A_925 = arith.constant 0 : i32
      %dma_start3A_926 = tpu.memref_slice %arg3[%add3A_919, %dma_start3A_924, %dma_start3A_925] : memref<3456x2x96xi32, #tpu.memory_space<hbm>> -> memref<1x2x96xi32, #tpu.memory_space<hbm>>
      %dma_start3A_927 = tpu.memref_squeeze %dma_start3A_926 : memref<1x2x96xi32, #tpu.memory_space<hbm>> -> memref<2x96xi32, #tpu.memory_space<hbm>>
      tpu.enqueue_dma source(%dma_start3A_927 : memref<2x96xi32, #tpu.memory_space<hbm>>) target(%arg8 : memref<2x96xi32, #tpu.memory_space<vmem>>) target_semaphore(%arg16 : memref<!tpu.dma_semaphore, #tpu.memory_space<semaphore_mem>>)
    }
    %scan3A_105 = arith.constant 9 : i32
    %dma_wait3A_106 = arith.constant 0 : i32
    %dma_wait3A_107 = arith.constant 0 : i32
    %dma_wait3A_108 = tpu.memref_slice %arg6[%dma_wait3A_106, %dma_wait3A_107] : memref<2x96xi32, #tpu.memory_space<vmem>> -> memref<1x96xi32, #tpu.memory_space<vmem>>
    %dma_wait3A_109 = tpu.memref_squeeze %dma_wait3A_108 : memref<1x96xi32, #tpu.memory_space<vmem>> -> memref<96xi32, #tpu.memory_space<vmem>>
    %dma_wait3A_110 = arith.constant 0 : i32
    %dma_wait3A_111 = arith.constant 0 : i32
    %dma_wait3A_112 = tpu.memref_slice %arg2[%dma_wait3A_110, %dma_wait3A_111] : memref<10000x128xf32, #tpu.memory_space<hbm>> -> memref<10000x128xf32, #tpu.memory_space<hbm>>
    tpu.wait_indirect_dma semaphore(%arg18 : memref<!tpu.dma_semaphore, #tpu.memory_space<semaphore_mem>>) src(%dma_wait3A_112 : memref<10000x128xf32, #tpu.memory_space<hbm>>) dst(%arg10 : memref<96x128xf32, #tpu.memory_space<vmem>>)
    %dma_wait3A_113 = arith.constant 0 : i32
    %dma_wait3A_114 = arith.constant 0 : i32
    %dma_wait3A_115 = tpu.memref_slice %arg7[%dma_wait3A_113, %dma_wait3A_114] : memref<2x96xi32, #tpu.memory_space<vmem>> -> memref<1x96xi32, #tpu.memory_space<vmem>>
    %dma_wait3A_116 = tpu.memref_squeeze %dma_wait3A_115 : memref<1x96xi32, #tpu.memory_space<vmem>> -> memref<96xi32, #tpu.memory_space<vmem>>
    %dma_wait3A_117 = arith.constant 0 : i32
    %dma_wait3A_118 = arith.constant 0 : i32
    %dma_wait3A_119 = tpu.memref_slice %arg2[%dma_wait3A_117, %dma_wait3A_118] : memref<10000x128xf32, #tpu.memory_space<hbm>> -> memref<10000x128xf32, #tpu.memory_space<hbm>>
    tpu.wait_indirect_dma semaphore(%arg19 : memref<!tpu.dma_semaphore, #tpu.memory_space<semaphore_mem>>) src(%dma_wait3A_119 : memref<10000x128xf32, #tpu.memory_space<hbm>>) dst(%arg11 : memref<96x128xf32, #tpu.memory_space<vmem>>)
    %dma_wait3A_120 = arith.constant 1 : i32
    %dma_wait3A_121 = arith.constant 0 : i32
    %dma_wait3A_122 = tpu.memref_slice %arg9[%dma_wait3A_120, %dma_wait3A_121] : memref<2x96xi32, #tpu.memory_space<vmem>> -> memref<1x96xi32, #tpu.memory_space<vmem>>
    %dma_wait3A_123 = tpu.memref_squeeze %dma_wait3A_122 : memref<1x96xi32, #tpu.memory_space<vmem>> -> memref<96xi32, #tpu.memory_space<vmem>>
    %dma_wait3A_124 = arith.constant 0 : i32
    %dma_wait3A_125 = arith.constant 0 : i32
    %dma_wait3A_126 = tpu.memref_slice %arg13[%dma_wait3A_124, %dma_wait3A_125] : memref<10112x128xf32, #tpu.memory_space<vmem_shared>> -> memref<10112x128xf32, #tpu.memory_space<vmem_shared>>
    tpu.wait_indirect_dma semaphore(%arg23 : memref<!tpu.dma_semaphore, #tpu.memory_space<semaphore_mem>>) src(%arg12 : memref<96x128xf32, #tpu.memory_space<vmem>>) dst(%dma_wait3A_126 : memref<10112x128xf32, #tpu.memory_space<vmem_shared>>)
    %mul3A_127 = arith.constant 108 : i32
    %mul3A_128 = arith.muli %add3A, %mul3A_127 : i32
    %add3A_129 = arith.constant 2 : i32
    %add3A_130 = arith.addi %mul3A_128, %add3A_129 : i32
    %dma_wait3A_131 = arith.constant 0 : i32
    %dma_wait3A_132 = arith.constant 0 : i32
    %dma_wait3A_133 = tpu.memref_slice %arg3[%add3A_130, %dma_wait3A_131, %dma_wait3A_132] : memref<3456x2x96xi32, #tpu.memory_space<hbm>> -> memref<1x2x96xi32, #tpu.memory_space<hbm>>
    %dma_wait3A_134 = tpu.memref_squeeze %dma_wait3A_133 : memref<1x2x96xi32, #tpu.memory_space<hbm>> -> memref<2x96xi32, #tpu.memory_space<hbm>>
    %dma_wait3A_135 = arith.constant 0 : i32
    %dma_wait3A_136 = arith.constant 0 : i32
    %dma_wait3A_137 = tpu.memref_slice %arg3[%add3A_130, %dma_wait3A_135, %dma_wait3A_136] : memref<3456x2x96xi32, #tpu.memory_space<hbm>> -> memref<1x2x96xi32, #tpu.memory_space<hbm>>
    %dma_wait3A_138 = tpu.memref_squeeze %dma_wait3A_137 : memref<1x2x96xi32, #tpu.memory_space<hbm>> -> memref<2x96xi32, #tpu.memory_space<hbm>>
    tpu.wait_dma2 semaphore(%arg16 : memref<!tpu.dma_semaphore, #tpu.memory_space<semaphore_mem>>) src(%dma_wait3A_138 : memref<2x96xi32, #tpu.memory_space<hbm>>) dst(%arg8 : memref<2x96xi32, #tpu.memory_space<vmem>>)
    %barrier3A_139 = arith.constant 0 : index
    tpu.barrier barrier_id(%barrier3A_139)
    %mul3A_140 = arith.constant 10112 : i32
    %mul3A_141 = arith.muli %arg0, %mul3A_140 : i32
    %mul3A_142 = arith.constant 632 : i32
    %mul3A_143 = arith.muli %arg1, %mul3A_142 : i32
    %add3A_144 = arith.addi %mul3A_141, %mul3A_143 : i32
    %mul3A_145 = arith.constant 632 : i32
    %mul3A_146 = arith.muli %arg1, %mul3A_145 : i32
    %add3A_147 = arith.constant 0 : i32
    %add3A_148 = arith.addi %mul3A_146, %add3A_147 : i32
    "tpu.region"() ({
      %run_scoped3A = tpu.sem_alloc : memref<!tpu.dma_semaphore, #tpu.memory_space<semaphore_mem>>
      %dma_start3A_187 = arith.constant 0 : i32
      %dma_start3A_188 = tpu.memref_slice %arg13[%add3A_148, %dma_start3A_187] : memref<10112x128xf32, #tpu.memory_space<vmem_shared>> -> memref<96x128xf32, #tpu.memory_space<vmem_shared>>
      %dma_start3A_189 = arith.constant 0 : i32
      %dma_start3A_190 = tpu.memref_slice %arg13[%add3A_148, %dma_start3A_189] : memref<10112x128xf32, #tpu.memory_space<vmem_shared>> -> memref<96x128xf32, #tpu.memory_space<vmem_shared>>
      tpu.enqueue_dma source(%dma_start3A_190 : memref<96x128xf32, #tpu.memory_space<vmem_shared>>) target(%arg10 : memref<96x128xf32, #tpu.memory_space<vmem>>) target_semaphore(%run_scoped3A : memref<!tpu.dma_semaphore, #tpu.memory_space<semaphore_mem>>)
      %dma_wait3A_191 = arith.constant 0 : i32
      %dma_wait3A_192 = tpu.memref_slice %arg13[%add3A_148, %dma_wait3A_191] : memref<10112x128xf32, #tpu.memory_space<vmem_shared>> -> memref<96x128xf32, #tpu.memory_space<vmem_shared>>
      %dma_wait3A_193 = arith.constant 0 : i32
      %dma_wait3A_194 = tpu.memref_slice %arg13[%add3A_148, %dma_wait3A_193] : memref<10112x128xf32, #tpu.memory_space<vmem_shared>> -> memref<96x128xf32, #tpu.memory_space<vmem_shared>>
      tpu.wait_dma2 semaphore(%run_scoped3A : memref<!tpu.dma_semaphore, #tpu.memory_space<semaphore_mem>>) src(%dma_wait3A_194 : memref<96x128xf32, #tpu.memory_space<vmem_shared>>) dst(%arg10 : memref<96x128xf32, #tpu.memory_space<vmem>>)
      tpu.yield
    }) : () -> ()
    %add3A_149 = arith.constant 0 : i32
    %add3A_150 = arith.addi %add3A_144, %add3A_149 : i32
    "tpu.region"() ({
      %run_scoped3A = tpu.sem_alloc : memref<!tpu.dma_semaphore, #tpu.memory_space<semaphore_mem>>
      %dma_start3A_187 = arith.constant 0 : i32
      %dma_start3A_188 = tpu.memref_slice %arg5[%add3A_150, %dma_start3A_187] : memref<20224x128xf32, #tpu.memory_space<hbm>> -> memref<96x128xf32, #tpu.memory_space<hbm>>
      %dma_start3A_189 = arith.constant 0 : i32
      %dma_start3A_190 = tpu.memref_slice %arg5[%add3A_150, %dma_start3A_189] : memref<20224x128xf32, #tpu.memory_space<hbm>> -> memref<96x128xf32, #tpu.memory_space<hbm>>
      tpu.enqueue_dma source(%arg10 : memref<96x128xf32, #tpu.memory_space<vmem>>) target(%dma_start3A_190 : memref<96x128xf32, #tpu.memory_space<hbm>>) target_semaphore(%run_scoped3A : memref<!tpu.dma_semaphore, #tpu.memory_space<semaphore_mem>>)
      %dma_wait3A_191 = arith.constant 0 : i32
      %dma_wait3A_192 = tpu.memref_slice %arg5[%add3A_150, %dma_wait3A_191] : memref<20224x128xf32, #tpu.memory_space<hbm>> -> memref<96x128xf32, #tpu.memory_space<hbm>>
      %dma_wait3A_193 = arith.constant 0 : i32
      %dma_wait3A_194 = tpu.memref_slice %arg5[%add3A_150, %dma_wait3A_193] : memref<20224x128xf32, #tpu.memory_space<hbm>> -> memref<96x128xf32, #tpu.memory_space<hbm>>
      tpu.wait_dma2 semaphore(%run_scoped3A : memref<!tpu.dma_semaphore, #tpu.memory_space<semaphore_mem>>) src(%arg10 : memref<96x128xf32, #tpu.memory_space<vmem>>) dst(%dma_wait3A_194 : memref<96x128xf32, #tpu.memory_space<hbm>>)
      tpu.yield
    }) : () -> ()
    %mul3A_151 = arith.constant 632 : i32
    %mul3A_152 = arith.muli %arg1, %mul3A_151 : i32
    %add3A_153 = arith.constant 96 : i32
    %add3A_154 = arith.addi %mul3A_152, %add3A_153 : i32
    "tpu.region"() ({
      %run_scoped3A = tpu.sem_alloc : memref<!tpu.dma_semaphore, #tpu.memory_space<semaphore_mem>>
      %dma_start3A_187 = arith.constant 0 : i32
      %dma_start3A_188 = tpu.memref_slice %arg13[%add3A_154, %dma_start3A_187] : memref<10112x128xf32, #tpu.memory_space<vmem_shared>> -> memref<96x128xf32, #tpu.memory_space<vmem_shared>>
      %dma_start3A_189 = arith.constant 0 : i32
      %dma_start3A_190 = tpu.memref_slice %arg13[%add3A_154, %dma_start3A_189] : memref<10112x128xf32, #tpu.memory_space<vmem_shared>> -> memref<96x128xf32, #tpu.memory_space<vmem_shared>>
      tpu.enqueue_dma source(%dma_start3A_190 : memref<96x128xf32, #tpu.memory_space<vmem_shared>>) target(%arg10 : memref<96x128xf32, #tpu.memory_space<vmem>>) target_semaphore(%run_scoped3A : memref<!tpu.dma_semaphore, #tpu.memory_space<semaphore_mem>>)
      %dma_wait3A_191 = arith.constant 0 : i32
      %dma_wait3A_192 = tpu.memref_slice %arg13[%add3A_154, %dma_wait3A_191] : memref<10112x128xf32, #tpu.memory_space<vmem_shared>> -> memref<96x128xf32, #tpu.memory_space<vmem_shared>>
      %dma_wait3A_193 = arith.constant 0 : i32
      %dma_wait3A_194 = tpu.memref_slice %arg13[%add3A_154, %dma_wait3A_193] : memref<10112x128xf32, #tpu.memory_space<vmem_shared>> -> memref<96x128xf32, #tpu.memory_space<vmem_shared>>
      tpu.wait_dma2 semaphore(%run_scoped3A : memref<!tpu.dma_semaphore, #tpu.memory_space<semaphore_mem>>) src(%dma_wait3A_194 : memref<96x128xf32, #tpu.memory_space<vmem_shared>>) dst(%arg10 : memref<96x128xf32, #tpu.memory_space<vmem>>)
      tpu.yield
    }) : () -> ()
    %add3A_155 = arith.constant 96 : i32
    %add3A_156 = arith.addi %add3A_144, %add3A_155 : i32
    "tpu.region"() ({
      %run_scoped3A = tpu.sem_alloc : memref<!tpu.dma_semaphore, #tpu.memory_space<semaphore_mem>>
      %dma_start3A_187 = arith.constant 0 : i32
      %dma_start3A_188 = tpu.memref_slice %arg5[%add3A_156, %dma_start3A_187] : memref<20224x128xf32, #tpu.memory_space<hbm>> -> memref<96x128xf32, #tpu.memory_space<hbm>>
      %dma_start3A_189 = arith.constant 0 : i32
      %dma_start3A_190 = tpu.memref_slice %arg5[%add3A_156, %dma_start3A_189] : memref<20224x128xf32, #tpu.memory_space<hbm>> -> memref<96x128xf32, #tpu.memory_space<hbm>>
      tpu.enqueue_dma source(%arg10 : memref<96x128xf32, #tpu.memory_space<vmem>>) target(%dma_start3A_190 : memref<96x128xf32, #tpu.memory_space<hbm>>) target_semaphore(%run_scoped3A : memref<!tpu.dma_semaphore, #tpu.memory_space<semaphore_mem>>)
      %dma_wait3A_191 = arith.constant 0 : i32
      %dma_wait3A_192 = tpu.memref_slice %arg5[%add3A_156, %dma_wait3A_191] : memref<20224x128xf32, #tpu.memory_space<hbm>> -> memref<96x128xf32, #tpu.memory_space<hbm>>
      %dma_wait3A_193 = arith.constant 0 : i32
      %dma_wait3A_194 = tpu.memref_slice %arg5[%add3A_156, %dma_wait3A_193] : memref<20224x128xf32, #tpu.memory_space<hbm>> -> memref<96x128xf32, #tpu.memory_space<hbm>>
      tpu.wait_dma2 semaphore(%run_scoped3A : memref<!tpu.dma_semaphore, #tpu.memory_space<semaphore_mem>>) src(%arg10 : memref<96x128xf32, #tpu.memory_space<vmem>>) dst(%dma_wait3A_194 : memref<96x128xf32, #tpu.memory_space<hbm>>)
      tpu.yield
    }) : () -> ()
    %mul3A_157 = arith.constant 632 : i32
    %mul3A_158 = arith.muli %arg1, %mul3A_157 : i32
    %add3A_159 = arith.constant 192 : i32
    %add3A_160 = arith.addi %mul3A_158, %add3A_159 : i32
    "tpu.region"() ({
      %run_scoped3A = tpu.sem_alloc : memref<!tpu.dma_semaphore, #tpu.memory_space<semaphore_mem>>
      %dma_start3A_187 = arith.constant 0 : i32
      %dma_start3A_188 = tpu.memref_slice %arg13[%add3A_160, %dma_start3A_187] : memref<10112x128xf32, #tpu.memory_space<vmem_shared>> -> memref<96x128xf32, #tpu.memory_space<vmem_shared>>
      %dma_start3A_189 = arith.constant 0 : i32
      %dma_start3A_190 = tpu.memref_slice %arg13[%add3A_160, %dma_start3A_189] : memref<10112x128xf32, #tpu.memory_space<vmem_shared>> -> memref<96x128xf32, #tpu.memory_space<vmem_shared>>
      tpu.enqueue_dma source(%dma_start3A_190 : memref<96x128xf32, #tpu.memory_space<vmem_shared>>) target(%arg10 : memref<96x128xf32, #tpu.memory_space<vmem>>) target_semaphore(%run_scoped3A : memref<!tpu.dma_semaphore, #tpu.memory_space<semaphore_mem>>)
      %dma_wait3A_191 = arith.constant 0 : i32
      %dma_wait3A_192 = tpu.memref_slice %arg13[%add3A_160, %dma_wait3A_191] : memref<10112x128xf32, #tpu.memory_space<vmem_shared>> -> memref<96x128xf32, #tpu.memory_space<vmem_shared>>
      %dma_wait3A_193 = arith.constant 0 : i32
      %dma_wait3A_194 = tpu.memref_slice %arg13[%add3A_160, %dma_wait3A_193] : memref<10112x128xf32, #tpu.memory_space<vmem_shared>> -> memref<96x128xf32, #tpu.memory_space<vmem_shared>>
      tpu.wait_dma2 semaphore(%run_scoped3A : memref<!tpu.dma_semaphore, #tpu.memory_space<semaphore_mem>>) src(%dma_wait3A_194 : memref<96x128xf32, #tpu.memory_space<vmem_shared>>) dst(%arg10 : memref<96x128xf32, #tpu.memory_space<vmem>>)
      tpu.yield
    }) : () -> ()
    %add3A_161 = arith.constant 192 : i32
    %add3A_162 = arith.addi %add3A_144, %add3A_161 : i32
    "tpu.region"() ({
      %run_scoped3A = tpu.sem_alloc : memref<!tpu.dma_semaphore, #tpu.memory_space<semaphore_mem>>
      %dma_start3A_187 = arith.constant 0 : i32
      %dma_start3A_188 = tpu.memref_slice %arg5[%add3A_162, %dma_start3A_187] : memref<20224x128xf32, #tpu.memory_space<hbm>> -> memref<96x128xf32, #tpu.memory_space<hbm>>
      %dma_start3A_189 = arith.constant 0 : i32
      %dma_start3A_190 = tpu.memref_slice %arg5[%add3A_162, %dma_start3A_189] : memref<20224x128xf32, #tpu.memory_space<hbm>> -> memref<96x128xf32, #tpu.memory_space<hbm>>
      tpu.enqueue_dma source(%arg10 : memref<96x128xf32, #tpu.memory_space<vmem>>) target(%dma_start3A_190 : memref<96x128xf32, #tpu.memory_space<hbm>>) target_semaphore(%run_scoped3A : memref<!tpu.dma_semaphore, #tpu.memory_space<semaphore_mem>>)
      %dma_wait3A_191 = arith.constant 0 : i32
      %dma_wait3A_192 = tpu.memref_slice %arg5[%add3A_162, %dma_wait3A_191] : memref<20224x128xf32, #tpu.memory_space<hbm>> -> memref<96x128xf32, #tpu.memory_space<hbm>>
      %dma_wait3A_193 = arith.constant 0 : i32
      %dma_wait3A_194 = tpu.memref_slice %arg5[%add3A_162, %dma_wait3A_193] : memref<20224x128xf32, #tpu.memory_space<hbm>> -> memref<96x128xf32, #tpu.memory_space<hbm>>
      tpu.wait_dma2 semaphore(%run_scoped3A : memref<!tpu.dma_semaphore, #tpu.memory_space<semaphore_mem>>) src(%arg10 : memref<96x128xf32, #tpu.memory_space<vmem>>) dst(%dma_wait3A_194 : memref<96x128xf32, #tpu.memory_space<hbm>>)
      tpu.yield
    }) : () -> ()
    %mul3A_163 = arith.constant 632 : i32
    %mul3A_164 = arith.muli %arg1, %mul3A_163 : i32
    %add3A_165 = arith.constant 288 : i32
    %add3A_166 = arith.addi %mul3A_164, %add3A_165 : i32
    "tpu.region"() ({
      %run_scoped3A = tpu.sem_alloc : memref<!tpu.dma_semaphore, #tpu.memory_space<semaphore_mem>>
      %dma_start3A_187 = arith.constant 0 : i32
      %dma_start3A_188 = tpu.memref_slice %arg13[%add3A_166, %dma_start3A_187] : memref<10112x128xf32, #tpu.memory_space<vmem_shared>> -> memref<96x128xf32, #tpu.memory_space<vmem_shared>>
      %dma_start3A_189 = arith.constant 0 : i32
      %dma_start3A_190 = tpu.memref_slice %arg13[%add3A_166, %dma_start3A_189] : memref<10112x128xf32, #tpu.memory_space<vmem_shared>> -> memref<96x128xf32, #tpu.memory_space<vmem_shared>>
      tpu.enqueue_dma source(%dma_start3A_190 : memref<96x128xf32, #tpu.memory_space<vmem_shared>>) target(%arg10 : memref<96x128xf32, #tpu.memory_space<vmem>>) target_semaphore(%run_scoped3A : memref<!tpu.dma_semaphore, #tpu.memory_space<semaphore_mem>>)
      %dma_wait3A_191 = arith.constant 0 : i32
      %dma_wait3A_192 = tpu.memref_slice %arg13[%add3A_166, %dma_wait3A_191] : memref<10112x128xf32, #tpu.memory_space<vmem_shared>> -> memref<96x128xf32, #tpu.memory_space<vmem_shared>>
      %dma_wait3A_193 = arith.constant 0 : i32
      %dma_wait3A_194 = tpu.memref_slice %arg13[%add3A_166, %dma_wait3A_193] : memref<10112x128xf32, #tpu.memory_space<vmem_shared>> -> memref<96x128xf32, #tpu.memory_space<vmem_shared>>
      tpu.wait_dma2 semaphore(%run_scoped3A : memref<!tpu.dma_semaphore, #tpu.memory_space<semaphore_mem>>) src(%dma_wait3A_194 : memref<96x128xf32, #tpu.memory_space<vmem_shared>>) dst(%arg10 : memref<96x128xf32, #tpu.memory_space<vmem>>)
      tpu.yield
    }) : () -> ()
    %add3A_167 = arith.constant 288 : i32
    %add3A_168 = arith.addi %add3A_144, %add3A_167 : i32
    "tpu.region"() ({
      %run_scoped3A = tpu.sem_alloc : memref<!tpu.dma_semaphore, #tpu.memory_space<semaphore_mem>>
      %dma_start3A_187 = arith.constant 0 : i32
      %dma_start3A_188 = tpu.memref_slice %arg5[%add3A_168, %dma_start3A_187] : memref<20224x128xf32, #tpu.memory_space<hbm>> -> memref<96x128xf32, #tpu.memory_space<hbm>>
      %dma_start3A_189 = arith.constant 0 : i32
      %dma_start3A_190 = tpu.memref_slice %arg5[%add3A_168, %dma_start3A_189] : memref<20224x128xf32, #tpu.memory_space<hbm>> -> memref<96x128xf32, #tpu.memory_space<hbm>>
      tpu.enqueue_dma source(%arg10 : memref<96x128xf32, #tpu.memory_space<vmem>>) target(%dma_start3A_190 : memref<96x128xf32, #tpu.memory_space<hbm>>) target_semaphore(%run_scoped3A : memref<!tpu.dma_semaphore, #tpu.memory_space<semaphore_mem>>)
      %dma_wait3A_191 = arith.constant 0 : i32
      %dma_wait3A_192 = tpu.memref_slice %arg5[%add3A_168, %dma_wait3A_191] : memref<20224x128xf32, #tpu.memory_space<hbm>> -> memref<96x128xf32, #tpu.memory_space<hbm>>
      %dma_wait3A_193 = arith.constant 0 : i32
      %dma_wait3A_194 = tpu.memref_slice %arg5[%add3A_168, %dma_wait3A_193] : memref<20224x128xf32, #tpu.memory_space<hbm>> -> memref<96x128xf32, #tpu.memory_space<hbm>>
      tpu.wait_dma2 semaphore(%run_scoped3A : memref<!tpu.dma_semaphore, #tpu.memory_space<semaphore_mem>>) src(%arg10 : memref<96x128xf32, #tpu.memory_space<vmem>>) dst(%dma_wait3A_194 : memref<96x128xf32, #tpu.memory_space<hbm>>)
      tpu.yield
    }) : () -> ()
    %mul3A_169 = arith.constant 632 : i32
    %mul3A_170 = arith.muli %arg1, %mul3A_169 : i32
    %add3A_171 = arith.constant 384 : i32
    %add3A_172 = arith.addi %mul3A_170, %add3A_171 : i32
    "tpu.region"() ({
      %run_scoped3A = tpu.sem_alloc : memref<!tpu.dma_semaphore, #tpu.memory_space<semaphore_mem>>
      %dma_start3A_187 = arith.constant 0 : i32
      %dma_start3A_188 = tpu.memref_slice %arg13[%add3A_172, %dma_start3A_187] : memref<10112x128xf32, #tpu.memory_space<vmem_shared>> -> memref<96x128xf32, #tpu.memory_space<vmem_shared>>
      %dma_start3A_189 = arith.constant 0 : i32
      %dma_start3A_190 = tpu.memref_slice %arg13[%add3A_172, %dma_start3A_189] : memref<10112x128xf32, #tpu.memory_space<vmem_shared>> -> memref<96x128xf32, #tpu.memory_space<vmem_shared>>
      tpu.enqueue_dma source(%dma_start3A_190 : memref<96x128xf32, #tpu.memory_space<vmem_shared>>) target(%arg10 : memref<96x128xf32, #tpu.memory_space<vmem>>) target_semaphore(%run_scoped3A : memref<!tpu.dma_semaphore, #tpu.memory_space<semaphore_mem>>)
      %dma_wait3A_191 = arith.constant 0 : i32
      %dma_wait3A_192 = tpu.memref_slice %arg13[%add3A_172, %dma_wait3A_191] : memref<10112x128xf32, #tpu.memory_space<vmem_shared>> -> memref<96x128xf32, #tpu.memory_space<vmem_shared>>
      %dma_wait3A_193 = arith.constant 0 : i32
      %dma_wait3A_194 = tpu.memref_slice %arg13[%add3A_172, %dma_wait3A_193] : memref<10112x128xf32, #tpu.memory_space<vmem_shared>> -> memref<96x128xf32, #tpu.memory_space<vmem_shared>>
      tpu.wait_dma2 semaphore(%run_scoped3A : memref<!tpu.dma_semaphore, #tpu.memory_space<semaphore_mem>>) src(%dma_wait3A_194 : memref<96x128xf32, #tpu.memory_space<vmem_shared>>) dst(%arg10 : memref<96x128xf32, #tpu.memory_space<vmem>>)
      tpu.yield
    }) : () -> ()
    %add3A_173 = arith.constant 384 : i32
    %add3A_174 = arith.addi %add3A_144, %add3A_173 : i32
    "tpu.region"() ({
      %run_scoped3A = tpu.sem_alloc : memref<!tpu.dma_semaphore, #tpu.memory_space<semaphore_mem>>
      %dma_start3A_187 = arith.constant 0 : i32
      %dma_start3A_188 = tpu.memref_slice %arg5[%add3A_174, %dma_start3A_187] : memref<20224x128xf32, #tpu.memory_space<hbm>> -> memref<96x128xf32, #tpu.memory_space<hbm>>
      %dma_start3A_189 = arith.constant 0 : i32
      %dma_start3A_190 = tpu.memref_slice %arg5[%add3A_174, %dma_start3A_189] : memref<20224x128xf32, #tpu.memory_space<hbm>> -> memref<96x128xf32, #tpu.memory_space<hbm>>
      tpu.enqueue_dma source(%arg10 : memref<96x128xf32, #tpu.memory_space<vmem>>) target(%dma_start3A_190 : memref<96x128xf32, #tpu.memory_space<hbm>>) target_semaphore(%run_scoped3A : memref<!tpu.dma_semaphore, #tpu.memory_space<semaphore_mem>>)
      %dma_wait3A_191 = arith.constant 0 : i32
      %dma_wait3A_192 = tpu.memref_slice %arg5[%add3A_174, %dma_wait3A_191] : memref<20224x128xf32, #tpu.memory_space<hbm>> -> memref<96x128xf32, #tpu.memory_space<hbm>>
      %dma_wait3A_193 = arith.constant 0 : i32
      %dma_wait3A_194 = tpu.memref_slice %arg5[%add3A_174, %dma_wait3A_193] : memref<20224x128xf32, #tpu.memory_space<hbm>> -> memref<96x128xf32, #tpu.memory_space<hbm>>
      tpu.wait_dma2 semaphore(%run_scoped3A : memref<!tpu.dma_semaphore, #tpu.memory_space<semaphore_mem>>) src(%arg10 : memref<96x128xf32, #tpu.memory_space<vmem>>) dst(%dma_wait3A_194 : memref<96x128xf32, #tpu.memory_space<hbm>>)
      tpu.yield
    }) : () -> ()
    %mul3A_175 = arith.constant 632 : i32
    %mul3A_176 = arith.muli %arg1, %mul3A_175 : i32
    %add3A_177 = arith.constant 480 : i32
    %add3A_178 = arith.addi %mul3A_176, %add3A_177 : i32
    "tpu.region"() ({
      %run_scoped3A = tpu.sem_alloc : memref<!tpu.dma_semaphore, #tpu.memory_space<semaphore_mem>>
      %dma_start3A_187 = arith.constant 0 : i32
      %dma_start3A_188 = tpu.memref_slice %arg13[%add3A_178, %dma_start3A_187] : memref<10112x128xf32, #tpu.memory_space<vmem_shared>> -> memref<96x128xf32, #tpu.memory_space<vmem_shared>>
      %dma_start3A_189 = arith.constant 0 : i32
      %dma_start3A_190 = tpu.memref_slice %arg13[%add3A_178, %dma_start3A_189] : memref<10112x128xf32, #tpu.memory_space<vmem_shared>> -> memref<96x128xf32, #tpu.memory_space<vmem_shared>>
      tpu.enqueue_dma source(%dma_start3A_190 : memref<96x128xf32, #tpu.memory_space<vmem_shared>>) target(%arg10 : memref<96x128xf32, #tpu.memory_space<vmem>>) target_semaphore(%run_scoped3A : memref<!tpu.dma_semaphore, #tpu.memory_space<semaphore_mem>>)
      %dma_wait3A_191 = arith.constant 0 : i32
      %dma_wait3A_192 = tpu.memref_slice %arg13[%add3A_178, %dma_wait3A_191] : memref<10112x128xf32, #tpu.memory_space<vmem_shared>> -> memref<96x128xf32, #tpu.memory_space<vmem_shared>>
      %dma_wait3A_193 = arith.constant 0 : i32
      %dma_wait3A_194 = tpu.memref_slice %arg13[%add3A_178, %dma_wait3A_193] : memref<10112x128xf32, #tpu.memory_space<vmem_shared>> -> memref<96x128xf32, #tpu.memory_space<vmem_shared>>
      tpu.wait_dma2 semaphore(%run_scoped3A : memref<!tpu.dma_semaphore, #tpu.memory_space<semaphore_mem>>) src(%dma_wait3A_194 : memref<96x128xf32, #tpu.memory_space<vmem_shared>>) dst(%arg10 : memref<96x128xf32, #tpu.memory_space<vmem>>)
      tpu.yield
    }) : () -> ()
    %add3A_179 = arith.constant 480 : i32
    %add3A_180 = arith.addi %add3A_144, %add3A_179 : i32
    "tpu.region"() ({
      %run_scoped3A = tpu.sem_alloc : memref<!tpu.dma_semaphore, #tpu.memory_space<semaphore_mem>>
      %dma_start3A_187 = arith.constant 0 : i32
      %dma_start3A_188 = tpu.memref_slice %arg5[%add3A_180, %dma_start3A_187] : memref<20224x128xf32, #tpu.memory_space<hbm>> -> memref<96x128xf32, #tpu.memory_space<hbm>>
      %dma_start3A_189 = arith.constant 0 : i32
      %dma_start3A_190 = tpu.memref_slice %arg5[%add3A_180, %dma_start3A_189] : memref<20224x128xf32, #tpu.memory_space<hbm>> -> memref<96x128xf32, #tpu.memory_space<hbm>>
      tpu.enqueue_dma source(%arg10 : memref<96x128xf32, #tpu.memory_space<vmem>>) target(%dma_start3A_190 : memref<96x128xf32, #tpu.memory_space<hbm>>) target_semaphore(%run_scoped3A : memref<!tpu.dma_semaphore, #tpu.memory_space<semaphore_mem>>)
      %dma_wait3A_191 = arith.constant 0 : i32
      %dma_wait3A_192 = tpu.memref_slice %arg5[%add3A_180, %dma_wait3A_191] : memref<20224x128xf32, #tpu.memory_space<hbm>> -> memref<96x128xf32, #tpu.memory_space<hbm>>
      %dma_wait3A_193 = arith.constant 0 : i32
      %dma_wait3A_194 = tpu.memref_slice %arg5[%add3A_180, %dma_wait3A_193] : memref<20224x128xf32, #tpu.memory_space<hbm>> -> memref<96x128xf32, #tpu.memory_space<hbm>>
      tpu.wait_dma2 semaphore(%run_scoped3A : memref<!tpu.dma_semaphore, #tpu.memory_space<semaphore_mem>>) src(%arg10 : memref<96x128xf32, #tpu.memory_space<vmem>>) dst(%dma_wait3A_194 : memref<96x128xf32, #tpu.memory_space<hbm>>)
      tpu.yield
    }) : () -> ()
    %mul3A_181 = arith.constant 632 : i32
    %mul3A_182 = arith.muli %arg1, %mul3A_181 : i32
    %add3A_183 = arith.constant 576 : i32
    %add3A_184 = arith.addi %mul3A_182, %add3A_183 : i32
    "tpu.region"() ({
      %run_scoped3A = tpu.sem_alloc : memref<!tpu.dma_semaphore, #tpu.memory_space<semaphore_mem>>
      %dma_start3A_187 = arith.constant 0 : i32
      %dma_start3A_188 = arith.constant 0 : i32
      %dma_start3A_189 = tpu.memref_slice %arg10[%dma_start3A_187, %dma_start3A_188] : memref<96x128xf32, #tpu.memory_space<vmem>> -> memref<56x128xf32, #tpu.memory_space<vmem>>
      %dma_start3A_190 = arith.constant 0 : i32
      %dma_start3A_191 = tpu.memref_slice %arg13[%add3A_184, %dma_start3A_190] : memref<10112x128xf32, #tpu.memory_space<vmem_shared>> -> memref<56x128xf32, #tpu.memory_space<vmem_shared>>
      %dma_start3A_192 = arith.constant 0 : i32
      %dma_start3A_193 = arith.constant 0 : i32
      %dma_start3A_194 = tpu.memref_slice %arg10[%dma_start3A_192, %dma_start3A_193] : memref<96x128xf32, #tpu.memory_space<vmem>> -> memref<56x128xf32, #tpu.memory_space<vmem>>
      %dma_start3A_195 = arith.constant 0 : i32
      %dma_start3A_196 = tpu.memref_slice %arg13[%add3A_184, %dma_start3A_195] : memref<10112x128xf32, #tpu.memory_space<vmem_shared>> -> memref<56x128xf32, #tpu.memory_space<vmem_shared>>
      tpu.enqueue_dma source(%dma_start3A_196 : memref<56x128xf32, #tpu.memory_space<vmem_shared>>) target(%dma_start3A_194 : memref<56x128xf32, #tpu.memory_space<vmem>>) target_semaphore(%run_scoped3A : memref<!tpu.dma_semaphore, #tpu.memory_space<semaphore_mem>>)
      %dma_wait3A_197 = arith.constant 0 : i32
      %dma_wait3A_198 = arith.constant 0 : i32
      %dma_wait3A_199 = tpu.memref_slice %arg10[%dma_wait3A_197, %dma_wait3A_198] : memref<96x128xf32, #tpu.memory_space<vmem>> -> memref<56x128xf32, #tpu.memory_space<vmem>>
      %dma_wait3A_200 = arith.constant 0 : i32
      %dma_wait3A_201 = tpu.memref_slice %arg13[%add3A_184, %dma_wait3A_200] : memref<10112x128xf32, #tpu.memory_space<vmem_shared>> -> memref<56x128xf32, #tpu.memory_space<vmem_shared>>
      %dma_wait3A_202 = arith.constant 0 : i32
      %dma_wait3A_203 = arith.constant 0 : i32
      %dma_wait3A_204 = tpu.memref_slice %arg10[%dma_wait3A_202, %dma_wait3A_203] : memref<96x128xf32, #tpu.memory_space<vmem>> -> memref<56x128xf32, #tpu.memory_space<vmem>>
      %dma_wait3A_205 = arith.constant 0 : i32
      %dma_wait3A_206 = tpu.memref_slice %arg13[%add3A_184, %dma_wait3A_205] : memref<10112x128xf32, #tpu.memory_space<vmem_shared>> -> memref<56x128xf32, #tpu.memory_space<vmem_shared>>
      tpu.wait_dma2 semaphore(%run_scoped3A : memref<!tpu.dma_semaphore, #tpu.memory_space<semaphore_mem>>) src(%dma_wait3A_206 : memref<56x128xf32, #tpu.memory_space<vmem_shared>>) dst(%dma_wait3A_204 : memref<56x128xf32, #tpu.memory_space<vmem>>)
      tpu.yield
    }) : () -> ()
    %add3A_185 = arith.constant 576 : i32
    %add3A_186 = arith.addi %add3A_144, %add3A_185 : i32
    "tpu.region"() ({
      %run_scoped3A = tpu.sem_alloc : memref<!tpu.dma_semaphore, #tpu.memory_space<semaphore_mem>>
      %dma_start3A_187 = arith.constant 0 : i32
      %dma_start3A_188 = arith.constant 0 : i32
      %dma_start3A_189 = tpu.memref_slice %arg10[%dma_start3A_187, %dma_start3A_188] : memref<96x128xf32, #tpu.memory_space<vmem>> -> memref<56x128xf32, #tpu.memory_space<vmem>>
      %dma_start3A_190 = arith.constant 0 : i32
      %dma_start3A_191 = tpu.memref_slice %arg5[%add3A_186, %dma_start3A_190] : memref<20224x128xf32, #tpu.memory_space<hbm>> -> memref<56x128xf32, #tpu.memory_space<hbm>>
      %dma_start3A_192 = arith.constant 0 : i32
      %dma_start3A_193 = tpu.memref_slice %arg5[%add3A_186, %dma_start3A_192] : memref<20224x128xf32, #tpu.memory_space<hbm>> -> memref<56x128xf32, #tpu.memory_space<hbm>>
      %dma_start3A_194 = arith.constant 0 : i32
      %dma_start3A_195 = arith.constant 0 : i32
      %dma_start3A_196 = tpu.memref_slice %arg10[%dma_start3A_194, %dma_start3A_195] : memref<96x128xf32, #tpu.memory_space<vmem>> -> memref<56x128xf32, #tpu.memory_space<vmem>>
      tpu.enqueue_dma source(%dma_start3A_196 : memref<56x128xf32, #tpu.memory_space<vmem>>) target(%dma_start3A_193 : memref<56x128xf32, #tpu.memory_space<hbm>>) target_semaphore(%run_scoped3A : memref<!tpu.dma_semaphore, #tpu.memory_space<semaphore_mem>>)
      %dma_wait3A_197 = arith.constant 0 : i32
      %dma_wait3A_198 = arith.constant 0 : i32
      %dma_wait3A_199 = tpu.memref_slice %arg10[%dma_wait3A_197, %dma_wait3A_198] : memref<96x128xf32, #tpu.memory_space<vmem>> -> memref<56x128xf32, #tpu.memory_space<vmem>>
      %dma_wait3A_200 = arith.constant 0 : i32
      %dma_wait3A_201 = tpu.memref_slice %arg5[%add3A_186, %dma_wait3A_200] : memref<20224x128xf32, #tpu.memory_space<hbm>> -> memref<56x128xf32, #tpu.memory_space<hbm>>
      %dma_wait3A_202 = arith.constant 0 : i32
      %dma_wait3A_203 = tpu.memref_slice %arg5[%add3A_186, %dma_wait3A_202] : memref<20224x128xf32, #tpu.memory_space<hbm>> -> memref<56x128xf32, #tpu.memory_space<hbm>>
      %dma_wait3A_204 = arith.constant 0 : i32
      %dma_wait3A_205 = arith.constant 0 : i32
      %dma_wait3A_206 = tpu.memref_slice %arg10[%dma_wait3A_204, %dma_wait3A_205] : memref<96x128xf32, #tpu.memory_space<vmem>> -> memref<56x128xf32, #tpu.memory_space<vmem>>
      tpu.wait_dma2 semaphore(%run_scoped3A : memref<!tpu.dma_semaphore, #tpu.memory_space<semaphore_mem>>) src(%dma_wait3A_206 : memref<56x128xf32, #tpu.memory_space<vmem>>) dst(%dma_wait3A_203 : memref<56x128xf32, #tpu.memory_space<hbm>>)
      tpu.yield
    }) : () -> ()
    return
  }
}

#map = affine_map<(d0, d1) -> (0, 0)>
#map1 = affine_map<(d0, d1) -> (0, 0, 0)>
module attributes {stable_mosaic.version = 14 : i64} {
  func.func @k(%arg0: i32, %arg1: i32, %arg2: memref<10000x128xf32, #tpu.memory_space<hbm>>, %arg3: memref<3456x2x96xi32, #tpu.memory_space<hbm>>, %arg4: memref<96x128xf32, #tpu.memory_space<hbm>>, %arg5: memref<96x16xf32, #tpu.memory_space<hbm>>, %arg6: memref<96x16xf32, #tpu.memory_space<hbm>>, %arg7: memref<20224x128xf32, #tpu.memory_space<hbm>>, %arg8: memref<20224x16xf32, #tpu.memory_space<hbm>>, %arg9: memref<2x96xi32, #tpu.memory_space<vmem>>, %arg10: memref<2x96xi32, #tpu.memory_space<vmem>>, %arg11: memref<2x96xi32, #tpu.memory_space<vmem>>, %arg12: memref<2x96xi32, #tpu.memory_space<vmem>>, %arg13: memref<96x128xf32, #tpu.memory_space<vmem>>, %arg14: memref<96x128xf32, #tpu.memory_space<vmem>>, %arg15: memref<96x128xf32, #tpu.memory_space<vmem>>, %arg16: memref<10112x128xf32, #tpu.memory_space<vmem_shared>>, %arg17: memref<!tpu.dma_semaphore, #tpu.memory_space<semaphore_mem>>, %arg18: memref<!tpu.dma_semaphore, #tpu.memory_space<semaphore_mem>>, %arg19: memref<!tpu.dma_semaphore, #tpu.memory_space<semaphore_mem>>, %arg20: memref<!tpu.dma_semaphore, #tpu.memory_space<semaphore_mem>>, %arg21: memref<!tpu.dma_semaphore, #tpu.memory_space<semaphore_mem>>, %arg22: memref<!tpu.dma_semaphore, #tpu.memory_space<semaphore_mem>>, %arg23: memref<!tpu.dma_semaphore, #tpu.memory_space<semaphore_mem>>, %arg24: memref<!tpu.dma_semaphore, #tpu.memory_space<semaphore_mem>>, %arg25: memref<!tpu.dma_semaphore, #tpu.memory_space<semaphore_mem>>, %arg26: memref<!tpu.dma_semaphore, #tpu.memory_space<semaphore_mem>>, %arg27: memref<96x16xf32, #tpu.memory_space<vmem>>, %arg28: memref<10112x16xf32, #tpu.memory_space<vmem_shared>>) attributes {dimension_semantics = [#tpu.dimension_semantics<core_parallel>, #tpu.dimension_semantics<subcore_parallel>], iteration_bounds = array<i64: 2, 16>, scalar_prefetch = 0 : i64, scratch_operands = 20 : i64, tpu.core_type = #tpu.core_type<sc_vector_subcore>, window_params = [{transform_indices = #map}, {transform_indices = #map1}, {transform_indices = #map}, {transform_indices = #map}, {transform_indices = #map}, {transform_indices = #map}, {transform_indices = #map}]} {
    %mul3A = arith.constant 2 : i32
    %mul3A_0 = arith.muli %arg1, %mul3A : i32
    %add3A = arith.addi %mul3A_0, %arg0 : i32
    "tpu.region"() ({
      %run_scoped3A = tpu.sem_alloc : memref<!tpu.dma_semaphore, #tpu.memory_space<semaphore_mem>>
      %dma_start3A_264 = arith.constant 0 : i32
      %dma_start3A_265 = arith.constant 0 : i32
      %dma_start3A_266 = tpu.memref_slice %arg4[%dma_start3A_264, %dma_start3A_265] : memref<96x128xf32, #tpu.memory_space<hbm>> -> memref<96x128xf32, #tpu.memory_space<hbm>>
      %dma_start3A_267 = arith.constant 0 : i32
      %dma_start3A_268 = arith.constant 0 : i32
      %dma_start3A_269 = tpu.memref_slice %arg4[%dma_start3A_267, %dma_start3A_268] : memref<96x128xf32, #tpu.memory_space<hbm>> -> memref<96x128xf32, #tpu.memory_space<hbm>>
      tpu.enqueue_dma source(%dma_start3A_269 : memref<96x128xf32, #tpu.memory_space<hbm>>) target(%arg13 : memref<96x128xf32, #tpu.memory_space<vmem>>) target_semaphore(%run_scoped3A : memref<!tpu.dma_semaphore, #tpu.memory_space<semaphore_mem>>)
      %dma_wait3A_270 = arith.constant 0 : i32
      %dma_wait3A_271 = arith.constant 0 : i32
      %dma_wait3A_272 = tpu.memref_slice %arg4[%dma_wait3A_270, %dma_wait3A_271] : memref<96x128xf32, #tpu.memory_space<hbm>> -> memref<96x128xf32, #tpu.memory_space<hbm>>
      %dma_wait3A_273 = arith.constant 0 : i32
      %dma_wait3A_274 = arith.constant 0 : i32
      %dma_wait3A_275 = tpu.memref_slice %arg4[%dma_wait3A_273, %dma_wait3A_274] : memref<96x128xf32, #tpu.memory_space<hbm>> -> memref<96x128xf32, #tpu.memory_space<hbm>>
      tpu.wait_dma2 semaphore(%run_scoped3A : memref<!tpu.dma_semaphore, #tpu.memory_space<semaphore_mem>>) src(%dma_wait3A_275 : memref<96x128xf32, #tpu.memory_space<hbm>>) dst(%arg13 : memref<96x128xf32, #tpu.memory_space<vmem>>)
      tpu.yield
    }) : () -> ()
    %mul3A_1 = arith.constant 632 : i32
    %mul3A_2 = arith.muli %arg1, %mul3A_1 : i32
    %add3A_3 = arith.constant 0 : i32
    %add3A_4 = arith.addi %mul3A_2, %add3A_3 : i32
    "tpu.region"() ({
      %run_scoped3A = tpu.sem_alloc : memref<!tpu.dma_semaphore, #tpu.memory_space<semaphore_mem>>
      %dma_start3A_264 = arith.constant 0 : i32
      %dma_start3A_265 = tpu.memref_slice %arg16[%add3A_4, %dma_start3A_264] : memref<10112x128xf32, #tpu.memory_space<vmem_shared>> -> memref<96x128xf32, #tpu.memory_space<vmem_shared>>
      %dma_start3A_266 = arith.constant 0 : i32
      %dma_start3A_267 = tpu.memref_slice %arg16[%add3A_4, %dma_start3A_266] : memref<10112x128xf32, #tpu.memory_space<vmem_shared>> -> memref<96x128xf32, #tpu.memory_space<vmem_shared>>
      tpu.enqueue_dma source(%arg13 : memref<96x128xf32, #tpu.memory_space<vmem>>) target(%dma_start3A_267 : memref<96x128xf32, #tpu.memory_space<vmem_shared>>) target_semaphore(%run_scoped3A : memref<!tpu.dma_semaphore, #tpu.memory_space<semaphore_mem>>)
      %dma_wait3A_268 = arith.constant 0 : i32
      %dma_wait3A_269 = tpu.memref_slice %arg16[%add3A_4, %dma_wait3A_268] : memref<10112x128xf32, #tpu.memory_space<vmem_shared>> -> memref<96x128xf32, #tpu.memory_space<vmem_shared>>
      %dma_wait3A_270 = arith.constant 0 : i32
      %dma_wait3A_271 = tpu.memref_slice %arg16[%add3A_4, %dma_wait3A_270] : memref<10112x128xf32, #tpu.memory_space<vmem_shared>> -> memref<96x128xf32, #tpu.memory_space<vmem_shared>>
      tpu.wait_dma2 semaphore(%run_scoped3A : memref<!tpu.dma_semaphore, #tpu.memory_space<semaphore_mem>>) src(%arg13 : memref<96x128xf32, #tpu.memory_space<vmem>>) dst(%dma_wait3A_271 : memref<96x128xf32, #tpu.memory_space<vmem_shared>>)
      tpu.yield
    }) : () -> ()
    %mul3A_5 = arith.constant 632 : i32
    %mul3A_6 = arith.muli %arg1, %mul3A_5 : i32
    %add3A_7 = arith.constant 96 : i32
    %add3A_8 = arith.addi %mul3A_6, %add3A_7 : i32
    "tpu.region"() ({
      %run_scoped3A = tpu.sem_alloc : memref<!tpu.dma_semaphore, #tpu.memory_space<semaphore_mem>>
      %dma_start3A_264 = arith.constant 0 : i32
      %dma_start3A_265 = tpu.memref_slice %arg16[%add3A_8, %dma_start3A_264] : memref<10112x128xf32, #tpu.memory_space<vmem_shared>> -> memref<96x128xf32, #tpu.memory_space<vmem_shared>>
      %dma_start3A_266 = arith.constant 0 : i32
      %dma_start3A_267 = tpu.memref_slice %arg16[%add3A_8, %dma_start3A_266] : memref<10112x128xf32, #tpu.memory_space<vmem_shared>> -> memref<96x128xf32, #tpu.memory_space<vmem_shared>>
      tpu.enqueue_dma source(%arg13 : memref<96x128xf32, #tpu.memory_space<vmem>>) target(%dma_start3A_267 : memref<96x128xf32, #tpu.memory_space<vmem_shared>>) target_semaphore(%run_scoped3A : memref<!tpu.dma_semaphore, #tpu.memory_space<semaphore_mem>>)
      %dma_wait3A_268 = arith.constant 0 : i32
      %dma_wait3A_269 = tpu.memref_slice %arg16[%add3A_8, %dma_wait3A_268] : memref<10112x128xf32, #tpu.memory_space<vmem_shared>> -> memref<96x128xf32, #tpu.memory_space<vmem_shared>>
      %dma_wait3A_270 = arith.constant 0 : i32
      %dma_wait3A_271 = tpu.memref_slice %arg16[%add3A_8, %dma_wait3A_270] : memref<10112x128xf32, #tpu.memory_space<vmem_shared>> -> memref<96x128xf32, #tpu.memory_space<vmem_shared>>
      tpu.wait_dma2 semaphore(%run_scoped3A : memref<!tpu.dma_semaphore, #tpu.memory_space<semaphore_mem>>) src(%arg13 : memref<96x128xf32, #tpu.memory_space<vmem>>) dst(%dma_wait3A_271 : memref<96x128xf32, #tpu.memory_space<vmem_shared>>)
      tpu.yield
    }) : () -> ()
    %mul3A_9 = arith.constant 632 : i32
    %mul3A_10 = arith.muli %arg1, %mul3A_9 : i32
    %add3A_11 = arith.constant 192 : i32
    %add3A_12 = arith.addi %mul3A_10, %add3A_11 : i32
    "tpu.region"() ({
      %run_scoped3A = tpu.sem_alloc : memref<!tpu.dma_semaphore, #tpu.memory_space<semaphore_mem>>
      %dma_start3A_264 = arith.constant 0 : i32
      %dma_start3A_265 = tpu.memref_slice %arg16[%add3A_12, %dma_start3A_264] : memref<10112x128xf32, #tpu.memory_space<vmem_shared>> -> memref<96x128xf32, #tpu.memory_space<vmem_shared>>
      %dma_start3A_266 = arith.constant 0 : i32
      %dma_start3A_267 = tpu.memref_slice %arg16[%add3A_12, %dma_start3A_266] : memref<10112x128xf32, #tpu.memory_space<vmem_shared>> -> memref<96x128xf32, #tpu.memory_space<vmem_shared>>
      tpu.enqueue_dma source(%arg13 : memref<96x128xf32, #tpu.memory_space<vmem>>) target(%dma_start3A_267 : memref<96x128xf32, #tpu.memory_space<vmem_shared>>) target_semaphore(%run_scoped3A : memref<!tpu.dma_semaphore, #tpu.memory_space<semaphore_mem>>)
      %dma_wait3A_268 = arith.constant 0 : i32
      %dma_wait3A_269 = tpu.memref_slice %arg16[%add3A_12, %dma_wait3A_268] : memref<10112x128xf32, #tpu.memory_space<vmem_shared>> -> memref<96x128xf32, #tpu.memory_space<vmem_shared>>
      %dma_wait3A_270 = arith.constant 0 : i32
      %dma_wait3A_271 = tpu.memref_slice %arg16[%add3A_12, %dma_wait3A_270] : memref<10112x128xf32, #tpu.memory_space<vmem_shared>> -> memref<96x128xf32, #tpu.memory_space<vmem_shared>>
      tpu.wait_dma2 semaphore(%run_scoped3A : memref<!tpu.dma_semaphore, #tpu.memory_space<semaphore_mem>>) src(%arg13 : memref<96x128xf32, #tpu.memory_space<vmem>>) dst(%dma_wait3A_271 : memref<96x128xf32, #tpu.memory_space<vmem_shared>>)
      tpu.yield
    }) : () -> ()
    %mul3A_13 = arith.constant 632 : i32
    %mul3A_14 = arith.muli %arg1, %mul3A_13 : i32
    %add3A_15 = arith.constant 288 : i32
    %add3A_16 = arith.addi %mul3A_14, %add3A_15 : i32
    "tpu.region"() ({
      %run_scoped3A = tpu.sem_alloc : memref<!tpu.dma_semaphore, #tpu.memory_space<semaphore_mem>>
      %dma_start3A_264 = arith.constant 0 : i32
      %dma_start3A_265 = tpu.memref_slice %arg16[%add3A_16, %dma_start3A_264] : memref<10112x128xf32, #tpu.memory_space<vmem_shared>> -> memref<96x128xf32, #tpu.memory_space<vmem_shared>>
      %dma_start3A_266 = arith.constant 0 : i32
      %dma_start3A_267 = tpu.memref_slice %arg16[%add3A_16, %dma_start3A_266] : memref<10112x128xf32, #tpu.memory_space<vmem_shared>> -> memref<96x128xf32, #tpu.memory_space<vmem_shared>>
      tpu.enqueue_dma source(%arg13 : memref<96x128xf32, #tpu.memory_space<vmem>>) target(%dma_start3A_267 : memref<96x128xf32, #tpu.memory_space<vmem_shared>>) target_semaphore(%run_scoped3A : memref<!tpu.dma_semaphore, #tpu.memory_space<semaphore_mem>>)
      %dma_wait3A_268 = arith.constant 0 : i32
      %dma_wait3A_269 = tpu.memref_slice %arg16[%add3A_16, %dma_wait3A_268] : memref<10112x128xf32, #tpu.memory_space<vmem_shared>> -> memref<96x128xf32, #tpu.memory_space<vmem_shared>>
      %dma_wait3A_270 = arith.constant 0 : i32
      %dma_wait3A_271 = tpu.memref_slice %arg16[%add3A_16, %dma_wait3A_270] : memref<10112x128xf32, #tpu.memory_space<vmem_shared>> -> memref<96x128xf32, #tpu.memory_space<vmem_shared>>
      tpu.wait_dma2 semaphore(%run_scoped3A : memref<!tpu.dma_semaphore, #tpu.memory_space<semaphore_mem>>) src(%arg13 : memref<96x128xf32, #tpu.memory_space<vmem>>) dst(%dma_wait3A_271 : memref<96x128xf32, #tpu.memory_space<vmem_shared>>)
      tpu.yield
    }) : () -> ()
    %mul3A_17 = arith.constant 632 : i32
    %mul3A_18 = arith.muli %arg1, %mul3A_17 : i32
    %add3A_19 = arith.constant 384 : i32
    %add3A_20 = arith.addi %mul3A_18, %add3A_19 : i32
    "tpu.region"() ({
      %run_scoped3A = tpu.sem_alloc : memref<!tpu.dma_semaphore, #tpu.memory_space<semaphore_mem>>
      %dma_start3A_264 = arith.constant 0 : i32
      %dma_start3A_265 = tpu.memref_slice %arg16[%add3A_20, %dma_start3A_264] : memref<10112x128xf32, #tpu.memory_space<vmem_shared>> -> memref<96x128xf32, #tpu.memory_space<vmem_shared>>
      %dma_start3A_266 = arith.constant 0 : i32
      %dma_start3A_267 = tpu.memref_slice %arg16[%add3A_20, %dma_start3A_266] : memref<10112x128xf32, #tpu.memory_space<vmem_shared>> -> memref<96x128xf32, #tpu.memory_space<vmem_shared>>
      tpu.enqueue_dma source(%arg13 : memref<96x128xf32, #tpu.memory_space<vmem>>) target(%dma_start3A_267 : memref<96x128xf32, #tpu.memory_space<vmem_shared>>) target_semaphore(%run_scoped3A : memref<!tpu.dma_semaphore, #tpu.memory_space<semaphore_mem>>)
      %dma_wait3A_268 = arith.constant 0 : i32
      %dma_wait3A_269 = tpu.memref_slice %arg16[%add3A_20, %dma_wait3A_268] : memref<10112x128xf32, #tpu.memory_space<vmem_shared>> -> memref<96x128xf32, #tpu.memory_space<vmem_shared>>
      %dma_wait3A_270 = arith.constant 0 : i32
      %dma_wait3A_271 = tpu.memref_slice %arg16[%add3A_20, %dma_wait3A_270] : memref<10112x128xf32, #tpu.memory_space<vmem_shared>> -> memref<96x128xf32, #tpu.memory_space<vmem_shared>>
      tpu.wait_dma2 semaphore(%run_scoped3A : memref<!tpu.dma_semaphore, #tpu.memory_space<semaphore_mem>>) src(%arg13 : memref<96x128xf32, #tpu.memory_space<vmem>>) dst(%dma_wait3A_271 : memref<96x128xf32, #tpu.memory_space<vmem_shared>>)
      tpu.yield
    }) : () -> ()
    %mul3A_21 = arith.constant 632 : i32
    %mul3A_22 = arith.muli %arg1, %mul3A_21 : i32
    %add3A_23 = arith.constant 480 : i32
    %add3A_24 = arith.addi %mul3A_22, %add3A_23 : i32
    "tpu.region"() ({
      %run_scoped3A = tpu.sem_alloc : memref<!tpu.dma_semaphore, #tpu.memory_space<semaphore_mem>>
      %dma_start3A_264 = arith.constant 0 : i32
      %dma_start3A_265 = tpu.memref_slice %arg16[%add3A_24, %dma_start3A_264] : memref<10112x128xf32, #tpu.memory_space<vmem_shared>> -> memref<96x128xf32, #tpu.memory_space<vmem_shared>>
      %dma_start3A_266 = arith.constant 0 : i32
      %dma_start3A_267 = tpu.memref_slice %arg16[%add3A_24, %dma_start3A_266] : memref<10112x128xf32, #tpu.memory_space<vmem_shared>> -> memref<96x128xf32, #tpu.memory_space<vmem_shared>>
      tpu.enqueue_dma source(%arg13 : memref<96x128xf32, #tpu.memory_space<vmem>>) target(%dma_start3A_267 : memref<96x128xf32, #tpu.memory_space<vmem_shared>>) target_semaphore(%run_scoped3A : memref<!tpu.dma_semaphore, #tpu.memory_space<semaphore_mem>>)
      %dma_wait3A_268 = arith.constant 0 : i32
      %dma_wait3A_269 = tpu.memref_slice %arg16[%add3A_24, %dma_wait3A_268] : memref<10112x128xf32, #tpu.memory_space<vmem_shared>> -> memref<96x128xf32, #tpu.memory_space<vmem_shared>>
      %dma_wait3A_270 = arith.constant 0 : i32
      %dma_wait3A_271 = tpu.memref_slice %arg16[%add3A_24, %dma_wait3A_270] : memref<10112x128xf32, #tpu.memory_space<vmem_shared>> -> memref<96x128xf32, #tpu.memory_space<vmem_shared>>
      tpu.wait_dma2 semaphore(%run_scoped3A : memref<!tpu.dma_semaphore, #tpu.memory_space<semaphore_mem>>) src(%arg13 : memref<96x128xf32, #tpu.memory_space<vmem>>) dst(%dma_wait3A_271 : memref<96x128xf32, #tpu.memory_space<vmem_shared>>)
      tpu.yield
    }) : () -> ()
    %mul3A_25 = arith.constant 632 : i32
    %mul3A_26 = arith.muli %arg1, %mul3A_25 : i32
    %add3A_27 = arith.constant 576 : i32
    %add3A_28 = arith.addi %mul3A_26, %add3A_27 : i32
    "tpu.region"() ({
      %run_scoped3A = tpu.sem_alloc : memref<!tpu.dma_semaphore, #tpu.memory_space<semaphore_mem>>
      %dma_start3A_264 = arith.constant 0 : i32
      %dma_start3A_265 = arith.constant 0 : i32
      %dma_start3A_266 = tpu.memref_slice %arg13[%dma_start3A_264, %dma_start3A_265] : memref<96x128xf32, #tpu.memory_space<vmem>> -> memref<56x128xf32, #tpu.memory_space<vmem>>
      %dma_start3A_267 = arith.constant 0 : i32
      %dma_start3A_268 = tpu.memref_slice %arg16[%add3A_28, %dma_start3A_267] : memref<10112x128xf32, #tpu.memory_space<vmem_shared>> -> memref<56x128xf32, #tpu.memory_space<vmem_shared>>
      %dma_start3A_269 = arith.constant 0 : i32
      %dma_start3A_270 = tpu.memref_slice %arg16[%add3A_28, %dma_start3A_269] : memref<10112x128xf32, #tpu.memory_space<vmem_shared>> -> memref<56x128xf32, #tpu.memory_space<vmem_shared>>
      %dma_start3A_271 = arith.constant 0 : i32
      %dma_start3A_272 = arith.constant 0 : i32
      %dma_start3A_273 = tpu.memref_slice %arg13[%dma_start3A_271, %dma_start3A_272] : memref<96x128xf32, #tpu.memory_space<vmem>> -> memref<56x128xf32, #tpu.memory_space<vmem>>
      tpu.enqueue_dma source(%dma_start3A_273 : memref<56x128xf32, #tpu.memory_space<vmem>>) target(%dma_start3A_270 : memref<56x128xf32, #tpu.memory_space<vmem_shared>>) target_semaphore(%run_scoped3A : memref<!tpu.dma_semaphore, #tpu.memory_space<semaphore_mem>>)
      %dma_wait3A_274 = arith.constant 0 : i32
      %dma_wait3A_275 = arith.constant 0 : i32
      %dma_wait3A_276 = tpu.memref_slice %arg13[%dma_wait3A_274, %dma_wait3A_275] : memref<96x128xf32, #tpu.memory_space<vmem>> -> memref<56x128xf32, #tpu.memory_space<vmem>>
      %dma_wait3A_277 = arith.constant 0 : i32
      %dma_wait3A_278 = tpu.memref_slice %arg16[%add3A_28, %dma_wait3A_277] : memref<10112x128xf32, #tpu.memory_space<vmem_shared>> -> memref<56x128xf32, #tpu.memory_space<vmem_shared>>
      %dma_wait3A_279 = arith.constant 0 : i32
      %dma_wait3A_280 = tpu.memref_slice %arg16[%add3A_28, %dma_wait3A_279] : memref<10112x128xf32, #tpu.memory_space<vmem_shared>> -> memref<56x128xf32, #tpu.memory_space<vmem_shared>>
      %dma_wait3A_281 = arith.constant 0 : i32
      %dma_wait3A_282 = arith.constant 0 : i32
      %dma_wait3A_283 = tpu.memref_slice %arg13[%dma_wait3A_281, %dma_wait3A_282] : memref<96x128xf32, #tpu.memory_space<vmem>> -> memref<56x128xf32, #tpu.memory_space<vmem>>
      tpu.wait_dma2 semaphore(%run_scoped3A : memref<!tpu.dma_semaphore, #tpu.memory_space<semaphore_mem>>) src(%dma_wait3A_283 : memref<56x128xf32, #tpu.memory_space<vmem>>) dst(%dma_wait3A_280 : memref<56x128xf32, #tpu.memory_space<vmem_shared>>)
      tpu.yield
    }) : () -> ()
    "tpu.region"() ({
      %run_scoped3A = tpu.sem_alloc : memref<!tpu.dma_semaphore, #tpu.memory_space<semaphore_mem>>
      %dma_start3A_264 = arith.constant 0 : i32
      %dma_start3A_265 = arith.constant 0 : i32
      %dma_start3A_266 = tpu.memref_slice %arg5[%dma_start3A_264, %dma_start3A_265] : memref<96x16xf32, #tpu.memory_space<hbm>> -> memref<96x16xf32, #tpu.memory_space<hbm>>
      %dma_start3A_267 = arith.constant 0 : i32
      %dma_start3A_268 = arith.constant 0 : i32
      %dma_start3A_269 = tpu.memref_slice %arg5[%dma_start3A_267, %dma_start3A_268] : memref<96x16xf32, #tpu.memory_space<hbm>> -> memref<96x16xf32, #tpu.memory_space<hbm>>
      tpu.enqueue_dma source(%dma_start3A_269 : memref<96x16xf32, #tpu.memory_space<hbm>>) target(%arg27 : memref<96x16xf32, #tpu.memory_space<vmem>>) target_semaphore(%run_scoped3A : memref<!tpu.dma_semaphore, #tpu.memory_space<semaphore_mem>>)
      %dma_wait3A_270 = arith.constant 0 : i32
      %dma_wait3A_271 = arith.constant 0 : i32
      %dma_wait3A_272 = tpu.memref_slice %arg5[%dma_wait3A_270, %dma_wait3A_271] : memref<96x16xf32, #tpu.memory_space<hbm>> -> memref<96x16xf32, #tpu.memory_space<hbm>>
      %dma_wait3A_273 = arith.constant 0 : i32
      %dma_wait3A_274 = arith.constant 0 : i32
      %dma_wait3A_275 = tpu.memref_slice %arg5[%dma_wait3A_273, %dma_wait3A_274] : memref<96x16xf32, #tpu.memory_space<hbm>> -> memref<96x16xf32, #tpu.memory_space<hbm>>
      tpu.wait_dma2 semaphore(%run_scoped3A : memref<!tpu.dma_semaphore, #tpu.memory_space<semaphore_mem>>) src(%dma_wait3A_275 : memref<96x16xf32, #tpu.memory_space<hbm>>) dst(%arg27 : memref<96x16xf32, #tpu.memory_space<vmem>>)
      tpu.yield
    }) : () -> ()
    %mul3A_29 = arith.constant 632 : i32
    %mul3A_30 = arith.muli %arg1, %mul3A_29 : i32
    %add3A_31 = arith.constant 0 : i32
    %add3A_32 = arith.addi %mul3A_30, %add3A_31 : i32
    "tpu.region"() ({
      %run_scoped3A = tpu.sem_alloc : memref<!tpu.dma_semaphore, #tpu.memory_space<semaphore_mem>>
      %dma_start3A_264 = arith.constant 0 : i32
      %dma_start3A_265 = tpu.memref_slice %arg28[%add3A_32, %dma_start3A_264] : memref<10112x16xf32, #tpu.memory_space<vmem_shared>> -> memref<96x16xf32, #tpu.memory_space<vmem_shared>>
      %dma_start3A_266 = arith.constant 0 : i32
      %dma_start3A_267 = tpu.memref_slice %arg28[%add3A_32, %dma_start3A_266] : memref<10112x16xf32, #tpu.memory_space<vmem_shared>> -> memref<96x16xf32, #tpu.memory_space<vmem_shared>>
      tpu.enqueue_dma source(%arg27 : memref<96x16xf32, #tpu.memory_space<vmem>>) target(%dma_start3A_267 : memref<96x16xf32, #tpu.memory_space<vmem_shared>>) target_semaphore(%run_scoped3A : memref<!tpu.dma_semaphore, #tpu.memory_space<semaphore_mem>>)
      %dma_wait3A_268 = arith.constant 0 : i32
      %dma_wait3A_269 = tpu.memref_slice %arg28[%add3A_32, %dma_wait3A_268] : memref<10112x16xf32, #tpu.memory_space<vmem_shared>> -> memref<96x16xf32, #tpu.memory_space<vmem_shared>>
      %dma_wait3A_270 = arith.constant 0 : i32
      %dma_wait3A_271 = tpu.memref_slice %arg28[%add3A_32, %dma_wait3A_270] : memref<10112x16xf32, #tpu.memory_space<vmem_shared>> -> memref<96x16xf32, #tpu.memory_space<vmem_shared>>
      tpu.wait_dma2 semaphore(%run_scoped3A : memref<!tpu.dma_semaphore, #tpu.memory_space<semaphore_mem>>) src(%arg27 : memref<96x16xf32, #tpu.memory_space<vmem>>) dst(%dma_wait3A_271 : memref<96x16xf32, #tpu.memory_space<vmem_shared>>)
      tpu.yield
    }) : () -> ()
    %mul3A_33 = arith.constant 632 : i32
    %mul3A_34 = arith.muli %arg1, %mul3A_33 : i32
    %add3A_35 = arith.constant 96 : i32
    %add3A_36 = arith.addi %mul3A_34, %add3A_35 : i32
    "tpu.region"() ({
      %run_scoped3A = tpu.sem_alloc : memref<!tpu.dma_semaphore, #tpu.memory_space<semaphore_mem>>
      %dma_start3A_264 = arith.constant 0 : i32
      %dma_start3A_265 = tpu.memref_slice %arg28[%add3A_36, %dma_start3A_264] : memref<10112x16xf32, #tpu.memory_space<vmem_shared>> -> memref<96x16xf32, #tpu.memory_space<vmem_shared>>
      %dma_start3A_266 = arith.constant 0 : i32
      %dma_start3A_267 = tpu.memref_slice %arg28[%add3A_36, %dma_start3A_266] : memref<10112x16xf32, #tpu.memory_space<vmem_shared>> -> memref<96x16xf32, #tpu.memory_space<vmem_shared>>
      tpu.enqueue_dma source(%arg27 : memref<96x16xf32, #tpu.memory_space<vmem>>) target(%dma_start3A_267 : memref<96x16xf32, #tpu.memory_space<vmem_shared>>) target_semaphore(%run_scoped3A : memref<!tpu.dma_semaphore, #tpu.memory_space<semaphore_mem>>)
      %dma_wait3A_268 = arith.constant 0 : i32
      %dma_wait3A_269 = tpu.memref_slice %arg28[%add3A_36, %dma_wait3A_268] : memref<10112x16xf32, #tpu.memory_space<vmem_shared>> -> memref<96x16xf32, #tpu.memory_space<vmem_shared>>
      %dma_wait3A_270 = arith.constant 0 : i32
      %dma_wait3A_271 = tpu.memref_slice %arg28[%add3A_36, %dma_wait3A_270] : memref<10112x16xf32, #tpu.memory_space<vmem_shared>> -> memref<96x16xf32, #tpu.memory_space<vmem_shared>>
      tpu.wait_dma2 semaphore(%run_scoped3A : memref<!tpu.dma_semaphore, #tpu.memory_space<semaphore_mem>>) src(%arg27 : memref<96x16xf32, #tpu.memory_space<vmem>>) dst(%dma_wait3A_271 : memref<96x16xf32, #tpu.memory_space<vmem_shared>>)
      tpu.yield
    }) : () -> ()
    %mul3A_37 = arith.constant 632 : i32
    %mul3A_38 = arith.muli %arg1, %mul3A_37 : i32
    %add3A_39 = arith.constant 192 : i32
    %add3A_40 = arith.addi %mul3A_38, %add3A_39 : i32
    "tpu.region"() ({
      %run_scoped3A = tpu.sem_alloc : memref<!tpu.dma_semaphore, #tpu.memory_space<semaphore_mem>>
      %dma_start3A_264 = arith.constant 0 : i32
      %dma_start3A_265 = tpu.memref_slice %arg28[%add3A_40, %dma_start3A_264] : memref<10112x16xf32, #tpu.memory_space<vmem_shared>> -> memref<96x16xf32, #tpu.memory_space<vmem_shared>>
      %dma_start3A_266 = arith.constant 0 : i32
      %dma_start3A_267 = tpu.memref_slice %arg28[%add3A_40, %dma_start3A_266] : memref<10112x16xf32, #tpu.memory_space<vmem_shared>> -> memref<96x16xf32, #tpu.memory_space<vmem_shared>>
      tpu.enqueue_dma source(%arg27 : memref<96x16xf32, #tpu.memory_space<vmem>>) target(%dma_start3A_267 : memref<96x16xf32, #tpu.memory_space<vmem_shared>>) target_semaphore(%run_scoped3A : memref<!tpu.dma_semaphore, #tpu.memory_space<semaphore_mem>>)
      %dma_wait3A_268 = arith.constant 0 : i32
      %dma_wait3A_269 = tpu.memref_slice %arg28[%add3A_40, %dma_wait3A_268] : memref<10112x16xf32, #tpu.memory_space<vmem_shared>> -> memref<96x16xf32, #tpu.memory_space<vmem_shared>>
      %dma_wait3A_270 = arith.constant 0 : i32
      %dma_wait3A_271 = tpu.memref_slice %arg28[%add3A_40, %dma_wait3A_270] : memref<10112x16xf32, #tpu.memory_space<vmem_shared>> -> memref<96x16xf32, #tpu.memory_space<vmem_shared>>
      tpu.wait_dma2 semaphore(%run_scoped3A : memref<!tpu.dma_semaphore, #tpu.memory_space<semaphore_mem>>) src(%arg27 : memref<96x16xf32, #tpu.memory_space<vmem>>) dst(%dma_wait3A_271 : memref<96x16xf32, #tpu.memory_space<vmem_shared>>)
      tpu.yield
    }) : () -> ()
    %mul3A_41 = arith.constant 632 : i32
    %mul3A_42 = arith.muli %arg1, %mul3A_41 : i32
    %add3A_43 = arith.constant 288 : i32
    %add3A_44 = arith.addi %mul3A_42, %add3A_43 : i32
    "tpu.region"() ({
      %run_scoped3A = tpu.sem_alloc : memref<!tpu.dma_semaphore, #tpu.memory_space<semaphore_mem>>
      %dma_start3A_264 = arith.constant 0 : i32
      %dma_start3A_265 = tpu.memref_slice %arg28[%add3A_44, %dma_start3A_264] : memref<10112x16xf32, #tpu.memory_space<vmem_shared>> -> memref<96x16xf32, #tpu.memory_space<vmem_shared>>
      %dma_start3A_266 = arith.constant 0 : i32
      %dma_start3A_267 = tpu.memref_slice %arg28[%add3A_44, %dma_start3A_266] : memref<10112x16xf32, #tpu.memory_space<vmem_shared>> -> memref<96x16xf32, #tpu.memory_space<vmem_shared>>
      tpu.enqueue_dma source(%arg27 : memref<96x16xf32, #tpu.memory_space<vmem>>) target(%dma_start3A_267 : memref<96x16xf32, #tpu.memory_space<vmem_shared>>) target_semaphore(%run_scoped3A : memref<!tpu.dma_semaphore, #tpu.memory_space<semaphore_mem>>)
      %dma_wait3A_268 = arith.constant 0 : i32
      %dma_wait3A_269 = tpu.memref_slice %arg28[%add3A_44, %dma_wait3A_268] : memref<10112x16xf32, #tpu.memory_space<vmem_shared>> -> memref<96x16xf32, #tpu.memory_space<vmem_shared>>
      %dma_wait3A_270 = arith.constant 0 : i32
      %dma_wait3A_271 = tpu.memref_slice %arg28[%add3A_44, %dma_wait3A_270] : memref<10112x16xf32, #tpu.memory_space<vmem_shared>> -> memref<96x16xf32, #tpu.memory_space<vmem_shared>>
      tpu.wait_dma2 semaphore(%run_scoped3A : memref<!tpu.dma_semaphore, #tpu.memory_space<semaphore_mem>>) src(%arg27 : memref<96x16xf32, #tpu.memory_space<vmem>>) dst(%dma_wait3A_271 : memref<96x16xf32, #tpu.memory_space<vmem_shared>>)
      tpu.yield
    }) : () -> ()
    %mul3A_45 = arith.constant 632 : i32
    %mul3A_46 = arith.muli %arg1, %mul3A_45 : i32
    %add3A_47 = arith.constant 384 : i32
    %add3A_48 = arith.addi %mul3A_46, %add3A_47 : i32
    "tpu.region"() ({
      %run_scoped3A = tpu.sem_alloc : memref<!tpu.dma_semaphore, #tpu.memory_space<semaphore_mem>>
      %dma_start3A_264 = arith.constant 0 : i32
      %dma_start3A_265 = tpu.memref_slice %arg28[%add3A_48, %dma_start3A_264] : memref<10112x16xf32, #tpu.memory_space<vmem_shared>> -> memref<96x16xf32, #tpu.memory_space<vmem_shared>>
      %dma_start3A_266 = arith.constant 0 : i32
      %dma_start3A_267 = tpu.memref_slice %arg28[%add3A_48, %dma_start3A_266] : memref<10112x16xf32, #tpu.memory_space<vmem_shared>> -> memref<96x16xf32, #tpu.memory_space<vmem_shared>>
      tpu.enqueue_dma source(%arg27 : memref<96x16xf32, #tpu.memory_space<vmem>>) target(%dma_start3A_267 : memref<96x16xf32, #tpu.memory_space<vmem_shared>>) target_semaphore(%run_scoped3A : memref<!tpu.dma_semaphore, #tpu.memory_space<semaphore_mem>>)
      %dma_wait3A_268 = arith.constant 0 : i32
      %dma_wait3A_269 = tpu.memref_slice %arg28[%add3A_48, %dma_wait3A_268] : memref<10112x16xf32, #tpu.memory_space<vmem_shared>> -> memref<96x16xf32, #tpu.memory_space<vmem_shared>>
      %dma_wait3A_270 = arith.constant 0 : i32
      %dma_wait3A_271 = tpu.memref_slice %arg28[%add3A_48, %dma_wait3A_270] : memref<10112x16xf32, #tpu.memory_space<vmem_shared>> -> memref<96x16xf32, #tpu.memory_space<vmem_shared>>
      tpu.wait_dma2 semaphore(%run_scoped3A : memref<!tpu.dma_semaphore, #tpu.memory_space<semaphore_mem>>) src(%arg27 : memref<96x16xf32, #tpu.memory_space<vmem>>) dst(%dma_wait3A_271 : memref<96x16xf32, #tpu.memory_space<vmem_shared>>)
      tpu.yield
    }) : () -> ()
    %mul3A_49 = arith.constant 632 : i32
    %mul3A_50 = arith.muli %arg1, %mul3A_49 : i32
    %add3A_51 = arith.constant 480 : i32
    %add3A_52 = arith.addi %mul3A_50, %add3A_51 : i32
    "tpu.region"() ({
      %run_scoped3A = tpu.sem_alloc : memref<!tpu.dma_semaphore, #tpu.memory_space<semaphore_mem>>
      %dma_start3A_264 = arith.constant 0 : i32
      %dma_start3A_265 = tpu.memref_slice %arg28[%add3A_52, %dma_start3A_264] : memref<10112x16xf32, #tpu.memory_space<vmem_shared>> -> memref<96x16xf32, #tpu.memory_space<vmem_shared>>
      %dma_start3A_266 = arith.constant 0 : i32
      %dma_start3A_267 = tpu.memref_slice %arg28[%add3A_52, %dma_start3A_266] : memref<10112x16xf32, #tpu.memory_space<vmem_shared>> -> memref<96x16xf32, #tpu.memory_space<vmem_shared>>
      tpu.enqueue_dma source(%arg27 : memref<96x16xf32, #tpu.memory_space<vmem>>) target(%dma_start3A_267 : memref<96x16xf32, #tpu.memory_space<vmem_shared>>) target_semaphore(%run_scoped3A : memref<!tpu.dma_semaphore, #tpu.memory_space<semaphore_mem>>)
      %dma_wait3A_268 = arith.constant 0 : i32
      %dma_wait3A_269 = tpu.memref_slice %arg28[%add3A_52, %dma_wait3A_268] : memref<10112x16xf32, #tpu.memory_space<vmem_shared>> -> memref<96x16xf32, #tpu.memory_space<vmem_shared>>
      %dma_wait3A_270 = arith.constant 0 : i32
      %dma_wait3A_271 = tpu.memref_slice %arg28[%add3A_52, %dma_wait3A_270] : memref<10112x16xf32, #tpu.memory_space<vmem_shared>> -> memref<96x16xf32, #tpu.memory_space<vmem_shared>>
      tpu.wait_dma2 semaphore(%run_scoped3A : memref<!tpu.dma_semaphore, #tpu.memory_space<semaphore_mem>>) src(%arg27 : memref<96x16xf32, #tpu.memory_space<vmem>>) dst(%dma_wait3A_271 : memref<96x16xf32, #tpu.memory_space<vmem_shared>>)
      tpu.yield
    }) : () -> ()
    %mul3A_53 = arith.constant 632 : i32
    %mul3A_54 = arith.muli %arg1, %mul3A_53 : i32
    %add3A_55 = arith.constant 576 : i32
    %add3A_56 = arith.addi %mul3A_54, %add3A_55 : i32
    "tpu.region"() ({
      %run_scoped3A = tpu.sem_alloc : memref<!tpu.dma_semaphore, #tpu.memory_space<semaphore_mem>>
      %dma_start3A_264 = arith.constant 0 : i32
      %dma_start3A_265 = arith.constant 0 : i32
      %dma_start3A_266 = tpu.memref_slice %arg27[%dma_start3A_264, %dma_start3A_265] : memref<96x16xf32, #tpu.memory_space<vmem>> -> memref<56x16xf32, #tpu.memory_space<vmem>>
      %dma_start3A_267 = arith.constant 0 : i32
      %dma_start3A_268 = tpu.memref_slice %arg28[%add3A_56, %dma_start3A_267] : memref<10112x16xf32, #tpu.memory_space<vmem_shared>> -> memref<56x16xf32, #tpu.memory_space<vmem_shared>>
      %dma_start3A_269 = arith.constant 0 : i32
      %dma_start3A_270 = tpu.memref_slice %arg28[%add3A_56, %dma_start3A_269] : memref<10112x16xf32, #tpu.memory_space<vmem_shared>> -> memref<56x16xf32, #tpu.memory_space<vmem_shared>>
      %dma_start3A_271 = arith.constant 0 : i32
      %dma_start3A_272 = arith.constant 0 : i32
      %dma_start3A_273 = tpu.memref_slice %arg27[%dma_start3A_271, %dma_start3A_272] : memref<96x16xf32, #tpu.memory_space<vmem>> -> memref<56x16xf32, #tpu.memory_space<vmem>>
      tpu.enqueue_dma source(%dma_start3A_273 : memref<56x16xf32, #tpu.memory_space<vmem>>) target(%dma_start3A_270 : memref<56x16xf32, #tpu.memory_space<vmem_shared>>) target_semaphore(%run_scoped3A : memref<!tpu.dma_semaphore, #tpu.memory_space<semaphore_mem>>)
      %dma_wait3A_274 = arith.constant 0 : i32
      %dma_wait3A_275 = arith.constant 0 : i32
      %dma_wait3A_276 = tpu.memref_slice %arg27[%dma_wait3A_274, %dma_wait3A_275] : memref<96x16xf32, #tpu.memory_space<vmem>> -> memref<56x16xf32, #tpu.memory_space<vmem>>
      %dma_wait3A_277 = arith.constant 0 : i32
      %dma_wait3A_278 = tpu.memref_slice %arg28[%add3A_56, %dma_wait3A_277] : memref<10112x16xf32, #tpu.memory_space<vmem_shared>> -> memref<56x16xf32, #tpu.memory_space<vmem_shared>>
      %dma_wait3A_279 = arith.constant 0 : i32
      %dma_wait3A_280 = tpu.memref_slice %arg28[%add3A_56, %dma_wait3A_279] : memref<10112x16xf32, #tpu.memory_space<vmem_shared>> -> memref<56x16xf32, #tpu.memory_space<vmem_shared>>
      %dma_wait3A_281 = arith.constant 0 : i32
      %dma_wait3A_282 = arith.constant 0 : i32
      %dma_wait3A_283 = tpu.memref_slice %arg27[%dma_wait3A_281, %dma_wait3A_282] : memref<96x16xf32, #tpu.memory_space<vmem>> -> memref<56x16xf32, #tpu.memory_space<vmem>>
      tpu.wait_dma2 semaphore(%run_scoped3A : memref<!tpu.dma_semaphore, #tpu.memory_space<semaphore_mem>>) src(%dma_wait3A_283 : memref<56x16xf32, #tpu.memory_space<vmem>>) dst(%dma_wait3A_280 : memref<56x16xf32, #tpu.memory_space<vmem_shared>>)
      tpu.yield
    }) : () -> ()
    "tpu.region"() ({
      %run_scoped3A = tpu.sem_alloc : memref<!tpu.dma_semaphore, #tpu.memory_space<semaphore_mem>>
      tpu.enqueue_dma source(%arg6 : memref<96x16xf32, #tpu.memory_space<hbm>>) target(%arg27 : memref<96x16xf32, #tpu.memory_space<vmem>>) target_semaphore(%run_scoped3A : memref<!tpu.dma_semaphore, #tpu.memory_space<semaphore_mem>>)
      tpu.wait_dma2 semaphore(%run_scoped3A : memref<!tpu.dma_semaphore, #tpu.memory_space<semaphore_mem>>) src(%arg6 : memref<96x16xf32, #tpu.memory_space<hbm>>) dst(%arg27 : memref<96x16xf32, #tpu.memory_space<vmem>>)
      tpu.yield
    }) : () -> ()
    %barrier3A = arith.constant 0 : index
    tpu.barrier barrier_id(%barrier3A)
    %mul3A_57 = arith.constant 108 : i32
    %mul3A_58 = arith.muli %add3A, %mul3A_57 : i32
    %add3A_59 = arith.constant 0 : i32
    %add3A_60 = arith.addi %mul3A_58, %add3A_59 : i32
    %dma_start3A = arith.constant 0 : i32
    %dma_start3A_61 = arith.constant 0 : i32
    %dma_start3A_62 = tpu.memref_slice %arg3[%add3A_60, %dma_start3A, %dma_start3A_61] : memref<3456x2x96xi32, #tpu.memory_space<hbm>> -> memref<1x2x96xi32, #tpu.memory_space<hbm>>
    %dma_start3A_63 = tpu.memref_squeeze %dma_start3A_62 : memref<1x2x96xi32, #tpu.memory_space<hbm>> -> memref<2x96xi32, #tpu.memory_space<hbm>>
    %dma_start3A_64 = arith.constant 0 : i32
    %dma_start3A_65 = arith.constant 0 : i32
    %dma_start3A_66 = tpu.memref_slice %arg3[%add3A_60, %dma_start3A_64, %dma_start3A_65] : memref<3456x2x96xi32, #tpu.memory_space<hbm>> -> memref<1x2x96xi32, #tpu.memory_space<hbm>>
    %dma_start3A_67 = tpu.memref_squeeze %dma_start3A_66 : memref<1x2x96xi32, #tpu.memory_space<hbm>> -> memref<2x96xi32, #tpu.memory_space<hbm>>
    tpu.enqueue_dma source(%dma_start3A_67 : memref<2x96xi32, #tpu.memory_space<hbm>>) target(%arg9 : memref<2x96xi32, #tpu.memory_space<vmem>>) target_semaphore(%arg17 : memref<!tpu.dma_semaphore, #tpu.memory_space<semaphore_mem>>)
    %mul3A_68 = arith.constant 108 : i32
    %mul3A_69 = arith.muli %add3A, %mul3A_68 : i32
    %add3A_70 = arith.constant 1 : i32
    %add3A_71 = arith.addi %mul3A_69, %add3A_70 : i32
    %dma_start3A_72 = arith.constant 0 : i32
    %dma_start3A_73 = arith.constant 0 : i32
    %dma_start3A_74 = tpu.memref_slice %arg3[%add3A_71, %dma_start3A_72, %dma_start3A_73] : memref<3456x2x96xi32, #tpu.memory_space<hbm>> -> memref<1x2x96xi32, #tpu.memory_space<hbm>>
    %dma_start3A_75 = tpu.memref_squeeze %dma_start3A_74 : memref<1x2x96xi32, #tpu.memory_space<hbm>> -> memref<2x96xi32, #tpu.memory_space<hbm>>
    %dma_start3A_76 = arith.constant 0 : i32
    %dma_start3A_77 = arith.constant 0 : i32
    %dma_start3A_78 = tpu.memref_slice %arg3[%add3A_71, %dma_start3A_76, %dma_start3A_77] : memref<3456x2x96xi32, #tpu.memory_space<hbm>> -> memref<1x2x96xi32, #tpu.memory_space<hbm>>
    %dma_start3A_79 = tpu.memref_squeeze %dma_start3A_78 : memref<1x2x96xi32, #tpu.memory_space<hbm>> -> memref<2x96xi32, #tpu.memory_space<hbm>>
    tpu.enqueue_dma source(%dma_start3A_79 : memref<2x96xi32, #tpu.memory_space<hbm>>) target(%arg10 : memref<2x96xi32, #tpu.memory_space<vmem>>) target_semaphore(%arg18 : memref<!tpu.dma_semaphore, #tpu.memory_space<semaphore_mem>>)
    %mul3A_80 = arith.constant 108 : i32
    %mul3A_81 = arith.muli %add3A, %mul3A_80 : i32
    %add3A_82 = arith.constant 2 : i32
    %add3A_83 = arith.addi %mul3A_81, %add3A_82 : i32
    %dma_start3A_84 = arith.constant 0 : i32
    %dma_start3A_85 = arith.constant 0 : i32
    %dma_start3A_86 = tpu.memref_slice %arg3[%add3A_83, %dma_start3A_84, %dma_start3A_85] : memref<3456x2x96xi32, #tpu.memory_space<hbm>> -> memref<1x2x96xi32, #tpu.memory_space<hbm>>
    %dma_start3A_87 = tpu.memref_squeeze %dma_start3A_86 : memref<1x2x96xi32, #tpu.memory_space<hbm>> -> memref<2x96xi32, #tpu.memory_space<hbm>>
    %dma_start3A_88 = arith.constant 0 : i32
    %dma_start3A_89 = arith.constant 0 : i32
    %dma_start3A_90 = tpu.memref_slice %arg3[%add3A_83, %dma_start3A_88, %dma_start3A_89] : memref<3456x2x96xi32, #tpu.memory_space<hbm>> -> memref<1x2x96xi32, #tpu.memory_space<hbm>>
    %dma_start3A_91 = tpu.memref_squeeze %dma_start3A_90 : memref<1x2x96xi32, #tpu.memory_space<hbm>> -> memref<2x96xi32, #tpu.memory_space<hbm>>
    tpu.enqueue_dma source(%dma_start3A_91 : memref<2x96xi32, #tpu.memory_space<hbm>>) target(%arg11 : memref<2x96xi32, #tpu.memory_space<vmem>>) target_semaphore(%arg19 : memref<!tpu.dma_semaphore, #tpu.memory_space<semaphore_mem>>)
    %mul3A_92 = arith.constant 108 : i32
    %mul3A_93 = arith.muli %add3A, %mul3A_92 : i32
    %add3A_94 = arith.constant 0 : i32
    %add3A_95 = arith.addi %mul3A_93, %add3A_94 : i32
    %dma_wait3A = arith.constant 0 : i32
    %dma_wait3A_96 = arith.constant 0 : i32
    %dma_wait3A_97 = tpu.memref_slice %arg3[%add3A_95, %dma_wait3A, %dma_wait3A_96] : memref<3456x2x96xi32, #tpu.memory_space<hbm>> -> memref<1x2x96xi32, #tpu.memory_space<hbm>>
    %dma_wait3A_98 = tpu.memref_squeeze %dma_wait3A_97 : memref<1x2x96xi32, #tpu.memory_space<hbm>> -> memref<2x96xi32, #tpu.memory_space<hbm>>
    %dma_wait3A_99 = arith.constant 0 : i32
    %dma_wait3A_100 = arith.constant 0 : i32
    %dma_wait3A_101 = tpu.memref_slice %arg3[%add3A_95, %dma_wait3A_99, %dma_wait3A_100] : memref<3456x2x96xi32, #tpu.memory_space<hbm>> -> memref<1x2x96xi32, #tpu.memory_space<hbm>>
    %dma_wait3A_102 = tpu.memref_squeeze %dma_wait3A_101 : memref<1x2x96xi32, #tpu.memory_space<hbm>> -> memref<2x96xi32, #tpu.memory_space<hbm>>
    tpu.wait_dma2 semaphore(%arg17 : memref<!tpu.dma_semaphore, #tpu.memory_space<semaphore_mem>>) src(%dma_wait3A_102 : memref<2x96xi32, #tpu.memory_space<hbm>>) dst(%arg9 : memref<2x96xi32, #tpu.memory_space<vmem>>)
    %dma_start3A_103 = arith.constant 0 : i32
    %dma_start3A_104 = arith.constant 0 : i32
    %dma_start3A_105 = tpu.memref_slice %arg9[%dma_start3A_103, %dma_start3A_104] : memref<2x96xi32, #tpu.memory_space<vmem>> -> memref<1x96xi32, #tpu.memory_space<vmem>>
    %dma_start3A_106 = tpu.memref_squeeze %dma_start3A_105 : memref<1x96xi32, #tpu.memory_space<vmem>> -> memref<96xi32, #tpu.memory_space<vmem>>
    %dma_start3A_107 = arith.constant 0 : i32
    %dma_start3A_108 = arith.constant 0 : i32
    %dma_start3A_109 = tpu.memref_slice %arg2[%dma_start3A_107, %dma_start3A_108] : memref<10000x128xf32, #tpu.memory_space<hbm>> -> memref<10000x128xf32, #tpu.memory_space<hbm>>
    tpu.enqueue_indirect_dma source(%dma_start3A_109 : memref<10000x128xf32, #tpu.memory_space<hbm>>) target(%arg13 : memref<96x128xf32, #tpu.memory_space<vmem>>) offsets(%dma_start3A_106 : memref<96xi32, #tpu.memory_space<vmem>>) semaphore(%arg21 : memref<!tpu.dma_semaphore, #tpu.memory_space<semaphore_mem>>)
    %mul3A_110 = arith.constant 108 : i32
    %mul3A_111 = arith.muli %add3A, %mul3A_110 : i32
    %add3A_112 = arith.constant 1 : i32
    %add3A_113 = arith.addi %mul3A_111, %add3A_112 : i32
    %dma_wait3A_114 = arith.constant 0 : i32
    %dma_wait3A_115 = arith.constant 0 : i32
    %dma_wait3A_116 = tpu.memref_slice %arg3[%add3A_113, %dma_wait3A_114, %dma_wait3A_115] : memref<3456x2x96xi32, #tpu.memory_space<hbm>> -> memref<1x2x96xi32, #tpu.memory_space<hbm>>
    %dma_wait3A_117 = tpu.memref_squeeze %dma_wait3A_116 : memref<1x2x96xi32, #tpu.memory_space<hbm>> -> memref<2x96xi32, #tpu.memory_space<hbm>>
    %dma_wait3A_118 = arith.constant 0 : i32
    %dma_wait3A_119 = arith.constant 0 : i32
    %dma_wait3A_120 = tpu.memref_slice %arg3[%add3A_113, %dma_wait3A_118, %dma_wait3A_119] : memref<3456x2x96xi32, #tpu.memory_space<hbm>> -> memref<1x2x96xi32, #tpu.memory_space<hbm>>
    %dma_wait3A_121 = tpu.memref_squeeze %dma_wait3A_120 : memref<1x2x96xi32, #tpu.memory_space<hbm>> -> memref<2x96xi32, #tpu.memory_space<hbm>>
    tpu.wait_dma2 semaphore(%arg18 : memref<!tpu.dma_semaphore, #tpu.memory_space<semaphore_mem>>) src(%dma_wait3A_121 : memref<2x96xi32, #tpu.memory_space<hbm>>) dst(%arg10 : memref<2x96xi32, #tpu.memory_space<vmem>>)
    %dma_start3A_122 = arith.constant 0 : i32
    %dma_start3A_123 = arith.constant 0 : i32
    %dma_start3A_124 = tpu.memref_slice %arg10[%dma_start3A_122, %dma_start3A_123] : memref<2x96xi32, #tpu.memory_space<vmem>> -> memref<1x96xi32, #tpu.memory_space<vmem>>
    %dma_start3A_125 = tpu.memref_squeeze %dma_start3A_124 : memref<1x96xi32, #tpu.memory_space<vmem>> -> memref<96xi32, #tpu.memory_space<vmem>>
    %dma_start3A_126 = arith.constant 0 : i32
    %dma_start3A_127 = arith.constant 0 : i32
    %dma_start3A_128 = tpu.memref_slice %arg2[%dma_start3A_126, %dma_start3A_127] : memref<10000x128xf32, #tpu.memory_space<hbm>> -> memref<10000x128xf32, #tpu.memory_space<hbm>>
    tpu.enqueue_indirect_dma source(%dma_start3A_128 : memref<10000x128xf32, #tpu.memory_space<hbm>>) target(%arg14 : memref<96x128xf32, #tpu.memory_space<vmem>>) offsets(%dma_start3A_125 : memref<96xi32, #tpu.memory_space<vmem>>) semaphore(%arg22 : memref<!tpu.dma_semaphore, #tpu.memory_space<semaphore_mem>>)
    %scan3A = arith.constant 0 : i32
    %scan3A_129 = arith.constant 0 : i32
    %scan3A_130 = arith.constant 9 : i32
    %scan3A_131 = arith.addi %scan3A_129, %scan3A_130 : i32
    %scan3A_132 = arith.constant 1 : i32
    scf.for %scan3A_264 = %scan3A_129 to %scan3A_131 step %scan3A_132  : i32 {
      %mul3A_265 = arith.constant 12 : i32
      %mul3A_266 = arith.muli %scan3A_264, %mul3A_265 : i32
      %add3A_267 = arith.constant 0 : i32
      %add3A_268 = arith.addi %mul3A_266, %add3A_267 : i32
      %dma_wait3A_269 = arith.constant 0 : i32
      %dma_wait3A_270 = arith.constant 0 : i32
      %dma_wait3A_271 = tpu.memref_slice %arg9[%dma_wait3A_269, %dma_wait3A_270] : memref<2x96xi32, #tpu.memory_space<vmem>> -> memref<1x96xi32, #tpu.memory_space<vmem>>
      %dma_wait3A_272 = tpu.memref_squeeze %dma_wait3A_271 : memref<1x96xi32, #tpu.memory_space<vmem>> -> memref<96xi32, #tpu.memory_space<vmem>>
      %dma_wait3A_273 = arith.constant 0 : i32
      %dma_wait3A_274 = arith.constant 0 : i32
      %dma_wait3A_275 = tpu.memref_slice %arg2[%dma_wait3A_273, %dma_wait3A_274] : memref<10000x128xf32, #tpu.memory_space<hbm>> -> memref<10000x128xf32, #tpu.memory_space<hbm>>
      tpu.wait_indirect_dma semaphore(%arg21 : memref<!tpu.dma_semaphore, #tpu.memory_space<semaphore_mem>>) src(%dma_wait3A_275 : memref<10000x128xf32, #tpu.memory_space<hbm>>) dst(%arg13 : memref<96x128xf32, #tpu.memory_space<vmem>>)
      %dma_start3A_276 = arith.constant 1 : i32
      %dma_start3A_277 = arith.constant 0 : i32
      %dma_start3A_278 = tpu.memref_slice %arg9[%dma_start3A_276, %dma_start3A_277] : memref<2x96xi32, #tpu.memory_space<vmem>> -> memref<1x96xi32, #tpu.memory_space<vmem>>
      %dma_start3A_279 = tpu.memref_squeeze %dma_start3A_278 : memref<1x96xi32, #tpu.memory_space<vmem>> -> memref<96xi32, #tpu.memory_space<vmem>>
      %dma_start3A_280 = arith.constant 0 : i32
      %dma_start3A_281 = arith.constant 0 : i32
      %dma_start3A_282 = tpu.memref_slice %arg16[%dma_start3A_280, %dma_start3A_281] : memref<10112x128xf32, #tpu.memory_space<vmem_shared>> -> memref<10112x128xf32, #tpu.memory_space<vmem_shared>>
      tpu.enqueue_indirect_dma source(%arg13 : memref<96x128xf32, #tpu.memory_space<vmem>>) target(%dma_start3A_282 : memref<10112x128xf32, #tpu.memory_space<vmem_shared>>) offsets(%dma_start3A_279 : memref<96xi32, #tpu.memory_space<vmem>>) semaphore(%arg24 : memref<!tpu.dma_semaphore, #tpu.memory_space<semaphore_mem>>) {add = true}
      %dma_start3A_283 = arith.constant 1 : i32
      %dma_start3A_284 = arith.constant 0 : i32
      %dma_start3A_285 = tpu.memref_slice %arg9[%dma_start3A_283, %dma_start3A_284] : memref<2x96xi32, #tpu.memory_space<vmem>> -> memref<1x96xi32, #tpu.memory_space<vmem>>
      %dma_start3A_286 = tpu.memref_squeeze %dma_start3A_285 : memref<1x96xi32, #tpu.memory_space<vmem>> -> memref<96xi32, #tpu.memory_space<vmem>>
      %dma_start3A_287 = arith.constant 0 : i32
      %dma_start3A_288 = arith.constant 0 : i32
      %dma_start3A_289 = tpu.memref_slice %arg28[%dma_start3A_287, %dma_start3A_288] : memref<10112x16xf32, #tpu.memory_space<vmem_shared>> -> memref<10112x16xf32, #tpu.memory_space<vmem_shared>>
      tpu.enqueue_indirect_dma source(%arg27 : memref<96x16xf32, #tpu.memory_space<vmem>>) target(%dma_start3A_289 : memref<10112x16xf32, #tpu.memory_space<vmem_shared>>) offsets(%dma_start3A_286 : memref<96xi32, #tpu.memory_space<vmem>>) semaphore(%arg24 : memref<!tpu.dma_semaphore, #tpu.memory_space<semaphore_mem>>) {add = true}
      %gt3A = arith.constant 0 : i32
      %gt3A_290 = arith.cmpi sgt, %add3A_268, %gt3A : i32
      %convert_element_type3A = arith.extui %gt3A_290 : i1 to i32
      %cond3A = arith.constant 0 : i32
      %cond3A_291 = arith.cmpi ne, %convert_element_type3A, %cond3A : i32
      scf.if %cond3A_291 {
        %dma_wait3A_1089 = arith.constant 1 : i32
        %dma_wait3A_1090 = arith.constant 0 : i32
        %dma_wait3A_1091 = tpu.memref_slice %arg12[%dma_wait3A_1089, %dma_wait3A_1090] : memref<2x96xi32, #tpu.memory_space<vmem>> -> memref<1x96xi32, #tpu.memory_space<vmem>>
        %dma_wait3A_1092 = tpu.memref_squeeze %dma_wait3A_1091 : memref<1x96xi32, #tpu.memory_space<vmem>> -> memref<96xi32, #tpu.memory_space<vmem>>
        %dma_wait3A_1093 = arith.constant 0 : i32
        %dma_wait3A_1094 = arith.constant 0 : i32
        %dma_wait3A_1095 = tpu.memref_slice %arg16[%dma_wait3A_1093, %dma_wait3A_1094] : memref<10112x128xf32, #tpu.memory_space<vmem_shared>> -> memref<10112x128xf32, #tpu.memory_space<vmem_shared>>
        tpu.wait_indirect_dma semaphore(%arg26 : memref<!tpu.dma_semaphore, #tpu.memory_space<semaphore_mem>>) src(%arg15 : memref<96x128xf32, #tpu.memory_space<vmem>>) dst(%dma_wait3A_1095 : memref<10112x128xf32, #tpu.memory_space<vmem_shared>>)
        %dma_wait3A_1096 = arith.constant 1 : i32
        %dma_wait3A_1097 = arith.constant 0 : i32
        %dma_wait3A_1098 = tpu.memref_slice %arg12[%dma_wait3A_1096, %dma_wait3A_1097] : memref<2x96xi32, #tpu.memory_space<vmem>> -> memref<1x96xi32, #tpu.memory_space<vmem>>
        %dma_wait3A_1099 = tpu.memref_squeeze %dma_wait3A_1098 : memref<1x96xi32, #tpu.memory_space<vmem>> -> memref<96xi32, #tpu.memory_space<vmem>>
        %dma_wait3A_1100 = arith.constant 0 : i32
        %dma_wait3A_1101 = arith.constant 0 : i32
        %dma_wait3A_1102 = tpu.memref_slice %arg28[%dma_wait3A_1100, %dma_wait3A_1101] : memref<10112x16xf32, #tpu.memory_space<vmem_shared>> -> memref<10112x16xf32, #tpu.memory_space<vmem_shared>>
        tpu.wait_indirect_dma semaphore(%arg26 : memref<!tpu.dma_semaphore, #tpu.memory_space<semaphore_mem>>) src(%arg27 : memref<96x16xf32, #tpu.memory_space<vmem>>) dst(%dma_wait3A_1102 : memref<10112x16xf32, #tpu.memory_space<vmem_shared>>)
      } else {
      }
      %add3A_292 = arith.constant 2 : i32
      %add3A_293 = arith.addi %add3A_268, %add3A_292 : i32
      %rem3A = arith.constant 108 : i32
      %rem3A_294 = arith.remsi %add3A_293, %rem3A : i32
      %mul3A_295 = arith.constant 108 : i32
      %mul3A_296 = arith.muli %add3A, %mul3A_295 : i32
      %add3A_297 = arith.addi %mul3A_296, %rem3A_294 : i32
      %dma_wait3A_298 = arith.constant 0 : i32
      %dma_wait3A_299 = arith.constant 0 : i32
      %dma_wait3A_300 = tpu.memref_slice %arg3[%add3A_297, %dma_wait3A_298, %dma_wait3A_299] : memref<3456x2x96xi32, #tpu.memory_space<hbm>> -> memref<1x2x96xi32, #tpu.memory_space<hbm>>
      %dma_wait3A_301 = tpu.memref_squeeze %dma_wait3A_300 : memref<1x2x96xi32, #tpu.memory_space<hbm>> -> memref<2x96xi32, #tpu.memory_space<hbm>>
      %dma_wait3A_302 = arith.constant 0 : i32
      %dma_wait3A_303 = arith.constant 0 : i32
      %dma_wait3A_304 = tpu.memref_slice %arg3[%add3A_297, %dma_wait3A_302, %dma_wait3A_303] : memref<3456x2x96xi32, #tpu.memory_space<hbm>> -> memref<1x2x96xi32, #tpu.memory_space<hbm>>
      %dma_wait3A_305 = tpu.memref_squeeze %dma_wait3A_304 : memref<1x2x96xi32, #tpu.memory_space<hbm>> -> memref<2x96xi32, #tpu.memory_space<hbm>>
      tpu.wait_dma2 semaphore(%arg19 : memref<!tpu.dma_semaphore, #tpu.memory_space<semaphore_mem>>) src(%dma_wait3A_305 : memref<2x96xi32, #tpu.memory_space<hbm>>) dst(%arg11 : memref<2x96xi32, #tpu.memory_space<vmem>>)
      %dma_start3A_306 = arith.constant 0 : i32
      %dma_start3A_307 = arith.constant 0 : i32
      %dma_start3A_308 = tpu.memref_slice %arg11[%dma_start3A_306, %dma_start3A_307] : memref<2x96xi32, #tpu.memory_space<vmem>> -> memref<1x96xi32, #tpu.memory_space<vmem>>
      %dma_start3A_309 = tpu.memref_squeeze %dma_start3A_308 : memref<1x96xi32, #tpu.memory_space<vmem>> -> memref<96xi32, #tpu.memory_space<vmem>>
      %dma_start3A_310 = arith.constant 0 : i32
      %dma_start3A_311 = arith.constant 0 : i32
      %dma_start3A_312 = tpu.memref_slice %arg2[%dma_start3A_310, %dma_start3A_311] : memref<10000x128xf32, #tpu.memory_space<hbm>> -> memref<10000x128xf32, #tpu.memory_space<hbm>>
      tpu.enqueue_indirect_dma source(%dma_start3A_312 : memref<10000x128xf32, #tpu.memory_space<hbm>>) target(%arg15 : memref<96x128xf32, #tpu.memory_space<vmem>>) offsets(%dma_start3A_309 : memref<96xi32, #tpu.memory_space<vmem>>) semaphore(%arg23 : memref<!tpu.dma_semaphore, #tpu.memory_space<semaphore_mem>>)
      %add3A_313 = arith.constant 2 : i32
      %add3A_314 = arith.addi %add3A_268, %add3A_313 : i32
      %add3A_315 = arith.constant 1 : i32
      %add3A_316 = arith.addi %add3A_314, %add3A_315 : i32
      %rem3A_317 = arith.constant 108 : i32
      %rem3A_318 = arith.remsi %add3A_316, %rem3A_317 : i32
      %mul3A_319 = arith.constant 108 : i32
      %mul3A_320 = arith.muli %add3A, %mul3A_319 : i32
      %add3A_321 = arith.addi %mul3A_320, %rem3A_318 : i32
      %dma_start3A_322 = arith.constant 0 : i32
      %dma_start3A_323 = arith.constant 0 : i32
      %dma_start3A_324 = tpu.memref_slice %arg3[%add3A_321, %dma_start3A_322, %dma_start3A_323] : memref<3456x2x96xi32, #tpu.memory_space<hbm>> -> memref<1x2x96xi32, #tpu.memory_space<hbm>>
      %dma_start3A_325 = tpu.memref_squeeze %dma_start3A_324 : memref<1x2x96xi32, #tpu.memory_space<hbm>> -> memref<2x96xi32, #tpu.memory_space<hbm>>
      %dma_start3A_326 = arith.constant 0 : i32
      %dma_start3A_327 = arith.constant 0 : i32
      %dma_start3A_328 = tpu.memref_slice %arg3[%add3A_321, %dma_start3A_326, %dma_start3A_327] : memref<3456x2x96xi32, #tpu.memory_space<hbm>> -> memref<1x2x96xi32, #tpu.memory_space<hbm>>
      %dma_start3A_329 = tpu.memref_squeeze %dma_start3A_328 : memref<1x2x96xi32, #tpu.memory_space<hbm>> -> memref<2x96xi32, #tpu.memory_space<hbm>>
      tpu.enqueue_dma source(%dma_start3A_329 : memref<2x96xi32, #tpu.memory_space<hbm>>) target(%arg12 : memref<2x96xi32, #tpu.memory_space<vmem>>) target_semaphore(%arg20 : memref<!tpu.dma_semaphore, #tpu.memory_space<semaphore_mem>>)
      %mul3A_330 = arith.constant 12 : i32
      %mul3A_331 = arith.muli %scan3A_264, %mul3A_330 : i32
      %add3A_332 = arith.constant 1 : i32
      %add3A_333 = arith.addi %mul3A_331, %add3A_332 : i32
      %dma_wait3A_334 = arith.constant 0 : i32
      %dma_wait3A_335 = arith.constant 0 : i32
      %dma_wait3A_336 = tpu.memref_slice %arg10[%dma_wait3A_334, %dma_wait3A_335] : memref<2x96xi32, #tpu.memory_space<vmem>> -> memref<1x96xi32, #tpu.memory_space<vmem>>
      %dma_wait3A_337 = tpu.memref_squeeze %dma_wait3A_336 : memref<1x96xi32, #tpu.memory_space<vmem>> -> memref<96xi32, #tpu.memory_space<vmem>>
      %dma_wait3A_338 = arith.constant 0 : i32
      %dma_wait3A_339 = arith.constant 0 : i32
      %dma_wait3A_340 = tpu.memref_slice %arg2[%dma_wait3A_338, %dma_wait3A_339] : memref<10000x128xf32, #tpu.memory_space<hbm>> -> memref<10000x128xf32, #tpu.memory_space<hbm>>
      tpu.wait_indirect_dma semaphore(%arg22 : memref<!tpu.dma_semaphore, #tpu.memory_space<semaphore_mem>>) src(%dma_wait3A_340 : memref<10000x128xf32, #tpu.memory_space<hbm>>) dst(%arg14 : memref<96x128xf32, #tpu.memory_space<vmem>>)
      %dma_start3A_341 = arith.constant 1 : i32
      %dma_start3A_342 = arith.constant 0 : i32
      %dma_start3A_343 = tpu.memref_slice %arg10[%dma_start3A_341, %dma_start3A_342] : memref<2x96xi32, #tpu.memory_space<vmem>> -> memref<1x96xi32, #tpu.memory_space<vmem>>
      %dma_start3A_344 = tpu.memref_squeeze %dma_start3A_343 : memref<1x96xi32, #tpu.memory_space<vmem>> -> memref<96xi32, #tpu.memory_space<vmem>>
      %dma_start3A_345 = arith.constant 0 : i32
      %dma_start3A_346 = arith.constant 0 : i32
      %dma_start3A_347 = tpu.memref_slice %arg16[%dma_start3A_345, %dma_start3A_346] : memref<10112x128xf32, #tpu.memory_space<vmem_shared>> -> memref<10112x128xf32, #tpu.memory_space<vmem_shared>>
      tpu.enqueue_indirect_dma source(%arg14 : memref<96x128xf32, #tpu.memory_space<vmem>>) target(%dma_start3A_347 : memref<10112x128xf32, #tpu.memory_space<vmem_shared>>) offsets(%dma_start3A_344 : memref<96xi32, #tpu.memory_space<vmem>>) semaphore(%arg25 : memref<!tpu.dma_semaphore, #tpu.memory_space<semaphore_mem>>) {add = true}
      %dma_start3A_348 = arith.constant 1 : i32
      %dma_start3A_349 = arith.constant 0 : i32
      %dma_start3A_350 = tpu.memref_slice %arg10[%dma_start3A_348, %dma_start3A_349] : memref<2x96xi32, #tpu.memory_space<vmem>> -> memref<1x96xi32, #tpu.memory_space<vmem>>
      %dma_start3A_351 = tpu.memref_squeeze %dma_start3A_350 : memref<1x96xi32, #tpu.memory_space<vmem>> -> memref<96xi32, #tpu.memory_space<vmem>>
      %dma_start3A_352 = arith.constant 0 : i32
      %dma_start3A_353 = arith.constant 0 : i32
      %dma_start3A_354 = tpu.memref_slice %arg28[%dma_start3A_352, %dma_start3A_353] : memref<10112x16xf32, #tpu.memory_space<vmem_shared>> -> memref<10112x16xf32, #tpu.memory_space<vmem_shared>>
      tpu.enqueue_indirect_dma source(%arg27 : memref<96x16xf32, #tpu.memory_space<vmem>>) target(%dma_start3A_354 : memref<10112x16xf32, #tpu.memory_space<vmem_shared>>) offsets(%dma_start3A_351 : memref<96xi32, #tpu.memory_space<vmem>>) semaphore(%arg25 : memref<!tpu.dma_semaphore, #tpu.memory_space<semaphore_mem>>) {add = true}
      %gt3A_355 = arith.constant 0 : i32
      %gt3A_356 = arith.cmpi sgt, %add3A_333, %gt3A_355 : i32
      %convert_element_type3A_357 = arith.extui %gt3A_356 : i1 to i32
      %cond3A_358 = arith.constant 0 : i32
      %cond3A_359 = arith.cmpi ne, %convert_element_type3A_357, %cond3A_358 : i32
      scf.if %cond3A_359 {
        %dma_wait3A_1089 = arith.constant 1 : i32
        %dma_wait3A_1090 = arith.constant 0 : i32
        %dma_wait3A_1091 = tpu.memref_slice %arg9[%dma_wait3A_1089, %dma_wait3A_1090] : memref<2x96xi32, #tpu.memory_space<vmem>> -> memref<1x96xi32, #tpu.memory_space<vmem>>
        %dma_wait3A_1092 = tpu.memref_squeeze %dma_wait3A_1091 : memref<1x96xi32, #tpu.memory_space<vmem>> -> memref<96xi32, #tpu.memory_space<vmem>>
        %dma_wait3A_1093 = arith.constant 0 : i32
        %dma_wait3A_1094 = arith.constant 0 : i32
        %dma_wait3A_1095 = tpu.memref_slice %arg16[%dma_wait3A_1093, %dma_wait3A_1094] : memref<10112x128xf32, #tpu.memory_space<vmem_shared>> -> memref<10112x128xf32, #tpu.memory_space<vmem_shared>>
        tpu.wait_indirect_dma semaphore(%arg24 : memref<!tpu.dma_semaphore, #tpu.memory_space<semaphore_mem>>) src(%arg13 : memref<96x128xf32, #tpu.memory_space<vmem>>) dst(%dma_wait3A_1095 : memref<10112x128xf32, #tpu.memory_space<vmem_shared>>)
        %dma_wait3A_1096 = arith.constant 1 : i32
        %dma_wait3A_1097 = arith.constant 0 : i32
        %dma_wait3A_1098 = tpu.memref_slice %arg9[%dma_wait3A_1096, %dma_wait3A_1097] : memref<2x96xi32, #tpu.memory_space<vmem>> -> memref<1x96xi32, #tpu.memory_space<vmem>>
        %dma_wait3A_1099 = tpu.memref_squeeze %dma_wait3A_1098 : memref<1x96xi32, #tpu.memory_space<vmem>> -> memref<96xi32, #tpu.memory_space<vmem>>
        %dma_wait3A_1100 = arith.constant 0 : i32
        %dma_wait3A_1101 = arith.constant 0 : i32
        %dma_wait3A_1102 = tpu.memref_slice %arg28[%dma_wait3A_1100, %dma_wait3A_1101] : memref<10112x16xf32, #tpu.memory_space<vmem_shared>> -> memref<10112x16xf32, #tpu.memory_space<vmem_shared>>
        tpu.wait_indirect_dma semaphore(%arg24 : memref<!tpu.dma_semaphore, #tpu.memory_space<semaphore_mem>>) src(%arg27 : memref<96x16xf32, #tpu.memory_space<vmem>>) dst(%dma_wait3A_1102 : memref<10112x16xf32, #tpu.memory_space<vmem_shared>>)
      } else {
      }
      %add3A_360 = arith.constant 2 : i32
      %add3A_361 = arith.addi %add3A_333, %add3A_360 : i32
      %rem3A_362 = arith.constant 108 : i32
      %rem3A_363 = arith.remsi %add3A_361, %rem3A_362 : i32
      %mul3A_364 = arith.constant 108 : i32
      %mul3A_365 = arith.muli %add3A, %mul3A_364 : i32
      %add3A_366 = arith.addi %mul3A_365, %rem3A_363 : i32
      %dma_wait3A_367 = arith.constant 0 : i32
      %dma_wait3A_368 = arith.constant 0 : i32
      %dma_wait3A_369 = tpu.memref_slice %arg3[%add3A_366, %dma_wait3A_367, %dma_wait3A_368] : memref<3456x2x96xi32, #tpu.memory_space<hbm>> -> memref<1x2x96xi32, #tpu.memory_space<hbm>>
      %dma_wait3A_370 = tpu.memref_squeeze %dma_wait3A_369 : memref<1x2x96xi32, #tpu.memory_space<hbm>> -> memref<2x96xi32, #tpu.memory_space<hbm>>
      %dma_wait3A_371 = arith.constant 0 : i32
      %dma_wait3A_372 = arith.constant 0 : i32
      %dma_wait3A_373 = tpu.memref_slice %arg3[%add3A_366, %dma_wait3A_371, %dma_wait3A_372] : memref<3456x2x96xi32, #tpu.memory_space<hbm>> -> memref<1x2x96xi32, #tpu.memory_space<hbm>>
      %dma_wait3A_374 = tpu.memref_squeeze %dma_wait3A_373 : memref<1x2x96xi32, #tpu.memory_space<hbm>> -> memref<2x96xi32, #tpu.memory_space<hbm>>
      tpu.wait_dma2 semaphore(%arg20 : memref<!tpu.dma_semaphore, #tpu.memory_space<semaphore_mem>>) src(%dma_wait3A_374 : memref<2x96xi32, #tpu.memory_space<hbm>>) dst(%arg12 : memref<2x96xi32, #tpu.memory_space<vmem>>)
      %dma_start3A_375 = arith.constant 0 : i32
      %dma_start3A_376 = arith.constant 0 : i32
      %dma_start3A_377 = tpu.memref_slice %arg12[%dma_start3A_375, %dma_start3A_376] : memref<2x96xi32, #tpu.memory_space<vmem>> -> memref<1x96xi32, #tpu.memory_space<vmem>>
      %dma_start3A_378 = tpu.memref_squeeze %dma_start3A_377 : memref<1x96xi32, #tpu.memory_space<vmem>> -> memref<96xi32, #tpu.memory_space<vmem>>
      %dma_start3A_379 = arith.constant 0 : i32
      %dma_start3A_380 = arith.constant 0 : i32
      %dma_start3A_381 = tpu.memref_slice %arg2[%dma_start3A_379, %dma_start3A_380] : memref<10000x128xf32, #tpu.memory_space<hbm>> -> memref<10000x128xf32, #tpu.memory_space<hbm>>
      tpu.enqueue_indirect_dma source(%dma_start3A_381 : memref<10000x128xf32, #tpu.memory_space<hbm>>) target(%arg13 : memref<96x128xf32, #tpu.memory_space<vmem>>) offsets(%dma_start3A_378 : memref<96xi32, #tpu.memory_space<vmem>>) semaphore(%arg21 : memref<!tpu.dma_semaphore, #tpu.memory_space<semaphore_mem>>)
      %add3A_382 = arith.constant 2 : i32
      %add3A_383 = arith.addi %add3A_333, %add3A_382 : i32
      %add3A_384 = arith.constant 1 : i32
      %add3A_385 = arith.addi %add3A_383, %add3A_384 : i32
      %rem3A_386 = arith.constant 108 : i32
      %rem3A_387 = arith.remsi %add3A_385, %rem3A_386 : i32
      %mul3A_388 = arith.constant 108 : i32
      %mul3A_389 = arith.muli %add3A, %mul3A_388 : i32
      %add3A_390 = arith.addi %mul3A_389, %rem3A_387 : i32
      %dma_start3A_391 = arith.constant 0 : i32
      %dma_start3A_392 = arith.constant 0 : i32
      %dma_start3A_393 = tpu.memref_slice %arg3[%add3A_390, %dma_start3A_391, %dma_start3A_392] : memref<3456x2x96xi32, #tpu.memory_space<hbm>> -> memref<1x2x96xi32, #tpu.memory_space<hbm>>
      %dma_start3A_394 = tpu.memref_squeeze %dma_start3A_393 : memref<1x2x96xi32, #tpu.memory_space<hbm>> -> memref<2x96xi32, #tpu.memory_space<hbm>>
      %dma_start3A_395 = arith.constant 0 : i32
      %dma_start3A_396 = arith.constant 0 : i32
      %dma_start3A_397 = tpu.memref_slice %arg3[%add3A_390, %dma_start3A_395, %dma_start3A_396] : memref<3456x2x96xi32, #tpu.memory_space<hbm>> -> memref<1x2x96xi32, #tpu.memory_space<hbm>>
      %dma_start3A_398 = tpu.memref_squeeze %dma_start3A_397 : memref<1x2x96xi32, #tpu.memory_space<hbm>> -> memref<2x96xi32, #tpu.memory_space<hbm>>
      tpu.enqueue_dma source(%dma_start3A_398 : memref<2x96xi32, #tpu.memory_space<hbm>>) target(%arg9 : memref<2x96xi32, #tpu.memory_space<vmem>>) target_semaphore(%arg17 : memref<!tpu.dma_semaphore, #tpu.memory_space<semaphore_mem>>)
      %mul3A_399 = arith.constant 12 : i32
      %mul3A_400 = arith.muli %scan3A_264, %mul3A_399 : i32
      %add3A_401 = arith.constant 2 : i32
      %add3A_402 = arith.addi %mul3A_400, %add3A_401 : i32
      %dma_wait3A_403 = arith.constant 0 : i32
      %dma_wait3A_404 = arith.constant 0 : i32
      %dma_wait3A_405 = tpu.memref_slice %arg11[%dma_wait3A_403, %dma_wait3A_404] : memref<2x96xi32, #tpu.memory_space<vmem>> -> memref<1x96xi32, #tpu.memory_space<vmem>>
      %dma_wait3A_406 = tpu.memref_squeeze %dma_wait3A_405 : memref<1x96xi32, #tpu.memory_space<vmem>> -> memref<96xi32, #tpu.memory_space<vmem>>
      %dma_wait3A_407 = arith.constant 0 : i32
      %dma_wait3A_408 = arith.constant 0 : i32
      %dma_wait3A_409 = tpu.memref_slice %arg2[%dma_wait3A_407, %dma_wait3A_408] : memref<10000x128xf32, #tpu.memory_space<hbm>> -> memref<10000x128xf32, #tpu.memory_space<hbm>>
      tpu.wait_indirect_dma semaphore(%arg23 : memref<!tpu.dma_semaphore, #tpu.memory_space<semaphore_mem>>) src(%dma_wait3A_409 : memref<10000x128xf32, #tpu.memory_space<hbm>>) dst(%arg15 : memref<96x128xf32, #tpu.memory_space<vmem>>)
      %dma_start3A_410 = arith.constant 1 : i32
      %dma_start3A_411 = arith.constant 0 : i32
      %dma_start3A_412 = tpu.memref_slice %arg11[%dma_start3A_410, %dma_start3A_411] : memref<2x96xi32, #tpu.memory_space<vmem>> -> memref<1x96xi32, #tpu.memory_space<vmem>>
      %dma_start3A_413 = tpu.memref_squeeze %dma_start3A_412 : memref<1x96xi32, #tpu.memory_space<vmem>> -> memref<96xi32, #tpu.memory_space<vmem>>
      %dma_start3A_414 = arith.constant 0 : i32
      %dma_start3A_415 = arith.constant 0 : i32
      %dma_start3A_416 = tpu.memref_slice %arg16[%dma_start3A_414, %dma_start3A_415] : memref<10112x128xf32, #tpu.memory_space<vmem_shared>> -> memref<10112x128xf32, #tpu.memory_space<vmem_shared>>
      tpu.enqueue_indirect_dma source(%arg15 : memref<96x128xf32, #tpu.memory_space<vmem>>) target(%dma_start3A_416 : memref<10112x128xf32, #tpu.memory_space<vmem_shared>>) offsets(%dma_start3A_413 : memref<96xi32, #tpu.memory_space<vmem>>) semaphore(%arg26 : memref<!tpu.dma_semaphore, #tpu.memory_space<semaphore_mem>>) {add = true}
      %dma_start3A_417 = arith.constant 1 : i32
      %dma_start3A_418 = arith.constant 0 : i32
      %dma_start3A_419 = tpu.memref_slice %arg11[%dma_start3A_417, %dma_start3A_418] : memref<2x96xi32, #tpu.memory_space<vmem>> -> memref<1x96xi32, #tpu.memory_space<vmem>>
      %dma_start3A_420 = tpu.memref_squeeze %dma_start3A_419 : memref<1x96xi32, #tpu.memory_space<vmem>> -> memref<96xi32, #tpu.memory_space<vmem>>
      %dma_start3A_421 = arith.constant 0 : i32
      %dma_start3A_422 = arith.constant 0 : i32
      %dma_start3A_423 = tpu.memref_slice %arg28[%dma_start3A_421, %dma_start3A_422] : memref<10112x16xf32, #tpu.memory_space<vmem_shared>> -> memref<10112x16xf32, #tpu.memory_space<vmem_shared>>
      tpu.enqueue_indirect_dma source(%arg27 : memref<96x16xf32, #tpu.memory_space<vmem>>) target(%dma_start3A_423 : memref<10112x16xf32, #tpu.memory_space<vmem_shared>>) offsets(%dma_start3A_420 : memref<96xi32, #tpu.memory_space<vmem>>) semaphore(%arg26 : memref<!tpu.dma_semaphore, #tpu.memory_space<semaphore_mem>>) {add = true}
      %gt3A_424 = arith.constant 0 : i32
      %gt3A_425 = arith.cmpi sgt, %add3A_402, %gt3A_424 : i32
      %convert_element_type3A_426 = arith.extui %gt3A_425 : i1 to i32
      %cond3A_427 = arith.constant 0 : i32
      %cond3A_428 = arith.cmpi ne, %convert_element_type3A_426, %cond3A_427 : i32
      scf.if %cond3A_428 {
        %dma_wait3A_1089 = arith.constant 1 : i32
        %dma_wait3A_1090 = arith.constant 0 : i32
        %dma_wait3A_1091 = tpu.memref_slice %arg10[%dma_wait3A_1089, %dma_wait3A_1090] : memref<2x96xi32, #tpu.memory_space<vmem>> -> memref<1x96xi32, #tpu.memory_space<vmem>>
        %dma_wait3A_1092 = tpu.memref_squeeze %dma_wait3A_1091 : memref<1x96xi32, #tpu.memory_space<vmem>> -> memref<96xi32, #tpu.memory_space<vmem>>
        %dma_wait3A_1093 = arith.constant 0 : i32
        %dma_wait3A_1094 = arith.constant 0 : i32
        %dma_wait3A_1095 = tpu.memref_slice %arg16[%dma_wait3A_1093, %dma_wait3A_1094] : memref<10112x128xf32, #tpu.memory_space<vmem_shared>> -> memref<10112x128xf32, #tpu.memory_space<vmem_shared>>
        tpu.wait_indirect_dma semaphore(%arg25 : memref<!tpu.dma_semaphore, #tpu.memory_space<semaphore_mem>>) src(%arg14 : memref<96x128xf32, #tpu.memory_space<vmem>>) dst(%dma_wait3A_1095 : memref<10112x128xf32, #tpu.memory_space<vmem_shared>>)
        %dma_wait3A_1096 = arith.constant 1 : i32
        %dma_wait3A_1097 = arith.constant 0 : i32
        %dma_wait3A_1098 = tpu.memref_slice %arg10[%dma_wait3A_1096, %dma_wait3A_1097] : memref<2x96xi32, #tpu.memory_space<vmem>> -> memref<1x96xi32, #tpu.memory_space<vmem>>
        %dma_wait3A_1099 = tpu.memref_squeeze %dma_wait3A_1098 : memref<1x96xi32, #tpu.memory_space<vmem>> -> memref<96xi32, #tpu.memory_space<vmem>>
        %dma_wait3A_1100 = arith.constant 0 : i32
        %dma_wait3A_1101 = arith.constant 0 : i32
        %dma_wait3A_1102 = tpu.memref_slice %arg28[%dma_wait3A_1100, %dma_wait3A_1101] : memref<10112x16xf32, #tpu.memory_space<vmem_shared>> -> memref<10112x16xf32, #tpu.memory_space<vmem_shared>>
        tpu.wait_indirect_dma semaphore(%arg25 : memref<!tpu.dma_semaphore, #tpu.memory_space<semaphore_mem>>) src(%arg27 : memref<96x16xf32, #tpu.memory_space<vmem>>) dst(%dma_wait3A_1102 : memref<10112x16xf32, #tpu.memory_space<vmem_shared>>)
      } else {
      }
      %add3A_429 = arith.constant 2 : i32
      %add3A_430 = arith.addi %add3A_402, %add3A_429 : i32
      %rem3A_431 = arith.constant 108 : i32
      %rem3A_432 = arith.remsi %add3A_430, %rem3A_431 : i32
      %mul3A_433 = arith.constant 108 : i32
      %mul3A_434 = arith.muli %add3A, %mul3A_433 : i32
      %add3A_435 = arith.addi %mul3A_434, %rem3A_432 : i32
      %dma_wait3A_436 = arith.constant 0 : i32
      %dma_wait3A_437 = arith.constant 0 : i32
      %dma_wait3A_438 = tpu.memref_slice %arg3[%add3A_435, %dma_wait3A_436, %dma_wait3A_437] : memref<3456x2x96xi32, #tpu.memory_space<hbm>> -> memref<1x2x96xi32, #tpu.memory_space<hbm>>
      %dma_wait3A_439 = tpu.memref_squeeze %dma_wait3A_438 : memref<1x2x96xi32, #tpu.memory_space<hbm>> -> memref<2x96xi32, #tpu.memory_space<hbm>>
      %dma_wait3A_440 = arith.constant 0 : i32
      %dma_wait3A_441 = arith.constant 0 : i32
      %dma_wait3A_442 = tpu.memref_slice %arg3[%add3A_435, %dma_wait3A_440, %dma_wait3A_441] : memref<3456x2x96xi32, #tpu.memory_space<hbm>> -> memref<1x2x96xi32, #tpu.memory_space<hbm>>
      %dma_wait3A_443 = tpu.memref_squeeze %dma_wait3A_442 : memref<1x2x96xi32, #tpu.memory_space<hbm>> -> memref<2x96xi32, #tpu.memory_space<hbm>>
      tpu.wait_dma2 semaphore(%arg17 : memref<!tpu.dma_semaphore, #tpu.memory_space<semaphore_mem>>) src(%dma_wait3A_443 : memref<2x96xi32, #tpu.memory_space<hbm>>) dst(%arg9 : memref<2x96xi32, #tpu.memory_space<vmem>>)
      %dma_start3A_444 = arith.constant 0 : i32
      %dma_start3A_445 = arith.constant 0 : i32
      %dma_start3A_446 = tpu.memref_slice %arg9[%dma_start3A_444, %dma_start3A_445] : memref<2x96xi32, #tpu.memory_space<vmem>> -> memref<1x96xi32, #tpu.memory_space<vmem>>
      %dma_start3A_447 = tpu.memref_squeeze %dma_start3A_446 : memref<1x96xi32, #tpu.memory_space<vmem>> -> memref<96xi32, #tpu.memory_space<vmem>>
      %dma_start3A_448 = arith.constant 0 : i32
      %dma_start3A_449 = arith.constant 0 : i32
      %dma_start3A_450 = tpu.memref_slice %arg2[%dma_start3A_448, %dma_start3A_449] : memref<10000x128xf32, #tpu.memory_space<hbm>> -> memref<10000x128xf32, #tpu.memory_space<hbm>>
      tpu.enqueue_indirect_dma source(%dma_start3A_450 : memref<10000x128xf32, #tpu.memory_space<hbm>>) target(%arg14 : memref<96x128xf32, #tpu.memory_space<vmem>>) offsets(%dma_start3A_447 : memref<96xi32, #tpu.memory_space<vmem>>) semaphore(%arg22 : memref<!tpu.dma_semaphore, #tpu.memory_space<semaphore_mem>>)
      %add3A_451 = arith.constant 2 : i32
      %add3A_452 = arith.addi %add3A_402, %add3A_451 : i32
      %add3A_453 = arith.constant 1 : i32
      %add3A_454 = arith.addi %add3A_452, %add3A_453 : i32
      %rem3A_455 = arith.constant 108 : i32
      %rem3A_456 = arith.remsi %add3A_454, %rem3A_455 : i32
      %mul3A_457 = arith.constant 108 : i32
      %mul3A_458 = arith.muli %add3A, %mul3A_457 : i32
      %add3A_459 = arith.addi %mul3A_458, %rem3A_456 : i32
      %dma_start3A_460 = arith.constant 0 : i32
      %dma_start3A_461 = arith.constant 0 : i32
      %dma_start3A_462 = tpu.memref_slice %arg3[%add3A_459, %dma_start3A_460, %dma_start3A_461] : memref<3456x2x96xi32, #tpu.memory_space<hbm>> -> memref<1x2x96xi32, #tpu.memory_space<hbm>>
      %dma_start3A_463 = tpu.memref_squeeze %dma_start3A_462 : memref<1x2x96xi32, #tpu.memory_space<hbm>> -> memref<2x96xi32, #tpu.memory_space<hbm>>
      %dma_start3A_464 = arith.constant 0 : i32
      %dma_start3A_465 = arith.constant 0 : i32
      %dma_start3A_466 = tpu.memref_slice %arg3[%add3A_459, %dma_start3A_464, %dma_start3A_465] : memref<3456x2x96xi32, #tpu.memory_space<hbm>> -> memref<1x2x96xi32, #tpu.memory_space<hbm>>
      %dma_start3A_467 = tpu.memref_squeeze %dma_start3A_466 : memref<1x2x96xi32, #tpu.memory_space<hbm>> -> memref<2x96xi32, #tpu.memory_space<hbm>>
      tpu.enqueue_dma source(%dma_start3A_467 : memref<2x96xi32, #tpu.memory_space<hbm>>) target(%arg10 : memref<2x96xi32, #tpu.memory_space<vmem>>) target_semaphore(%arg18 : memref<!tpu.dma_semaphore, #tpu.memory_space<semaphore_mem>>)
      %mul3A_468 = arith.constant 12 : i32
      %mul3A_469 = arith.muli %scan3A_264, %mul3A_468 : i32
      %add3A_470 = arith.constant 3 : i32
      %add3A_471 = arith.addi %mul3A_469, %add3A_470 : i32
      %dma_wait3A_472 = arith.constant 0 : i32
      %dma_wait3A_473 = arith.constant 0 : i32
      %dma_wait3A_474 = tpu.memref_slice %arg12[%dma_wait3A_472, %dma_wait3A_473] : memref<2x96xi32, #tpu.memory_space<vmem>> -> memref<1x96xi32, #tpu.memory_space<vmem>>
      %dma_wait3A_475 = tpu.memref_squeeze %dma_wait3A_474 : memref<1x96xi32, #tpu.memory_space<vmem>> -> memref<96xi32, #tpu.memory_space<vmem>>
      %dma_wait3A_476 = arith.constant 0 : i32
      %dma_wait3A_477 = arith.constant 0 : i32
      %dma_wait3A_478 = tpu.memref_slice %arg2[%dma_wait3A_476, %dma_wait3A_477] : memref<10000x128xf32, #tpu.memory_space<hbm>> -> memref<10000x128xf32, #tpu.memory_space<hbm>>
      tpu.wait_indirect_dma semaphore(%arg21 : memref<!tpu.dma_semaphore, #tpu.memory_space<semaphore_mem>>) src(%dma_wait3A_478 : memref<10000x128xf32, #tpu.memory_space<hbm>>) dst(%arg13 : memref<96x128xf32, #tpu.memory_space<vmem>>)
      %dma_start3A_479 = arith.constant 1 : i32
      %dma_start3A_480 = arith.constant 0 : i32
      %dma_start3A_481 = tpu.memref_slice %arg12[%dma_start3A_479, %dma_start3A_480] : memref<2x96xi32, #tpu.memory_space<vmem>> -> memref<1x96xi32, #tpu.memory_space<vmem>>
      %dma_start3A_482 = tpu.memref_squeeze %dma_start3A_481 : memref<1x96xi32, #tpu.memory_space<vmem>> -> memref<96xi32, #tpu.memory_space<vmem>>
      %dma_start3A_483 = arith.constant 0 : i32
      %dma_start3A_484 = arith.constant 0 : i32
      %dma_start3A_485 = tpu.memref_slice %arg16[%dma_start3A_483, %dma_start3A_484] : memref<10112x128xf32, #tpu.memory_space<vmem_shared>> -> memref<10112x128xf32, #tpu.memory_space<vmem_shared>>
      tpu.enqueue_indirect_dma source(%arg13 : memref<96x128xf32, #tpu.memory_space<vmem>>) target(%dma_start3A_485 : memref<10112x128xf32, #tpu.memory_space<vmem_shared>>) offsets(%dma_start3A_482 : memref<96xi32, #tpu.memory_space<vmem>>) semaphore(%arg24 : memref<!tpu.dma_semaphore, #tpu.memory_space<semaphore_mem>>) {add = true}
      %dma_start3A_486 = arith.constant 1 : i32
      %dma_start3A_487 = arith.constant 0 : i32
      %dma_start3A_488 = tpu.memref_slice %arg12[%dma_start3A_486, %dma_start3A_487] : memref<2x96xi32, #tpu.memory_space<vmem>> -> memref<1x96xi32, #tpu.memory_space<vmem>>
      %dma_start3A_489 = tpu.memref_squeeze %dma_start3A_488 : memref<1x96xi32, #tpu.memory_space<vmem>> -> memref<96xi32, #tpu.memory_space<vmem>>
      %dma_start3A_490 = arith.constant 0 : i32
      %dma_start3A_491 = arith.constant 0 : i32
      %dma_start3A_492 = tpu.memref_slice %arg28[%dma_start3A_490, %dma_start3A_491] : memref<10112x16xf32, #tpu.memory_space<vmem_shared>> -> memref<10112x16xf32, #tpu.memory_space<vmem_shared>>
      tpu.enqueue_indirect_dma source(%arg27 : memref<96x16xf32, #tpu.memory_space<vmem>>) target(%dma_start3A_492 : memref<10112x16xf32, #tpu.memory_space<vmem_shared>>) offsets(%dma_start3A_489 : memref<96xi32, #tpu.memory_space<vmem>>) semaphore(%arg24 : memref<!tpu.dma_semaphore, #tpu.memory_space<semaphore_mem>>) {add = true}
      %gt3A_493 = arith.constant 0 : i32
      %gt3A_494 = arith.cmpi sgt, %add3A_471, %gt3A_493 : i32
      %convert_element_type3A_495 = arith.extui %gt3A_494 : i1 to i32
      %cond3A_496 = arith.constant 0 : i32
      %cond3A_497 = arith.cmpi ne, %convert_element_type3A_495, %cond3A_496 : i32
      scf.if %cond3A_497 {
        %dma_wait3A_1089 = arith.constant 1 : i32
        %dma_wait3A_1090 = arith.constant 0 : i32
        %dma_wait3A_1091 = tpu.memref_slice %arg11[%dma_wait3A_1089, %dma_wait3A_1090] : memref<2x96xi32, #tpu.memory_space<vmem>> -> memref<1x96xi32, #tpu.memory_space<vmem>>
        %dma_wait3A_1092 = tpu.memref_squeeze %dma_wait3A_1091 : memref<1x96xi32, #tpu.memory_space<vmem>> -> memref<96xi32, #tpu.memory_space<vmem>>
        %dma_wait3A_1093 = arith.constant 0 : i32
        %dma_wait3A_1094 = arith.constant 0 : i32
        %dma_wait3A_1095 = tpu.memref_slice %arg16[%dma_wait3A_1093, %dma_wait3A_1094] : memref<10112x128xf32, #tpu.memory_space<vmem_shared>> -> memref<10112x128xf32, #tpu.memory_space<vmem_shared>>
        tpu.wait_indirect_dma semaphore(%arg26 : memref<!tpu.dma_semaphore, #tpu.memory_space<semaphore_mem>>) src(%arg15 : memref<96x128xf32, #tpu.memory_space<vmem>>) dst(%dma_wait3A_1095 : memref<10112x128xf32, #tpu.memory_space<vmem_shared>>)
        %dma_wait3A_1096 = arith.constant 1 : i32
        %dma_wait3A_1097 = arith.constant 0 : i32
        %dma_wait3A_1098 = tpu.memref_slice %arg11[%dma_wait3A_1096, %dma_wait3A_1097] : memref<2x96xi32, #tpu.memory_space<vmem>> -> memref<1x96xi32, #tpu.memory_space<vmem>>
        %dma_wait3A_1099 = tpu.memref_squeeze %dma_wait3A_1098 : memref<1x96xi32, #tpu.memory_space<vmem>> -> memref<96xi32, #tpu.memory_space<vmem>>
        %dma_wait3A_1100 = arith.constant 0 : i32
        %dma_wait3A_1101 = arith.constant 0 : i32
        %dma_wait3A_1102 = tpu.memref_slice %arg28[%dma_wait3A_1100, %dma_wait3A_1101] : memref<10112x16xf32, #tpu.memory_space<vmem_shared>> -> memref<10112x16xf32, #tpu.memory_space<vmem_shared>>
        tpu.wait_indirect_dma semaphore(%arg26 : memref<!tpu.dma_semaphore, #tpu.memory_space<semaphore_mem>>) src(%arg27 : memref<96x16xf32, #tpu.memory_space<vmem>>) dst(%dma_wait3A_1102 : memref<10112x16xf32, #tpu.memory_space<vmem_shared>>)
      } else {
      }
      %add3A_498 = arith.constant 2 : i32
      %add3A_499 = arith.addi %add3A_471, %add3A_498 : i32
      %rem3A_500 = arith.constant 108 : i32
      %rem3A_501 = arith.remsi %add3A_499, %rem3A_500 : i32
      %mul3A_502 = arith.constant 108 : i32
      %mul3A_503 = arith.muli %add3A, %mul3A_502 : i32
      %add3A_504 = arith.addi %mul3A_503, %rem3A_501 : i32
      %dma_wait3A_505 = arith.constant 0 : i32
      %dma_wait3A_506 = arith.constant 0 : i32
      %dma_wait3A_507 = tpu.memref_slice %arg3[%add3A_504, %dma_wait3A_505, %dma_wait3A_506] : memref<3456x2x96xi32, #tpu.memory_space<hbm>> -> memref<1x2x96xi32, #tpu.memory_space<hbm>>
      %dma_wait3A_508 = tpu.memref_squeeze %dma_wait3A_507 : memref<1x2x96xi32, #tpu.memory_space<hbm>> -> memref<2x96xi32, #tpu.memory_space<hbm>>
      %dma_wait3A_509 = arith.constant 0 : i32
      %dma_wait3A_510 = arith.constant 0 : i32
      %dma_wait3A_511 = tpu.memref_slice %arg3[%add3A_504, %dma_wait3A_509, %dma_wait3A_510] : memref<3456x2x96xi32, #tpu.memory_space<hbm>> -> memref<1x2x96xi32, #tpu.memory_space<hbm>>
      %dma_wait3A_512 = tpu.memref_squeeze %dma_wait3A_511 : memref<1x2x96xi32, #tpu.memory_space<hbm>> -> memref<2x96xi32, #tpu.memory_space<hbm>>
      tpu.wait_dma2 semaphore(%arg18 : memref<!tpu.dma_semaphore, #tpu.memory_space<semaphore_mem>>) src(%dma_wait3A_512 : memref<2x96xi32, #tpu.memory_space<hbm>>) dst(%arg10 : memref<2x96xi32, #tpu.memory_space<vmem>>)
      %dma_start3A_513 = arith.constant 0 : i32
      %dma_start3A_514 = arith.constant 0 : i32
      %dma_start3A_515 = tpu.memref_slice %arg10[%dma_start3A_513, %dma_start3A_514] : memref<2x96xi32, #tpu.memory_space<vmem>> -> memref<1x96xi32, #tpu.memory_space<vmem>>
      %dma_start3A_516 = tpu.memref_squeeze %dma_start3A_515 : memref<1x96xi32, #tpu.memory_space<vmem>> -> memref<96xi32, #tpu.memory_space<vmem>>
      %dma_start3A_517 = arith.constant 0 : i32
      %dma_start3A_518 = arith.constant 0 : i32
      %dma_start3A_519 = tpu.memref_slice %arg2[%dma_start3A_517, %dma_start3A_518] : memref<10000x128xf32, #tpu.memory_space<hbm>> -> memref<10000x128xf32, #tpu.memory_space<hbm>>
      tpu.enqueue_indirect_dma source(%dma_start3A_519 : memref<10000x128xf32, #tpu.memory_space<hbm>>) target(%arg15 : memref<96x128xf32, #tpu.memory_space<vmem>>) offsets(%dma_start3A_516 : memref<96xi32, #tpu.memory_space<vmem>>) semaphore(%arg23 : memref<!tpu.dma_semaphore, #tpu.memory_space<semaphore_mem>>)
      %add3A_520 = arith.constant 2 : i32
      %add3A_521 = arith.addi %add3A_471, %add3A_520 : i32
      %add3A_522 = arith.constant 1 : i32
      %add3A_523 = arith.addi %add3A_521, %add3A_522 : i32
      %rem3A_524 = arith.constant 108 : i32
      %rem3A_525 = arith.remsi %add3A_523, %rem3A_524 : i32
      %mul3A_526 = arith.constant 108 : i32
      %mul3A_527 = arith.muli %add3A, %mul3A_526 : i32
      %add3A_528 = arith.addi %mul3A_527, %rem3A_525 : i32
      %dma_start3A_529 = arith.constant 0 : i32
      %dma_start3A_530 = arith.constant 0 : i32
      %dma_start3A_531 = tpu.memref_slice %arg3[%add3A_528, %dma_start3A_529, %dma_start3A_530] : memref<3456x2x96xi32, #tpu.memory_space<hbm>> -> memref<1x2x96xi32, #tpu.memory_space<hbm>>
      %dma_start3A_532 = tpu.memref_squeeze %dma_start3A_531 : memref<1x2x96xi32, #tpu.memory_space<hbm>> -> memref<2x96xi32, #tpu.memory_space<hbm>>
      %dma_start3A_533 = arith.constant 0 : i32
      %dma_start3A_534 = arith.constant 0 : i32
      %dma_start3A_535 = tpu.memref_slice %arg3[%add3A_528, %dma_start3A_533, %dma_start3A_534] : memref<3456x2x96xi32, #tpu.memory_space<hbm>> -> memref<1x2x96xi32, #tpu.memory_space<hbm>>
      %dma_start3A_536 = tpu.memref_squeeze %dma_start3A_535 : memref<1x2x96xi32, #tpu.memory_space<hbm>> -> memref<2x96xi32, #tpu.memory_space<hbm>>
      tpu.enqueue_dma source(%dma_start3A_536 : memref<2x96xi32, #tpu.memory_space<hbm>>) target(%arg11 : memref<2x96xi32, #tpu.memory_space<vmem>>) target_semaphore(%arg19 : memref<!tpu.dma_semaphore, #tpu.memory_space<semaphore_mem>>)
      %mul3A_537 = arith.constant 12 : i32
      %mul3A_538 = arith.muli %scan3A_264, %mul3A_537 : i32
      %add3A_539 = arith.constant 4 : i32
      %add3A_540 = arith.addi %mul3A_538, %add3A_539 : i32
      %dma_wait3A_541 = arith.constant 0 : i32
      %dma_wait3A_542 = arith.constant 0 : i32
      %dma_wait3A_543 = tpu.memref_slice %arg9[%dma_wait3A_541, %dma_wait3A_542] : memref<2x96xi32, #tpu.memory_space<vmem>> -> memref<1x96xi32, #tpu.memory_space<vmem>>
      %dma_wait3A_544 = tpu.memref_squeeze %dma_wait3A_543 : memref<1x96xi32, #tpu.memory_space<vmem>> -> memref<96xi32, #tpu.memory_space<vmem>>
      %dma_wait3A_545 = arith.constant 0 : i32
      %dma_wait3A_546 = arith.constant 0 : i32
      %dma_wait3A_547 = tpu.memref_slice %arg2[%dma_wait3A_545, %dma_wait3A_546] : memref<10000x128xf32, #tpu.memory_space<hbm>> -> memref<10000x128xf32, #tpu.memory_space<hbm>>
      tpu.wait_indirect_dma semaphore(%arg22 : memref<!tpu.dma_semaphore, #tpu.memory_space<semaphore_mem>>) src(%dma_wait3A_547 : memref<10000x128xf32, #tpu.memory_space<hbm>>) dst(%arg14 : memref<96x128xf32, #tpu.memory_space<vmem>>)
      %dma_start3A_548 = arith.constant 1 : i32
      %dma_start3A_549 = arith.constant 0 : i32
      %dma_start3A_550 = tpu.memref_slice %arg9[%dma_start3A_548, %dma_start3A_549] : memref<2x96xi32, #tpu.memory_space<vmem>> -> memref<1x96xi32, #tpu.memory_space<vmem>>
      %dma_start3A_551 = tpu.memref_squeeze %dma_start3A_550 : memref<1x96xi32, #tpu.memory_space<vmem>> -> memref<96xi32, #tpu.memory_space<vmem>>
      %dma_start3A_552 = arith.constant 0 : i32
      %dma_start3A_553 = arith.constant 0 : i32
      %dma_start3A_554 = tpu.memref_slice %arg16[%dma_start3A_552, %dma_start3A_553] : memref<10112x128xf32, #tpu.memory_space<vmem_shared>> -> memref<10112x128xf32, #tpu.memory_space<vmem_shared>>
      tpu.enqueue_indirect_dma source(%arg14 : memref<96x128xf32, #tpu.memory_space<vmem>>) target(%dma_start3A_554 : memref<10112x128xf32, #tpu.memory_space<vmem_shared>>) offsets(%dma_start3A_551 : memref<96xi32, #tpu.memory_space<vmem>>) semaphore(%arg25 : memref<!tpu.dma_semaphore, #tpu.memory_space<semaphore_mem>>) {add = true}
      %dma_start3A_555 = arith.constant 1 : i32
      %dma_start3A_556 = arith.constant 0 : i32
      %dma_start3A_557 = tpu.memref_slice %arg9[%dma_start3A_555, %dma_start3A_556] : memref<2x96xi32, #tpu.memory_space<vmem>> -> memref<1x96xi32, #tpu.memory_space<vmem>>
      %dma_start3A_558 = tpu.memref_squeeze %dma_start3A_557 : memref<1x96xi32, #tpu.memory_space<vmem>> -> memref<96xi32, #tpu.memory_space<vmem>>
      %dma_start3A_559 = arith.constant 0 : i32
      %dma_start3A_560 = arith.constant 0 : i32
      %dma_start3A_561 = tpu.memref_slice %arg28[%dma_start3A_559, %dma_start3A_560] : memref<10112x16xf32, #tpu.memory_space<vmem_shared>> -> memref<10112x16xf32, #tpu.memory_space<vmem_shared>>
      tpu.enqueue_indirect_dma source(%arg27 : memref<96x16xf32, #tpu.memory_space<vmem>>) target(%dma_start3A_561 : memref<10112x16xf32, #tpu.memory_space<vmem_shared>>) offsets(%dma_start3A_558 : memref<96xi32, #tpu.memory_space<vmem>>) semaphore(%arg25 : memref<!tpu.dma_semaphore, #tpu.memory_space<semaphore_mem>>) {add = true}
      %gt3A_562 = arith.constant 0 : i32
      %gt3A_563 = arith.cmpi sgt, %add3A_540, %gt3A_562 : i32
      %convert_element_type3A_564 = arith.extui %gt3A_563 : i1 to i32
      %cond3A_565 = arith.constant 0 : i32
      %cond3A_566 = arith.cmpi ne, %convert_element_type3A_564, %cond3A_565 : i32
      scf.if %cond3A_566 {
        %dma_wait3A_1089 = arith.constant 1 : i32
        %dma_wait3A_1090 = arith.constant 0 : i32
        %dma_wait3A_1091 = tpu.memref_slice %arg12[%dma_wait3A_1089, %dma_wait3A_1090] : memref<2x96xi32, #tpu.memory_space<vmem>> -> memref<1x96xi32, #tpu.memory_space<vmem>>
        %dma_wait3A_1092 = tpu.memref_squeeze %dma_wait3A_1091 : memref<1x96xi32, #tpu.memory_space<vmem>> -> memref<96xi32, #tpu.memory_space<vmem>>
        %dma_wait3A_1093 = arith.constant 0 : i32
        %dma_wait3A_1094 = arith.constant 0 : i32
        %dma_wait3A_1095 = tpu.memref_slice %arg16[%dma_wait3A_1093, %dma_wait3A_1094] : memref<10112x128xf32, #tpu.memory_space<vmem_shared>> -> memref<10112x128xf32, #tpu.memory_space<vmem_shared>>
        tpu.wait_indirect_dma semaphore(%arg24 : memref<!tpu.dma_semaphore, #tpu.memory_space<semaphore_mem>>) src(%arg13 : memref<96x128xf32, #tpu.memory_space<vmem>>) dst(%dma_wait3A_1095 : memref<10112x128xf32, #tpu.memory_space<vmem_shared>>)
        %dma_wait3A_1096 = arith.constant 1 : i32
        %dma_wait3A_1097 = arith.constant 0 : i32
        %dma_wait3A_1098 = tpu.memref_slice %arg12[%dma_wait3A_1096, %dma_wait3A_1097] : memref<2x96xi32, #tpu.memory_space<vmem>> -> memref<1x96xi32, #tpu.memory_space<vmem>>
        %dma_wait3A_1099 = tpu.memref_squeeze %dma_wait3A_1098 : memref<1x96xi32, #tpu.memory_space<vmem>> -> memref<96xi32, #tpu.memory_space<vmem>>
        %dma_wait3A_1100 = arith.constant 0 : i32
        %dma_wait3A_1101 = arith.constant 0 : i32
        %dma_wait3A_1102 = tpu.memref_slice %arg28[%dma_wait3A_1100, %dma_wait3A_1101] : memref<10112x16xf32, #tpu.memory_space<vmem_shared>> -> memref<10112x16xf32, #tpu.memory_space<vmem_shared>>
        tpu.wait_indirect_dma semaphore(%arg24 : memref<!tpu.dma_semaphore, #tpu.memory_space<semaphore_mem>>) src(%arg27 : memref<96x16xf32, #tpu.memory_space<vmem>>) dst(%dma_wait3A_1102 : memref<10112x16xf32, #tpu.memory_space<vmem_shared>>)
      } else {
      }
      %add3A_567 = arith.constant 2 : i32
      %add3A_568 = arith.addi %add3A_540, %add3A_567 : i32
      %rem3A_569 = arith.constant 108 : i32
      %rem3A_570 = arith.remsi %add3A_568, %rem3A_569 : i32
      %mul3A_571 = arith.constant 108 : i32
      %mul3A_572 = arith.muli %add3A, %mul3A_571 : i32
      %add3A_573 = arith.addi %mul3A_572, %rem3A_570 : i32
      %dma_wait3A_574 = arith.constant 0 : i32
      %dma_wait3A_575 = arith.constant 0 : i32
      %dma_wait3A_576 = tpu.memref_slice %arg3[%add3A_573, %dma_wait3A_574, %dma_wait3A_575] : memref<3456x2x96xi32, #tpu.memory_space<hbm>> -> memref<1x2x96xi32, #tpu.memory_space<hbm>>
      %dma_wait3A_577 = tpu.memref_squeeze %dma_wait3A_576 : memref<1x2x96xi32, #tpu.memory_space<hbm>> -> memref<2x96xi32, #tpu.memory_space<hbm>>
      %dma_wait3A_578 = arith.constant 0 : i32
      %dma_wait3A_579 = arith.constant 0 : i32
      %dma_wait3A_580 = tpu.memref_slice %arg3[%add3A_573, %dma_wait3A_578, %dma_wait3A_579] : memref<3456x2x96xi32, #tpu.memory_space<hbm>> -> memref<1x2x96xi32, #tpu.memory_space<hbm>>
      %dma_wait3A_581 = tpu.memref_squeeze %dma_wait3A_580 : memref<1x2x96xi32, #tpu.memory_space<hbm>> -> memref<2x96xi32, #tpu.memory_space<hbm>>
      tpu.wait_dma2 semaphore(%arg19 : memref<!tpu.dma_semaphore, #tpu.memory_space<semaphore_mem>>) src(%dma_wait3A_581 : memref<2x96xi32, #tpu.memory_space<hbm>>) dst(%arg11 : memref<2x96xi32, #tpu.memory_space<vmem>>)
      %dma_start3A_582 = arith.constant 0 : i32
      %dma_start3A_583 = arith.constant 0 : i32
      %dma_start3A_584 = tpu.memref_slice %arg11[%dma_start3A_582, %dma_start3A_583] : memref<2x96xi32, #tpu.memory_space<vmem>> -> memref<1x96xi32, #tpu.memory_space<vmem>>
      %dma_start3A_585 = tpu.memref_squeeze %dma_start3A_584 : memref<1x96xi32, #tpu.memory_space<vmem>> -> memref<96xi32, #tpu.memory_space<vmem>>
      %dma_start3A_586 = arith.constant 0 : i32
      %dma_start3A_587 = arith.constant 0 : i32
      %dma_start3A_588 = tpu.memref_slice %arg2[%dma_start3A_586, %dma_start3A_587] : memref<10000x128xf32, #tpu.memory_space<hbm>> -> memref<10000x128xf32, #tpu.memory_space<hbm>>
      tpu.enqueue_indirect_dma source(%dma_start3A_588 : memref<10000x128xf32, #tpu.memory_space<hbm>>) target(%arg13 : memref<96x128xf32, #tpu.memory_space<vmem>>) offsets(%dma_start3A_585 : memref<96xi32, #tpu.memory_space<vmem>>) semaphore(%arg21 : memref<!tpu.dma_semaphore, #tpu.memory_space<semaphore_mem>>)
      %add3A_589 = arith.constant 2 : i32
      %add3A_590 = arith.addi %add3A_540, %add3A_589 : i32
      %add3A_591 = arith.constant 1 : i32
      %add3A_592 = arith.addi %add3A_590, %add3A_591 : i32
      %rem3A_593 = arith.constant 108 : i32
      %rem3A_594 = arith.remsi %add3A_592, %rem3A_593 : i32
      %mul3A_595 = arith.constant 108 : i32
      %mul3A_596 = arith.muli %add3A, %mul3A_595 : i32
      %add3A_597 = arith.addi %mul3A_596, %rem3A_594 : i32
      %dma_start3A_598 = arith.constant 0 : i32
      %dma_start3A_599 = arith.constant 0 : i32
      %dma_start3A_600 = tpu.memref_slice %arg3[%add3A_597, %dma_start3A_598, %dma_start3A_599] : memref<3456x2x96xi32, #tpu.memory_space<hbm>> -> memref<1x2x96xi32, #tpu.memory_space<hbm>>
      %dma_start3A_601 = tpu.memref_squeeze %dma_start3A_600 : memref<1x2x96xi32, #tpu.memory_space<hbm>> -> memref<2x96xi32, #tpu.memory_space<hbm>>
      %dma_start3A_602 = arith.constant 0 : i32
      %dma_start3A_603 = arith.constant 0 : i32
      %dma_start3A_604 = tpu.memref_slice %arg3[%add3A_597, %dma_start3A_602, %dma_start3A_603] : memref<3456x2x96xi32, #tpu.memory_space<hbm>> -> memref<1x2x96xi32, #tpu.memory_space<hbm>>
      %dma_start3A_605 = tpu.memref_squeeze %dma_start3A_604 : memref<1x2x96xi32, #tpu.memory_space<hbm>> -> memref<2x96xi32, #tpu.memory_space<hbm>>
      tpu.enqueue_dma source(%dma_start3A_605 : memref<2x96xi32, #tpu.memory_space<hbm>>) target(%arg12 : memref<2x96xi32, #tpu.memory_space<vmem>>) target_semaphore(%arg20 : memref<!tpu.dma_semaphore, #tpu.memory_space<semaphore_mem>>)
      %mul3A_606 = arith.constant 12 : i32
      %mul3A_607 = arith.muli %scan3A_264, %mul3A_606 : i32
      %add3A_608 = arith.constant 5 : i32
      %add3A_609 = arith.addi %mul3A_607, %add3A_608 : i32
      %dma_wait3A_610 = arith.constant 0 : i32
      %dma_wait3A_611 = arith.constant 0 : i32
      %dma_wait3A_612 = tpu.memref_slice %arg10[%dma_wait3A_610, %dma_wait3A_611] : memref<2x96xi32, #tpu.memory_space<vmem>> -> memref<1x96xi32, #tpu.memory_space<vmem>>
      %dma_wait3A_613 = tpu.memref_squeeze %dma_wait3A_612 : memref<1x96xi32, #tpu.memory_space<vmem>> -> memref<96xi32, #tpu.memory_space<vmem>>
      %dma_wait3A_614 = arith.constant 0 : i32
      %dma_wait3A_615 = arith.constant 0 : i32
      %dma_wait3A_616 = tpu.memref_slice %arg2[%dma_wait3A_614, %dma_wait3A_615] : memref<10000x128xf32, #tpu.memory_space<hbm>> -> memref<10000x128xf32, #tpu.memory_space<hbm>>
      tpu.wait_indirect_dma semaphore(%arg23 : memref<!tpu.dma_semaphore, #tpu.memory_space<semaphore_mem>>) src(%dma_wait3A_616 : memref<10000x128xf32, #tpu.memory_space<hbm>>) dst(%arg15 : memref<96x128xf32, #tpu.memory_space<vmem>>)
      %dma_start3A_617 = arith.constant 1 : i32
      %dma_start3A_618 = arith.constant 0 : i32
      %dma_start3A_619 = tpu.memref_slice %arg10[%dma_start3A_617, %dma_start3A_618] : memref<2x96xi32, #tpu.memory_space<vmem>> -> memref<1x96xi32, #tpu.memory_space<vmem>>
      %dma_start3A_620 = tpu.memref_squeeze %dma_start3A_619 : memref<1x96xi32, #tpu.memory_space<vmem>> -> memref<96xi32, #tpu.memory_space<vmem>>
      %dma_start3A_621 = arith.constant 0 : i32
      %dma_start3A_622 = arith.constant 0 : i32
      %dma_start3A_623 = tpu.memref_slice %arg16[%dma_start3A_621, %dma_start3A_622] : memref<10112x128xf32, #tpu.memory_space<vmem_shared>> -> memref<10112x128xf32, #tpu.memory_space<vmem_shared>>
      tpu.enqueue_indirect_dma source(%arg15 : memref<96x128xf32, #tpu.memory_space<vmem>>) target(%dma_start3A_623 : memref<10112x128xf32, #tpu.memory_space<vmem_shared>>) offsets(%dma_start3A_620 : memref<96xi32, #tpu.memory_space<vmem>>) semaphore(%arg26 : memref<!tpu.dma_semaphore, #tpu.memory_space<semaphore_mem>>) {add = true}
      %dma_start3A_624 = arith.constant 1 : i32
      %dma_start3A_625 = arith.constant 0 : i32
      %dma_start3A_626 = tpu.memref_slice %arg10[%dma_start3A_624, %dma_start3A_625] : memref<2x96xi32, #tpu.memory_space<vmem>> -> memref<1x96xi32, #tpu.memory_space<vmem>>
      %dma_start3A_627 = tpu.memref_squeeze %dma_start3A_626 : memref<1x96xi32, #tpu.memory_space<vmem>> -> memref<96xi32, #tpu.memory_space<vmem>>
      %dma_start3A_628 = arith.constant 0 : i32
      %dma_start3A_629 = arith.constant 0 : i32
      %dma_start3A_630 = tpu.memref_slice %arg28[%dma_start3A_628, %dma_start3A_629] : memref<10112x16xf32, #tpu.memory_space<vmem_shared>> -> memref<10112x16xf32, #tpu.memory_space<vmem_shared>>
      tpu.enqueue_indirect_dma source(%arg27 : memref<96x16xf32, #tpu.memory_space<vmem>>) target(%dma_start3A_630 : memref<10112x16xf32, #tpu.memory_space<vmem_shared>>) offsets(%dma_start3A_627 : memref<96xi32, #tpu.memory_space<vmem>>) semaphore(%arg26 : memref<!tpu.dma_semaphore, #tpu.memory_space<semaphore_mem>>) {add = true}
      %gt3A_631 = arith.constant 0 : i32
      %gt3A_632 = arith.cmpi sgt, %add3A_609, %gt3A_631 : i32
      %convert_element_type3A_633 = arith.extui %gt3A_632 : i1 to i32
      %cond3A_634 = arith.constant 0 : i32
      %cond3A_635 = arith.cmpi ne, %convert_element_type3A_633, %cond3A_634 : i32
      scf.if %cond3A_635 {
        %dma_wait3A_1089 = arith.constant 1 : i32
        %dma_wait3A_1090 = arith.constant 0 : i32
        %dma_wait3A_1091 = tpu.memref_slice %arg9[%dma_wait3A_1089, %dma_wait3A_1090] : memref<2x96xi32, #tpu.memory_space<vmem>> -> memref<1x96xi32, #tpu.memory_space<vmem>>
        %dma_wait3A_1092 = tpu.memref_squeeze %dma_wait3A_1091 : memref<1x96xi32, #tpu.memory_space<vmem>> -> memref<96xi32, #tpu.memory_space<vmem>>
        %dma_wait3A_1093 = arith.constant 0 : i32
        %dma_wait3A_1094 = arith.constant 0 : i32
        %dma_wait3A_1095 = tpu.memref_slice %arg16[%dma_wait3A_1093, %dma_wait3A_1094] : memref<10112x128xf32, #tpu.memory_space<vmem_shared>> -> memref<10112x128xf32, #tpu.memory_space<vmem_shared>>
        tpu.wait_indirect_dma semaphore(%arg25 : memref<!tpu.dma_semaphore, #tpu.memory_space<semaphore_mem>>) src(%arg14 : memref<96x128xf32, #tpu.memory_space<vmem>>) dst(%dma_wait3A_1095 : memref<10112x128xf32, #tpu.memory_space<vmem_shared>>)
        %dma_wait3A_1096 = arith.constant 1 : i32
        %dma_wait3A_1097 = arith.constant 0 : i32
        %dma_wait3A_1098 = tpu.memref_slice %arg9[%dma_wait3A_1096, %dma_wait3A_1097] : memref<2x96xi32, #tpu.memory_space<vmem>> -> memref<1x96xi32, #tpu.memory_space<vmem>>
        %dma_wait3A_1099 = tpu.memref_squeeze %dma_wait3A_1098 : memref<1x96xi32, #tpu.memory_space<vmem>> -> memref<96xi32, #tpu.memory_space<vmem>>
        %dma_wait3A_1100 = arith.constant 0 : i32
        %dma_wait3A_1101 = arith.constant 0 : i32
        %dma_wait3A_1102 = tpu.memref_slice %arg28[%dma_wait3A_1100, %dma_wait3A_1101] : memref<10112x16xf32, #tpu.memory_space<vmem_shared>> -> memref<10112x16xf32, #tpu.memory_space<vmem_shared>>
        tpu.wait_indirect_dma semaphore(%arg25 : memref<!tpu.dma_semaphore, #tpu.memory_space<semaphore_mem>>) src(%arg27 : memref<96x16xf32, #tpu.memory_space<vmem>>) dst(%dma_wait3A_1102 : memref<10112x16xf32, #tpu.memory_space<vmem_shared>>)
      } else {
      }
      %add3A_636 = arith.constant 2 : i32
      %add3A_637 = arith.addi %add3A_609, %add3A_636 : i32
      %rem3A_638 = arith.constant 108 : i32
      %rem3A_639 = arith.remsi %add3A_637, %rem3A_638 : i32
      %mul3A_640 = arith.constant 108 : i32
      %mul3A_641 = arith.muli %add3A, %mul3A_640 : i32
      %add3A_642 = arith.addi %mul3A_641, %rem3A_639 : i32
      %dma_wait3A_643 = arith.constant 0 : i32
      %dma_wait3A_644 = arith.constant 0 : i32
      %dma_wait3A_645 = tpu.memref_slice %arg3[%add3A_642, %dma_wait3A_643, %dma_wait3A_644] : memref<3456x2x96xi32, #tpu.memory_space<hbm>> -> memref<1x2x96xi32, #tpu.memory_space<hbm>>
      %dma_wait3A_646 = tpu.memref_squeeze %dma_wait3A_645 : memref<1x2x96xi32, #tpu.memory_space<hbm>> -> memref<2x96xi32, #tpu.memory_space<hbm>>
      %dma_wait3A_647 = arith.constant 0 : i32
      %dma_wait3A_648 = arith.constant 0 : i32
      %dma_wait3A_649 = tpu.memref_slice %arg3[%add3A_642, %dma_wait3A_647, %dma_wait3A_648] : memref<3456x2x96xi32, #tpu.memory_space<hbm>> -> memref<1x2x96xi32, #tpu.memory_space<hbm>>
      %dma_wait3A_650 = tpu.memref_squeeze %dma_wait3A_649 : memref<1x2x96xi32, #tpu.memory_space<hbm>> -> memref<2x96xi32, #tpu.memory_space<hbm>>
      tpu.wait_dma2 semaphore(%arg20 : memref<!tpu.dma_semaphore, #tpu.memory_space<semaphore_mem>>) src(%dma_wait3A_650 : memref<2x96xi32, #tpu.memory_space<hbm>>) dst(%arg12 : memref<2x96xi32, #tpu.memory_space<vmem>>)
      %dma_start3A_651 = arith.constant 0 : i32
      %dma_start3A_652 = arith.constant 0 : i32
      %dma_start3A_653 = tpu.memref_slice %arg12[%dma_start3A_651, %dma_start3A_652] : memref<2x96xi32, #tpu.memory_space<vmem>> -> memref<1x96xi32, #tpu.memory_space<vmem>>
      %dma_start3A_654 = tpu.memref_squeeze %dma_start3A_653 : memref<1x96xi32, #tpu.memory_space<vmem>> -> memref<96xi32, #tpu.memory_space<vmem>>
      %dma_start3A_655 = arith.constant 0 : i32
      %dma_start3A_656 = arith.constant 0 : i32
      %dma_start3A_657 = tpu.memref_slice %arg2[%dma_start3A_655, %dma_start3A_656] : memref<10000x128xf32, #tpu.memory_space<hbm>> -> memref<10000x128xf32, #tpu.memory_space<hbm>>
      tpu.enqueue_indirect_dma source(%dma_start3A_657 : memref<10000x128xf32, #tpu.memory_space<hbm>>) target(%arg14 : memref<96x128xf32, #tpu.memory_space<vmem>>) offsets(%dma_start3A_654 : memref<96xi32, #tpu.memory_space<vmem>>) semaphore(%arg22 : memref<!tpu.dma_semaphore, #tpu.memory_space<semaphore_mem>>)
      %add3A_658 = arith.constant 2 : i32
      %add3A_659 = arith.addi %add3A_609, %add3A_658 : i32
      %add3A_660 = arith.constant 1 : i32
      %add3A_661 = arith.addi %add3A_659, %add3A_660 : i32
      %rem3A_662 = arith.constant 108 : i32
      %rem3A_663 = arith.remsi %add3A_661, %rem3A_662 : i32
      %mul3A_664 = arith.constant 108 : i32
      %mul3A_665 = arith.muli %add3A, %mul3A_664 : i32
      %add3A_666 = arith.addi %mul3A_665, %rem3A_663 : i32
      %dma_start3A_667 = arith.constant 0 : i32
      %dma_start3A_668 = arith.constant 0 : i32
      %dma_start3A_669 = tpu.memref_slice %arg3[%add3A_666, %dma_start3A_667, %dma_start3A_668] : memref<3456x2x96xi32, #tpu.memory_space<hbm>> -> memref<1x2x96xi32, #tpu.memory_space<hbm>>
      %dma_start3A_670 = tpu.memref_squeeze %dma_start3A_669 : memref<1x2x96xi32, #tpu.memory_space<hbm>> -> memref<2x96xi32, #tpu.memory_space<hbm>>
      %dma_start3A_671 = arith.constant 0 : i32
      %dma_start3A_672 = arith.constant 0 : i32
      %dma_start3A_673 = tpu.memref_slice %arg3[%add3A_666, %dma_start3A_671, %dma_start3A_672] : memref<3456x2x96xi32, #tpu.memory_space<hbm>> -> memref<1x2x96xi32, #tpu.memory_space<hbm>>
      %dma_start3A_674 = tpu.memref_squeeze %dma_start3A_673 : memref<1x2x96xi32, #tpu.memory_space<hbm>> -> memref<2x96xi32, #tpu.memory_space<hbm>>
      tpu.enqueue_dma source(%dma_start3A_674 : memref<2x96xi32, #tpu.memory_space<hbm>>) target(%arg9 : memref<2x96xi32, #tpu.memory_space<vmem>>) target_semaphore(%arg17 : memref<!tpu.dma_semaphore, #tpu.memory_space<semaphore_mem>>)
      %mul3A_675 = arith.constant 12 : i32
      %mul3A_676 = arith.muli %scan3A_264, %mul3A_675 : i32
      %add3A_677 = arith.constant 6 : i32
      %add3A_678 = arith.addi %mul3A_676, %add3A_677 : i32
      %dma_wait3A_679 = arith.constant 0 : i32
      %dma_wait3A_680 = arith.constant 0 : i32
      %dma_wait3A_681 = tpu.memref_slice %arg11[%dma_wait3A_679, %dma_wait3A_680] : memref<2x96xi32, #tpu.memory_space<vmem>> -> memref<1x96xi32, #tpu.memory_space<vmem>>
      %dma_wait3A_682 = tpu.memref_squeeze %dma_wait3A_681 : memref<1x96xi32, #tpu.memory_space<vmem>> -> memref<96xi32, #tpu.memory_space<vmem>>
      %dma_wait3A_683 = arith.constant 0 : i32
      %dma_wait3A_684 = arith.constant 0 : i32
      %dma_wait3A_685 = tpu.memref_slice %arg2[%dma_wait3A_683, %dma_wait3A_684] : memref<10000x128xf32, #tpu.memory_space<hbm>> -> memref<10000x128xf32, #tpu.memory_space<hbm>>
      tpu.wait_indirect_dma semaphore(%arg21 : memref<!tpu.dma_semaphore, #tpu.memory_space<semaphore_mem>>) src(%dma_wait3A_685 : memref<10000x128xf32, #tpu.memory_space<hbm>>) dst(%arg13 : memref<96x128xf32, #tpu.memory_space<vmem>>)
      %dma_start3A_686 = arith.constant 1 : i32
      %dma_start3A_687 = arith.constant 0 : i32
      %dma_start3A_688 = tpu.memref_slice %arg11[%dma_start3A_686, %dma_start3A_687] : memref<2x96xi32, #tpu.memory_space<vmem>> -> memref<1x96xi32, #tpu.memory_space<vmem>>
      %dma_start3A_689 = tpu.memref_squeeze %dma_start3A_688 : memref<1x96xi32, #tpu.memory_space<vmem>> -> memref<96xi32, #tpu.memory_space<vmem>>
      %dma_start3A_690 = arith.constant 0 : i32
      %dma_start3A_691 = arith.constant 0 : i32
      %dma_start3A_692 = tpu.memref_slice %arg16[%dma_start3A_690, %dma_start3A_691] : memref<10112x128xf32, #tpu.memory_space<vmem_shared>> -> memref<10112x128xf32, #tpu.memory_space<vmem_shared>>
      tpu.enqueue_indirect_dma source(%arg13 : memref<96x128xf32, #tpu.memory_space<vmem>>) target(%dma_start3A_692 : memref<10112x128xf32, #tpu.memory_space<vmem_shared>>) offsets(%dma_start3A_689 : memref<96xi32, #tpu.memory_space<vmem>>) semaphore(%arg24 : memref<!tpu.dma_semaphore, #tpu.memory_space<semaphore_mem>>) {add = true}
      %dma_start3A_693 = arith.constant 1 : i32
      %dma_start3A_694 = arith.constant 0 : i32
      %dma_start3A_695 = tpu.memref_slice %arg11[%dma_start3A_693, %dma_start3A_694] : memref<2x96xi32, #tpu.memory_space<vmem>> -> memref<1x96xi32, #tpu.memory_space<vmem>>
      %dma_start3A_696 = tpu.memref_squeeze %dma_start3A_695 : memref<1x96xi32, #tpu.memory_space<vmem>> -> memref<96xi32, #tpu.memory_space<vmem>>
      %dma_start3A_697 = arith.constant 0 : i32
      %dma_start3A_698 = arith.constant 0 : i32
      %dma_start3A_699 = tpu.memref_slice %arg28[%dma_start3A_697, %dma_start3A_698] : memref<10112x16xf32, #tpu.memory_space<vmem_shared>> -> memref<10112x16xf32, #tpu.memory_space<vmem_shared>>
      tpu.enqueue_indirect_dma source(%arg27 : memref<96x16xf32, #tpu.memory_space<vmem>>) target(%dma_start3A_699 : memref<10112x16xf32, #tpu.memory_space<vmem_shared>>) offsets(%dma_start3A_696 : memref<96xi32, #tpu.memory_space<vmem>>) semaphore(%arg24 : memref<!tpu.dma_semaphore, #tpu.memory_space<semaphore_mem>>) {add = true}
      %gt3A_700 = arith.constant 0 : i32
      %gt3A_701 = arith.cmpi sgt, %add3A_678, %gt3A_700 : i32
      %convert_element_type3A_702 = arith.extui %gt3A_701 : i1 to i32
      %cond3A_703 = arith.constant 0 : i32
      %cond3A_704 = arith.cmpi ne, %convert_element_type3A_702, %cond3A_703 : i32
      scf.if %cond3A_704 {
        %dma_wait3A_1089 = arith.constant 1 : i32
        %dma_wait3A_1090 = arith.constant 0 : i32
        %dma_wait3A_1091 = tpu.memref_slice %arg10[%dma_wait3A_1089, %dma_wait3A_1090] : memref<2x96xi32, #tpu.memory_space<vmem>> -> memref<1x96xi32, #tpu.memory_space<vmem>>
        %dma_wait3A_1092 = tpu.memref_squeeze %dma_wait3A_1091 : memref<1x96xi32, #tpu.memory_space<vmem>> -> memref<96xi32, #tpu.memory_space<vmem>>
        %dma_wait3A_1093 = arith.constant 0 : i32
        %dma_wait3A_1094 = arith.constant 0 : i32
        %dma_wait3A_1095 = tpu.memref_slice %arg16[%dma_wait3A_1093, %dma_wait3A_1094] : memref<10112x128xf32, #tpu.memory_space<vmem_shared>> -> memref<10112x128xf32, #tpu.memory_space<vmem_shared>>
        tpu.wait_indirect_dma semaphore(%arg26 : memref<!tpu.dma_semaphore, #tpu.memory_space<semaphore_mem>>) src(%arg15 : memref<96x128xf32, #tpu.memory_space<vmem>>) dst(%dma_wait3A_1095 : memref<10112x128xf32, #tpu.memory_space<vmem_shared>>)
        %dma_wait3A_1096 = arith.constant 1 : i32
        %dma_wait3A_1097 = arith.constant 0 : i32
        %dma_wait3A_1098 = tpu.memref_slice %arg10[%dma_wait3A_1096, %dma_wait3A_1097] : memref<2x96xi32, #tpu.memory_space<vmem>> -> memref<1x96xi32, #tpu.memory_space<vmem>>
        %dma_wait3A_1099 = tpu.memref_squeeze %dma_wait3A_1098 : memref<1x96xi32, #tpu.memory_space<vmem>> -> memref<96xi32, #tpu.memory_space<vmem>>
        %dma_wait3A_1100 = arith.constant 0 : i32
        %dma_wait3A_1101 = arith.constant 0 : i32
        %dma_wait3A_1102 = tpu.memref_slice %arg28[%dma_wait3A_1100, %dma_wait3A_1101] : memref<10112x16xf32, #tpu.memory_space<vmem_shared>> -> memref<10112x16xf32, #tpu.memory_space<vmem_shared>>
        tpu.wait_indirect_dma semaphore(%arg26 : memref<!tpu.dma_semaphore, #tpu.memory_space<semaphore_mem>>) src(%arg27 : memref<96x16xf32, #tpu.memory_space<vmem>>) dst(%dma_wait3A_1102 : memref<10112x16xf32, #tpu.memory_space<vmem_shared>>)
      } else {
      }
      %add3A_705 = arith.constant 2 : i32
      %add3A_706 = arith.addi %add3A_678, %add3A_705 : i32
      %rem3A_707 = arith.constant 108 : i32
      %rem3A_708 = arith.remsi %add3A_706, %rem3A_707 : i32
      %mul3A_709 = arith.constant 108 : i32
      %mul3A_710 = arith.muli %add3A, %mul3A_709 : i32
      %add3A_711 = arith.addi %mul3A_710, %rem3A_708 : i32
      %dma_wait3A_712 = arith.constant 0 : i32
      %dma_wait3A_713 = arith.constant 0 : i32
      %dma_wait3A_714 = tpu.memref_slice %arg3[%add3A_711, %dma_wait3A_712, %dma_wait3A_713] : memref<3456x2x96xi32, #tpu.memory_space<hbm>> -> memref<1x2x96xi32, #tpu.memory_space<hbm>>
      %dma_wait3A_715 = tpu.memref_squeeze %dma_wait3A_714 : memref<1x2x96xi32, #tpu.memory_space<hbm>> -> memref<2x96xi32, #tpu.memory_space<hbm>>
      %dma_wait3A_716 = arith.constant 0 : i32
      %dma_wait3A_717 = arith.constant 0 : i32
      %dma_wait3A_718 = tpu.memref_slice %arg3[%add3A_711, %dma_wait3A_716, %dma_wait3A_717] : memref<3456x2x96xi32, #tpu.memory_space<hbm>> -> memref<1x2x96xi32, #tpu.memory_space<hbm>>
      %dma_wait3A_719 = tpu.memref_squeeze %dma_wait3A_718 : memref<1x2x96xi32, #tpu.memory_space<hbm>> -> memref<2x96xi32, #tpu.memory_space<hbm>>
      tpu.wait_dma2 semaphore(%arg17 : memref<!tpu.dma_semaphore, #tpu.memory_space<semaphore_mem>>) src(%dma_wait3A_719 : memref<2x96xi32, #tpu.memory_space<hbm>>) dst(%arg9 : memref<2x96xi32, #tpu.memory_space<vmem>>)
      %dma_start3A_720 = arith.constant 0 : i32
      %dma_start3A_721 = arith.constant 0 : i32
      %dma_start3A_722 = tpu.memref_slice %arg9[%dma_start3A_720, %dma_start3A_721] : memref<2x96xi32, #tpu.memory_space<vmem>> -> memref<1x96xi32, #tpu.memory_space<vmem>>
      %dma_start3A_723 = tpu.memref_squeeze %dma_start3A_722 : memref<1x96xi32, #tpu.memory_space<vmem>> -> memref<96xi32, #tpu.memory_space<vmem>>
      %dma_start3A_724 = arith.constant 0 : i32
      %dma_start3A_725 = arith.constant 0 : i32
      %dma_start3A_726 = tpu.memref_slice %arg2[%dma_start3A_724, %dma_start3A_725] : memref<10000x128xf32, #tpu.memory_space<hbm>> -> memref<10000x128xf32, #tpu.memory_space<hbm>>
      tpu.enqueue_indirect_dma source(%dma_start3A_726 : memref<10000x128xf32, #tpu.memory_space<hbm>>) target(%arg15 : memref<96x128xf32, #tpu.memory_space<vmem>>) offsets(%dma_start3A_723 : memref<96xi32, #tpu.memory_space<vmem>>) semaphore(%arg23 : memref<!tpu.dma_semaphore, #tpu.memory_space<semaphore_mem>>)
      %add3A_727 = arith.constant 2 : i32
      %add3A_728 = arith.addi %add3A_678, %add3A_727 : i32
      %add3A_729 = arith.constant 1 : i32
      %add3A_730 = arith.addi %add3A_728, %add3A_729 : i32
      %rem3A_731 = arith.constant 108 : i32
      %rem3A_732 = arith.remsi %add3A_730, %rem3A_731 : i32
      %mul3A_733 = arith.constant 108 : i32
      %mul3A_734 = arith.muli %add3A, %mul3A_733 : i32
      %add3A_735 = arith.addi %mul3A_734, %rem3A_732 : i32
      %dma_start3A_736 = arith.constant 0 : i32
      %dma_start3A_737 = arith.constant 0 : i32
      %dma_start3A_738 = tpu.memref_slice %arg3[%add3A_735, %dma_start3A_736, %dma_start3A_737] : memref<3456x2x96xi32, #tpu.memory_space<hbm>> -> memref<1x2x96xi32, #tpu.memory_space<hbm>>
      %dma_start3A_739 = tpu.memref_squeeze %dma_start3A_738 : memref<1x2x96xi32, #tpu.memory_space<hbm>> -> memref<2x96xi32, #tpu.memory_space<hbm>>
      %dma_start3A_740 = arith.constant 0 : i32
      %dma_start3A_741 = arith.constant 0 : i32
      %dma_start3A_742 = tpu.memref_slice %arg3[%add3A_735, %dma_start3A_740, %dma_start3A_741] : memref<3456x2x96xi32, #tpu.memory_space<hbm>> -> memref<1x2x96xi32, #tpu.memory_space<hbm>>
      %dma_start3A_743 = tpu.memref_squeeze %dma_start3A_742 : memref<1x2x96xi32, #tpu.memory_space<hbm>> -> memref<2x96xi32, #tpu.memory_space<hbm>>
      tpu.enqueue_dma source(%dma_start3A_743 : memref<2x96xi32, #tpu.memory_space<hbm>>) target(%arg10 : memref<2x96xi32, #tpu.memory_space<vmem>>) target_semaphore(%arg18 : memref<!tpu.dma_semaphore, #tpu.memory_space<semaphore_mem>>)
      %mul3A_744 = arith.constant 12 : i32
      %mul3A_745 = arith.muli %scan3A_264, %mul3A_744 : i32
      %add3A_746 = arith.constant 7 : i32
      %add3A_747 = arith.addi %mul3A_745, %add3A_746 : i32
      %dma_wait3A_748 = arith.constant 0 : i32
      %dma_wait3A_749 = arith.constant 0 : i32
      %dma_wait3A_750 = tpu.memref_slice %arg12[%dma_wait3A_748, %dma_wait3A_749] : memref<2x96xi32, #tpu.memory_space<vmem>> -> memref<1x96xi32, #tpu.memory_space<vmem>>
      %dma_wait3A_751 = tpu.memref_squeeze %dma_wait3A_750 : memref<1x96xi32, #tpu.memory_space<vmem>> -> memref<96xi32, #tpu.memory_space<vmem>>
      %dma_wait3A_752 = arith.constant 0 : i32
      %dma_wait3A_753 = arith.constant 0 : i32
      %dma_wait3A_754 = tpu.memref_slice %arg2[%dma_wait3A_752, %dma_wait3A_753] : memref<10000x128xf32, #tpu.memory_space<hbm>> -> memref<10000x128xf32, #tpu.memory_space<hbm>>
      tpu.wait_indirect_dma semaphore(%arg22 : memref<!tpu.dma_semaphore, #tpu.memory_space<semaphore_mem>>) src(%dma_wait3A_754 : memref<10000x128xf32, #tpu.memory_space<hbm>>) dst(%arg14 : memref<96x128xf32, #tpu.memory_space<vmem>>)
      %dma_start3A_755 = arith.constant 1 : i32
      %dma_start3A_756 = arith.constant 0 : i32
      %dma_start3A_757 = tpu.memref_slice %arg12[%dma_start3A_755, %dma_start3A_756] : memref<2x96xi32, #tpu.memory_space<vmem>> -> memref<1x96xi32, #tpu.memory_space<vmem>>
      %dma_start3A_758 = tpu.memref_squeeze %dma_start3A_757 : memref<1x96xi32, #tpu.memory_space<vmem>> -> memref<96xi32, #tpu.memory_space<vmem>>
      %dma_start3A_759 = arith.constant 0 : i32
      %dma_start3A_760 = arith.constant 0 : i32
      %dma_start3A_761 = tpu.memref_slice %arg16[%dma_start3A_759, %dma_start3A_760] : memref<10112x128xf32, #tpu.memory_space<vmem_shared>> -> memref<10112x128xf32, #tpu.memory_space<vmem_shared>>
      tpu.enqueue_indirect_dma source(%arg14 : memref<96x128xf32, #tpu.memory_space<vmem>>) target(%dma_start3A_761 : memref<10112x128xf32, #tpu.memory_space<vmem_shared>>) offsets(%dma_start3A_758 : memref<96xi32, #tpu.memory_space<vmem>>) semaphore(%arg25 : memref<!tpu.dma_semaphore, #tpu.memory_space<semaphore_mem>>) {add = true}
      %dma_start3A_762 = arith.constant 1 : i32
      %dma_start3A_763 = arith.constant 0 : i32
      %dma_start3A_764 = tpu.memref_slice %arg12[%dma_start3A_762, %dma_start3A_763] : memref<2x96xi32, #tpu.memory_space<vmem>> -> memref<1x96xi32, #tpu.memory_space<vmem>>
      %dma_start3A_765 = tpu.memref_squeeze %dma_start3A_764 : memref<1x96xi32, #tpu.memory_space<vmem>> -> memref<96xi32, #tpu.memory_space<vmem>>
      %dma_start3A_766 = arith.constant 0 : i32
      %dma_start3A_767 = arith.constant 0 : i32
      %dma_start3A_768 = tpu.memref_slice %arg28[%dma_start3A_766, %dma_start3A_767] : memref<10112x16xf32, #tpu.memory_space<vmem_shared>> -> memref<10112x16xf32, #tpu.memory_space<vmem_shared>>
      tpu.enqueue_indirect_dma source(%arg27 : memref<96x16xf32, #tpu.memory_space<vmem>>) target(%dma_start3A_768 : memref<10112x16xf32, #tpu.memory_space<vmem_shared>>) offsets(%dma_start3A_765 : memref<96xi32, #tpu.memory_space<vmem>>) semaphore(%arg25 : memref<!tpu.dma_semaphore, #tpu.memory_space<semaphore_mem>>) {add = true}
      %gt3A_769 = arith.constant 0 : i32
      %gt3A_770 = arith.cmpi sgt, %add3A_747, %gt3A_769 : i32
      %convert_element_type3A_771 = arith.extui %gt3A_770 : i1 to i32
      %cond3A_772 = arith.constant 0 : i32
      %cond3A_773 = arith.cmpi ne, %convert_element_type3A_771, %cond3A_772 : i32
      scf.if %cond3A_773 {
        %dma_wait3A_1089 = arith.constant 1 : i32
        %dma_wait3A_1090 = arith.constant 0 : i32
        %dma_wait3A_1091 = tpu.memref_slice %arg11[%dma_wait3A_1089, %dma_wait3A_1090] : memref<2x96xi32, #tpu.memory_space<vmem>> -> memref<1x96xi32, #tpu.memory_space<vmem>>
        %dma_wait3A_1092 = tpu.memref_squeeze %dma_wait3A_1091 : memref<1x96xi32, #tpu.memory_space<vmem>> -> memref<96xi32, #tpu.memory_space<vmem>>
        %dma_wait3A_1093 = arith.constant 0 : i32
        %dma_wait3A_1094 = arith.constant 0 : i32
        %dma_wait3A_1095 = tpu.memref_slice %arg16[%dma_wait3A_1093, %dma_wait3A_1094] : memref<10112x128xf32, #tpu.memory_space<vmem_shared>> -> memref<10112x128xf32, #tpu.memory_space<vmem_shared>>
        tpu.wait_indirect_dma semaphore(%arg24 : memref<!tpu.dma_semaphore, #tpu.memory_space<semaphore_mem>>) src(%arg13 : memref<96x128xf32, #tpu.memory_space<vmem>>) dst(%dma_wait3A_1095 : memref<10112x128xf32, #tpu.memory_space<vmem_shared>>)
        %dma_wait3A_1096 = arith.constant 1 : i32
        %dma_wait3A_1097 = arith.constant 0 : i32
        %dma_wait3A_1098 = tpu.memref_slice %arg11[%dma_wait3A_1096, %dma_wait3A_1097] : memref<2x96xi32, #tpu.memory_space<vmem>> -> memref<1x96xi32, #tpu.memory_space<vmem>>
        %dma_wait3A_1099 = tpu.memref_squeeze %dma_wait3A_1098 : memref<1x96xi32, #tpu.memory_space<vmem>> -> memref<96xi32, #tpu.memory_space<vmem>>
        %dma_wait3A_1100 = arith.constant 0 : i32
        %dma_wait3A_1101 = arith.constant 0 : i32
        %dma_wait3A_1102 = tpu.memref_slice %arg28[%dma_wait3A_1100, %dma_wait3A_1101] : memref<10112x16xf32, #tpu.memory_space<vmem_shared>> -> memref<10112x16xf32, #tpu.memory_space<vmem_shared>>
        tpu.wait_indirect_dma semaphore(%arg24 : memref<!tpu.dma_semaphore, #tpu.memory_space<semaphore_mem>>) src(%arg27 : memref<96x16xf32, #tpu.memory_space<vmem>>) dst(%dma_wait3A_1102 : memref<10112x16xf32, #tpu.memory_space<vmem_shared>>)
      } else {
      }
      %add3A_774 = arith.constant 2 : i32
      %add3A_775 = arith.addi %add3A_747, %add3A_774 : i32
      %rem3A_776 = arith.constant 108 : i32
      %rem3A_777 = arith.remsi %add3A_775, %rem3A_776 : i32
      %mul3A_778 = arith.constant 108 : i32
      %mul3A_779 = arith.muli %add3A, %mul3A_778 : i32
      %add3A_780 = arith.addi %mul3A_779, %rem3A_777 : i32
      %dma_wait3A_781 = arith.constant 0 : i32
      %dma_wait3A_782 = arith.constant 0 : i32
      %dma_wait3A_783 = tpu.memref_slice %arg3[%add3A_780, %dma_wait3A_781, %dma_wait3A_782] : memref<3456x2x96xi32, #tpu.memory_space<hbm>> -> memref<1x2x96xi32, #tpu.memory_space<hbm>>
      %dma_wait3A_784 = tpu.memref_squeeze %dma_wait3A_783 : memref<1x2x96xi32, #tpu.memory_space<hbm>> -> memref<2x96xi32, #tpu.memory_space<hbm>>
      %dma_wait3A_785 = arith.constant 0 : i32
      %dma_wait3A_786 = arith.constant 0 : i32
      %dma_wait3A_787 = tpu.memref_slice %arg3[%add3A_780, %dma_wait3A_785, %dma_wait3A_786] : memref<3456x2x96xi32, #tpu.memory_space<hbm>> -> memref<1x2x96xi32, #tpu.memory_space<hbm>>
      %dma_wait3A_788 = tpu.memref_squeeze %dma_wait3A_787 : memref<1x2x96xi32, #tpu.memory_space<hbm>> -> memref<2x96xi32, #tpu.memory_space<hbm>>
      tpu.wait_dma2 semaphore(%arg18 : memref<!tpu.dma_semaphore, #tpu.memory_space<semaphore_mem>>) src(%dma_wait3A_788 : memref<2x96xi32, #tpu.memory_space<hbm>>) dst(%arg10 : memref<2x96xi32, #tpu.memory_space<vmem>>)
      %dma_start3A_789 = arith.constant 0 : i32
      %dma_start3A_790 = arith.constant 0 : i32
      %dma_start3A_791 = tpu.memref_slice %arg10[%dma_start3A_789, %dma_start3A_790] : memref<2x96xi32, #tpu.memory_space<vmem>> -> memref<1x96xi32, #tpu.memory_space<vmem>>
      %dma_start3A_792 = tpu.memref_squeeze %dma_start3A_791 : memref<1x96xi32, #tpu.memory_space<vmem>> -> memref<96xi32, #tpu.memory_space<vmem>>
      %dma_start3A_793 = arith.constant 0 : i32
      %dma_start3A_794 = arith.constant 0 : i32
      %dma_start3A_795 = tpu.memref_slice %arg2[%dma_start3A_793, %dma_start3A_794] : memref<10000x128xf32, #tpu.memory_space<hbm>> -> memref<10000x128xf32, #tpu.memory_space<hbm>>
      tpu.enqueue_indirect_dma source(%dma_start3A_795 : memref<10000x128xf32, #tpu.memory_space<hbm>>) target(%arg13 : memref<96x128xf32, #tpu.memory_space<vmem>>) offsets(%dma_start3A_792 : memref<96xi32, #tpu.memory_space<vmem>>) semaphore(%arg21 : memref<!tpu.dma_semaphore, #tpu.memory_space<semaphore_mem>>)
      %add3A_796 = arith.constant 2 : i32
      %add3A_797 = arith.addi %add3A_747, %add3A_796 : i32
      %add3A_798 = arith.constant 1 : i32
      %add3A_799 = arith.addi %add3A_797, %add3A_798 : i32
      %rem3A_800 = arith.constant 108 : i32
      %rem3A_801 = arith.remsi %add3A_799, %rem3A_800 : i32
      %mul3A_802 = arith.constant 108 : i32
      %mul3A_803 = arith.muli %add3A, %mul3A_802 : i32
      %add3A_804 = arith.addi %mul3A_803, %rem3A_801 : i32
      %dma_start3A_805 = arith.constant 0 : i32
      %dma_start3A_806 = arith.constant 0 : i32
      %dma_start3A_807 = tpu.memref_slice %arg3[%add3A_804, %dma_start3A_805, %dma_start3A_806] : memref<3456x2x96xi32, #tpu.memory_space<hbm>> -> memref<1x2x96xi32, #tpu.memory_space<hbm>>
      %dma_start3A_808 = tpu.memref_squeeze %dma_start3A_807 : memref<1x2x96xi32, #tpu.memory_space<hbm>> -> memref<2x96xi32, #tpu.memory_space<hbm>>
      %dma_start3A_809 = arith.constant 0 : i32
      %dma_start3A_810 = arith.constant 0 : i32
      %dma_start3A_811 = tpu.memref_slice %arg3[%add3A_804, %dma_start3A_809, %dma_start3A_810] : memref<3456x2x96xi32, #tpu.memory_space<hbm>> -> memref<1x2x96xi32, #tpu.memory_space<hbm>>
      %dma_start3A_812 = tpu.memref_squeeze %dma_start3A_811 : memref<1x2x96xi32, #tpu.memory_space<hbm>> -> memref<2x96xi32, #tpu.memory_space<hbm>>
      tpu.enqueue_dma source(%dma_start3A_812 : memref<2x96xi32, #tpu.memory_space<hbm>>) target(%arg11 : memref<2x96xi32, #tpu.memory_space<vmem>>) target_semaphore(%arg19 : memref<!tpu.dma_semaphore, #tpu.memory_space<semaphore_mem>>)
      %mul3A_813 = arith.constant 12 : i32
      %mul3A_814 = arith.muli %scan3A_264, %mul3A_813 : i32
      %add3A_815 = arith.constant 8 : i32
      %add3A_816 = arith.addi %mul3A_814, %add3A_815 : i32
      %dma_wait3A_817 = arith.constant 0 : i32
      %dma_wait3A_818 = arith.constant 0 : i32
      %dma_wait3A_819 = tpu.memref_slice %arg9[%dma_wait3A_817, %dma_wait3A_818] : memref<2x96xi32, #tpu.memory_space<vmem>> -> memref<1x96xi32, #tpu.memory_space<vmem>>
      %dma_wait3A_820 = tpu.memref_squeeze %dma_wait3A_819 : memref<1x96xi32, #tpu.memory_space<vmem>> -> memref<96xi32, #tpu.memory_space<vmem>>
      %dma_wait3A_821 = arith.constant 0 : i32
      %dma_wait3A_822 = arith.constant 0 : i32
      %dma_wait3A_823 = tpu.memref_slice %arg2[%dma_wait3A_821, %dma_wait3A_822] : memref<10000x128xf32, #tpu.memory_space<hbm>> -> memref<10000x128xf32, #tpu.memory_space<hbm>>
      tpu.wait_indirect_dma semaphore(%arg23 : memref<!tpu.dma_semaphore, #tpu.memory_space<semaphore_mem>>) src(%dma_wait3A_823 : memref<10000x128xf32, #tpu.memory_space<hbm>>) dst(%arg15 : memref<96x128xf32, #tpu.memory_space<vmem>>)
      %dma_start3A_824 = arith.constant 1 : i32
      %dma_start3A_825 = arith.constant 0 : i32
      %dma_start3A_826 = tpu.memref_slice %arg9[%dma_start3A_824, %dma_start3A_825] : memref<2x96xi32, #tpu.memory_space<vmem>> -> memref<1x96xi32, #tpu.memory_space<vmem>>
      %dma_start3A_827 = tpu.memref_squeeze %dma_start3A_826 : memref<1x96xi32, #tpu.memory_space<vmem>> -> memref<96xi32, #tpu.memory_space<vmem>>
      %dma_start3A_828 = arith.constant 0 : i32
      %dma_start3A_829 = arith.constant 0 : i32
      %dma_start3A_830 = tpu.memref_slice %arg16[%dma_start3A_828, %dma_start3A_829] : memref<10112x128xf32, #tpu.memory_space<vmem_shared>> -> memref<10112x128xf32, #tpu.memory_space<vmem_shared>>
      tpu.enqueue_indirect_dma source(%arg15 : memref<96x128xf32, #tpu.memory_space<vmem>>) target(%dma_start3A_830 : memref<10112x128xf32, #tpu.memory_space<vmem_shared>>) offsets(%dma_start3A_827 : memref<96xi32, #tpu.memory_space<vmem>>) semaphore(%arg26 : memref<!tpu.dma_semaphore, #tpu.memory_space<semaphore_mem>>) {add = true}
      %dma_start3A_831 = arith.constant 1 : i32
      %dma_start3A_832 = arith.constant 0 : i32
      %dma_start3A_833 = tpu.memref_slice %arg9[%dma_start3A_831, %dma_start3A_832] : memref<2x96xi32, #tpu.memory_space<vmem>> -> memref<1x96xi32, #tpu.memory_space<vmem>>
      %dma_start3A_834 = tpu.memref_squeeze %dma_start3A_833 : memref<1x96xi32, #tpu.memory_space<vmem>> -> memref<96xi32, #tpu.memory_space<vmem>>
      %dma_start3A_835 = arith.constant 0 : i32
      %dma_start3A_836 = arith.constant 0 : i32
      %dma_start3A_837 = tpu.memref_slice %arg28[%dma_start3A_835, %dma_start3A_836] : memref<10112x16xf32, #tpu.memory_space<vmem_shared>> -> memref<10112x16xf32, #tpu.memory_space<vmem_shared>>
      tpu.enqueue_indirect_dma source(%arg27 : memref<96x16xf32, #tpu.memory_space<vmem>>) target(%dma_start3A_837 : memref<10112x16xf32, #tpu.memory_space<vmem_shared>>) offsets(%dma_start3A_834 : memref<96xi32, #tpu.memory_space<vmem>>) semaphore(%arg26 : memref<!tpu.dma_semaphore, #tpu.memory_space<semaphore_mem>>) {add = true}
      %gt3A_838 = arith.constant 0 : i32
      %gt3A_839 = arith.cmpi sgt, %add3A_816, %gt3A_838 : i32
      %convert_element_type3A_840 = arith.extui %gt3A_839 : i1 to i32
      %cond3A_841 = arith.constant 0 : i32
      %cond3A_842 = arith.cmpi ne, %convert_element_type3A_840, %cond3A_841 : i32
      scf.if %cond3A_842 {
        %dma_wait3A_1089 = arith.constant 1 : i32
        %dma_wait3A_1090 = arith.constant 0 : i32
        %dma_wait3A_1091 = tpu.memref_slice %arg12[%dma_wait3A_1089, %dma_wait3A_1090] : memref<2x96xi32, #tpu.memory_space<vmem>> -> memref<1x96xi32, #tpu.memory_space<vmem>>
        %dma_wait3A_1092 = tpu.memref_squeeze %dma_wait3A_1091 : memref<1x96xi32, #tpu.memory_space<vmem>> -> memref<96xi32, #tpu.memory_space<vmem>>
        %dma_wait3A_1093 = arith.constant 0 : i32
        %dma_wait3A_1094 = arith.constant 0 : i32
        %dma_wait3A_1095 = tpu.memref_slice %arg16[%dma_wait3A_1093, %dma_wait3A_1094] : memref<10112x128xf32, #tpu.memory_space<vmem_shared>> -> memref<10112x128xf32, #tpu.memory_space<vmem_shared>>
        tpu.wait_indirect_dma semaphore(%arg25 : memref<!tpu.dma_semaphore, #tpu.memory_space<semaphore_mem>>) src(%arg14 : memref<96x128xf32, #tpu.memory_space<vmem>>) dst(%dma_wait3A_1095 : memref<10112x128xf32, #tpu.memory_space<vmem_shared>>)
        %dma_wait3A_1096 = arith.constant 1 : i32
        %dma_wait3A_1097 = arith.constant 0 : i32
        %dma_wait3A_1098 = tpu.memref_slice %arg12[%dma_wait3A_1096, %dma_wait3A_1097] : memref<2x96xi32, #tpu.memory_space<vmem>> -> memref<1x96xi32, #tpu.memory_space<vmem>>
        %dma_wait3A_1099 = tpu.memref_squeeze %dma_wait3A_1098 : memref<1x96xi32, #tpu.memory_space<vmem>> -> memref<96xi32, #tpu.memory_space<vmem>>
        %dma_wait3A_1100 = arith.constant 0 : i32
        %dma_wait3A_1101 = arith.constant 0 : i32
        %dma_wait3A_1102 = tpu.memref_slice %arg28[%dma_wait3A_1100, %dma_wait3A_1101] : memref<10112x16xf32, #tpu.memory_space<vmem_shared>> -> memref<10112x16xf32, #tpu.memory_space<vmem_shared>>
        tpu.wait_indirect_dma semaphore(%arg25 : memref<!tpu.dma_semaphore, #tpu.memory_space<semaphore_mem>>) src(%arg27 : memref<96x16xf32, #tpu.memory_space<vmem>>) dst(%dma_wait3A_1102 : memref<10112x16xf32, #tpu.memory_space<vmem_shared>>)
      } else {
      }
      %add3A_843 = arith.constant 2 : i32
      %add3A_844 = arith.addi %add3A_816, %add3A_843 : i32
      %rem3A_845 = arith.constant 108 : i32
      %rem3A_846 = arith.remsi %add3A_844, %rem3A_845 : i32
      %mul3A_847 = arith.constant 108 : i32
      %mul3A_848 = arith.muli %add3A, %mul3A_847 : i32
      %add3A_849 = arith.addi %mul3A_848, %rem3A_846 : i32
      %dma_wait3A_850 = arith.constant 0 : i32
      %dma_wait3A_851 = arith.constant 0 : i32
      %dma_wait3A_852 = tpu.memref_slice %arg3[%add3A_849, %dma_wait3A_850, %dma_wait3A_851] : memref<3456x2x96xi32, #tpu.memory_space<hbm>> -> memref<1x2x96xi32, #tpu.memory_space<hbm>>
      %dma_wait3A_853 = tpu.memref_squeeze %dma_wait3A_852 : memref<1x2x96xi32, #tpu.memory_space<hbm>> -> memref<2x96xi32, #tpu.memory_space<hbm>>
      %dma_wait3A_854 = arith.constant 0 : i32
      %dma_wait3A_855 = arith.constant 0 : i32
      %dma_wait3A_856 = tpu.memref_slice %arg3[%add3A_849, %dma_wait3A_854, %dma_wait3A_855] : memref<3456x2x96xi32, #tpu.memory_space<hbm>> -> memref<1x2x96xi32, #tpu.memory_space<hbm>>
      %dma_wait3A_857 = tpu.memref_squeeze %dma_wait3A_856 : memref<1x2x96xi32, #tpu.memory_space<hbm>> -> memref<2x96xi32, #tpu.memory_space<hbm>>
      tpu.wait_dma2 semaphore(%arg19 : memref<!tpu.dma_semaphore, #tpu.memory_space<semaphore_mem>>) src(%dma_wait3A_857 : memref<2x96xi32, #tpu.memory_space<hbm>>) dst(%arg11 : memref<2x96xi32, #tpu.memory_space<vmem>>)
      %dma_start3A_858 = arith.constant 0 : i32
      %dma_start3A_859 = arith.constant 0 : i32
      %dma_start3A_860 = tpu.memref_slice %arg11[%dma_start3A_858, %dma_start3A_859] : memref<2x96xi32, #tpu.memory_space<vmem>> -> memref<1x96xi32, #tpu.memory_space<vmem>>
      %dma_start3A_861 = tpu.memref_squeeze %dma_start3A_860 : memref<1x96xi32, #tpu.memory_space<vmem>> -> memref<96xi32, #tpu.memory_space<vmem>>
      %dma_start3A_862 = arith.constant 0 : i32
      %dma_start3A_863 = arith.constant 0 : i32
      %dma_start3A_864 = tpu.memref_slice %arg2[%dma_start3A_862, %dma_start3A_863] : memref<10000x128xf32, #tpu.memory_space<hbm>> -> memref<10000x128xf32, #tpu.memory_space<hbm>>
      tpu.enqueue_indirect_dma source(%dma_start3A_864 : memref<10000x128xf32, #tpu.memory_space<hbm>>) target(%arg14 : memref<96x128xf32, #tpu.memory_space<vmem>>) offsets(%dma_start3A_861 : memref<96xi32, #tpu.memory_space<vmem>>) semaphore(%arg22 : memref<!tpu.dma_semaphore, #tpu.memory_space<semaphore_mem>>)
      %add3A_865 = arith.constant 2 : i32
      %add3A_866 = arith.addi %add3A_816, %add3A_865 : i32
      %add3A_867 = arith.constant 1 : i32
      %add3A_868 = arith.addi %add3A_866, %add3A_867 : i32
      %rem3A_869 = arith.constant 108 : i32
      %rem3A_870 = arith.remsi %add3A_868, %rem3A_869 : i32
      %mul3A_871 = arith.constant 108 : i32
      %mul3A_872 = arith.muli %add3A, %mul3A_871 : i32
      %add3A_873 = arith.addi %mul3A_872, %rem3A_870 : i32
      %dma_start3A_874 = arith.constant 0 : i32
      %dma_start3A_875 = arith.constant 0 : i32
      %dma_start3A_876 = tpu.memref_slice %arg3[%add3A_873, %dma_start3A_874, %dma_start3A_875] : memref<3456x2x96xi32, #tpu.memory_space<hbm>> -> memref<1x2x96xi32, #tpu.memory_space<hbm>>
      %dma_start3A_877 = tpu.memref_squeeze %dma_start3A_876 : memref<1x2x96xi32, #tpu.memory_space<hbm>> -> memref<2x96xi32, #tpu.memory_space<hbm>>
      %dma_start3A_878 = arith.constant 0 : i32
      %dma_start3A_879 = arith.constant 0 : i32
      %dma_start3A_880 = tpu.memref_slice %arg3[%add3A_873, %dma_start3A_878, %dma_start3A_879] : memref<3456x2x96xi32, #tpu.memory_space<hbm>> -> memref<1x2x96xi32, #tpu.memory_space<hbm>>
      %dma_start3A_881 = tpu.memref_squeeze %dma_start3A_880 : memref<1x2x96xi32, #tpu.memory_space<hbm>> -> memref<2x96xi32, #tpu.memory_space<hbm>>
      tpu.enqueue_dma source(%dma_start3A_881 : memref<2x96xi32, #tpu.memory_space<hbm>>) target(%arg12 : memref<2x96xi32, #tpu.memory_space<vmem>>) target_semaphore(%arg20 : memref<!tpu.dma_semaphore, #tpu.memory_space<semaphore_mem>>)
      %mul3A_882 = arith.constant 12 : i32
      %mul3A_883 = arith.muli %scan3A_264, %mul3A_882 : i32
      %add3A_884 = arith.constant 9 : i32
      %add3A_885 = arith.addi %mul3A_883, %add3A_884 : i32
      %dma_wait3A_886 = arith.constant 0 : i32
      %dma_wait3A_887 = arith.constant 0 : i32
      %dma_wait3A_888 = tpu.memref_slice %arg10[%dma_wait3A_886, %dma_wait3A_887] : memref<2x96xi32, #tpu.memory_space<vmem>> -> memref<1x96xi32, #tpu.memory_space<vmem>>
      %dma_wait3A_889 = tpu.memref_squeeze %dma_wait3A_888 : memref<1x96xi32, #tpu.memory_space<vmem>> -> memref<96xi32, #tpu.memory_space<vmem>>
      %dma_wait3A_890 = arith.constant 0 : i32
      %dma_wait3A_891 = arith.constant 0 : i32
      %dma_wait3A_892 = tpu.memref_slice %arg2[%dma_wait3A_890, %dma_wait3A_891] : memref<10000x128xf32, #tpu.memory_space<hbm>> -> memref<10000x128xf32, #tpu.memory_space<hbm>>
      tpu.wait_indirect_dma semaphore(%arg21 : memref<!tpu.dma_semaphore, #tpu.memory_space<semaphore_mem>>) src(%dma_wait3A_892 : memref<10000x128xf32, #tpu.memory_space<hbm>>) dst(%arg13 : memref<96x128xf32, #tpu.memory_space<vmem>>)
      %dma_start3A_893 = arith.constant 1 : i32
      %dma_start3A_894 = arith.constant 0 : i32
      %dma_start3A_895 = tpu.memref_slice %arg10[%dma_start3A_893, %dma_start3A_894] : memref<2x96xi32, #tpu.memory_space<vmem>> -> memref<1x96xi32, #tpu.memory_space<vmem>>
      %dma_start3A_896 = tpu.memref_squeeze %dma_start3A_895 : memref<1x96xi32, #tpu.memory_space<vmem>> -> memref<96xi32, #tpu.memory_space<vmem>>
      %dma_start3A_897 = arith.constant 0 : i32
      %dma_start3A_898 = arith.constant 0 : i32
      %dma_start3A_899 = tpu.memref_slice %arg16[%dma_start3A_897, %dma_start3A_898] : memref<10112x128xf32, #tpu.memory_space<vmem_shared>> -> memref<10112x128xf32, #tpu.memory_space<vmem_shared>>
      tpu.enqueue_indirect_dma source(%arg13 : memref<96x128xf32, #tpu.memory_space<vmem>>) target(%dma_start3A_899 : memref<10112x128xf32, #tpu.memory_space<vmem_shared>>) offsets(%dma_start3A_896 : memref<96xi32, #tpu.memory_space<vmem>>) semaphore(%arg24 : memref<!tpu.dma_semaphore, #tpu.memory_space<semaphore_mem>>) {add = true}
      %dma_start3A_900 = arith.constant 1 : i32
      %dma_start3A_901 = arith.constant 0 : i32
      %dma_start3A_902 = tpu.memref_slice %arg10[%dma_start3A_900, %dma_start3A_901] : memref<2x96xi32, #tpu.memory_space<vmem>> -> memref<1x96xi32, #tpu.memory_space<vmem>>
      %dma_start3A_903 = tpu.memref_squeeze %dma_start3A_902 : memref<1x96xi32, #tpu.memory_space<vmem>> -> memref<96xi32, #tpu.memory_space<vmem>>
      %dma_start3A_904 = arith.constant 0 : i32
      %dma_start3A_905 = arith.constant 0 : i32
      %dma_start3A_906 = tpu.memref_slice %arg28[%dma_start3A_904, %dma_start3A_905] : memref<10112x16xf32, #tpu.memory_space<vmem_shared>> -> memref<10112x16xf32, #tpu.memory_space<vmem_shared>>
      tpu.enqueue_indirect_dma source(%arg27 : memref<96x16xf32, #tpu.memory_space<vmem>>) target(%dma_start3A_906 : memref<10112x16xf32, #tpu.memory_space<vmem_shared>>) offsets(%dma_start3A_903 : memref<96xi32, #tpu.memory_space<vmem>>) semaphore(%arg24 : memref<!tpu.dma_semaphore, #tpu.memory_space<semaphore_mem>>) {add = true}
      %gt3A_907 = arith.constant 0 : i32
      %gt3A_908 = arith.cmpi sgt, %add3A_885, %gt3A_907 : i32
      %convert_element_type3A_909 = arith.extui %gt3A_908 : i1 to i32
      %cond3A_910 = arith.constant 0 : i32
      %cond3A_911 = arith.cmpi ne, %convert_element_type3A_909, %cond3A_910 : i32
      scf.if %cond3A_911 {
        %dma_wait3A_1089 = arith.constant 1 : i32
        %dma_wait3A_1090 = arith.constant 0 : i32
        %dma_wait3A_1091 = tpu.memref_slice %arg9[%dma_wait3A_1089, %dma_wait3A_1090] : memref<2x96xi32, #tpu.memory_space<vmem>> -> memref<1x96xi32, #tpu.memory_space<vmem>>
        %dma_wait3A_1092 = tpu.memref_squeeze %dma_wait3A_1091 : memref<1x96xi32, #tpu.memory_space<vmem>> -> memref<96xi32, #tpu.memory_space<vmem>>
        %dma_wait3A_1093 = arith.constant 0 : i32
        %dma_wait3A_1094 = arith.constant 0 : i32
        %dma_wait3A_1095 = tpu.memref_slice %arg16[%dma_wait3A_1093, %dma_wait3A_1094] : memref<10112x128xf32, #tpu.memory_space<vmem_shared>> -> memref<10112x128xf32, #tpu.memory_space<vmem_shared>>
        tpu.wait_indirect_dma semaphore(%arg26 : memref<!tpu.dma_semaphore, #tpu.memory_space<semaphore_mem>>) src(%arg15 : memref<96x128xf32, #tpu.memory_space<vmem>>) dst(%dma_wait3A_1095 : memref<10112x128xf32, #tpu.memory_space<vmem_shared>>)
        %dma_wait3A_1096 = arith.constant 1 : i32
        %dma_wait3A_1097 = arith.constant 0 : i32
        %dma_wait3A_1098 = tpu.memref_slice %arg9[%dma_wait3A_1096, %dma_wait3A_1097] : memref<2x96xi32, #tpu.memory_space<vmem>> -> memref<1x96xi32, #tpu.memory_space<vmem>>
        %dma_wait3A_1099 = tpu.memref_squeeze %dma_wait3A_1098 : memref<1x96xi32, #tpu.memory_space<vmem>> -> memref<96xi32, #tpu.memory_space<vmem>>
        %dma_wait3A_1100 = arith.constant 0 : i32
        %dma_wait3A_1101 = arith.constant 0 : i32
        %dma_wait3A_1102 = tpu.memref_slice %arg28[%dma_wait3A_1100, %dma_wait3A_1101] : memref<10112x16xf32, #tpu.memory_space<vmem_shared>> -> memref<10112x16xf32, #tpu.memory_space<vmem_shared>>
        tpu.wait_indirect_dma semaphore(%arg26 : memref<!tpu.dma_semaphore, #tpu.memory_space<semaphore_mem>>) src(%arg27 : memref<96x16xf32, #tpu.memory_space<vmem>>) dst(%dma_wait3A_1102 : memref<10112x16xf32, #tpu.memory_space<vmem_shared>>)
      } else {
      }
      %add3A_912 = arith.constant 2 : i32
      %add3A_913 = arith.addi %add3A_885, %add3A_912 : i32
      %rem3A_914 = arith.constant 108 : i32
      %rem3A_915 = arith.remsi %add3A_913, %rem3A_914 : i32
      %mul3A_916 = arith.constant 108 : i32
      %mul3A_917 = arith.muli %add3A, %mul3A_916 : i32
      %add3A_918 = arith.addi %mul3A_917, %rem3A_915 : i32
      %dma_wait3A_919 = arith.constant 0 : i32
      %dma_wait3A_920 = arith.constant 0 : i32
      %dma_wait3A_921 = tpu.memref_slice %arg3[%add3A_918, %dma_wait3A_919, %dma_wait3A_920] : memref<3456x2x96xi32, #tpu.memory_space<hbm>> -> memref<1x2x96xi32, #tpu.memory_space<hbm>>
      %dma_wait3A_922 = tpu.memref_squeeze %dma_wait3A_921 : memref<1x2x96xi32, #tpu.memory_space<hbm>> -> memref<2x96xi32, #tpu.memory_space<hbm>>
      %dma_wait3A_923 = arith.constant 0 : i32
      %dma_wait3A_924 = arith.constant 0 : i32
      %dma_wait3A_925 = tpu.memref_slice %arg3[%add3A_918, %dma_wait3A_923, %dma_wait3A_924] : memref<3456x2x96xi32, #tpu.memory_space<hbm>> -> memref<1x2x96xi32, #tpu.memory_space<hbm>>
      %dma_wait3A_926 = tpu.memref_squeeze %dma_wait3A_925 : memref<1x2x96xi32, #tpu.memory_space<hbm>> -> memref<2x96xi32, #tpu.memory_space<hbm>>
      tpu.wait_dma2 semaphore(%arg20 : memref<!tpu.dma_semaphore, #tpu.memory_space<semaphore_mem>>) src(%dma_wait3A_926 : memref<2x96xi32, #tpu.memory_space<hbm>>) dst(%arg12 : memref<2x96xi32, #tpu.memory_space<vmem>>)
      %dma_start3A_927 = arith.constant 0 : i32
      %dma_start3A_928 = arith.constant 0 : i32
      %dma_start3A_929 = tpu.memref_slice %arg12[%dma_start3A_927, %dma_start3A_928] : memref<2x96xi32, #tpu.memory_space<vmem>> -> memref<1x96xi32, #tpu.memory_space<vmem>>
      %dma_start3A_930 = tpu.memref_squeeze %dma_start3A_929 : memref<1x96xi32, #tpu.memory_space<vmem>> -> memref<96xi32, #tpu.memory_space<vmem>>
      %dma_start3A_931 = arith.constant 0 : i32
      %dma_start3A_932 = arith.constant 0 : i32
      %dma_start3A_933 = tpu.memref_slice %arg2[%dma_start3A_931, %dma_start3A_932] : memref<10000x128xf32, #tpu.memory_space<hbm>> -> memref<10000x128xf32, #tpu.memory_space<hbm>>
      tpu.enqueue_indirect_dma source(%dma_start3A_933 : memref<10000x128xf32, #tpu.memory_space<hbm>>) target(%arg15 : memref<96x128xf32, #tpu.memory_space<vmem>>) offsets(%dma_start3A_930 : memref<96xi32, #tpu.memory_space<vmem>>) semaphore(%arg23 : memref<!tpu.dma_semaphore, #tpu.memory_space<semaphore_mem>>)
      %add3A_934 = arith.constant 2 : i32
      %add3A_935 = arith.addi %add3A_885, %add3A_934 : i32
      %add3A_936 = arith.constant 1 : i32
      %add3A_937 = arith.addi %add3A_935, %add3A_936 : i32
      %rem3A_938 = arith.constant 108 : i32
      %rem3A_939 = arith.remsi %add3A_937, %rem3A_938 : i32
      %mul3A_940 = arith.constant 108 : i32
      %mul3A_941 = arith.muli %add3A, %mul3A_940 : i32
      %add3A_942 = arith.addi %mul3A_941, %rem3A_939 : i32
      %dma_start3A_943 = arith.constant 0 : i32
      %dma_start3A_944 = arith.constant 0 : i32
      %dma_start3A_945 = tpu.memref_slice %arg3[%add3A_942, %dma_start3A_943, %dma_start3A_944] : memref<3456x2x96xi32, #tpu.memory_space<hbm>> -> memref<1x2x96xi32, #tpu.memory_space<hbm>>
      %dma_start3A_946 = tpu.memref_squeeze %dma_start3A_945 : memref<1x2x96xi32, #tpu.memory_space<hbm>> -> memref<2x96xi32, #tpu.memory_space<hbm>>
      %dma_start3A_947 = arith.constant 0 : i32
      %dma_start3A_948 = arith.constant 0 : i32
      %dma_start3A_949 = tpu.memref_slice %arg3[%add3A_942, %dma_start3A_947, %dma_start3A_948] : memref<3456x2x96xi32, #tpu.memory_space<hbm>> -> memref<1x2x96xi32, #tpu.memory_space<hbm>>
      %dma_start3A_950 = tpu.memref_squeeze %dma_start3A_949 : memref<1x2x96xi32, #tpu.memory_space<hbm>> -> memref<2x96xi32, #tpu.memory_space<hbm>>
      tpu.enqueue_dma source(%dma_start3A_950 : memref<2x96xi32, #tpu.memory_space<hbm>>) target(%arg9 : memref<2x96xi32, #tpu.memory_space<vmem>>) target_semaphore(%arg17 : memref<!tpu.dma_semaphore, #tpu.memory_space<semaphore_mem>>)
      %mul3A_951 = arith.constant 12 : i32
      %mul3A_952 = arith.muli %scan3A_264, %mul3A_951 : i32
      %add3A_953 = arith.constant 10 : i32
      %add3A_954 = arith.addi %mul3A_952, %add3A_953 : i32
      %dma_wait3A_955 = arith.constant 0 : i32
      %dma_wait3A_956 = arith.constant 0 : i32
      %dma_wait3A_957 = tpu.memref_slice %arg11[%dma_wait3A_955, %dma_wait3A_956] : memref<2x96xi32, #tpu.memory_space<vmem>> -> memref<1x96xi32, #tpu.memory_space<vmem>>
      %dma_wait3A_958 = tpu.memref_squeeze %dma_wait3A_957 : memref<1x96xi32, #tpu.memory_space<vmem>> -> memref<96xi32, #tpu.memory_space<vmem>>
      %dma_wait3A_959 = arith.constant 0 : i32
      %dma_wait3A_960 = arith.constant 0 : i32
      %dma_wait3A_961 = tpu.memref_slice %arg2[%dma_wait3A_959, %dma_wait3A_960] : memref<10000x128xf32, #tpu.memory_space<hbm>> -> memref<10000x128xf32, #tpu.memory_space<hbm>>
      tpu.wait_indirect_dma semaphore(%arg22 : memref<!tpu.dma_semaphore, #tpu.memory_space<semaphore_mem>>) src(%dma_wait3A_961 : memref<10000x128xf32, #tpu.memory_space<hbm>>) dst(%arg14 : memref<96x128xf32, #tpu.memory_space<vmem>>)
      %dma_start3A_962 = arith.constant 1 : i32
      %dma_start3A_963 = arith.constant 0 : i32
      %dma_start3A_964 = tpu.memref_slice %arg11[%dma_start3A_962, %dma_start3A_963] : memref<2x96xi32, #tpu.memory_space<vmem>> -> memref<1x96xi32, #tpu.memory_space<vmem>>
      %dma_start3A_965 = tpu.memref_squeeze %dma_start3A_964 : memref<1x96xi32, #tpu.memory_space<vmem>> -> memref<96xi32, #tpu.memory_space<vmem>>
      %dma_start3A_966 = arith.constant 0 : i32
      %dma_start3A_967 = arith.constant 0 : i32
      %dma_start3A_968 = tpu.memref_slice %arg16[%dma_start3A_966, %dma_start3A_967] : memref<10112x128xf32, #tpu.memory_space<vmem_shared>> -> memref<10112x128xf32, #tpu.memory_space<vmem_shared>>
      tpu.enqueue_indirect_dma source(%arg14 : memref<96x128xf32, #tpu.memory_space<vmem>>) target(%dma_start3A_968 : memref<10112x128xf32, #tpu.memory_space<vmem_shared>>) offsets(%dma_start3A_965 : memref<96xi32, #tpu.memory_space<vmem>>) semaphore(%arg25 : memref<!tpu.dma_semaphore, #tpu.memory_space<semaphore_mem>>) {add = true}
      %dma_start3A_969 = arith.constant 1 : i32
      %dma_start3A_970 = arith.constant 0 : i32
      %dma_start3A_971 = tpu.memref_slice %arg11[%dma_start3A_969, %dma_start3A_970] : memref<2x96xi32, #tpu.memory_space<vmem>> -> memref<1x96xi32, #tpu.memory_space<vmem>>
      %dma_start3A_972 = tpu.memref_squeeze %dma_start3A_971 : memref<1x96xi32, #tpu.memory_space<vmem>> -> memref<96xi32, #tpu.memory_space<vmem>>
      %dma_start3A_973 = arith.constant 0 : i32
      %dma_start3A_974 = arith.constant 0 : i32
      %dma_start3A_975 = tpu.memref_slice %arg28[%dma_start3A_973, %dma_start3A_974] : memref<10112x16xf32, #tpu.memory_space<vmem_shared>> -> memref<10112x16xf32, #tpu.memory_space<vmem_shared>>
      tpu.enqueue_indirect_dma source(%arg27 : memref<96x16xf32, #tpu.memory_space<vmem>>) target(%dma_start3A_975 : memref<10112x16xf32, #tpu.memory_space<vmem_shared>>) offsets(%dma_start3A_972 : memref<96xi32, #tpu.memory_space<vmem>>) semaphore(%arg25 : memref<!tpu.dma_semaphore, #tpu.memory_space<semaphore_mem>>) {add = true}
      %gt3A_976 = arith.constant 0 : i32
      %gt3A_977 = arith.cmpi sgt, %add3A_954, %gt3A_976 : i32
      %convert_element_type3A_978 = arith.extui %gt3A_977 : i1 to i32
      %cond3A_979 = arith.constant 0 : i32
      %cond3A_980 = arith.cmpi ne, %convert_element_type3A_978, %cond3A_979 : i32
      scf.if %cond3A_980 {
        %dma_wait3A_1089 = arith.constant 1 : i32
        %dma_wait3A_1090 = arith.constant 0 : i32
        %dma_wait3A_1091 = tpu.memref_slice %arg10[%dma_wait3A_1089, %dma_wait3A_1090] : memref<2x96xi32, #tpu.memory_space<vmem>> -> memref<1x96xi32, #tpu.memory_space<vmem>>
        %dma_wait3A_1092 = tpu.memref_squeeze %dma_wait3A_1091 : memref<1x96xi32, #tpu.memory_space<vmem>> -> memref<96xi32, #tpu.memory_space<vmem>>
        %dma_wait3A_1093 = arith.constant 0 : i32
        %dma_wait3A_1094 = arith.constant 0 : i32
        %dma_wait3A_1095 = tpu.memref_slice %arg16[%dma_wait3A_1093, %dma_wait3A_1094] : memref<10112x128xf32, #tpu.memory_space<vmem_shared>> -> memref<10112x128xf32, #tpu.memory_space<vmem_shared>>
        tpu.wait_indirect_dma semaphore(%arg24 : memref<!tpu.dma_semaphore, #tpu.memory_space<semaphore_mem>>) src(%arg13 : memref<96x128xf32, #tpu.memory_space<vmem>>) dst(%dma_wait3A_1095 : memref<10112x128xf32, #tpu.memory_space<vmem_shared>>)
        %dma_wait3A_1096 = arith.constant 1 : i32
        %dma_wait3A_1097 = arith.constant 0 : i32
        %dma_wait3A_1098 = tpu.memref_slice %arg10[%dma_wait3A_1096, %dma_wait3A_1097] : memref<2x96xi32, #tpu.memory_space<vmem>> -> memref<1x96xi32, #tpu.memory_space<vmem>>
        %dma_wait3A_1099 = tpu.memref_squeeze %dma_wait3A_1098 : memref<1x96xi32, #tpu.memory_space<vmem>> -> memref<96xi32, #tpu.memory_space<vmem>>
        %dma_wait3A_1100 = arith.constant 0 : i32
        %dma_wait3A_1101 = arith.constant 0 : i32
        %dma_wait3A_1102 = tpu.memref_slice %arg28[%dma_wait3A_1100, %dma_wait3A_1101] : memref<10112x16xf32, #tpu.memory_space<vmem_shared>> -> memref<10112x16xf32, #tpu.memory_space<vmem_shared>>
        tpu.wait_indirect_dma semaphore(%arg24 : memref<!tpu.dma_semaphore, #tpu.memory_space<semaphore_mem>>) src(%arg27 : memref<96x16xf32, #tpu.memory_space<vmem>>) dst(%dma_wait3A_1102 : memref<10112x16xf32, #tpu.memory_space<vmem_shared>>)
      } else {
      }
      %add3A_981 = arith.constant 2 : i32
      %add3A_982 = arith.addi %add3A_954, %add3A_981 : i32
      %rem3A_983 = arith.constant 108 : i32
      %rem3A_984 = arith.remsi %add3A_982, %rem3A_983 : i32
      %mul3A_985 = arith.constant 108 : i32
      %mul3A_986 = arith.muli %add3A, %mul3A_985 : i32
      %add3A_987 = arith.addi %mul3A_986, %rem3A_984 : i32
      %dma_wait3A_988 = arith.constant 0 : i32
      %dma_wait3A_989 = arith.constant 0 : i32
      %dma_wait3A_990 = tpu.memref_slice %arg3[%add3A_987, %dma_wait3A_988, %dma_wait3A_989] : memref<3456x2x96xi32, #tpu.memory_space<hbm>> -> memref<1x2x96xi32, #tpu.memory_space<hbm>>
      %dma_wait3A_991 = tpu.memref_squeeze %dma_wait3A_990 : memref<1x2x96xi32, #tpu.memory_space<hbm>> -> memref<2x96xi32, #tpu.memory_space<hbm>>
      %dma_wait3A_992 = arith.constant 0 : i32
      %dma_wait3A_993 = arith.constant 0 : i32
      %dma_wait3A_994 = tpu.memref_slice %arg3[%add3A_987, %dma_wait3A_992, %dma_wait3A_993] : memref<3456x2x96xi32, #tpu.memory_space<hbm>> -> memref<1x2x96xi32, #tpu.memory_space<hbm>>
      %dma_wait3A_995 = tpu.memref_squeeze %dma_wait3A_994 : memref<1x2x96xi32, #tpu.memory_space<hbm>> -> memref<2x96xi32, #tpu.memory_space<hbm>>
      tpu.wait_dma2 semaphore(%arg17 : memref<!tpu.dma_semaphore, #tpu.memory_space<semaphore_mem>>) src(%dma_wait3A_995 : memref<2x96xi32, #tpu.memory_space<hbm>>) dst(%arg9 : memref<2x96xi32, #tpu.memory_space<vmem>>)
      %dma_start3A_996 = arith.constant 0 : i32
      %dma_start3A_997 = arith.constant 0 : i32
      %dma_start3A_998 = tpu.memref_slice %arg9[%dma_start3A_996, %dma_start3A_997] : memref<2x96xi32, #tpu.memory_space<vmem>> -> memref<1x96xi32, #tpu.memory_space<vmem>>
      %dma_start3A_999 = tpu.memref_squeeze %dma_start3A_998 : memref<1x96xi32, #tpu.memory_space<vmem>> -> memref<96xi32, #tpu.memory_space<vmem>>
      %dma_start3A_1000 = arith.constant 0 : i32
      %dma_start3A_1001 = arith.constant 0 : i32
      %dma_start3A_1002 = tpu.memref_slice %arg2[%dma_start3A_1000, %dma_start3A_1001] : memref<10000x128xf32, #tpu.memory_space<hbm>> -> memref<10000x128xf32, #tpu.memory_space<hbm>>
      tpu.enqueue_indirect_dma source(%dma_start3A_1002 : memref<10000x128xf32, #tpu.memory_space<hbm>>) target(%arg13 : memref<96x128xf32, #tpu.memory_space<vmem>>) offsets(%dma_start3A_999 : memref<96xi32, #tpu.memory_space<vmem>>) semaphore(%arg21 : memref<!tpu.dma_semaphore, #tpu.memory_space<semaphore_mem>>)
      %add3A_1003 = arith.constant 2 : i32
      %add3A_1004 = arith.addi %add3A_954, %add3A_1003 : i32
      %add3A_1005 = arith.constant 1 : i32
      %add3A_1006 = arith.addi %add3A_1004, %add3A_1005 : i32
      %rem3A_1007 = arith.constant 108 : i32
      %rem3A_1008 = arith.remsi %add3A_1006, %rem3A_1007 : i32
      %mul3A_1009 = arith.constant 108 : i32
      %mul3A_1010 = arith.muli %add3A, %mul3A_1009 : i32
      %add3A_1011 = arith.addi %mul3A_1010, %rem3A_1008 : i32
      %dma_start3A_1012 = arith.constant 0 : i32
      %dma_start3A_1013 = arith.constant 0 : i32
      %dma_start3A_1014 = tpu.memref_slice %arg3[%add3A_1011, %dma_start3A_1012, %dma_start3A_1013] : memref<3456x2x96xi32, #tpu.memory_space<hbm>> -> memref<1x2x96xi32, #tpu.memory_space<hbm>>
      %dma_start3A_1015 = tpu.memref_squeeze %dma_start3A_1014 : memref<1x2x96xi32, #tpu.memory_space<hbm>> -> memref<2x96xi32, #tpu.memory_space<hbm>>
      %dma_start3A_1016 = arith.constant 0 : i32
      %dma_start3A_1017 = arith.constant 0 : i32
      %dma_start3A_1018 = tpu.memref_slice %arg3[%add3A_1011, %dma_start3A_1016, %dma_start3A_1017] : memref<3456x2x96xi32, #tpu.memory_space<hbm>> -> memref<1x2x96xi32, #tpu.memory_space<hbm>>
      %dma_start3A_1019 = tpu.memref_squeeze %dma_start3A_1018 : memref<1x2x96xi32, #tpu.memory_space<hbm>> -> memref<2x96xi32, #tpu.memory_space<hbm>>
      tpu.enqueue_dma source(%dma_start3A_1019 : memref<2x96xi32, #tpu.memory_space<hbm>>) target(%arg10 : memref<2x96xi32, #tpu.memory_space<vmem>>) target_semaphore(%arg18 : memref<!tpu.dma_semaphore, #tpu.memory_space<semaphore_mem>>)
      %mul3A_1020 = arith.constant 12 : i32
      %mul3A_1021 = arith.muli %scan3A_264, %mul3A_1020 : i32
      %add3A_1022 = arith.constant 11 : i32
      %add3A_1023 = arith.addi %mul3A_1021, %add3A_1022 : i32
      %dma_wait3A_1024 = arith.constant 0 : i32
      %dma_wait3A_1025 = arith.constant 0 : i32
      %dma_wait3A_1026 = tpu.memref_slice %arg12[%dma_wait3A_1024, %dma_wait3A_1025] : memref<2x96xi32, #tpu.memory_space<vmem>> -> memref<1x96xi32, #tpu.memory_space<vmem>>
      %dma_wait3A_1027 = tpu.memref_squeeze %dma_wait3A_1026 : memref<1x96xi32, #tpu.memory_space<vmem>> -> memref<96xi32, #tpu.memory_space<vmem>>
      %dma_wait3A_1028 = arith.constant 0 : i32
      %dma_wait3A_1029 = arith.constant 0 : i32
      %dma_wait3A_1030 = tpu.memref_slice %arg2[%dma_wait3A_1028, %dma_wait3A_1029] : memref<10000x128xf32, #tpu.memory_space<hbm>> -> memref<10000x128xf32, #tpu.memory_space<hbm>>
      tpu.wait_indirect_dma semaphore(%arg23 : memref<!tpu.dma_semaphore, #tpu.memory_space<semaphore_mem>>) src(%dma_wait3A_1030 : memref<10000x128xf32, #tpu.memory_space<hbm>>) dst(%arg15 : memref<96x128xf32, #tpu.memory_space<vmem>>)
      %dma_start3A_1031 = arith.constant 1 : i32
      %dma_start3A_1032 = arith.constant 0 : i32
      %dma_start3A_1033 = tpu.memref_slice %arg12[%dma_start3A_1031, %dma_start3A_1032] : memref<2x96xi32, #tpu.memory_space<vmem>> -> memref<1x96xi32, #tpu.memory_space<vmem>>
      %dma_start3A_1034 = tpu.memref_squeeze %dma_start3A_1033 : memref<1x96xi32, #tpu.memory_space<vmem>> -> memref<96xi32, #tpu.memory_space<vmem>>
      %dma_start3A_1035 = arith.constant 0 : i32
      %dma_start3A_1036 = arith.constant 0 : i32
      %dma_start3A_1037 = tpu.memref_slice %arg16[%dma_start3A_1035, %dma_start3A_1036] : memref<10112x128xf32, #tpu.memory_space<vmem_shared>> -> memref<10112x128xf32, #tpu.memory_space<vmem_shared>>
      tpu.enqueue_indirect_dma source(%arg15 : memref<96x128xf32, #tpu.memory_space<vmem>>) target(%dma_start3A_1037 : memref<10112x128xf32, #tpu.memory_space<vmem_shared>>) offsets(%dma_start3A_1034 : memref<96xi32, #tpu.memory_space<vmem>>) semaphore(%arg26 : memref<!tpu.dma_semaphore, #tpu.memory_space<semaphore_mem>>) {add = true}
      %dma_start3A_1038 = arith.constant 1 : i32
      %dma_start3A_1039 = arith.constant 0 : i32
      %dma_start3A_1040 = tpu.memref_slice %arg12[%dma_start3A_1038, %dma_start3A_1039] : memref<2x96xi32, #tpu.memory_space<vmem>> -> memref<1x96xi32, #tpu.memory_space<vmem>>
      %dma_start3A_1041 = tpu.memref_squeeze %dma_start3A_1040 : memref<1x96xi32, #tpu.memory_space<vmem>> -> memref<96xi32, #tpu.memory_space<vmem>>
      %dma_start3A_1042 = arith.constant 0 : i32
      %dma_start3A_1043 = arith.constant 0 : i32
      %dma_start3A_1044 = tpu.memref_slice %arg28[%dma_start3A_1042, %dma_start3A_1043] : memref<10112x16xf32, #tpu.memory_space<vmem_shared>> -> memref<10112x16xf32, #tpu.memory_space<vmem_shared>>
      tpu.enqueue_indirect_dma source(%arg27 : memref<96x16xf32, #tpu.memory_space<vmem>>) target(%dma_start3A_1044 : memref<10112x16xf32, #tpu.memory_space<vmem_shared>>) offsets(%dma_start3A_1041 : memref<96xi32, #tpu.memory_space<vmem>>) semaphore(%arg26 : memref<!tpu.dma_semaphore, #tpu.memory_space<semaphore_mem>>) {add = true}
      %gt3A_1045 = arith.constant 0 : i32
      %gt3A_1046 = arith.cmpi sgt, %add3A_1023, %gt3A_1045 : i32
      %convert_element_type3A_1047 = arith.extui %gt3A_1046 : i1 to i32
      %cond3A_1048 = arith.constant 0 : i32
      %cond3A_1049 = arith.cmpi ne, %convert_element_type3A_1047, %cond3A_1048 : i32
      scf.if %cond3A_1049 {
        %dma_wait3A_1089 = arith.constant 1 : i32
        %dma_wait3A_1090 = arith.constant 0 : i32
        %dma_wait3A_1091 = tpu.memref_slice %arg11[%dma_wait3A_1089, %dma_wait3A_1090] : memref<2x96xi32, #tpu.memory_space<vmem>> -> memref<1x96xi32, #tpu.memory_space<vmem>>
        %dma_wait3A_1092 = tpu.memref_squeeze %dma_wait3A_1091 : memref<1x96xi32, #tpu.memory_space<vmem>> -> memref<96xi32, #tpu.memory_space<vmem>>
        %dma_wait3A_1093 = arith.constant 0 : i32
        %dma_wait3A_1094 = arith.constant 0 : i32
        %dma_wait3A_1095 = tpu.memref_slice %arg16[%dma_wait3A_1093, %dma_wait3A_1094] : memref<10112x128xf32, #tpu.memory_space<vmem_shared>> -> memref<10112x128xf32, #tpu.memory_space<vmem_shared>>
        tpu.wait_indirect_dma semaphore(%arg25 : memref<!tpu.dma_semaphore, #tpu.memory_space<semaphore_mem>>) src(%arg14 : memref<96x128xf32, #tpu.memory_space<vmem>>) dst(%dma_wait3A_1095 : memref<10112x128xf32, #tpu.memory_space<vmem_shared>>)
        %dma_wait3A_1096 = arith.constant 1 : i32
        %dma_wait3A_1097 = arith.constant 0 : i32
        %dma_wait3A_1098 = tpu.memref_slice %arg11[%dma_wait3A_1096, %dma_wait3A_1097] : memref<2x96xi32, #tpu.memory_space<vmem>> -> memref<1x96xi32, #tpu.memory_space<vmem>>
        %dma_wait3A_1099 = tpu.memref_squeeze %dma_wait3A_1098 : memref<1x96xi32, #tpu.memory_space<vmem>> -> memref<96xi32, #tpu.memory_space<vmem>>
        %dma_wait3A_1100 = arith.constant 0 : i32
        %dma_wait3A_1101 = arith.constant 0 : i32
        %dma_wait3A_1102 = tpu.memref_slice %arg28[%dma_wait3A_1100, %dma_wait3A_1101] : memref<10112x16xf32, #tpu.memory_space<vmem_shared>> -> memref<10112x16xf32, #tpu.memory_space<vmem_shared>>
        tpu.wait_indirect_dma semaphore(%arg25 : memref<!tpu.dma_semaphore, #tpu.memory_space<semaphore_mem>>) src(%arg27 : memref<96x16xf32, #tpu.memory_space<vmem>>) dst(%dma_wait3A_1102 : memref<10112x16xf32, #tpu.memory_space<vmem_shared>>)
      } else {
      }
      %add3A_1050 = arith.constant 2 : i32
      %add3A_1051 = arith.addi %add3A_1023, %add3A_1050 : i32
      %rem3A_1052 = arith.constant 108 : i32
      %rem3A_1053 = arith.remsi %add3A_1051, %rem3A_1052 : i32
      %mul3A_1054 = arith.constant 108 : i32
      %mul3A_1055 = arith.muli %add3A, %mul3A_1054 : i32
      %add3A_1056 = arith.addi %mul3A_1055, %rem3A_1053 : i32
      %dma_wait3A_1057 = arith.constant 0 : i32
      %dma_wait3A_1058 = arith.constant 0 : i32
      %dma_wait3A_1059 = tpu.memref_slice %arg3[%add3A_1056, %dma_wait3A_1057, %dma_wait3A_1058] : memref<3456x2x96xi32, #tpu.memory_space<hbm>> -> memref<1x2x96xi32, #tpu.memory_space<hbm>>
      %dma_wait3A_1060 = tpu.memref_squeeze %dma_wait3A_1059 : memref<1x2x96xi32, #tpu.memory_space<hbm>> -> memref<2x96xi32, #tpu.memory_space<hbm>>
      %dma_wait3A_1061 = arith.constant 0 : i32
      %dma_wait3A_1062 = arith.constant 0 : i32
      %dma_wait3A_1063 = tpu.memref_slice %arg3[%add3A_1056, %dma_wait3A_1061, %dma_wait3A_1062] : memref<3456x2x96xi32, #tpu.memory_space<hbm>> -> memref<1x2x96xi32, #tpu.memory_space<hbm>>
      %dma_wait3A_1064 = tpu.memref_squeeze %dma_wait3A_1063 : memref<1x2x96xi32, #tpu.memory_space<hbm>> -> memref<2x96xi32, #tpu.memory_space<hbm>>
      tpu.wait_dma2 semaphore(%arg18 : memref<!tpu.dma_semaphore, #tpu.memory_space<semaphore_mem>>) src(%dma_wait3A_1064 : memref<2x96xi32, #tpu.memory_space<hbm>>) dst(%arg10 : memref<2x96xi32, #tpu.memory_space<vmem>>)
      %dma_start3A_1065 = arith.constant 0 : i32
      %dma_start3A_1066 = arith.constant 0 : i32
      %dma_start3A_1067 = tpu.memref_slice %arg10[%dma_start3A_1065, %dma_start3A_1066] : memref<2x96xi32, #tpu.memory_space<vmem>> -> memref<1x96xi32, #tpu.memory_space<vmem>>
      %dma_start3A_1068 = tpu.memref_squeeze %dma_start3A_1067 : memref<1x96xi32, #tpu.memory_space<vmem>> -> memref<96xi32, #tpu.memory_space<vmem>>
      %dma_start3A_1069 = arith.constant 0 : i32
      %dma_start3A_1070 = arith.constant 0 : i32
      %dma_start3A_1071 = tpu.memref_slice %arg2[%dma_start3A_1069, %dma_start3A_1070] : memref<10000x128xf32, #tpu.memory_space<hbm>> -> memref<10000x128xf32, #tpu.memory_space<hbm>>
      tpu.enqueue_indirect_dma source(%dma_start3A_1071 : memref<10000x128xf32, #tpu.memory_space<hbm>>) target(%arg14 : memref<96x128xf32, #tpu.memory_space<vmem>>) offsets(%dma_start3A_1068 : memref<96xi32, #tpu.memory_space<vmem>>) semaphore(%arg22 : memref<!tpu.dma_semaphore, #tpu.memory_space<semaphore_mem>>)
      %add3A_1072 = arith.constant 2 : i32
      %add3A_1073 = arith.addi %add3A_1023, %add3A_1072 : i32
      %add3A_1074 = arith.constant 1 : i32
      %add3A_1075 = arith.addi %add3A_1073, %add3A_1074 : i32
      %rem3A_1076 = arith.constant 108 : i32
      %rem3A_1077 = arith.remsi %add3A_1075, %rem3A_1076 : i32
      %mul3A_1078 = arith.constant 108 : i32
      %mul3A_1079 = arith.muli %add3A, %mul3A_1078 : i32
      %add3A_1080 = arith.addi %mul3A_1079, %rem3A_1077 : i32
      %dma_start3A_1081 = arith.constant 0 : i32
      %dma_start3A_1082 = arith.constant 0 : i32
      %dma_start3A_1083 = tpu.memref_slice %arg3[%add3A_1080, %dma_start3A_1081, %dma_start3A_1082] : memref<3456x2x96xi32, #tpu.memory_space<hbm>> -> memref<1x2x96xi32, #tpu.memory_space<hbm>>
      %dma_start3A_1084 = tpu.memref_squeeze %dma_start3A_1083 : memref<1x2x96xi32, #tpu.memory_space<hbm>> -> memref<2x96xi32, #tpu.memory_space<hbm>>
      %dma_start3A_1085 = arith.constant 0 : i32
      %dma_start3A_1086 = arith.constant 0 : i32
      %dma_start3A_1087 = tpu.memref_slice %arg3[%add3A_1080, %dma_start3A_1085, %dma_start3A_1086] : memref<3456x2x96xi32, #tpu.memory_space<hbm>> -> memref<1x2x96xi32, #tpu.memory_space<hbm>>
      %dma_start3A_1088 = tpu.memref_squeeze %dma_start3A_1087 : memref<1x2x96xi32, #tpu.memory_space<hbm>> -> memref<2x96xi32, #tpu.memory_space<hbm>>
      tpu.enqueue_dma source(%dma_start3A_1088 : memref<2x96xi32, #tpu.memory_space<hbm>>) target(%arg11 : memref<2x96xi32, #tpu.memory_space<vmem>>) target_semaphore(%arg19 : memref<!tpu.dma_semaphore, #tpu.memory_space<semaphore_mem>>)
    }
    %scan3A_133 = arith.constant 9 : i32
    %dma_wait3A_134 = arith.constant 0 : i32
    %dma_wait3A_135 = arith.constant 0 : i32
    %dma_wait3A_136 = tpu.memref_slice %arg9[%dma_wait3A_134, %dma_wait3A_135] : memref<2x96xi32, #tpu.memory_space<vmem>> -> memref<1x96xi32, #tpu.memory_space<vmem>>
    %dma_wait3A_137 = tpu.memref_squeeze %dma_wait3A_136 : memref<1x96xi32, #tpu.memory_space<vmem>> -> memref<96xi32, #tpu.memory_space<vmem>>
    %dma_wait3A_138 = arith.constant 0 : i32
    %dma_wait3A_139 = arith.constant 0 : i32
    %dma_wait3A_140 = tpu.memref_slice %arg2[%dma_wait3A_138, %dma_wait3A_139] : memref<10000x128xf32, #tpu.memory_space<hbm>> -> memref<10000x128xf32, #tpu.memory_space<hbm>>
    tpu.wait_indirect_dma semaphore(%arg21 : memref<!tpu.dma_semaphore, #tpu.memory_space<semaphore_mem>>) src(%dma_wait3A_140 : memref<10000x128xf32, #tpu.memory_space<hbm>>) dst(%arg13 : memref<96x128xf32, #tpu.memory_space<vmem>>)
    %dma_wait3A_141 = arith.constant 0 : i32
    %dma_wait3A_142 = arith.constant 0 : i32
    %dma_wait3A_143 = tpu.memref_slice %arg10[%dma_wait3A_141, %dma_wait3A_142] : memref<2x96xi32, #tpu.memory_space<vmem>> -> memref<1x96xi32, #tpu.memory_space<vmem>>
    %dma_wait3A_144 = tpu.memref_squeeze %dma_wait3A_143 : memref<1x96xi32, #tpu.memory_space<vmem>> -> memref<96xi32, #tpu.memory_space<vmem>>
    %dma_wait3A_145 = arith.constant 0 : i32
    %dma_wait3A_146 = arith.constant 0 : i32
    %dma_wait3A_147 = tpu.memref_slice %arg2[%dma_wait3A_145, %dma_wait3A_146] : memref<10000x128xf32, #tpu.memory_space<hbm>> -> memref<10000x128xf32, #tpu.memory_space<hbm>>
    tpu.wait_indirect_dma semaphore(%arg22 : memref<!tpu.dma_semaphore, #tpu.memory_space<semaphore_mem>>) src(%dma_wait3A_147 : memref<10000x128xf32, #tpu.memory_space<hbm>>) dst(%arg14 : memref<96x128xf32, #tpu.memory_space<vmem>>)
    %dma_wait3A_148 = arith.constant 1 : i32
    %dma_wait3A_149 = arith.constant 0 : i32
    %dma_wait3A_150 = tpu.memref_slice %arg12[%dma_wait3A_148, %dma_wait3A_149] : memref<2x96xi32, #tpu.memory_space<vmem>> -> memref<1x96xi32, #tpu.memory_space<vmem>>
    %dma_wait3A_151 = tpu.memref_squeeze %dma_wait3A_150 : memref<1x96xi32, #tpu.memory_space<vmem>> -> memref<96xi32, #tpu.memory_space<vmem>>
    %dma_wait3A_152 = arith.constant 0 : i32
    %dma_wait3A_153 = arith.constant 0 : i32
    %dma_wait3A_154 = tpu.memref_slice %arg16[%dma_wait3A_152, %dma_wait3A_153] : memref<10112x128xf32, #tpu.memory_space<vmem_shared>> -> memref<10112x128xf32, #tpu.memory_space<vmem_shared>>
    tpu.wait_indirect_dma semaphore(%arg26 : memref<!tpu.dma_semaphore, #tpu.memory_space<semaphore_mem>>) src(%arg15 : memref<96x128xf32, #tpu.memory_space<vmem>>) dst(%dma_wait3A_154 : memref<10112x128xf32, #tpu.memory_space<vmem_shared>>)
    %dma_wait3A_155 = arith.constant 1 : i32
    %dma_wait3A_156 = arith.constant 0 : i32
    %dma_wait3A_157 = tpu.memref_slice %arg12[%dma_wait3A_155, %dma_wait3A_156] : memref<2x96xi32, #tpu.memory_space<vmem>> -> memref<1x96xi32, #tpu.memory_space<vmem>>
    %dma_wait3A_158 = tpu.memref_squeeze %dma_wait3A_157 : memref<1x96xi32, #tpu.memory_space<vmem>> -> memref<96xi32, #tpu.memory_space<vmem>>
    %dma_wait3A_159 = arith.constant 0 : i32
    %dma_wait3A_160 = arith.constant 0 : i32
    %dma_wait3A_161 = tpu.memref_slice %arg28[%dma_wait3A_159, %dma_wait3A_160] : memref<10112x16xf32, #tpu.memory_space<vmem_shared>> -> memref<10112x16xf32, #tpu.memory_space<vmem_shared>>
    tpu.wait_indirect_dma semaphore(%arg26 : memref<!tpu.dma_semaphore, #tpu.memory_space<semaphore_mem>>) src(%arg27 : memref<96x16xf32, #tpu.memory_space<vmem>>) dst(%dma_wait3A_161 : memref<10112x16xf32, #tpu.memory_space<vmem_shared>>)
    %mul3A_162 = arith.constant 108 : i32
    %mul3A_163 = arith.muli %add3A, %mul3A_162 : i32
    %add3A_164 = arith.constant 2 : i32
    %add3A_165 = arith.addi %mul3A_163, %add3A_164 : i32
    %dma_wait3A_166 = arith.constant 0 : i32
    %dma_wait3A_167 = arith.constant 0 : i32
    %dma_wait3A_168 = tpu.memref_slice %arg3[%add3A_165, %dma_wait3A_166, %dma_wait3A_167] : memref<3456x2x96xi32, #tpu.memory_space<hbm>> -> memref<1x2x96xi32, #tpu.memory_space<hbm>>
    %dma_wait3A_169 = tpu.memref_squeeze %dma_wait3A_168 : memref<1x2x96xi32, #tpu.memory_space<hbm>> -> memref<2x96xi32, #tpu.memory_space<hbm>>
    %dma_wait3A_170 = arith.constant 0 : i32
    %dma_wait3A_171 = arith.constant 0 : i32
    %dma_wait3A_172 = tpu.memref_slice %arg3[%add3A_165, %dma_wait3A_170, %dma_wait3A_171] : memref<3456x2x96xi32, #tpu.memory_space<hbm>> -> memref<1x2x96xi32, #tpu.memory_space<hbm>>
    %dma_wait3A_173 = tpu.memref_squeeze %dma_wait3A_172 : memref<1x2x96xi32, #tpu.memory_space<hbm>> -> memref<2x96xi32, #tpu.memory_space<hbm>>
    tpu.wait_dma2 semaphore(%arg19 : memref<!tpu.dma_semaphore, #tpu.memory_space<semaphore_mem>>) src(%dma_wait3A_173 : memref<2x96xi32, #tpu.memory_space<hbm>>) dst(%arg11 : memref<2x96xi32, #tpu.memory_space<vmem>>)
    %barrier3A_174 = arith.constant 0 : index
    tpu.barrier barrier_id(%barrier3A_174)
    %mul3A_175 = arith.constant 10112 : i32
    %mul3A_176 = arith.muli %arg0, %mul3A_175 : i32
    %mul3A_177 = arith.constant 632 : i32
    %mul3A_178 = arith.muli %arg1, %mul3A_177 : i32
    %add3A_179 = arith.addi %mul3A_176, %mul3A_178 : i32
    %mul3A_180 = arith.constant 632 : i32
    %mul3A_181 = arith.muli %arg1, %mul3A_180 : i32
    %add3A_182 = arith.constant 0 : i32
    %add3A_183 = arith.addi %mul3A_181, %add3A_182 : i32
    "tpu.region"() ({
      %run_scoped3A = tpu.sem_alloc : memref<!tpu.dma_semaphore, #tpu.memory_space<semaphore_mem>>
      %dma_start3A_264 = arith.constant 0 : i32
      %dma_start3A_265 = tpu.memref_slice %arg16[%add3A_183, %dma_start3A_264] : memref<10112x128xf32, #tpu.memory_space<vmem_shared>> -> memref<96x128xf32, #tpu.memory_space<vmem_shared>>
      %dma_start3A_266 = arith.constant 0 : i32
      %dma_start3A_267 = tpu.memref_slice %arg16[%add3A_183, %dma_start3A_266] : memref<10112x128xf32, #tpu.memory_space<vmem_shared>> -> memref<96x128xf32, #tpu.memory_space<vmem_shared>>
      tpu.enqueue_dma source(%dma_start3A_267 : memref<96x128xf32, #tpu.memory_space<vmem_shared>>) target(%arg13 : memref<96x128xf32, #tpu.memory_space<vmem>>) target_semaphore(%run_scoped3A : memref<!tpu.dma_semaphore, #tpu.memory_space<semaphore_mem>>)
      %dma_wait3A_268 = arith.constant 0 : i32
      %dma_wait3A_269 = tpu.memref_slice %arg16[%add3A_183, %dma_wait3A_268] : memref<10112x128xf32, #tpu.memory_space<vmem_shared>> -> memref<96x128xf32, #tpu.memory_space<vmem_shared>>
      %dma_wait3A_270 = arith.constant 0 : i32
      %dma_wait3A_271 = tpu.memref_slice %arg16[%add3A_183, %dma_wait3A_270] : memref<10112x128xf32, #tpu.memory_space<vmem_shared>> -> memref<96x128xf32, #tpu.memory_space<vmem_shared>>
      tpu.wait_dma2 semaphore(%run_scoped3A : memref<!tpu.dma_semaphore, #tpu.memory_space<semaphore_mem>>) src(%dma_wait3A_271 : memref<96x128xf32, #tpu.memory_space<vmem_shared>>) dst(%arg13 : memref<96x128xf32, #tpu.memory_space<vmem>>)
      tpu.yield
    }) : () -> ()
    %add3A_184 = arith.constant 0 : i32
    %add3A_185 = arith.addi %add3A_179, %add3A_184 : i32
    "tpu.region"() ({
      %run_scoped3A = tpu.sem_alloc : memref<!tpu.dma_semaphore, #tpu.memory_space<semaphore_mem>>
      %dma_start3A_264 = arith.constant 0 : i32
      %dma_start3A_265 = tpu.memref_slice %arg7[%add3A_185, %dma_start3A_264] : memref<20224x128xf32, #tpu.memory_space<hbm>> -> memref<96x128xf32, #tpu.memory_space<hbm>>
      %dma_start3A_266 = arith.constant 0 : i32
      %dma_start3A_267 = tpu.memref_slice %arg7[%add3A_185, %dma_start3A_266] : memref<20224x128xf32, #tpu.memory_space<hbm>> -> memref<96x128xf32, #tpu.memory_space<hbm>>
      tpu.enqueue_dma source(%arg13 : memref<96x128xf32, #tpu.memory_space<vmem>>) target(%dma_start3A_267 : memref<96x128xf32, #tpu.memory_space<hbm>>) target_semaphore(%run_scoped3A : memref<!tpu.dma_semaphore, #tpu.memory_space<semaphore_mem>>)
      %dma_wait3A_268 = arith.constant 0 : i32
      %dma_wait3A_269 = tpu.memref_slice %arg7[%add3A_185, %dma_wait3A_268] : memref<20224x128xf32, #tpu.memory_space<hbm>> -> memref<96x128xf32, #tpu.memory_space<hbm>>
      %dma_wait3A_270 = arith.constant 0 : i32
      %dma_wait3A_271 = tpu.memref_slice %arg7[%add3A_185, %dma_wait3A_270] : memref<20224x128xf32, #tpu.memory_space<hbm>> -> memref<96x128xf32, #tpu.memory_space<hbm>>
      tpu.wait_dma2 semaphore(%run_scoped3A : memref<!tpu.dma_semaphore, #tpu.memory_space<semaphore_mem>>) src(%arg13 : memref<96x128xf32, #tpu.memory_space<vmem>>) dst(%dma_wait3A_271 : memref<96x128xf32, #tpu.memory_space<hbm>>)
      tpu.yield
    }) : () -> ()
    %mul3A_186 = arith.constant 632 : i32
    %mul3A_187 = arith.muli %arg1, %mul3A_186 : i32
    %add3A_188 = arith.constant 96 : i32
    %add3A_189 = arith.addi %mul3A_187, %add3A_188 : i32
    "tpu.region"() ({
      %run_scoped3A = tpu.sem_alloc : memref<!tpu.dma_semaphore, #tpu.memory_space<semaphore_mem>>
      %dma_start3A_264 = arith.constant 0 : i32
      %dma_start3A_265 = tpu.memref_slice %arg16[%add3A_189, %dma_start3A_264] : memref<10112x128xf32, #tpu.memory_space<vmem_shared>> -> memref<96x128xf32, #tpu.memory_space<vmem_shared>>
      %dma_start3A_266 = arith.constant 0 : i32
      %dma_start3A_267 = tpu.memref_slice %arg16[%add3A_189, %dma_start3A_266] : memref<10112x128xf32, #tpu.memory_space<vmem_shared>> -> memref<96x128xf32, #tpu.memory_space<vmem_shared>>
      tpu.enqueue_dma source(%dma_start3A_267 : memref<96x128xf32, #tpu.memory_space<vmem_shared>>) target(%arg13 : memref<96x128xf32, #tpu.memory_space<vmem>>) target_semaphore(%run_scoped3A : memref<!tpu.dma_semaphore, #tpu.memory_space<semaphore_mem>>)
      %dma_wait3A_268 = arith.constant 0 : i32
      %dma_wait3A_269 = tpu.memref_slice %arg16[%add3A_189, %dma_wait3A_268] : memref<10112x128xf32, #tpu.memory_space<vmem_shared>> -> memref<96x128xf32, #tpu.memory_space<vmem_shared>>
      %dma_wait3A_270 = arith.constant 0 : i32
      %dma_wait3A_271 = tpu.memref_slice %arg16[%add3A_189, %dma_wait3A_270] : memref<10112x128xf32, #tpu.memory_space<vmem_shared>> -> memref<96x128xf32, #tpu.memory_space<vmem_shared>>
      tpu.wait_dma2 semaphore(%run_scoped3A : memref<!tpu.dma_semaphore, #tpu.memory_space<semaphore_mem>>) src(%dma_wait3A_271 : memref<96x128xf32, #tpu.memory_space<vmem_shared>>) dst(%arg13 : memref<96x128xf32, #tpu.memory_space<vmem>>)
      tpu.yield
    }) : () -> ()
    %add3A_190 = arith.constant 96 : i32
    %add3A_191 = arith.addi %add3A_179, %add3A_190 : i32
    "tpu.region"() ({
      %run_scoped3A = tpu.sem_alloc : memref<!tpu.dma_semaphore, #tpu.memory_space<semaphore_mem>>
      %dma_start3A_264 = arith.constant 0 : i32
      %dma_start3A_265 = tpu.memref_slice %arg7[%add3A_191, %dma_start3A_264] : memref<20224x128xf32, #tpu.memory_space<hbm>> -> memref<96x128xf32, #tpu.memory_space<hbm>>
      %dma_start3A_266 = arith.constant 0 : i32
      %dma_start3A_267 = tpu.memref_slice %arg7[%add3A_191, %dma_start3A_266] : memref<20224x128xf32, #tpu.memory_space<hbm>> -> memref<96x128xf32, #tpu.memory_space<hbm>>
      tpu.enqueue_dma source(%arg13 : memref<96x128xf32, #tpu.memory_space<vmem>>) target(%dma_start3A_267 : memref<96x128xf32, #tpu.memory_space<hbm>>) target_semaphore(%run_scoped3A : memref<!tpu.dma_semaphore, #tpu.memory_space<semaphore_mem>>)
      %dma_wait3A_268 = arith.constant 0 : i32
      %dma_wait3A_269 = tpu.memref_slice %arg7[%add3A_191, %dma_wait3A_268] : memref<20224x128xf32, #tpu.memory_space<hbm>> -> memref<96x128xf32, #tpu.memory_space<hbm>>
      %dma_wait3A_270 = arith.constant 0 : i32
      %dma_wait3A_271 = tpu.memref_slice %arg7[%add3A_191, %dma_wait3A_270] : memref<20224x128xf32, #tpu.memory_space<hbm>> -> memref<96x128xf32, #tpu.memory_space<hbm>>
      tpu.wait_dma2 semaphore(%run_scoped3A : memref<!tpu.dma_semaphore, #tpu.memory_space<semaphore_mem>>) src(%arg13 : memref<96x128xf32, #tpu.memory_space<vmem>>) dst(%dma_wait3A_271 : memref<96x128xf32, #tpu.memory_space<hbm>>)
      tpu.yield
    }) : () -> ()
    %mul3A_192 = arith.constant 632 : i32
    %mul3A_193 = arith.muli %arg1, %mul3A_192 : i32
    %add3A_194 = arith.constant 192 : i32
    %add3A_195 = arith.addi %mul3A_193, %add3A_194 : i32
    "tpu.region"() ({
      %run_scoped3A = tpu.sem_alloc : memref<!tpu.dma_semaphore, #tpu.memory_space<semaphore_mem>>
      %dma_start3A_264 = arith.constant 0 : i32
      %dma_start3A_265 = tpu.memref_slice %arg16[%add3A_195, %dma_start3A_264] : memref<10112x128xf32, #tpu.memory_space<vmem_shared>> -> memref<96x128xf32, #tpu.memory_space<vmem_shared>>
      %dma_start3A_266 = arith.constant 0 : i32
      %dma_start3A_267 = tpu.memref_slice %arg16[%add3A_195, %dma_start3A_266] : memref<10112x128xf32, #tpu.memory_space<vmem_shared>> -> memref<96x128xf32, #tpu.memory_space<vmem_shared>>
      tpu.enqueue_dma source(%dma_start3A_267 : memref<96x128xf32, #tpu.memory_space<vmem_shared>>) target(%arg13 : memref<96x128xf32, #tpu.memory_space<vmem>>) target_semaphore(%run_scoped3A : memref<!tpu.dma_semaphore, #tpu.memory_space<semaphore_mem>>)
      %dma_wait3A_268 = arith.constant 0 : i32
      %dma_wait3A_269 = tpu.memref_slice %arg16[%add3A_195, %dma_wait3A_268] : memref<10112x128xf32, #tpu.memory_space<vmem_shared>> -> memref<96x128xf32, #tpu.memory_space<vmem_shared>>
      %dma_wait3A_270 = arith.constant 0 : i32
      %dma_wait3A_271 = tpu.memref_slice %arg16[%add3A_195, %dma_wait3A_270] : memref<10112x128xf32, #tpu.memory_space<vmem_shared>> -> memref<96x128xf32, #tpu.memory_space<vmem_shared>>
      tpu.wait_dma2 semaphore(%run_scoped3A : memref<!tpu.dma_semaphore, #tpu.memory_space<semaphore_mem>>) src(%dma_wait3A_271 : memref<96x128xf32, #tpu.memory_space<vmem_shared>>) dst(%arg13 : memref<96x128xf32, #tpu.memory_space<vmem>>)
      tpu.yield
    }) : () -> ()
    %add3A_196 = arith.constant 192 : i32
    %add3A_197 = arith.addi %add3A_179, %add3A_196 : i32
    "tpu.region"() ({
      %run_scoped3A = tpu.sem_alloc : memref<!tpu.dma_semaphore, #tpu.memory_space<semaphore_mem>>
      %dma_start3A_264 = arith.constant 0 : i32
      %dma_start3A_265 = tpu.memref_slice %arg7[%add3A_197, %dma_start3A_264] : memref<20224x128xf32, #tpu.memory_space<hbm>> -> memref<96x128xf32, #tpu.memory_space<hbm>>
      %dma_start3A_266 = arith.constant 0 : i32
      %dma_start3A_267 = tpu.memref_slice %arg7[%add3A_197, %dma_start3A_266] : memref<20224x128xf32, #tpu.memory_space<hbm>> -> memref<96x128xf32, #tpu.memory_space<hbm>>
      tpu.enqueue_dma source(%arg13 : memref<96x128xf32, #tpu.memory_space<vmem>>) target(%dma_start3A_267 : memref<96x128xf32, #tpu.memory_space<hbm>>) target_semaphore(%run_scoped3A : memref<!tpu.dma_semaphore, #tpu.memory_space<semaphore_mem>>)
      %dma_wait3A_268 = arith.constant 0 : i32
      %dma_wait3A_269 = tpu.memref_slice %arg7[%add3A_197, %dma_wait3A_268] : memref<20224x128xf32, #tpu.memory_space<hbm>> -> memref<96x128xf32, #tpu.memory_space<hbm>>
      %dma_wait3A_270 = arith.constant 0 : i32
      %dma_wait3A_271 = tpu.memref_slice %arg7[%add3A_197, %dma_wait3A_270] : memref<20224x128xf32, #tpu.memory_space<hbm>> -> memref<96x128xf32, #tpu.memory_space<hbm>>
      tpu.wait_dma2 semaphore(%run_scoped3A : memref<!tpu.dma_semaphore, #tpu.memory_space<semaphore_mem>>) src(%arg13 : memref<96x128xf32, #tpu.memory_space<vmem>>) dst(%dma_wait3A_271 : memref<96x128xf32, #tpu.memory_space<hbm>>)
      tpu.yield
    }) : () -> ()
    %mul3A_198 = arith.constant 632 : i32
    %mul3A_199 = arith.muli %arg1, %mul3A_198 : i32
    %add3A_200 = arith.constant 288 : i32
    %add3A_201 = arith.addi %mul3A_199, %add3A_200 : i32
    "tpu.region"() ({
      %run_scoped3A = tpu.sem_alloc : memref<!tpu.dma_semaphore, #tpu.memory_space<semaphore_mem>>
      %dma_start3A_264 = arith.constant 0 : i32
      %dma_start3A_265 = tpu.memref_slice %arg16[%add3A_201, %dma_start3A_264] : memref<10112x128xf32, #tpu.memory_space<vmem_shared>> -> memref<96x128xf32, #tpu.memory_space<vmem_shared>>
      %dma_start3A_266 = arith.constant 0 : i32
      %dma_start3A_267 = tpu.memref_slice %arg16[%add3A_201, %dma_start3A_266] : memref<10112x128xf32, #tpu.memory_space<vmem_shared>> -> memref<96x128xf32, #tpu.memory_space<vmem_shared>>
      tpu.enqueue_dma source(%dma_start3A_267 : memref<96x128xf32, #tpu.memory_space<vmem_shared>>) target(%arg13 : memref<96x128xf32, #tpu.memory_space<vmem>>) target_semaphore(%run_scoped3A : memref<!tpu.dma_semaphore, #tpu.memory_space<semaphore_mem>>)
      %dma_wait3A_268 = arith.constant 0 : i32
      %dma_wait3A_269 = tpu.memref_slice %arg16[%add3A_201, %dma_wait3A_268] : memref<10112x128xf32, #tpu.memory_space<vmem_shared>> -> memref<96x128xf32, #tpu.memory_space<vmem_shared>>
      %dma_wait3A_270 = arith.constant 0 : i32
      %dma_wait3A_271 = tpu.memref_slice %arg16[%add3A_201, %dma_wait3A_270] : memref<10112x128xf32, #tpu.memory_space<vmem_shared>> -> memref<96x128xf32, #tpu.memory_space<vmem_shared>>
      tpu.wait_dma2 semaphore(%run_scoped3A : memref<!tpu.dma_semaphore, #tpu.memory_space<semaphore_mem>>) src(%dma_wait3A_271 : memref<96x128xf32, #tpu.memory_space<vmem_shared>>) dst(%arg13 : memref<96x128xf32, #tpu.memory_space<vmem>>)
      tpu.yield
    }) : () -> ()
    %add3A_202 = arith.constant 288 : i32
    %add3A_203 = arith.addi %add3A_179, %add3A_202 : i32
    "tpu.region"() ({
      %run_scoped3A = tpu.sem_alloc : memref<!tpu.dma_semaphore, #tpu.memory_space<semaphore_mem>>
      %dma_start3A_264 = arith.constant 0 : i32
      %dma_start3A_265 = tpu.memref_slice %arg7[%add3A_203, %dma_start3A_264] : memref<20224x128xf32, #tpu.memory_space<hbm>> -> memref<96x128xf32, #tpu.memory_space<hbm>>
      %dma_start3A_266 = arith.constant 0 : i32
      %dma_start3A_267 = tpu.memref_slice %arg7[%add3A_203, %dma_start3A_266] : memref<20224x128xf32, #tpu.memory_space<hbm>> -> memref<96x128xf32, #tpu.memory_space<hbm>>
      tpu.enqueue_dma source(%arg13 : memref<96x128xf32, #tpu.memory_space<vmem>>) target(%dma_start3A_267 : memref<96x128xf32, #tpu.memory_space<hbm>>) target_semaphore(%run_scoped3A : memref<!tpu.dma_semaphore, #tpu.memory_space<semaphore_mem>>)
      %dma_wait3A_268 = arith.constant 0 : i32
      %dma_wait3A_269 = tpu.memref_slice %arg7[%add3A_203, %dma_wait3A_268] : memref<20224x128xf32, #tpu.memory_space<hbm>> -> memref<96x128xf32, #tpu.memory_space<hbm>>
      %dma_wait3A_270 = arith.constant 0 : i32
      %dma_wait3A_271 = tpu.memref_slice %arg7[%add3A_203, %dma_wait3A_270] : memref<20224x128xf32, #tpu.memory_space<hbm>> -> memref<96x128xf32, #tpu.memory_space<hbm>>
      tpu.wait_dma2 semaphore(%run_scoped3A : memref<!tpu.dma_semaphore, #tpu.memory_space<semaphore_mem>>) src(%arg13 : memref<96x128xf32, #tpu.memory_space<vmem>>) dst(%dma_wait3A_271 : memref<96x128xf32, #tpu.memory_space<hbm>>)
      tpu.yield
    }) : () -> ()
    %mul3A_204 = arith.constant 632 : i32
    %mul3A_205 = arith.muli %arg1, %mul3A_204 : i32
    %add3A_206 = arith.constant 384 : i32
    %add3A_207 = arith.addi %mul3A_205, %add3A_206 : i32
    "tpu.region"() ({
      %run_scoped3A = tpu.sem_alloc : memref<!tpu.dma_semaphore, #tpu.memory_space<semaphore_mem>>
      %dma_start3A_264 = arith.constant 0 : i32
      %dma_start3A_265 = tpu.memref_slice %arg16[%add3A_207, %dma_start3A_264] : memref<10112x128xf32, #tpu.memory_space<vmem_shared>> -> memref<96x128xf32, #tpu.memory_space<vmem_shared>>
      %dma_start3A_266 = arith.constant 0 : i32
      %dma_start3A_267 = tpu.memref_slice %arg16[%add3A_207, %dma_start3A_266] : memref<10112x128xf32, #tpu.memory_space<vmem_shared>> -> memref<96x128xf32, #tpu.memory_space<vmem_shared>>
      tpu.enqueue_dma source(%dma_start3A_267 : memref<96x128xf32, #tpu.memory_space<vmem_shared>>) target(%arg13 : memref<96x128xf32, #tpu.memory_space<vmem>>) target_semaphore(%run_scoped3A : memref<!tpu.dma_semaphore, #tpu.memory_space<semaphore_mem>>)
      %dma_wait3A_268 = arith.constant 0 : i32
      %dma_wait3A_269 = tpu.memref_slice %arg16[%add3A_207, %dma_wait3A_268] : memref<10112x128xf32, #tpu.memory_space<vmem_shared>> -> memref<96x128xf32, #tpu.memory_space<vmem_shared>>
      %dma_wait3A_270 = arith.constant 0 : i32
      %dma_wait3A_271 = tpu.memref_slice %arg16[%add3A_207, %dma_wait3A_270] : memref<10112x128xf32, #tpu.memory_space<vmem_shared>> -> memref<96x128xf32, #tpu.memory_space<vmem_shared>>
      tpu.wait_dma2 semaphore(%run_scoped3A : memref<!tpu.dma_semaphore, #tpu.memory_space<semaphore_mem>>) src(%dma_wait3A_271 : memref<96x128xf32, #tpu.memory_space<vmem_shared>>) dst(%arg13 : memref<96x128xf32, #tpu.memory_space<vmem>>)
      tpu.yield
    }) : () -> ()
    %add3A_208 = arith.constant 384 : i32
    %add3A_209 = arith.addi %add3A_179, %add3A_208 : i32
    "tpu.region"() ({
      %run_scoped3A = tpu.sem_alloc : memref<!tpu.dma_semaphore, #tpu.memory_space<semaphore_mem>>
      %dma_start3A_264 = arith.constant 0 : i32
      %dma_start3A_265 = tpu.memref_slice %arg7[%add3A_209, %dma_start3A_264] : memref<20224x128xf32, #tpu.memory_space<hbm>> -> memref<96x128xf32, #tpu.memory_space<hbm>>
      %dma_start3A_266 = arith.constant 0 : i32
      %dma_start3A_267 = tpu.memref_slice %arg7[%add3A_209, %dma_start3A_266] : memref<20224x128xf32, #tpu.memory_space<hbm>> -> memref<96x128xf32, #tpu.memory_space<hbm>>
      tpu.enqueue_dma source(%arg13 : memref<96x128xf32, #tpu.memory_space<vmem>>) target(%dma_start3A_267 : memref<96x128xf32, #tpu.memory_space<hbm>>) target_semaphore(%run_scoped3A : memref<!tpu.dma_semaphore, #tpu.memory_space<semaphore_mem>>)
      %dma_wait3A_268 = arith.constant 0 : i32
      %dma_wait3A_269 = tpu.memref_slice %arg7[%add3A_209, %dma_wait3A_268] : memref<20224x128xf32, #tpu.memory_space<hbm>> -> memref<96x128xf32, #tpu.memory_space<hbm>>
      %dma_wait3A_270 = arith.constant 0 : i32
      %dma_wait3A_271 = tpu.memref_slice %arg7[%add3A_209, %dma_wait3A_270] : memref<20224x128xf32, #tpu.memory_space<hbm>> -> memref<96x128xf32, #tpu.memory_space<hbm>>
      tpu.wait_dma2 semaphore(%run_scoped3A : memref<!tpu.dma_semaphore, #tpu.memory_space<semaphore_mem>>) src(%arg13 : memref<96x128xf32, #tpu.memory_space<vmem>>) dst(%dma_wait3A_271 : memref<96x128xf32, #tpu.memory_space<hbm>>)
      tpu.yield
    }) : () -> ()
    %mul3A_210 = arith.constant 632 : i32
    %mul3A_211 = arith.muli %arg1, %mul3A_210 : i32
    %add3A_212 = arith.constant 480 : i32
    %add3A_213 = arith.addi %mul3A_211, %add3A_212 : i32
    "tpu.region"() ({
      %run_scoped3A = tpu.sem_alloc : memref<!tpu.dma_semaphore, #tpu.memory_space<semaphore_mem>>
      %dma_start3A_264 = arith.constant 0 : i32
      %dma_start3A_265 = tpu.memref_slice %arg16[%add3A_213, %dma_start3A_264] : memref<10112x128xf32, #tpu.memory_space<vmem_shared>> -> memref<96x128xf32, #tpu.memory_space<vmem_shared>>
      %dma_start3A_266 = arith.constant 0 : i32
      %dma_start3A_267 = tpu.memref_slice %arg16[%add3A_213, %dma_start3A_266] : memref<10112x128xf32, #tpu.memory_space<vmem_shared>> -> memref<96x128xf32, #tpu.memory_space<vmem_shared>>
      tpu.enqueue_dma source(%dma_start3A_267 : memref<96x128xf32, #tpu.memory_space<vmem_shared>>) target(%arg13 : memref<96x128xf32, #tpu.memory_space<vmem>>) target_semaphore(%run_scoped3A : memref<!tpu.dma_semaphore, #tpu.memory_space<semaphore_mem>>)
      %dma_wait3A_268 = arith.constant 0 : i32
      %dma_wait3A_269 = tpu.memref_slice %arg16[%add3A_213, %dma_wait3A_268] : memref<10112x128xf32, #tpu.memory_space<vmem_shared>> -> memref<96x128xf32, #tpu.memory_space<vmem_shared>>
      %dma_wait3A_270 = arith.constant 0 : i32
      %dma_wait3A_271 = tpu.memref_slice %arg16[%add3A_213, %dma_wait3A_270] : memref<10112x128xf32, #tpu.memory_space<vmem_shared>> -> memref<96x128xf32, #tpu.memory_space<vmem_shared>>
      tpu.wait_dma2 semaphore(%run_scoped3A : memref<!tpu.dma_semaphore, #tpu.memory_space<semaphore_mem>>) src(%dma_wait3A_271 : memref<96x128xf32, #tpu.memory_space<vmem_shared>>) dst(%arg13 : memref<96x128xf32, #tpu.memory_space<vmem>>)
      tpu.yield
    }) : () -> ()
    %add3A_214 = arith.constant 480 : i32
    %add3A_215 = arith.addi %add3A_179, %add3A_214 : i32
    "tpu.region"() ({
      %run_scoped3A = tpu.sem_alloc : memref<!tpu.dma_semaphore, #tpu.memory_space<semaphore_mem>>
      %dma_start3A_264 = arith.constant 0 : i32
      %dma_start3A_265 = tpu.memref_slice %arg7[%add3A_215, %dma_start3A_264] : memref<20224x128xf32, #tpu.memory_space<hbm>> -> memref<96x128xf32, #tpu.memory_space<hbm>>
      %dma_start3A_266 = arith.constant 0 : i32
      %dma_start3A_267 = tpu.memref_slice %arg7[%add3A_215, %dma_start3A_266] : memref<20224x128xf32, #tpu.memory_space<hbm>> -> memref<96x128xf32, #tpu.memory_space<hbm>>
      tpu.enqueue_dma source(%arg13 : memref<96x128xf32, #tpu.memory_space<vmem>>) target(%dma_start3A_267 : memref<96x128xf32, #tpu.memory_space<hbm>>) target_semaphore(%run_scoped3A : memref<!tpu.dma_semaphore, #tpu.memory_space<semaphore_mem>>)
      %dma_wait3A_268 = arith.constant 0 : i32
      %dma_wait3A_269 = tpu.memref_slice %arg7[%add3A_215, %dma_wait3A_268] : memref<20224x128xf32, #tpu.memory_space<hbm>> -> memref<96x128xf32, #tpu.memory_space<hbm>>
      %dma_wait3A_270 = arith.constant 0 : i32
      %dma_wait3A_271 = tpu.memref_slice %arg7[%add3A_215, %dma_wait3A_270] : memref<20224x128xf32, #tpu.memory_space<hbm>> -> memref<96x128xf32, #tpu.memory_space<hbm>>
      tpu.wait_dma2 semaphore(%run_scoped3A : memref<!tpu.dma_semaphore, #tpu.memory_space<semaphore_mem>>) src(%arg13 : memref<96x128xf32, #tpu.memory_space<vmem>>) dst(%dma_wait3A_271 : memref<96x128xf32, #tpu.memory_space<hbm>>)
      tpu.yield
    }) : () -> ()
    %mul3A_216 = arith.constant 632 : i32
    %mul3A_217 = arith.muli %arg1, %mul3A_216 : i32
    %add3A_218 = arith.constant 576 : i32
    %add3A_219 = arith.addi %mul3A_217, %add3A_218 : i32
    "tpu.region"() ({
      %run_scoped3A = tpu.sem_alloc : memref<!tpu.dma_semaphore, #tpu.memory_space<semaphore_mem>>
      %dma_start3A_264 = arith.constant 0 : i32
      %dma_start3A_265 = arith.constant 0 : i32
      %dma_start3A_266 = tpu.memref_slice %arg13[%dma_start3A_264, %dma_start3A_265] : memref<96x128xf32, #tpu.memory_space<vmem>> -> memref<56x128xf32, #tpu.memory_space<vmem>>
      %dma_start3A_267 = arith.constant 0 : i32
      %dma_start3A_268 = tpu.memref_slice %arg16[%add3A_219, %dma_start3A_267] : memref<10112x128xf32, #tpu.memory_space<vmem_shared>> -> memref<56x128xf32, #tpu.memory_space<vmem_shared>>
      %dma_start3A_269 = arith.constant 0 : i32
      %dma_start3A_270 = arith.constant 0 : i32
      %dma_start3A_271 = tpu.memref_slice %arg13[%dma_start3A_269, %dma_start3A_270] : memref<96x128xf32, #tpu.memory_space<vmem>> -> memref<56x128xf32, #tpu.memory_space<vmem>>
      %dma_start3A_272 = arith.constant 0 : i32
      %dma_start3A_273 = tpu.memref_slice %arg16[%add3A_219, %dma_start3A_272] : memref<10112x128xf32, #tpu.memory_space<vmem_shared>> -> memref<56x128xf32, #tpu.memory_space<vmem_shared>>
      tpu.enqueue_dma source(%dma_start3A_273 : memref<56x128xf32, #tpu.memory_space<vmem_shared>>) target(%dma_start3A_271 : memref<56x128xf32, #tpu.memory_space<vmem>>) target_semaphore(%run_scoped3A : memref<!tpu.dma_semaphore, #tpu.memory_space<semaphore_mem>>)
      %dma_wait3A_274 = arith.constant 0 : i32
      %dma_wait3A_275 = arith.constant 0 : i32
      %dma_wait3A_276 = tpu.memref_slice %arg13[%dma_wait3A_274, %dma_wait3A_275] : memref<96x128xf32, #tpu.memory_space<vmem>> -> memref<56x128xf32, #tpu.memory_space<vmem>>
      %dma_wait3A_277 = arith.constant 0 : i32
      %dma_wait3A_278 = tpu.memref_slice %arg16[%add3A_219, %dma_wait3A_277] : memref<10112x128xf32, #tpu.memory_space<vmem_shared>> -> memref<56x128xf32, #tpu.memory_space<vmem_shared>>
      %dma_wait3A_279 = arith.constant 0 : i32
      %dma_wait3A_280 = arith.constant 0 : i32
      %dma_wait3A_281 = tpu.memref_slice %arg13[%dma_wait3A_279, %dma_wait3A_280] : memref<96x128xf32, #tpu.memory_space<vmem>> -> memref<56x128xf32, #tpu.memory_space<vmem>>
      %dma_wait3A_282 = arith.constant 0 : i32
      %dma_wait3A_283 = tpu.memref_slice %arg16[%add3A_219, %dma_wait3A_282] : memref<10112x128xf32, #tpu.memory_space<vmem_shared>> -> memref<56x128xf32, #tpu.memory_space<vmem_shared>>
      tpu.wait_dma2 semaphore(%run_scoped3A : memref<!tpu.dma_semaphore, #tpu.memory_space<semaphore_mem>>) src(%dma_wait3A_283 : memref<56x128xf32, #tpu.memory_space<vmem_shared>>) dst(%dma_wait3A_281 : memref<56x128xf32, #tpu.memory_space<vmem>>)
      tpu.yield
    }) : () -> ()
    %add3A_220 = arith.constant 576 : i32
    %add3A_221 = arith.addi %add3A_179, %add3A_220 : i32
    "tpu.region"() ({
      %run_scoped3A = tpu.sem_alloc : memref<!tpu.dma_semaphore, #tpu.memory_space<semaphore_mem>>
      %dma_start3A_264 = arith.constant 0 : i32
      %dma_start3A_265 = arith.constant 0 : i32
      %dma_start3A_266 = tpu.memref_slice %arg13[%dma_start3A_264, %dma_start3A_265] : memref<96x128xf32, #tpu.memory_space<vmem>> -> memref<56x128xf32, #tpu.memory_space<vmem>>
      %dma_start3A_267 = arith.constant 0 : i32
      %dma_start3A_268 = tpu.memref_slice %arg7[%add3A_221, %dma_start3A_267] : memref<20224x128xf32, #tpu.memory_space<hbm>> -> memref<56x128xf32, #tpu.memory_space<hbm>>
      %dma_start3A_269 = arith.constant 0 : i32
      %dma_start3A_270 = tpu.memref_slice %arg7[%add3A_221, %dma_start3A_269] : memref<20224x128xf32, #tpu.memory_space<hbm>> -> memref<56x128xf32, #tpu.memory_space<hbm>>
      %dma_start3A_271 = arith.constant 0 : i32
      %dma_start3A_272 = arith.constant 0 : i32
      %dma_start3A_273 = tpu.memref_slice %arg13[%dma_start3A_271, %dma_start3A_272] : memref<96x128xf32, #tpu.memory_space<vmem>> -> memref<56x128xf32, #tpu.memory_space<vmem>>
      tpu.enqueue_dma source(%dma_start3A_273 : memref<56x128xf32, #tpu.memory_space<vmem>>) target(%dma_start3A_270 : memref<56x128xf32, #tpu.memory_space<hbm>>) target_semaphore(%run_scoped3A : memref<!tpu.dma_semaphore, #tpu.memory_space<semaphore_mem>>)
      %dma_wait3A_274 = arith.constant 0 : i32
      %dma_wait3A_275 = arith.constant 0 : i32
      %dma_wait3A_276 = tpu.memref_slice %arg13[%dma_wait3A_274, %dma_wait3A_275] : memref<96x128xf32, #tpu.memory_space<vmem>> -> memref<56x128xf32, #tpu.memory_space<vmem>>
      %dma_wait3A_277 = arith.constant 0 : i32
      %dma_wait3A_278 = tpu.memref_slice %arg7[%add3A_221, %dma_wait3A_277] : memref<20224x128xf32, #tpu.memory_space<hbm>> -> memref<56x128xf32, #tpu.memory_space<hbm>>
      %dma_wait3A_279 = arith.constant 0 : i32
      %dma_wait3A_280 = tpu.memref_slice %arg7[%add3A_221, %dma_wait3A_279] : memref<20224x128xf32, #tpu.memory_space<hbm>> -> memref<56x128xf32, #tpu.memory_space<hbm>>
      %dma_wait3A_281 = arith.constant 0 : i32
      %dma_wait3A_282 = arith.constant 0 : i32
      %dma_wait3A_283 = tpu.memref_slice %arg13[%dma_wait3A_281, %dma_wait3A_282] : memref<96x128xf32, #tpu.memory_space<vmem>> -> memref<56x128xf32, #tpu.memory_space<vmem>>
      tpu.wait_dma2 semaphore(%run_scoped3A : memref<!tpu.dma_semaphore, #tpu.memory_space<semaphore_mem>>) src(%dma_wait3A_283 : memref<56x128xf32, #tpu.memory_space<vmem>>) dst(%dma_wait3A_280 : memref<56x128xf32, #tpu.memory_space<hbm>>)
      tpu.yield
    }) : () -> ()
    %mul3A_222 = arith.constant 632 : i32
    %mul3A_223 = arith.muli %arg1, %mul3A_222 : i32
    %add3A_224 = arith.constant 0 : i32
    %add3A_225 = arith.addi %mul3A_223, %add3A_224 : i32
    "tpu.region"() ({
      %run_scoped3A = tpu.sem_alloc : memref<!tpu.dma_semaphore, #tpu.memory_space<semaphore_mem>>
      %dma_start3A_264 = arith.constant 0 : i32
      %dma_start3A_265 = tpu.memref_slice %arg28[%add3A_225, %dma_start3A_264] : memref<10112x16xf32, #tpu.memory_space<vmem_shared>> -> memref<96x16xf32, #tpu.memory_space<vmem_shared>>
      %dma_start3A_266 = arith.constant 0 : i32
      %dma_start3A_267 = tpu.memref_slice %arg28[%add3A_225, %dma_start3A_266] : memref<10112x16xf32, #tpu.memory_space<vmem_shared>> -> memref<96x16xf32, #tpu.memory_space<vmem_shared>>
      tpu.enqueue_dma source(%dma_start3A_267 : memref<96x16xf32, #tpu.memory_space<vmem_shared>>) target(%arg27 : memref<96x16xf32, #tpu.memory_space<vmem>>) target_semaphore(%run_scoped3A : memref<!tpu.dma_semaphore, #tpu.memory_space<semaphore_mem>>)
      %dma_wait3A_268 = arith.constant 0 : i32
      %dma_wait3A_269 = tpu.memref_slice %arg28[%add3A_225, %dma_wait3A_268] : memref<10112x16xf32, #tpu.memory_space<vmem_shared>> -> memref<96x16xf32, #tpu.memory_space<vmem_shared>>
      %dma_wait3A_270 = arith.constant 0 : i32
      %dma_wait3A_271 = tpu.memref_slice %arg28[%add3A_225, %dma_wait3A_270] : memref<10112x16xf32, #tpu.memory_space<vmem_shared>> -> memref<96x16xf32, #tpu.memory_space<vmem_shared>>
      tpu.wait_dma2 semaphore(%run_scoped3A : memref<!tpu.dma_semaphore, #tpu.memory_space<semaphore_mem>>) src(%dma_wait3A_271 : memref<96x16xf32, #tpu.memory_space<vmem_shared>>) dst(%arg27 : memref<96x16xf32, #tpu.memory_space<vmem>>)
      tpu.yield
    }) : () -> ()
    %add3A_226 = arith.constant 0 : i32
    %add3A_227 = arith.addi %add3A_179, %add3A_226 : i32
    "tpu.region"() ({
      %run_scoped3A = tpu.sem_alloc : memref<!tpu.dma_semaphore, #tpu.memory_space<semaphore_mem>>
      %dma_start3A_264 = arith.constant 0 : i32
      %dma_start3A_265 = tpu.memref_slice %arg8[%add3A_227, %dma_start3A_264] : memref<20224x16xf32, #tpu.memory_space<hbm>> -> memref<96x16xf32, #tpu.memory_space<hbm>>
      %dma_start3A_266 = arith.constant 0 : i32
      %dma_start3A_267 = tpu.memref_slice %arg8[%add3A_227, %dma_start3A_266] : memref<20224x16xf32, #tpu.memory_space<hbm>> -> memref<96x16xf32, #tpu.memory_space<hbm>>
      tpu.enqueue_dma source(%arg27 : memref<96x16xf32, #tpu.memory_space<vmem>>) target(%dma_start3A_267 : memref<96x16xf32, #tpu.memory_space<hbm>>) target_semaphore(%run_scoped3A : memref<!tpu.dma_semaphore, #tpu.memory_space<semaphore_mem>>)
      %dma_wait3A_268 = arith.constant 0 : i32
      %dma_wait3A_269 = tpu.memref_slice %arg8[%add3A_227, %dma_wait3A_268] : memref<20224x16xf32, #tpu.memory_space<hbm>> -> memref<96x16xf32, #tpu.memory_space<hbm>>
      %dma_wait3A_270 = arith.constant 0 : i32
      %dma_wait3A_271 = tpu.memref_slice %arg8[%add3A_227, %dma_wait3A_270] : memref<20224x16xf32, #tpu.memory_space<hbm>> -> memref<96x16xf32, #tpu.memory_space<hbm>>
      tpu.wait_dma2 semaphore(%run_scoped3A : memref<!tpu.dma_semaphore, #tpu.memory_space<semaphore_mem>>) src(%arg27 : memref<96x16xf32, #tpu.memory_space<vmem>>) dst(%dma_wait3A_271 : memref<96x16xf32, #tpu.memory_space<hbm>>)
      tpu.yield
    }) : () -> ()
    %mul3A_228 = arith.constant 632 : i32
    %mul3A_229 = arith.muli %arg1, %mul3A_228 : i32
    %add3A_230 = arith.constant 96 : i32
    %add3A_231 = arith.addi %mul3A_229, %add3A_230 : i32
    "tpu.region"() ({
      %run_scoped3A = tpu.sem_alloc : memref<!tpu.dma_semaphore, #tpu.memory_space<semaphore_mem>>
      %dma_start3A_264 = arith.constant 0 : i32
      %dma_start3A_265 = tpu.memref_slice %arg28[%add3A_231, %dma_start3A_264] : memref<10112x16xf32, #tpu.memory_space<vmem_shared>> -> memref<96x16xf32, #tpu.memory_space<vmem_shared>>
      %dma_start3A_266 = arith.constant 0 : i32
      %dma_start3A_267 = tpu.memref_slice %arg28[%add3A_231, %dma_start3A_266] : memref<10112x16xf32, #tpu.memory_space<vmem_shared>> -> memref<96x16xf32, #tpu.memory_space<vmem_shared>>
      tpu.enqueue_dma source(%dma_start3A_267 : memref<96x16xf32, #tpu.memory_space<vmem_shared>>) target(%arg27 : memref<96x16xf32, #tpu.memory_space<vmem>>) target_semaphore(%run_scoped3A : memref<!tpu.dma_semaphore, #tpu.memory_space<semaphore_mem>>)
      %dma_wait3A_268 = arith.constant 0 : i32
      %dma_wait3A_269 = tpu.memref_slice %arg28[%add3A_231, %dma_wait3A_268] : memref<10112x16xf32, #tpu.memory_space<vmem_shared>> -> memref<96x16xf32, #tpu.memory_space<vmem_shared>>
      %dma_wait3A_270 = arith.constant 0 : i32
      %dma_wait3A_271 = tpu.memref_slice %arg28[%add3A_231, %dma_wait3A_270] : memref<10112x16xf32, #tpu.memory_space<vmem_shared>> -> memref<96x16xf32, #tpu.memory_space<vmem_shared>>
      tpu.wait_dma2 semaphore(%run_scoped3A : memref<!tpu.dma_semaphore, #tpu.memory_space<semaphore_mem>>) src(%dma_wait3A_271 : memref<96x16xf32, #tpu.memory_space<vmem_shared>>) dst(%arg27 : memref<96x16xf32, #tpu.memory_space<vmem>>)
      tpu.yield
    }) : () -> ()
    %add3A_232 = arith.constant 96 : i32
    %add3A_233 = arith.addi %add3A_179, %add3A_232 : i32
    "tpu.region"() ({
      %run_scoped3A = tpu.sem_alloc : memref<!tpu.dma_semaphore, #tpu.memory_space<semaphore_mem>>
      %dma_start3A_264 = arith.constant 0 : i32
      %dma_start3A_265 = tpu.memref_slice %arg8[%add3A_233, %dma_start3A_264] : memref<20224x16xf32, #tpu.memory_space<hbm>> -> memref<96x16xf32, #tpu.memory_space<hbm>>
      %dma_start3A_266 = arith.constant 0 : i32
      %dma_start3A_267 = tpu.memref_slice %arg8[%add3A_233, %dma_start3A_266] : memref<20224x16xf32, #tpu.memory_space<hbm>> -> memref<96x16xf32, #tpu.memory_space<hbm>>
      tpu.enqueue_dma source(%arg27 : memref<96x16xf32, #tpu.memory_space<vmem>>) target(%dma_start3A_267 : memref<96x16xf32, #tpu.memory_space<hbm>>) target_semaphore(%run_scoped3A : memref<!tpu.dma_semaphore, #tpu.memory_space<semaphore_mem>>)
      %dma_wait3A_268 = arith.constant 0 : i32
      %dma_wait3A_269 = tpu.memref_slice %arg8[%add3A_233, %dma_wait3A_268] : memref<20224x16xf32, #tpu.memory_space<hbm>> -> memref<96x16xf32, #tpu.memory_space<hbm>>
      %dma_wait3A_270 = arith.constant 0 : i32
      %dma_wait3A_271 = tpu.memref_slice %arg8[%add3A_233, %dma_wait3A_270] : memref<20224x16xf32, #tpu.memory_space<hbm>> -> memref<96x16xf32, #tpu.memory_space<hbm>>
      tpu.wait_dma2 semaphore(%run_scoped3A : memref<!tpu.dma_semaphore, #tpu.memory_space<semaphore_mem>>) src(%arg27 : memref<96x16xf32, #tpu.memory_space<vmem>>) dst(%dma_wait3A_271 : memref<96x16xf32, #tpu.memory_space<hbm>>)
      tpu.yield
    }) : () -> ()
    %mul3A_234 = arith.constant 632 : i32
    %mul3A_235 = arith.muli %arg1, %mul3A_234 : i32
    %add3A_236 = arith.constant 192 : i32
    %add3A_237 = arith.addi %mul3A_235, %add3A_236 : i32
    "tpu.region"() ({
      %run_scoped3A = tpu.sem_alloc : memref<!tpu.dma_semaphore, #tpu.memory_space<semaphore_mem>>
      %dma_start3A_264 = arith.constant 0 : i32
      %dma_start3A_265 = tpu.memref_slice %arg28[%add3A_237, %dma_start3A_264] : memref<10112x16xf32, #tpu.memory_space<vmem_shared>> -> memref<96x16xf32, #tpu.memory_space<vmem_shared>>
      %dma_start3A_266 = arith.constant 0 : i32
      %dma_start3A_267 = tpu.memref_slice %arg28[%add3A_237, %dma_start3A_266] : memref<10112x16xf32, #tpu.memory_space<vmem_shared>> -> memref<96x16xf32, #tpu.memory_space<vmem_shared>>
      tpu.enqueue_dma source(%dma_start3A_267 : memref<96x16xf32, #tpu.memory_space<vmem_shared>>) target(%arg27 : memref<96x16xf32, #tpu.memory_space<vmem>>) target_semaphore(%run_scoped3A : memref<!tpu.dma_semaphore, #tpu.memory_space<semaphore_mem>>)
      %dma_wait3A_268 = arith.constant 0 : i32
      %dma_wait3A_269 = tpu.memref_slice %arg28[%add3A_237, %dma_wait3A_268] : memref<10112x16xf32, #tpu.memory_space<vmem_shared>> -> memref<96x16xf32, #tpu.memory_space<vmem_shared>>
      %dma_wait3A_270 = arith.constant 0 : i32
      %dma_wait3A_271 = tpu.memref_slice %arg28[%add3A_237, %dma_wait3A_270] : memref<10112x16xf32, #tpu.memory_space<vmem_shared>> -> memref<96x16xf32, #tpu.memory_space<vmem_shared>>
      tpu.wait_dma2 semaphore(%run_scoped3A : memref<!tpu.dma_semaphore, #tpu.memory_space<semaphore_mem>>) src(%dma_wait3A_271 : memref<96x16xf32, #tpu.memory_space<vmem_shared>>) dst(%arg27 : memref<96x16xf32, #tpu.memory_space<vmem>>)
      tpu.yield
    }) : () -> ()
    %add3A_238 = arith.constant 192 : i32
    %add3A_239 = arith.addi %add3A_179, %add3A_238 : i32
    "tpu.region"() ({
      %run_scoped3A = tpu.sem_alloc : memref<!tpu.dma_semaphore, #tpu.memory_space<semaphore_mem>>
      %dma_start3A_264 = arith.constant 0 : i32
      %dma_start3A_265 = tpu.memref_slice %arg8[%add3A_239, %dma_start3A_264] : memref<20224x16xf32, #tpu.memory_space<hbm>> -> memref<96x16xf32, #tpu.memory_space<hbm>>
      %dma_start3A_266 = arith.constant 0 : i32
      %dma_start3A_267 = tpu.memref_slice %arg8[%add3A_239, %dma_start3A_266] : memref<20224x16xf32, #tpu.memory_space<hbm>> -> memref<96x16xf32, #tpu.memory_space<hbm>>
      tpu.enqueue_dma source(%arg27 : memref<96x16xf32, #tpu.memory_space<vmem>>) target(%dma_start3A_267 : memref<96x16xf32, #tpu.memory_space<hbm>>) target_semaphore(%run_scoped3A : memref<!tpu.dma_semaphore, #tpu.memory_space<semaphore_mem>>)
      %dma_wait3A_268 = arith.constant 0 : i32
      %dma_wait3A_269 = tpu.memref_slice %arg8[%add3A_239, %dma_wait3A_268] : memref<20224x16xf32, #tpu.memory_space<hbm>> -> memref<96x16xf32, #tpu.memory_space<hbm>>
      %dma_wait3A_270 = arith.constant 0 : i32
      %dma_wait3A_271 = tpu.memref_slice %arg8[%add3A_239, %dma_wait3A_270] : memref<20224x16xf32, #tpu.memory_space<hbm>> -> memref<96x16xf32, #tpu.memory_space<hbm>>
      tpu.wait_dma2 semaphore(%run_scoped3A : memref<!tpu.dma_semaphore, #tpu.memory_space<semaphore_mem>>) src(%arg27 : memref<96x16xf32, #tpu.memory_space<vmem>>) dst(%dma_wait3A_271 : memref<96x16xf32, #tpu.memory_space<hbm>>)
      tpu.yield
    }) : () -> ()
    %mul3A_240 = arith.constant 632 : i32
    %mul3A_241 = arith.muli %arg1, %mul3A_240 : i32
    %add3A_242 = arith.constant 288 : i32
    %add3A_243 = arith.addi %mul3A_241, %add3A_242 : i32
    "tpu.region"() ({
      %run_scoped3A = tpu.sem_alloc : memref<!tpu.dma_semaphore, #tpu.memory_space<semaphore_mem>>
      %dma_start3A_264 = arith.constant 0 : i32
      %dma_start3A_265 = tpu.memref_slice %arg28[%add3A_243, %dma_start3A_264] : memref<10112x16xf32, #tpu.memory_space<vmem_shared>> -> memref<96x16xf32, #tpu.memory_space<vmem_shared>>
      %dma_start3A_266 = arith.constant 0 : i32
      %dma_start3A_267 = tpu.memref_slice %arg28[%add3A_243, %dma_start3A_266] : memref<10112x16xf32, #tpu.memory_space<vmem_shared>> -> memref<96x16xf32, #tpu.memory_space<vmem_shared>>
      tpu.enqueue_dma source(%dma_start3A_267 : memref<96x16xf32, #tpu.memory_space<vmem_shared>>) target(%arg27 : memref<96x16xf32, #tpu.memory_space<vmem>>) target_semaphore(%run_scoped3A : memref<!tpu.dma_semaphore, #tpu.memory_space<semaphore_mem>>)
      %dma_wait3A_268 = arith.constant 0 : i32
      %dma_wait3A_269 = tpu.memref_slice %arg28[%add3A_243, %dma_wait3A_268] : memref<10112x16xf32, #tpu.memory_space<vmem_shared>> -> memref<96x16xf32, #tpu.memory_space<vmem_shared>>
      %dma_wait3A_270 = arith.constant 0 : i32
      %dma_wait3A_271 = tpu.memref_slice %arg28[%add3A_243, %dma_wait3A_270] : memref<10112x16xf32, #tpu.memory_space<vmem_shared>> -> memref<96x16xf32, #tpu.memory_space<vmem_shared>>
      tpu.wait_dma2 semaphore(%run_scoped3A : memref<!tpu.dma_semaphore, #tpu.memory_space<semaphore_mem>>) src(%dma_wait3A_271 : memref<96x16xf32, #tpu.memory_space<vmem_shared>>) dst(%arg27 : memref<96x16xf32, #tpu.memory_space<vmem>>)
      tpu.yield
    }) : () -> ()
    %add3A_244 = arith.constant 288 : i32
    %add3A_245 = arith.addi %add3A_179, %add3A_244 : i32
    "tpu.region"() ({
      %run_scoped3A = tpu.sem_alloc : memref<!tpu.dma_semaphore, #tpu.memory_space<semaphore_mem>>
      %dma_start3A_264 = arith.constant 0 : i32
      %dma_start3A_265 = tpu.memref_slice %arg8[%add3A_245, %dma_start3A_264] : memref<20224x16xf32, #tpu.memory_space<hbm>> -> memref<96x16xf32, #tpu.memory_space<hbm>>
      %dma_start3A_266 = arith.constant 0 : i32
      %dma_start3A_267 = tpu.memref_slice %arg8[%add3A_245, %dma_start3A_266] : memref<20224x16xf32, #tpu.memory_space<hbm>> -> memref<96x16xf32, #tpu.memory_space<hbm>>
      tpu.enqueue_dma source(%arg27 : memref<96x16xf32, #tpu.memory_space<vmem>>) target(%dma_start3A_267 : memref<96x16xf32, #tpu.memory_space<hbm>>) target_semaphore(%run_scoped3A : memref<!tpu.dma_semaphore, #tpu.memory_space<semaphore_mem>>)
      %dma_wait3A_268 = arith.constant 0 : i32
      %dma_wait3A_269 = tpu.memref_slice %arg8[%add3A_245, %dma_wait3A_268] : memref<20224x16xf32, #tpu.memory_space<hbm>> -> memref<96x16xf32, #tpu.memory_space<hbm>>
      %dma_wait3A_270 = arith.constant 0 : i32
      %dma_wait3A_271 = tpu.memref_slice %arg8[%add3A_245, %dma_wait3A_270] : memref<20224x16xf32, #tpu.memory_space<hbm>> -> memref<96x16xf32, #tpu.memory_space<hbm>>
      tpu.wait_dma2 semaphore(%run_scoped3A : memref<!tpu.dma_semaphore, #tpu.memory_space<semaphore_mem>>) src(%arg27 : memref<96x16xf32, #tpu.memory_space<vmem>>) dst(%dma_wait3A_271 : memref<96x16xf32, #tpu.memory_space<hbm>>)
      tpu.yield
    }) : () -> ()
    %mul3A_246 = arith.constant 632 : i32
    %mul3A_247 = arith.muli %arg1, %mul3A_246 : i32
    %add3A_248 = arith.constant 384 : i32
    %add3A_249 = arith.addi %mul3A_247, %add3A_248 : i32
    "tpu.region"() ({
      %run_scoped3A = tpu.sem_alloc : memref<!tpu.dma_semaphore, #tpu.memory_space<semaphore_mem>>
      %dma_start3A_264 = arith.constant 0 : i32
      %dma_start3A_265 = tpu.memref_slice %arg28[%add3A_249, %dma_start3A_264] : memref<10112x16xf32, #tpu.memory_space<vmem_shared>> -> memref<96x16xf32, #tpu.memory_space<vmem_shared>>
      %dma_start3A_266 = arith.constant 0 : i32
      %dma_start3A_267 = tpu.memref_slice %arg28[%add3A_249, %dma_start3A_266] : memref<10112x16xf32, #tpu.memory_space<vmem_shared>> -> memref<96x16xf32, #tpu.memory_space<vmem_shared>>
      tpu.enqueue_dma source(%dma_start3A_267 : memref<96x16xf32, #tpu.memory_space<vmem_shared>>) target(%arg27 : memref<96x16xf32, #tpu.memory_space<vmem>>) target_semaphore(%run_scoped3A : memref<!tpu.dma_semaphore, #tpu.memory_space<semaphore_mem>>)
      %dma_wait3A_268 = arith.constant 0 : i32
      %dma_wait3A_269 = tpu.memref_slice %arg28[%add3A_249, %dma_wait3A_268] : memref<10112x16xf32, #tpu.memory_space<vmem_shared>> -> memref<96x16xf32, #tpu.memory_space<vmem_shared>>
      %dma_wait3A_270 = arith.constant 0 : i32
      %dma_wait3A_271 = tpu.memref_slice %arg28[%add3A_249, %dma_wait3A_270] : memref<10112x16xf32, #tpu.memory_space<vmem_shared>> -> memref<96x16xf32, #tpu.memory_space<vmem_shared>>
      tpu.wait_dma2 semaphore(%run_scoped3A : memref<!tpu.dma_semaphore, #tpu.memory_space<semaphore_mem>>) src(%dma_wait3A_271 : memref<96x16xf32, #tpu.memory_space<vmem_shared>>) dst(%arg27 : memref<96x16xf32, #tpu.memory_space<vmem>>)
      tpu.yield
    }) : () -> ()
    %add3A_250 = arith.constant 384 : i32
    %add3A_251 = arith.addi %add3A_179, %add3A_250 : i32
    "tpu.region"() ({
      %run_scoped3A = tpu.sem_alloc : memref<!tpu.dma_semaphore, #tpu.memory_space<semaphore_mem>>
      %dma_start3A_264 = arith.constant 0 : i32
      %dma_start3A_265 = tpu.memref_slice %arg8[%add3A_251, %dma_start3A_264] : memref<20224x16xf32, #tpu.memory_space<hbm>> -> memref<96x16xf32, #tpu.memory_space<hbm>>
      %dma_start3A_266 = arith.constant 0 : i32
      %dma_start3A_267 = tpu.memref_slice %arg8[%add3A_251, %dma_start3A_266] : memref<20224x16xf32, #tpu.memory_space<hbm>> -> memref<96x16xf32, #tpu.memory_space<hbm>>
      tpu.enqueue_dma source(%arg27 : memref<96x16xf32, #tpu.memory_space<vmem>>) target(%dma_start3A_267 : memref<96x16xf32, #tpu.memory_space<hbm>>) target_semaphore(%run_scoped3A : memref<!tpu.dma_semaphore, #tpu.memory_space<semaphore_mem>>)
      %dma_wait3A_268 = arith.constant 0 : i32
      %dma_wait3A_269 = tpu.memref_slice %arg8[%add3A_251, %dma_wait3A_268] : memref<20224x16xf32, #tpu.memory_space<hbm>> -> memref<96x16xf32, #tpu.memory_space<hbm>>
      %dma_wait3A_270 = arith.constant 0 : i32
      %dma_wait3A_271 = tpu.memref_slice %arg8[%add3A_251, %dma_wait3A_270] : memref<20224x16xf32, #tpu.memory_space<hbm>> -> memref<96x16xf32, #tpu.memory_space<hbm>>
      tpu.wait_dma2 semaphore(%run_scoped3A : memref<!tpu.dma_semaphore, #tpu.memory_space<semaphore_mem>>) src(%arg27 : memref<96x16xf32, #tpu.memory_space<vmem>>) dst(%dma_wait3A_271 : memref<96x16xf32, #tpu.memory_space<hbm>>)
      tpu.yield
    }) : () -> ()
    %mul3A_252 = arith.constant 632 : i32
    %mul3A_253 = arith.muli %arg1, %mul3A_252 : i32
    %add3A_254 = arith.constant 480 : i32
    %add3A_255 = arith.addi %mul3A_253, %add3A_254 : i32
    "tpu.region"() ({
      %run_scoped3A = tpu.sem_alloc : memref<!tpu.dma_semaphore, #tpu.memory_space<semaphore_mem>>
      %dma_start3A_264 = arith.constant 0 : i32
      %dma_start3A_265 = tpu.memref_slice %arg28[%add3A_255, %dma_start3A_264] : memref<10112x16xf32, #tpu.memory_space<vmem_shared>> -> memref<96x16xf32, #tpu.memory_space<vmem_shared>>
      %dma_start3A_266 = arith.constant 0 : i32
      %dma_start3A_267 = tpu.memref_slice %arg28[%add3A_255, %dma_start3A_266] : memref<10112x16xf32, #tpu.memory_space<vmem_shared>> -> memref<96x16xf32, #tpu.memory_space<vmem_shared>>
      tpu.enqueue_dma source(%dma_start3A_267 : memref<96x16xf32, #tpu.memory_space<vmem_shared>>) target(%arg27 : memref<96x16xf32, #tpu.memory_space<vmem>>) target_semaphore(%run_scoped3A : memref<!tpu.dma_semaphore, #tpu.memory_space<semaphore_mem>>)
      %dma_wait3A_268 = arith.constant 0 : i32
      %dma_wait3A_269 = tpu.memref_slice %arg28[%add3A_255, %dma_wait3A_268] : memref<10112x16xf32, #tpu.memory_space<vmem_shared>> -> memref<96x16xf32, #tpu.memory_space<vmem_shared>>
      %dma_wait3A_270 = arith.constant 0 : i32
      %dma_wait3A_271 = tpu.memref_slice %arg28[%add3A_255, %dma_wait3A_270] : memref<10112x16xf32, #tpu.memory_space<vmem_shared>> -> memref<96x16xf32, #tpu.memory_space<vmem_shared>>
      tpu.wait_dma2 semaphore(%run_scoped3A : memref<!tpu.dma_semaphore, #tpu.memory_space<semaphore_mem>>) src(%dma_wait3A_271 : memref<96x16xf32, #tpu.memory_space<vmem_shared>>) dst(%arg27 : memref<96x16xf32, #tpu.memory_space<vmem>>)
      tpu.yield
    }) : () -> ()
    %add3A_256 = arith.constant 480 : i32
    %add3A_257 = arith.addi %add3A_179, %add3A_256 : i32
    "tpu.region"() ({
      %run_scoped3A = tpu.sem_alloc : memref<!tpu.dma_semaphore, #tpu.memory_space<semaphore_mem>>
      %dma_start3A_264 = arith.constant 0 : i32
      %dma_start3A_265 = tpu.memref_slice %arg8[%add3A_257, %dma_start3A_264] : memref<20224x16xf32, #tpu.memory_space<hbm>> -> memref<96x16xf32, #tpu.memory_space<hbm>>
      %dma_start3A_266 = arith.constant 0 : i32
      %dma_start3A_267 = tpu.memref_slice %arg8[%add3A_257, %dma_start3A_266] : memref<20224x16xf32, #tpu.memory_space<hbm>> -> memref<96x16xf32, #tpu.memory_space<hbm>>
      tpu.enqueue_dma source(%arg27 : memref<96x16xf32, #tpu.memory_space<vmem>>) target(%dma_start3A_267 : memref<96x16xf32, #tpu.memory_space<hbm>>) target_semaphore(%run_scoped3A : memref<!tpu.dma_semaphore, #tpu.memory_space<semaphore_mem>>)
      %dma_wait3A_268 = arith.constant 0 : i32
      %dma_wait3A_269 = tpu.memref_slice %arg8[%add3A_257, %dma_wait3A_268] : memref<20224x16xf32, #tpu.memory_space<hbm>> -> memref<96x16xf32, #tpu.memory_space<hbm>>
      %dma_wait3A_270 = arith.constant 0 : i32
      %dma_wait3A_271 = tpu.memref_slice %arg8[%add3A_257, %dma_wait3A_270] : memref<20224x16xf32, #tpu.memory_space<hbm>> -> memref<96x16xf32, #tpu.memory_space<hbm>>
      tpu.wait_dma2 semaphore(%run_scoped3A : memref<!tpu.dma_semaphore, #tpu.memory_space<semaphore_mem>>) src(%arg27 : memref<96x16xf32, #tpu.memory_space<vmem>>) dst(%dma_wait3A_271 : memref<96x16xf32, #tpu.memory_space<hbm>>)
      tpu.yield
    }) : () -> ()
    %mul3A_258 = arith.constant 632 : i32
    %mul3A_259 = arith.muli %arg1, %mul3A_258 : i32
    %add3A_260 = arith.constant 576 : i32
    %add3A_261 = arith.addi %mul3A_259, %add3A_260 : i32
    "tpu.region"() ({
      %run_scoped3A = tpu.sem_alloc : memref<!tpu.dma_semaphore, #tpu.memory_space<semaphore_mem>>
      %dma_start3A_264 = arith.constant 0 : i32
      %dma_start3A_265 = arith.constant 0 : i32
      %dma_start3A_266 = tpu.memref_slice %arg27[%dma_start3A_264, %dma_start3A_265] : memref<96x16xf32, #tpu.memory_space<vmem>> -> memref<56x16xf32, #tpu.memory_space<vmem>>
      %dma_start3A_267 = arith.constant 0 : i32
      %dma_start3A_268 = tpu.memref_slice %arg28[%add3A_261, %dma_start3A_267] : memref<10112x16xf32, #tpu.memory_space<vmem_shared>> -> memref<56x16xf32, #tpu.memory_space<vmem_shared>>
      %dma_start3A_269 = arith.constant 0 : i32
      %dma_start3A_270 = arith.constant 0 : i32
      %dma_start3A_271 = tpu.memref_slice %arg27[%dma_start3A_269, %dma_start3A_270] : memref<96x16xf32, #tpu.memory_space<vmem>> -> memref<56x16xf32, #tpu.memory_space<vmem>>
      %dma_start3A_272 = arith.constant 0 : i32
      %dma_start3A_273 = tpu.memref_slice %arg28[%add3A_261, %dma_start3A_272] : memref<10112x16xf32, #tpu.memory_space<vmem_shared>> -> memref<56x16xf32, #tpu.memory_space<vmem_shared>>
      tpu.enqueue_dma source(%dma_start3A_273 : memref<56x16xf32, #tpu.memory_space<vmem_shared>>) target(%dma_start3A_271 : memref<56x16xf32, #tpu.memory_space<vmem>>) target_semaphore(%run_scoped3A : memref<!tpu.dma_semaphore, #tpu.memory_space<semaphore_mem>>)
      %dma_wait3A_274 = arith.constant 0 : i32
      %dma_wait3A_275 = arith.constant 0 : i32
      %dma_wait3A_276 = tpu.memref_slice %arg27[%dma_wait3A_274, %dma_wait3A_275] : memref<96x16xf32, #tpu.memory_space<vmem>> -> memref<56x16xf32, #tpu.memory_space<vmem>>
      %dma_wait3A_277 = arith.constant 0 : i32
      %dma_wait3A_278 = tpu.memref_slice %arg28[%add3A_261, %dma_wait3A_277] : memref<10112x16xf32, #tpu.memory_space<vmem_shared>> -> memref<56x16xf32, #tpu.memory_space<vmem_shared>>
      %dma_wait3A_279 = arith.constant 0 : i32
      %dma_wait3A_280 = arith.constant 0 : i32
      %dma_wait3A_281 = tpu.memref_slice %arg27[%dma_wait3A_279, %dma_wait3A_280] : memref<96x16xf32, #tpu.memory_space<vmem>> -> memref<56x16xf32, #tpu.memory_space<vmem>>
      %dma_wait3A_282 = arith.constant 0 : i32
      %dma_wait3A_283 = tpu.memref_slice %arg28[%add3A_261, %dma_wait3A_282] : memref<10112x16xf32, #tpu.memory_space<vmem_shared>> -> memref<56x16xf32, #tpu.memory_space<vmem_shared>>
      tpu.wait_dma2 semaphore(%run_scoped3A : memref<!tpu.dma_semaphore, #tpu.memory_space<semaphore_mem>>) src(%dma_wait3A_283 : memref<56x16xf32, #tpu.memory_space<vmem_shared>>) dst(%dma_wait3A_281 : memref<56x16xf32, #tpu.memory_space<vmem>>)
      tpu.yield
    }) : () -> ()
    %add3A_262 = arith.constant 576 : i32
    %add3A_263 = arith.addi %add3A_179, %add3A_262 : i32
    "tpu.region"() ({
      %run_scoped3A = tpu.sem_alloc : memref<!tpu.dma_semaphore, #tpu.memory_space<semaphore_mem>>
      %dma_start3A_264 = arith.constant 0 : i32
      %dma_start3A_265 = arith.constant 0 : i32
      %dma_start3A_266 = tpu.memref_slice %arg27[%dma_start3A_264, %dma_start3A_265] : memref<96x16xf32, #tpu.memory_space<vmem>> -> memref<56x16xf32, #tpu.memory_space<vmem>>
      %dma_start3A_267 = arith.constant 0 : i32
      %dma_start3A_268 = tpu.memref_slice %arg8[%add3A_263, %dma_start3A_267] : memref<20224x16xf32, #tpu.memory_space<hbm>> -> memref<56x16xf32, #tpu.memory_space<hbm>>
      %dma_start3A_269 = arith.constant 0 : i32
      %dma_start3A_270 = tpu.memref_slice %arg8[%add3A_263, %dma_start3A_269] : memref<20224x16xf32, #tpu.memory_space<hbm>> -> memref<56x16xf32, #tpu.memory_space<hbm>>
      %dma_start3A_271 = arith.constant 0 : i32
      %dma_start3A_272 = arith.constant 0 : i32
      %dma_start3A_273 = tpu.memref_slice %arg27[%dma_start3A_271, %dma_start3A_272] : memref<96x16xf32, #tpu.memory_space<vmem>> -> memref<56x16xf32, #tpu.memory_space<vmem>>
      tpu.enqueue_dma source(%dma_start3A_273 : memref<56x16xf32, #tpu.memory_space<vmem>>) target(%dma_start3A_270 : memref<56x16xf32, #tpu.memory_space<hbm>>) target_semaphore(%run_scoped3A : memref<!tpu.dma_semaphore, #tpu.memory_space<semaphore_mem>>)
      %dma_wait3A_274 = arith.constant 0 : i32
      %dma_wait3A_275 = arith.constant 0 : i32
      %dma_wait3A_276 = tpu.memref_slice %arg27[%dma_wait3A_274, %dma_wait3A_275] : memref<96x16xf32, #tpu.memory_space<vmem>> -> memref<56x16xf32, #tpu.memory_space<vmem>>
      %dma_wait3A_277 = arith.constant 0 : i32
      %dma_wait3A_278 = tpu.memref_slice %arg8[%add3A_263, %dma_wait3A_277] : memref<20224x16xf32, #tpu.memory_space<hbm>> -> memref<56x16xf32, #tpu.memory_space<hbm>>
      %dma_wait3A_279 = arith.constant 0 : i32
      %dma_wait3A_280 = tpu.memref_slice %arg8[%add3A_263, %dma_wait3A_279] : memref<20224x16xf32, #tpu.memory_space<hbm>> -> memref<56x16xf32, #tpu.memory_space<hbm>>
      %dma_wait3A_281 = arith.constant 0 : i32
      %dma_wait3A_282 = arith.constant 0 : i32
      %dma_wait3A_283 = tpu.memref_slice %arg27[%dma_wait3A_281, %dma_wait3A_282] : memref<96x16xf32, #tpu.memory_space<vmem>> -> memref<56x16xf32, #tpu.memory_space<vmem>>
      tpu.wait_dma2 semaphore(%run_scoped3A : memref<!tpu.dma_semaphore, #tpu.memory_space<semaphore_mem>>) src(%dma_wait3A_283 : memref<56x16xf32, #tpu.memory_space<vmem>>) dst(%dma_wait3A_280 : memref<56x16xf32, #tpu.memory_space<hbm>>)
      tpu.yield
    }) : () -> ()
    return
  }
}

module attributes {stable_mosaic.version = 14 : i64} {
  func.func @_tc1_body(%arg0: i32, %arg1: memref<1000x128xf32, #tpu.memory_space<vmem>>, %arg2: memref<2x1000x128xf32, #tpu.memory_space<vmem>>, %arg3: memref<2x1000x16xf32, #tpu.memory_space<vmem>>, %arg4: memref<128x128xf32, #tpu.memory_space<vmem>>, %arg5: memref<1x128xf32, #tpu.memory_space<vmem>>, %arg6: memref<128x128xf32, #tpu.memory_space<vmem>>, %arg7: memref<1000x128xf32, #tpu.memory_space<vmem>>, %arg8: memref<1000x1xf32, #tpu.memory_space<vmem>>) attributes {dimension_semantics = [#tpu.dimension_semantics<arbitrary>], iteration_bounds = array<i64: 10>, scalar_prefetch = 0 : i64, scratch_operands = 0 : i64, tpu.core_type = #tpu.core_type<tc>, window_params = [{transform_indices = @transform_0, window_bounds = array<i64: 1000, 128>}, {transform_indices = @transform_1, window_bounds = array<i64: 2, 1000, 128>}, {transform_indices = @transform_2, window_bounds = array<i64: 2, 1000, 16>}, {pipeline_mode = #tpu.pipeline_mode<synchronous>, transform_indices = @transform_3, window_bounds = array<i64: 128, 128>}, {pipeline_mode = #tpu.pipeline_mode<synchronous>, transform_indices = @transform_4, window_bounds = array<i64: 1, 128>}, {pipeline_mode = #tpu.pipeline_mode<synchronous>, transform_indices = @transform_5, window_bounds = array<i64: 128, 128>}, {transform_indices = @transform_6, window_bounds = array<i64: 1000, 128>}, {transform_indices = @transform_7, window_bounds = array<i64: 1000, 1>}]} {
    %get3A = arith.constant 0 : index
    %get3A_0 = arith.constant 0 : index
    %get3A_1 = arith.constant 0 : index
    %get3A_2 = vector.load %arg2[%get3A, %get3A_0, %get3A_1] : memref<2x1000x128xf32, #tpu.memory_space<vmem>>, vector<1x1000x128xf32>
    %get3A_3 = vector.shape_cast %get3A_2 : vector<1x1000x128xf32> to vector<1000x128xf32>
    %get3A_4 = arith.constant 1 : index
    %get3A_5 = arith.constant 0 : index
    %get3A_6 = arith.constant 0 : index
    %get3A_7 = vector.load %arg2[%get3A_4, %get3A_5, %get3A_6] : memref<2x1000x128xf32, #tpu.memory_space<vmem>>, vector<1x1000x128xf32>
    %get3A_8 = vector.shape_cast %get3A_7 : vector<1x1000x128xf32> to vector<1000x128xf32>
    %add3A = arith.addf %get3A_3, %get3A_8 : vector<1000x128xf32>
    %get3A_9 = arith.constant 0 : index
    %get3A_10 = arith.constant 0 : index
    %get3A_11 = arith.constant 0 : index
    %get3A_12 = vector.load %arg3[%get3A_9, %get3A_10, %get3A_11] : memref<2x1000x16xf32, #tpu.memory_space<vmem>>, vector<1x1000x16xf32>
    %get3A_13 = vector.shape_cast %get3A_12 : vector<1x1000x16xf32> to vector<1000x16xf32>
    %get3A_14 = arith.constant 1 : index
    %get3A_15 = arith.constant 0 : index
    %get3A_16 = arith.constant 0 : index
    %get3A_17 = vector.load %arg3[%get3A_14, %get3A_15, %get3A_16] : memref<2x1000x16xf32, #tpu.memory_space<vmem>>, vector<1x1000x16xf32>
    %get3A_18 = vector.shape_cast %get3A_17 : vector<1x1000x16xf32> to vector<1000x16xf32>
    %add3A_19 = arith.addf %get3A_13, %get3A_18 : vector<1000x16xf32>
    %slice3A = vector.extract_strided_slice %add3A_19 {offsets = [0, 0], sizes = [1000, 1], strides = [1, 1]} : vector<1000x16xf32> to vector<1000x1xf32>
    %max3A = arith.constant 1.000000e+00 : f32
    %max3A_20 = vector.broadcast %max3A : f32 to vector<1000x1xf32>
    %max3A_21 = arith.maximumf %slice3A, %max3A_20 : vector<1000x1xf32>
    %div3A = arith.constant 1.000000e+00 : f32
    %div3A_22 = vector.broadcast %div3A : f32 to vector<1000x1xf32>
    %div3A_23 = arith.divf %div3A_22, %max3A_21 : vector<1000x1xf32>
    %mul3A = vector.broadcast %div3A_23 : vector<1000x1xf32> to vector<1000x128xf32>
    %mul3A_24 = arith.mulf %add3A, %mul3A : vector<1000x128xf32>
    %get3A_25 = arith.constant 0 : index
    %get3A_26 = arith.constant 0 : index
    %get3A_27 = vector.load %arg4[%get3A_25, %get3A_26] : memref<128x128xf32, #tpu.memory_space<vmem>>, vector<128x128xf32>
    %dot_general3A = arith.constant dense<0.000000e+00> : vector<1000x128xf32>
    %dot_general3A_28 = tpu.matmul %mul3A_24, %get3A_27, %dot_general3A {dimension_numbers = #tpu.dot_dimension_numbers<[1], [1], [0], [0], [0, 0, 1, 0], [], []>, transpose_lhs_hint = false} : vector<1000x128xf32>, vector<128x128xf32>, vector<1000x128xf32> -> vector<1000x128xf32>
    %get3A_29 = arith.constant 0 : index
    %get3A_30 = arith.constant 0 : index
    %get3A_31 = vector.load %arg5[%get3A_29, %get3A_30] : memref<1x128xf32, #tpu.memory_space<vmem>>, vector<1x128xf32>
    %add3A_32 = vector.broadcast %get3A_31 : vector<1x128xf32> to vector<1000x128xf32>
    %add3A_33 = arith.addf %dot_general3A_28, %add3A_32 : vector<1000x128xf32>
    %get3A_34 = arith.constant 0 : index
    %get3A_35 = arith.constant 0 : index
    %get3A_36 = vector.load %arg1[%get3A_34, %get3A_35] : memref<1000x128xf32, #tpu.memory_space<vmem>>, vector<1000x128xf32>
    %get3A_37 = arith.constant 0 : index
    %get3A_38 = arith.constant 0 : index
    %get3A_39 = vector.load %arg6[%get3A_37, %get3A_38] : memref<128x128xf32, #tpu.memory_space<vmem>>, vector<128x128xf32>
    %dot_general3A_40 = arith.constant dense<0.000000e+00> : vector<1000x128xf32>
    %dot_general3A_41 = tpu.matmul %get3A_36, %get3A_39, %dot_general3A_40 {dimension_numbers = #tpu.dot_dimension_numbers<[1], [1], [0], [0], [0, 0, 1, 0], [], []>, transpose_lhs_hint = false} : vector<1000x128xf32>, vector<128x128xf32>, vector<1000x128xf32> -> vector<1000x128xf32>
    %add3A_42 = arith.addf %add3A_33, %dot_general3A_41 : vector<1000x128xf32>
    %gt3A = arith.constant 0.000000e+00 : f32
    %gt3A_43 = vector.broadcast %gt3A : f32 to vector<1000x128xf32>
    %gt3A_44 = arith.cmpf ogt, %add3A_42, %gt3A_43 : vector<1000x128xf32>
    %min3A = arith.constant 0.000000e+00 : f32
    %min3A_45 = vector.broadcast %min3A : f32 to vector<1000x128xf32>
    %min3A_46 = arith.minimumf %add3A_42, %min3A_45 : vector<1000x128xf32>
    %exp3A = math.exp %min3A_46 : vector<1000x128xf32>
    %sub3A = arith.constant 1.000000e+00 : f32
    %sub3A_47 = vector.broadcast %sub3A : f32 to vector<1000x128xf32>
    %sub3A_48 = arith.subf %exp3A, %sub3A_47 : vector<1000x128xf32>
    %select_n3A = arith.select %gt3A_44, %add3A_42, %sub3A_48 : vector<1000x128xi1>, vector<1000x128xf32>
    %swap3A = arith.constant 0 : index
    %swap3A_49 = arith.constant 0 : index
    %swap3A_50 = vector.load %arg7[%swap3A, %swap3A_49] : memref<1000x128xf32, #tpu.memory_space<vmem>>, vector<1000x128xf32>
    tpu.vector_store %arg7[%swap3A, %swap3A_49], %select_n3A {strides = array<i32>} : memref<1000x128xf32, #tpu.memory_space<vmem>>, vector<1000x128xf32>,
    %swap3A_51 = arith.constant 0 : index
    %swap3A_52 = arith.constant 0 : index
    %swap3A_53 = vector.load %arg8[%swap3A_51, %swap3A_52] : memref<1000x1xf32, #tpu.memory_space<vmem>>, vector<1000x1xf32>
    tpu.vector_store %arg8[%swap3A_51, %swap3A_52], %div3A_23 {strides = array<i32>} : memref<1000x1xf32, #tpu.memory_space<vmem>>, vector<1000x1xf32>,
    return
  }
  func.func @transform_0(%arg0: i32) -> (i32, i32) {
    %c0_i32 = arith.constant 0 : i32
    %c0_i32_0 = arith.constant 0 : i32
    return %arg0, %c0_i32 : i32, i32
  }
  func.func @transform_1(%arg0: i32) -> (i32, i32, i32) {
    %c0_i32 = arith.constant 0 : i32
    %c0_i32_0 = arith.constant 0 : i32
    %c0_i32_1 = arith.constant 0 : i32
    return %c0_i32, %arg0, %c0_i32_0 : i32, i32, i32
  }
  func.func @transform_2(%arg0: i32) -> (i32, i32, i32) {
    %c0_i32 = arith.constant 0 : i32
    %c0_i32_0 = arith.constant 0 : i32
    %c0_i32_1 = arith.constant 0 : i32
    return %c0_i32, %arg0, %c0_i32_0 : i32, i32, i32
  }
  func.func @transform_3(%arg0: i32) -> (i32, i32) {
    %c0_i32 = arith.constant 0 : i32
    %c0_i32_0 = arith.constant 0 : i32
    %c0_i32_1 = arith.constant 0 : i32
    return %c0_i32, %c0_i32_0 : i32, i32
  }
  func.func @transform_4(%arg0: i32) -> (i32, i32) {
    %c0_i32 = arith.constant 0 : i32
    %c0_i32_0 = arith.constant 0 : i32
    %c0_i32_1 = arith.constant 0 : i32
    return %c0_i32, %c0_i32_0 : i32, i32
  }
  func.func @transform_5(%arg0: i32) -> (i32, i32) {
    %c0_i32 = arith.constant 0 : i32
    %c0_i32_0 = arith.constant 0 : i32
    %c0_i32_1 = arith.constant 0 : i32
    return %c0_i32, %c0_i32_0 : i32, i32
  }
  func.func @transform_6(%arg0: i32) -> (i32, i32) {
    %c0_i32 = arith.constant 0 : i32
    %c0_i32_0 = arith.constant 0 : i32
    return %arg0, %c0_i32 : i32, i32
  }
  func.func @transform_7(%arg0: i32) -> (i32, i32) {
    %c0_i32 = arith.constant 0 : i32
    %c0_i32_0 = arith.constant 0 : i32
    return %arg0, %c0_i32 : i32, i32
  }
}

module attributes {stable_mosaic.version = 14 : i64} {
  func.func @_tc_res_body(%arg0: i32, %arg1: memref<1000x128xf32, #tpu.memory_space<vmem>>, %arg2: memref<128x128xf32, #tpu.memory_space<vmem>>, %arg3: memref<1x128xf32, #tpu.memory_space<vmem>>, %arg4: memref<128x128xf32, #tpu.memory_space<vmem>>, %arg5: memref<1x128xf32, #tpu.memory_space<vmem>>, %arg6: memref<1000x128xf32, #tpu.memory_space<vmem>>, %arg7: memref<1000x128xf32, #tpu.memory_space<vmem>>) attributes {dimension_semantics = [#tpu.dimension_semantics<arbitrary>], iteration_bounds = array<i64: 10>, scalar_prefetch = 0 : i64, scratch_operands = 0 : i64, tpu.core_type = #tpu.core_type<tc>, window_params = [{transform_indices = @transform_0, window_bounds = array<i64: 1000, 128>}, {pipeline_mode = #tpu.pipeline_mode<synchronous>, transform_indices = @transform_1, window_bounds = array<i64: 128, 128>}, {pipeline_mode = #tpu.pipeline_mode<synchronous>, transform_indices = @transform_2, window_bounds = array<i64: 1, 128>}, {pipeline_mode = #tpu.pipeline_mode<synchronous>, transform_indices = @transform_3, window_bounds = array<i64: 128, 128>}, {pipeline_mode = #tpu.pipeline_mode<synchronous>, transform_indices = @transform_4, window_bounds = array<i64: 1, 128>}, {transform_indices = @transform_5, window_bounds = array<i64: 1000, 128>}, {transform_indices = @transform_6, window_bounds = array<i64: 1000, 128>}]} {
    %get3A = arith.constant 0 : index
    %get3A_0 = arith.constant 0 : index
    %get3A_1 = vector.load %arg1[%get3A, %get3A_0] : memref<1000x128xf32, #tpu.memory_space<vmem>>, vector<1000x128xf32>
    %get3A_2 = arith.constant 0 : index
    %get3A_3 = arith.constant 0 : index
    %get3A_4 = vector.load %arg2[%get3A_2, %get3A_3] : memref<128x128xf32, #tpu.memory_space<vmem>>, vector<128x128xf32>
    %dot_general3A = arith.constant dense<0.000000e+00> : vector<1000x128xf32>
    %dot_general3A_5 = tpu.matmul %get3A_1, %get3A_4, %dot_general3A {dimension_numbers = #tpu.dot_dimension_numbers<[1], [1], [0], [0], [0, 0, 1, 0], [], []>, transpose_lhs_hint = false} : vector<1000x128xf32>, vector<128x128xf32>, vector<1000x128xf32> -> vector<1000x128xf32>
    %get3A_6 = arith.constant 0 : index
    %get3A_7 = arith.constant 0 : index
    %get3A_8 = vector.load %arg3[%get3A_6, %get3A_7] : memref<1x128xf32, #tpu.memory_space<vmem>>, vector<1x128xf32>
    %add3A = vector.broadcast %get3A_8 : vector<1x128xf32> to vector<1000x128xf32>
    %add3A_9 = arith.addf %dot_general3A_5, %add3A : vector<1000x128xf32>
    %swap3A = arith.constant 0 : index
    %swap3A_10 = arith.constant 0 : index
    %swap3A_11 = vector.load %arg6[%swap3A, %swap3A_10] : memref<1000x128xf32, #tpu.memory_space<vmem>>, vector<1000x128xf32>
    tpu.vector_store %arg6[%swap3A, %swap3A_10], %add3A_9 {strides = array<i32>} : memref<1000x128xf32, #tpu.memory_space<vmem>>, vector<1000x128xf32>,
    %get3A_12 = arith.constant 0 : index
    %get3A_13 = arith.constant 0 : index
    %get3A_14 = vector.load %arg1[%get3A_12, %get3A_13] : memref<1000x128xf32, #tpu.memory_space<vmem>>, vector<1000x128xf32>
    %get3A_15 = arith.constant 0 : index
    %get3A_16 = arith.constant 0 : index
    %get3A_17 = vector.load %arg4[%get3A_15, %get3A_16] : memref<128x128xf32, #tpu.memory_space<vmem>>, vector<128x128xf32>
    %dot_general3A_18 = arith.constant dense<0.000000e+00> : vector<1000x128xf32>
    %dot_general3A_19 = tpu.matmul %get3A_14, %get3A_17, %dot_general3A_18 {dimension_numbers = #tpu.dot_dimension_numbers<[1], [1], [0], [0], [0, 0, 1, 0], [], []>, transpose_lhs_hint = false} : vector<1000x128xf32>, vector<128x128xf32>, vector<1000x128xf32> -> vector<1000x128xf32>
    %get3A_20 = arith.constant 0 : index
    %get3A_21 = arith.constant 0 : index
    %get3A_22 = vector.load %arg5[%get3A_20, %get3A_21] : memref<1x128xf32, #tpu.memory_space<vmem>>, vector<1x128xf32>
    %add3A_23 = vector.broadcast %get3A_22 : vector<1x128xf32> to vector<1000x128xf32>
    %add3A_24 = arith.addf %dot_general3A_19, %add3A_23 : vector<1000x128xf32>
    %swap3A_25 = arith.constant 0 : index
    %swap3A_26 = arith.constant 0 : index
    %swap3A_27 = vector.load %arg7[%swap3A_25, %swap3A_26] : memref<1000x128xf32, #tpu.memory_space<vmem>>, vector<1000x128xf32>
    tpu.vector_store %arg7[%swap3A_25, %swap3A_26], %add3A_24 {strides = array<i32>} : memref<1000x128xf32, #tpu.memory_space<vmem>>, vector<1000x128xf32>,
    return
  }
  func.func @transform_0(%arg0: i32) -> (i32, i32) {
    %c0_i32 = arith.constant 0 : i32
    %c0_i32_0 = arith.constant 0 : i32
    return %arg0, %c0_i32 : i32, i32
  }
  func.func @transform_1(%arg0: i32) -> (i32, i32) {
    %c0_i32 = arith.constant 0 : i32
    %c0_i32_0 = arith.constant 0 : i32
    %c0_i32_1 = arith.constant 0 : i32
    return %c0_i32, %c0_i32_0 : i32, i32
  }
  func.func @transform_2(%arg0: i32) -> (i32, i32) {
    %c0_i32 = arith.constant 0 : i32
    %c0_i32_0 = arith.constant 0 : i32
    %c0_i32_1 = arith.constant 0 : i32
    return %c0_i32, %c0_i32_0 : i32, i32
  }
  func.func @transform_3(%arg0: i32) -> (i32, i32) {
    %c0_i32 = arith.constant 0 : i32
    %c0_i32_0 = arith.constant 0 : i32
    %c0_i32_1 = arith.constant 0 : i32
    return %c0_i32, %c0_i32_0 : i32, i32
  }
  func.func @transform_4(%arg0: i32) -> (i32, i32) {
    %c0_i32 = arith.constant 0 : i32
    %c0_i32_0 = arith.constant 0 : i32
    %c0_i32_1 = arith.constant 0 : i32
    return %c0_i32, %c0_i32_0 : i32, i32
  }
  func.func @transform_5(%arg0: i32) -> (i32, i32) {
    %c0_i32 = arith.constant 0 : i32
    %c0_i32_0 = arith.constant 0 : i32
    return %arg0, %c0_i32 : i32, i32
  }
  func.func @transform_6(%arg0: i32) -> (i32, i32) {
    %c0_i32 = arith.constant 0 : i32
    %c0_i32_0 = arith.constant 0 : i32
    return %arg0, %c0_i32 : i32, i32
  }
}

module attributes {stable_mosaic.version = 14 : i64} {
  func.func @_tc2_body(%arg0: i32, %arg1: memref<1000x128xf32, #tpu.memory_space<vmem>>, %arg2: memref<2x1000x128xf32, #tpu.memory_space<vmem>>, %arg3: memref<1000x1xf32, #tpu.memory_space<vmem>>, %arg4: memref<1000x128xf32, #tpu.memory_space<vmem>>, %arg5: memref<1000x128xf32, #tpu.memory_space<vmem>>, %arg6: memref<128x128xf32, #tpu.memory_space<vmem>>, %arg7: memref<1x128xf32, #tpu.memory_space<vmem>>, %arg8: memref<128x128xf32, #tpu.memory_space<vmem>>, %arg9: memref<128x128xf32, #tpu.memory_space<vmem>>, %arg10: memref<1x128xf32, #tpu.memory_space<vmem>>, %arg11: memref<128x128xf32, #tpu.memory_space<vmem>>, %arg12: memref<1x128xf32, #tpu.memory_space<vmem>>, %arg13: memref<128x128xf32, #tpu.memory_space<vmem>>, %arg14: memref<1x128xf32, #tpu.memory_space<vmem>>, %arg15: memref<1000x128xf32, #tpu.memory_space<vmem>>) attributes {dimension_semantics = [#tpu.dimension_semantics<arbitrary>], iteration_bounds = array<i64: 10>, scalar_prefetch = 0 : i64, scratch_operands = 0 : i64, tpu.core_type = #tpu.core_type<tc>, window_params = [{transform_indices = @transform_0, window_bounds = array<i64: 1000, 128>}, {transform_indices = @transform_1, window_bounds = array<i64: 2, 1000, 128>}, {transform_indices = @transform_2, window_bounds = array<i64: 1000, 1>}, {transform_indices = @transform_3, window_bounds = array<i64: 1000, 128>}, {transform_indices = @transform_4, window_bounds = array<i64: 1000, 128>}, {pipeline_mode = #tpu.pipeline_mode<synchronous>, transform_indices = @transform_5, window_bounds = array<i64: 128, 128>}, {pipeline_mode = #tpu.pipeline_mode<synchronous>, transform_indices = @transform_6, window_bounds = array<i64: 1, 128>}, {pipeline_mode = #tpu.pipeline_mode<synchronous>, transform_indices = @transform_7, window_bounds = array<i64: 128, 128>}, {pipeline_mode = #tpu.pipeline_mode<synchronous>, transform_indices = @transform_8, window_bounds = array<i64: 128, 128>}, {pipeline_mode = #tpu.pipeline_mode<synchronous>, transform_indices = @transform_9, window_bounds = array<i64: 1, 128>}, {pipeline_mode = #tpu.pipeline_mode<synchronous>, transform_indices = @transform_10, window_bounds = array<i64: 128, 128>}, {pipeline_mode = #tpu.pipeline_mode<synchronous>, transform_indices = @transform_11, window_bounds = array<i64: 1, 128>}, {pipeline_mode = #tpu.pipeline_mode<synchronous>, transform_indices = @transform_12, window_bounds = array<i64: 128, 128>}, {pipeline_mode = #tpu.pipeline_mode<synchronous>, transform_indices = @transform_13, window_bounds = array<i64: 1, 128>}, {transform_indices = @transform_14, window_bounds = array<i64: 1000, 128>}]} {
    %get3A = arith.constant 0 : index
    %get3A_0 = arith.constant 0 : index
    %get3A_1 = arith.constant 0 : index
    %get3A_2 = vector.load %arg2[%get3A, %get3A_0, %get3A_1] : memref<2x1000x128xf32, #tpu.memory_space<vmem>>, vector<1x1000x128xf32>
    %get3A_3 = vector.shape_cast %get3A_2 : vector<1x1000x128xf32> to vector<1000x128xf32>
    %get3A_4 = arith.constant 1 : index
    %get3A_5 = arith.constant 0 : index
    %get3A_6 = arith.constant 0 : index
    %get3A_7 = vector.load %arg2[%get3A_4, %get3A_5, %get3A_6] : memref<2x1000x128xf32, #tpu.memory_space<vmem>>, vector<1x1000x128xf32>
    %get3A_8 = vector.shape_cast %get3A_7 : vector<1x1000x128xf32> to vector<1000x128xf32>
    %add3A = arith.addf %get3A_3, %get3A_8 : vector<1000x128xf32>
    %get3A_9 = arith.constant 0 : index
    %get3A_10 = arith.constant 0 : index
    %get3A_11 = vector.load %arg3[%get3A_9, %get3A_10] : memref<1000x1xf32, #tpu.memory_space<vmem>>, vector<1000x1xf32>
    %mul3A = vector.broadcast %get3A_11 : vector<1000x1xf32> to vector<1000x128xf32>
    %mul3A_12 = arith.mulf %add3A, %mul3A : vector<1000x128xf32>
    %get3A_13 = arith.constant 0 : index
    %get3A_14 = arith.constant 0 : index
    %get3A_15 = vector.load %arg6[%get3A_13, %get3A_14] : memref<128x128xf32, #tpu.memory_space<vmem>>, vector<128x128xf32>
    %dot_general3A = arith.constant dense<0.000000e+00> : vector<1000x128xf32>
    %dot_general3A_16 = tpu.matmul %mul3A_12, %get3A_15, %dot_general3A {dimension_numbers = #tpu.dot_dimension_numbers<[1], [1], [0], [0], [0, 0, 1, 0], [], []>, transpose_lhs_hint = false} : vector<1000x128xf32>, vector<128x128xf32>, vector<1000x128xf32> -> vector<1000x128xf32>
    %get3A_17 = arith.constant 0 : index
    %get3A_18 = arith.constant 0 : index
    %get3A_19 = vector.load %arg7[%get3A_17, %get3A_18] : memref<1x128xf32, #tpu.memory_space<vmem>>, vector<1x128xf32>
    %add3A_20 = vector.broadcast %get3A_19 : vector<1x128xf32> to vector<1000x128xf32>
    %add3A_21 = arith.addf %dot_general3A_16, %add3A_20 : vector<1000x128xf32>
    %get3A_22 = arith.constant 0 : index
    %get3A_23 = arith.constant 0 : index
    %get3A_24 = vector.load %arg1[%get3A_22, %get3A_23] : memref<1000x128xf32, #tpu.memory_space<vmem>>, vector<1000x128xf32>
    %get3A_25 = arith.constant 0 : index
    %get3A_26 = arith.constant 0 : index
    %get3A_27 = vector.load %arg8[%get3A_25, %get3A_26] : memref<128x128xf32, #tpu.memory_space<vmem>>, vector<128x128xf32>
    %dot_general3A_28 = arith.constant dense<0.000000e+00> : vector<1000x128xf32>
    %dot_general3A_29 = tpu.matmul %get3A_24, %get3A_27, %dot_general3A_28 {dimension_numbers = #tpu.dot_dimension_numbers<[1], [1], [0], [0], [0, 0, 1, 0], [], []>, transpose_lhs_hint = false} : vector<1000x128xf32>, vector<128x128xf32>, vector<1000x128xf32> -> vector<1000x128xf32>
    %add3A_30 = arith.addf %add3A_21, %dot_general3A_29 : vector<1000x128xf32>
    %gt3A = arith.constant 0.000000e+00 : f32
    %gt3A_31 = vector.broadcast %gt3A : f32 to vector<1000x128xf32>
    %gt3A_32 = arith.cmpf ogt, %add3A_30, %gt3A_31 : vector<1000x128xf32>
    %min3A = arith.constant 0.000000e+00 : f32
    %min3A_33 = vector.broadcast %min3A : f32 to vector<1000x128xf32>
    %min3A_34 = arith.minimumf %add3A_30, %min3A_33 : vector<1000x128xf32>
    %exp3A = math.exp %min3A_34 : vector<1000x128xf32>
    %sub3A = arith.constant 1.000000e+00 : f32
    %sub3A_35 = vector.broadcast %sub3A : f32 to vector<1000x128xf32>
    %sub3A_36 = arith.subf %exp3A, %sub3A_35 : vector<1000x128xf32>
    %select_n3A = arith.select %gt3A_32, %add3A_30, %sub3A_36 : vector<1000x128xi1>, vector<1000x128xf32>
    %get3A_37 = arith.constant 0 : index
    %get3A_38 = arith.constant 0 : index
    %get3A_39 = vector.load %arg4[%get3A_37, %get3A_38] : memref<1000x128xf32, #tpu.memory_space<vmem>>, vector<1000x128xf32>
    %add3A_40 = arith.addf %select_n3A, %get3A_39 : vector<1000x128xf32>
    %get3A_41 = arith.constant 0 : index
    %get3A_42 = arith.constant 0 : index
    %get3A_43 = vector.load %arg9[%get3A_41, %get3A_42] : memref<128x128xf32, #tpu.memory_space<vmem>>, vector<128x128xf32>
    %dot_general3A_44 = arith.constant dense<0.000000e+00> : vector<1000x128xf32>
    %dot_general3A_45 = tpu.matmul %add3A_40, %get3A_43, %dot_general3A_44 {dimension_numbers = #tpu.dot_dimension_numbers<[1], [1], [0], [0], [0, 0, 1, 0], [], []>, transpose_lhs_hint = false} : vector<1000x128xf32>, vector<128x128xf32>, vector<1000x128xf32> -> vector<1000x128xf32>
    %get3A_46 = arith.constant 0 : index
    %get3A_47 = arith.constant 0 : index
    %get3A_48 = vector.load %arg10[%get3A_46, %get3A_47] : memref<1x128xf32, #tpu.memory_space<vmem>>, vector<1x128xf32>
    %add3A_49 = vector.broadcast %get3A_48 : vector<1x128xf32> to vector<1000x128xf32>
    %add3A_50 = arith.addf %dot_general3A_45, %add3A_49 : vector<1000x128xf32>
    %gt3A_51 = arith.constant 0.000000e+00 : f32
    %gt3A_52 = vector.broadcast %gt3A_51 : f32 to vector<1000x128xf32>
    %gt3A_53 = arith.cmpf ogt, %add3A_50, %gt3A_52 : vector<1000x128xf32>
    %min3A_54 = arith.constant 0.000000e+00 : f32
    %min3A_55 = vector.broadcast %min3A_54 : f32 to vector<1000x128xf32>
    %min3A_56 = arith.minimumf %add3A_50, %min3A_55 : vector<1000x128xf32>
    %exp3A_57 = math.exp %min3A_56 : vector<1000x128xf32>
    %sub3A_58 = arith.constant 1.000000e+00 : f32
    %sub3A_59 = vector.broadcast %sub3A_58 : f32 to vector<1000x128xf32>
    %sub3A_60 = arith.subf %exp3A_57, %sub3A_59 : vector<1000x128xf32>
    %select_n3A_61 = arith.select %gt3A_53, %add3A_50, %sub3A_60 : vector<1000x128xi1>, vector<1000x128xf32>
    %get3A_62 = arith.constant 0 : index
    %get3A_63 = arith.constant 0 : index
    %get3A_64 = vector.load %arg11[%get3A_62, %get3A_63] : memref<128x128xf32, #tpu.memory_space<vmem>>, vector<128x128xf32>
    %dot_general3A_65 = arith.constant dense<0.000000e+00> : vector<1000x128xf32>
    %dot_general3A_66 = tpu.matmul %select_n3A_61, %get3A_64, %dot_general3A_65 {dimension_numbers = #tpu.dot_dimension_numbers<[1], [1], [0], [0], [0, 0, 1, 0], [], []>, transpose_lhs_hint = false} : vector<1000x128xf32>, vector<128x128xf32>, vector<1000x128xf32> -> vector<1000x128xf32>
    %get3A_67 = arith.constant 0 : index
    %get3A_68 = arith.constant 0 : index
    %get3A_69 = vector.load %arg12[%get3A_67, %get3A_68] : memref<1x128xf32, #tpu.memory_space<vmem>>, vector<1x128xf32>
    %add3A_70 = vector.broadcast %get3A_69 : vector<1x128xf32> to vector<1000x128xf32>
    %add3A_71 = arith.addf %dot_general3A_66, %add3A_70 : vector<1000x128xf32>
    %gt3A_72 = arith.constant 0.000000e+00 : f32
    %gt3A_73 = vector.broadcast %gt3A_72 : f32 to vector<1000x128xf32>
    %gt3A_74 = arith.cmpf ogt, %add3A_71, %gt3A_73 : vector<1000x128xf32>
    %min3A_75 = arith.constant 0.000000e+00 : f32
    %min3A_76 = vector.broadcast %min3A_75 : f32 to vector<1000x128xf32>
    %min3A_77 = arith.minimumf %add3A_71, %min3A_76 : vector<1000x128xf32>
    %exp3A_78 = math.exp %min3A_77 : vector<1000x128xf32>
    %sub3A_79 = arith.constant 1.000000e+00 : f32
    %sub3A_80 = vector.broadcast %sub3A_79 : f32 to vector<1000x128xf32>
    %sub3A_81 = arith.subf %exp3A_78, %sub3A_80 : vector<1000x128xf32>
    %select_n3A_82 = arith.select %gt3A_74, %add3A_71, %sub3A_81 : vector<1000x128xi1>, vector<1000x128xf32>
    %get3A_83 = arith.constant 0 : index
    %get3A_84 = arith.constant 0 : index
    %get3A_85 = vector.load %arg5[%get3A_83, %get3A_84] : memref<1000x128xf32, #tpu.memory_space<vmem>>, vector<1000x128xf32>
    %add3A_86 = arith.addf %select_n3A_82, %get3A_85 : vector<1000x128xf32>
    %get3A_87 = arith.constant 0 : index
    %get3A_88 = arith.constant 0 : index
    %get3A_89 = vector.load %arg13[%get3A_87, %get3A_88] : memref<128x128xf32, #tpu.memory_space<vmem>>, vector<128x128xf32>
    %dot_general3A_90 = arith.constant dense<0.000000e+00> : vector<1000x128xf32>
    %dot_general3A_91 = tpu.matmul %add3A_86, %get3A_89, %dot_general3A_90 {dimension_numbers = #tpu.dot_dimension_numbers<[1], [1], [0], [0], [0, 0, 1, 0], [], []>, transpose_lhs_hint = false} : vector<1000x128xf32>, vector<128x128xf32>, vector<1000x128xf32> -> vector<1000x128xf32>
    %get3A_92 = arith.constant 0 : index
    %get3A_93 = arith.constant 0 : index
    %get3A_94 = vector.load %arg14[%get3A_92, %get3A_93] : memref<1x128xf32, #tpu.memory_space<vmem>>, vector<1x128xf32>
    %add3A_95 = vector.broadcast %get3A_94 : vector<1x128xf32> to vector<1000x128xf32>
    %add3A_96 = arith.addf %dot_general3A_91, %add3A_95 : vector<1000x128xf32>
    %max3A = arith.constant 0.000000e+00 : f32
    %max3A_97 = vector.broadcast %max3A : f32 to vector<1000x128xf32>
    %max3A_98 = arith.maximumf %add3A_96, %max3A_97 : vector<1000x128xf32>
    %abs3A = math.absf %add3A_96 : vector<1000x128xf32>
    %neg3A = arith.constant 0.000000e+00 : f32
    %neg3A_99 = vector.broadcast %neg3A : f32 to vector<1000x128xf32>
    %neg3A_100 = arith.subf %neg3A_99, %abs3A : vector<1000x128xf32>
    %exp3A_101 = math.exp %neg3A_100 : vector<1000x128xf32>
    %add3A_102 = arith.constant 1.000000e+00 : f32
    %add3A_103 = vector.broadcast %add3A_102 : f32 to vector<1000x128xf32>
    %add3A_104 = arith.addf %add3A_103, %exp3A_101 : vector<1000x128xf32>
    %log3A = math.log %add3A_104 : vector<1000x128xf32>
    %add3A_105 = arith.addf %max3A_98, %log3A : vector<1000x128xf32>
    %swap3A = arith.constant 0 : index
    %swap3A_106 = arith.constant 0 : index
    %swap3A_107 = vector.load %arg15[%swap3A, %swap3A_106] : memref<1000x128xf32, #tpu.memory_space<vmem>>, vector<1000x128xf32>
    tpu.vector_store %arg15[%swap3A, %swap3A_106], %add3A_105 {strides = array<i32>} : memref<1000x128xf32, #tpu.memory_space<vmem>>, vector<1000x128xf32>,
    return
  }
  func.func @transform_0(%arg0: i32) -> (i32, i32) {
    %c0_i32 = arith.constant 0 : i32
    %c0_i32_0 = arith.constant 0 : i32
    return %arg0, %c0_i32 : i32, i32
  }
  func.func @transform_1(%arg0: i32) -> (i32, i32, i32) {
    %c0_i32 = arith.constant 0 : i32
    %c0_i32_0 = arith.constant 0 : i32
    %c0_i32_1 = arith.constant 0 : i32
    return %c0_i32, %arg0, %c0_i32_0 : i32, i32, i32
  }
  func.func @transform_2(%arg0: i32) -> (i32, i32) {
    %c0_i32 = arith.constant 0 : i32
    %c0_i32_0 = arith.constant 0 : i32
    return %arg0, %c0_i32 : i32, i32
  }
  func.func @transform_3(%arg0: i32) -> (i32, i32) {
    %c0_i32 = arith.constant 0 : i32
    %c0_i32_0 = arith.constant 0 : i32
    return %arg0, %c0_i32 : i32, i32
  }
  func.func @transform_4(%arg0: i32) -> (i32, i32) {
    %c0_i32 = arith.constant 0 : i32
    %c0_i32_0 = arith.constant 0 : i32
    return %arg0, %c0_i32 : i32, i32
  }
  func.func @transform_5(%arg0: i32) -> (i32, i32) {
    %c0_i32 = arith.constant 0 : i32
    %c0_i32_0 = arith.constant 0 : i32
    %c0_i32_1 = arith.constant 0 : i32
    return %c0_i32, %c0_i32_0 : i32, i32
  }
  func.func @transform_6(%arg0: i32) -> (i32, i32) {
    %c0_i32 = arith.constant 0 : i32
    %c0_i32_0 = arith.constant 0 : i32
    %c0_i32_1 = arith.constant 0 : i32
    return %c0_i32, %c0_i32_0 : i32, i32
  }
  func.func @transform_7(%arg0: i32) -> (i32, i32) {
    %c0_i32 = arith.constant 0 : i32
    %c0_i32_0 = arith.constant 0 : i32
    %c0_i32_1 = arith.constant 0 : i32
    return %c0_i32, %c0_i32_0 : i32, i32
  }
  func.func @transform_8(%arg0: i32) -> (i32, i32) {
    %c0_i32 = arith.constant 0 : i32
    %c0_i32_0 = arith.constant 0 : i32
    %c0_i32_1 = arith.constant 0 : i32
    return %c0_i32, %c0_i32_0 : i32, i32
  }
  func.func @transform_9(%arg0: i32) -> (i32, i32) {
    %c0_i32 = arith.constant 0 : i32
    %c0_i32_0 = arith.constant 0 : i32
    %c0_i32_1 = arith.constant 0 : i32
    return %c0_i32, %c0_i32_0 : i32, i32
  }
  func.func @transform_10(%arg0: i32) -> (i32, i32) {
    %c0_i32 = arith.constant 0 : i32
    %c0_i32_0 = arith.constant 0 : i32
    %c0_i32_1 = arith.constant 0 : i32
    return %c0_i32, %c0_i32_0 : i32, i32
  }
  func.func @transform_11(%arg0: i32) -> (i32, i32) {
    %c0_i32 = arith.constant 0 : i32
    %c0_i32_0 = arith.constant 0 : i32
    %c0_i32_1 = arith.constant 0 : i32
    return %c0_i32, %c0_i32_0 : i32, i32
  }
  func.func @transform_12(%arg0: i32) -> (i32, i32) {
    %c0_i32 = arith.constant 0 : i32
    %c0_i32_0 = arith.constant 0 : i32
    %c0_i32_1 = arith.constant 0 : i32
    return %c0_i32, %c0_i32_0 : i32, i32
  }
  func.func @transform_13(%arg0: i32) -> (i32, i32) {
    %c0_i32 = arith.constant 0 : i32
    %c0_i32_0 = arith.constant 0 : i32
    %c0_i32_1 = arith.constant 0 : i32
    return %c0_i32, %c0_i32_0 : i32, i32
  }
  func.func @transform_14(%arg0: i32) -> (i32, i32) {
    %c0_i32 = arith.constant 0 : i32
    %c0_i32_0 = arith.constant 0 : i32
    return %arg0, %c0_i32 : i32, i32
  }
}

</mosaic_0001>

<sc_bundles>
// kernel: kernel.10.cloned.1.call-start
scs
__scs_entry_jumppad:
0x0: {  	(pc) =	sbr.rel $0x88, $3  }
0x1: {  	(tag) =	ssettag $0x0;
	lr =	simm.s32 $0x1  }
0x2: {  	[smem:$0x3F8F] =	sst lr;
	_ =	strace $0xD0000000  }
0x3: {  	_ = 	snop  }
0x4: {  	_ = 	snop  }
0x5: {  	_ = 	snop  }
0x6: {  	_ = 	snop  }
0x7: {  	_ = 	snop  }
__scs_overlays_trampoline_lowered:
0x8: {  	[smem:$0x3F9E] =	sst s0  }
0x9: {  	[smem:$0x3F9F] =	sst s1  }
0xa: {  	[smem:$0x3FA0] =	sst s2  }
0xb: {  	[smem:$0x3FA1] =	sst s3  }
0xc: {  	[smem:$0x3FA2] =	sst s4  }
0xd: {  	[smem:$0x3FA3] =	sst s5  }
0xe: {  	[smem:$0x3FA4] =	sst s6  }
0xf: {  	[smem:$0x3FA5] =	sst s7  }
0x10: {  	[smem:$0x3FA6] =	sst s8  }
0x11: {  	[smem:$0x3FA7] =	sst s9;
	s0 =	simm.s32 @!p0 $0x0  }
0x12: {  	s1 =	sld [smem:$0x3F8D];
	s0 =	simm.s32 @p0 $0x1  }
0x13: {  	[smem:$0x3FA8] =	sst s0;
	s0 =	simm.s32 @!p1 $0x0  }
0x14: {  	s2 =	sld [smem:$0x3F8C];
	s0 =	simm.s32 @p1 $0x1  }
0x15: {  	[smem:$0x3FA9] =	sst s0;
	s0 =	simm.s32 @!p2 $0x0  }
0x16: {  	s3 =	sld [smem:$0x3FDB];
	s0 =	simm.s32 @p2 $0x1  }
0x17: {  	s4 =	simm.s32 $0x1BF5;
	[smem:$0x3FAB] =	sst s0  }
0x18: {  	s0 =	sld [smem:$0x3F8E];
	_ =	swait.ge [sflag:s4], $0x0  }
0x19: {  	s7 =	sld [smem:$0x3F8F]  }
0x1a: {  	s8 =	sadd.s32 $0xFFFFE003, lr  }
0x1b: {  	s9 =	sadd.s32 $0xFFFFFEF7, lr;
	s5 =	simm.s32 $0xFFFFFFFF;
	p2 =	slt.u32 s8, $0xFFFFF086  }
0x1c: {  	p1 =	slt.u32 s9, $0xF7A;
	s5 =	simm.s32 @!p2 $0x0  }
0x1d: {  	s5 =	simm.s32 @p1 $0x1;
	p0 =	seq.s32 s7, s2  }
0x1e: {  	s7 =	smul.u32 @!p0 $0xF7A, s2;
	p2 =	seq.s32 @!p0 s5, $0x0  }
0x1f: {  	s9 =	smul.u32 $0xF7A, s1;
	s8 =	simm.s32 @!p0 $0x1BF5;
	p2 =	por !p2, p0  }
0x20: {  	[sflag:s8] =	ssyncset.s32 @!p0 $0xFFFFF086;
	s6 =	sadd.s32 @!p0 s3, s7;
	s7 =	simm.s32 @!p0 $0x108  }
0x21: {  	s3 =	sadd.s32 s3, s9;
	s6 =	sadd.s32 @!p0 $0x88, s6;
	s7 =	simm.s32 @p2 $0x1082  }
0x22: {  	[simem:s7], [sflag:s8] =	dma.local @!p0 [hbm:s6], $0xF7A  }
0x23: {  	s9 =	sor.u32 $0xD0000000, s2;
	s6 =	simm.s32 $0x108;
	_ =	swait.ge @!p0 [sflag:s8], $0x0  }
0x24: {  	s3 =	sadd.s32 $0x88, s3;
	s6 =	simm.s32 @!p1 $0x1082;
	[sflag:s4] =	ssyncset.s32 $0xFFFFF086  }
0x25: {  	[simem:s6], [sflag:s4] =	dma.local [hbm:s3], $0xF7A  }
0x26: {  	[smem:$0x3F8F] =	sst s1;
	(tag) =	ssettag s2;
	_ =	strace s9  }
0x27: {  	s1 =	sld [smem:$0x3F9F]  }
0x28: {  	s2 =	sld [smem:$0x3FA0]  }
0x29: {  	s4 =	sld [smem:$0x3FA2]  }
0x2a: {  	p0 =	seq.s32 s5, $0x0;
	s5 =	sld [smem:$0x3FA3]  }
0x2b: {  	s6 =	sld [smem:$0x3FA4]  }
0x2c: {  	s7 =	sld [smem:$0x3FA5]  }
0x2d: {  	s3 =	simm.s32 $0x108;
	s8 =	sld [smem:$0x3FA6]  }
0x2e: {  	s3 =	simm.s32 @!p0 $0x1082;
	s9 =	sld [smem:$0x3FA7]  }
0x2f: {  	lr =	sadd.s32 s0, s3;
	s0 =	sld [smem:$0x3F9E]  }
0x30: {  	s3 =	sld [smem:$0x3FA1]  }
0x31: {  	[smem:$0x3FAA] =	sst s10  }
0x32: {  	s10 =	sld [smem:$0x3FA8];
	_ =	sdelay $0x3  }
0x33: {  	p0 =	seq.s32 s10, $0x1;
	s10 =	sld [smem:$0x3FAA];
	_ =	sdelay $0x3  }
0x34: {  	[smem:$0x3FAA] =	sst s10  }
0x35: {  	s10 =	sld [smem:$0x3FA9];
	_ =	sdelay $0x3  }
0x36: {  	p1 =	seq.s32 s10, $0x1;
	s10 =	sld [smem:$0x3FAA];
	_ =	sdelay $0x3  }
0x37: {  	[smem:$0x3FAA] =	sst s10  }
0x38: {  	s10 =	sld [smem:$0x3FAB]  }
0x39: {  	_ = 	snop;
	(pc) =	sbr.ind lr, $3  }
0x3a: {  	_ = 	snop  }
0x3b: {  	_ = 	snop  }
0x3c: {  	p2 =	seq.s32 s10, $0x1;
	s10 =	sld [smem:$0x3FAA]  }
0x3d: {  	_ =	shalt  }
0x3e: {  	_ =	shalt  }
0x3f: {  	_ =	shalt  }
0x40: {  	_ =	shalt  }
0x41: {  	_ =	shalt  }
0x42: {  	_ =	shalt  }
0x43: {  	_ =	shalt  }
0x44: {  	_ =	shalt  }
0x45: {  	_ =	shalt  }
0x46: {  	_ =	shalt  }
0x47: {  	_ =	shalt  }
0x48: {  	_ =	shalt  }
0x49: {  	_ =	shalt  }
0x4a: {  	_ =	shalt  }
0x4b: {  	_ =	shalt  }
0x4c: {  	_ =	shalt  }
0x4d: {  	_ =	shalt  }
0x4e: {  	_ =	shalt  }
0x4f: {  	_ =	shalt  }
0x50: {  	_ =	shalt  }
0x51: {  	_ =	shalt  }
0x52: {  	_ =	shalt  }
0x53: {  	_ =	shalt  }
0x54: {  	_ =	shalt  }
0x55: {  	_ =	shalt  }
0x56: {  	_ =	shalt  }
0x57: {  	_ =	shalt  }
0x58: {  	_ =	shalt  }
0x59: {  	_ =	shalt  }
0x5a: {  	_ =	shalt  }
0x5b: {  	_ =	shalt  }
0x5c: {  	_ =	shalt  }
0x5d: {  	_ =	shalt  }
0x5e: {  	_ =	shalt  }
0x5f: {  	_ =	shalt  }
0x60: {  	_ =	shalt  }
0x61: {  	_ =	shalt  }
0x62: {  	_ =	shalt  }
0x63: {  	_ =	shalt  }
0x64: {  	_ =	shalt  }
0x65: {  	_ =	shalt  }
0x66: {  	_ =	shalt  }
0x67: {  	_ =	shalt  }
0x68: {  	_ =	shalt  }
0x69: {  	_ =	shalt  }
0x6a: {  	_ =	shalt  }
0x6b: {  	_ =	shalt  }
0x6c: {  	_ =	shalt  }
0x6d: {  	_ =	shalt  }
0x6e: {  	_ =	shalt  }
0x6f: {  	_ =	shalt  }
0x70: {  	_ =	shalt  }
0x71: {  	_ =	shalt  }
0x72: {  	_ =	shalt  }
0x73: {  	_ =	shalt  }
0x74: {  	_ =	shalt  }
0x75: {  	_ =	shalt  }
0x76: {  	_ =	shalt  }
0x77: {  	_ =	shalt  }
0x78: {  	_ =	shalt  }
0x79: {  	_ =	shalt  }
0x7a: {  	_ =	shalt  }
0x7b: {  	_ =	shalt  }
0x7c: {  	_ =	shalt  }
0x7d: {  	_ =	shalt  }
0x7e: {  	_ =	shalt  }
0x7f: {  	_ =	shalt  }
0x80: {  	_ =	shalt  }
0x81: {  	_ =	shalt  }
0x82: {  	_ =	shalt  }
0x83: {  	_ =	shalt  }
0x84: {  	_ =	shalt  }
0x85: {  	_ =	shalt  }
0x86: {  	_ =	shalt  }
0x87: {  	_ =	shalt  }
.Lfunc_end0:
.L_simem_size_0:
called_computation.1_lowered:
.L_overlay_start_0:
0x88: {  	s2 =	sld [smem:$0x3FD9]  }
0x89: {  	s3 =	sld [smem:$0x3FFE];
	_ =	sdelay $0x1  }
0x8a: {  	s1 =	srdreg.scid  }
0x8b: {  	s0 =	sand.u32 $0x1, s1  }
0x8c: {  	s17 =	sshll.u32 s0, $0xA;
	s2 =	sadd.s32 s3, s2  }
0x8d: {  	s2 =	sadd.s32 s2, s17  }
0x8e: {  	[smem:$0x3FB6] =	sst s2  }
0x8f: {  	_ = 	snop  }
0x90: {  	s2 =	sld [smem:$0x3FD0];
	(tm) =	ssettm $0x1  }
0x91: {  	s18 =	sld [smem:$0x3FFB];
	_ =	sdelay $0x3  }
0x92: {  	_ =	strace s18  }
0x93: {  	s3 =	sld [smem:$0x3FFC];
	_ =	sdelay $0x3  }
0x94: {  	_ =	strace s3  }
0x95: {  	s3 =	sld [smem:$0x3FFD];
	_ =	sdelay $0x3  }
0x96: {  	_ =	strace s3  }
0x97: {  	_ =	strace $0x8FFFFFFF  }
0x98: {  	s19 =	sld [smem:$0x3FDB];
	_ =	sdelay $0x1  }
0x99: {  	s4 =	simm.s32 $_scs_section_size  }
0x9a: {  	s5 =	simm.s32 $_size__tile_overlayer_lowered;
	s6 =	simm.s32 $_tile_overlayer_lowered  }
0x9b: {  	s22 =	simm.s32 $0x1BFF;
	s21 =	sshll.u32 s6, $0x1;
	s3 =	sadd.s32 s4, s19  }
0x9c: {  	s7 =	simm.s32 $0x0;
	s20 =	sshll.u32 s5, $0x1;
	s5 =	sadd.s32 s21, s3  }
0x9d: {  	[timem:s7], [sflag:s22] =	dma.local [hbm:s5], s20  }
0x9e: {  	_ =	swait.ge [sflag:s22], s20  }
0x9f: {  	s4 =	ssub.s32 $0x0, s20;
	[sflag:s22] =	ssyncset.done $0x0  }
0xa0: {  	[sflag:s22] =	ssyncadd.s32 s4;
	_ =	sdelay $0x1  }
0xa1: {  	s23 =	simm.s32 $0x1B8B  }
0xa2: {  	_ =	swait.ge [sflag:s23], $0x1  }
0xa3: {  	[sflag:s23] =	ssyncset.done $0x0  }
0xa4: {  	s25 =	simm.s32 $0x1B8E;
	s24 =	sld [smem:$0x3FFE];
	[sflag:s23] =	ssyncadd.s32 $0xFFFFFFFF  }
0xa5: {  	s26 =	simm.s32 $execute0_lowered;
	[smem:$0x3FD2] =	sst s25  }
0xa6: {  	s5 =	sshll.u32 s26, $0x1;
	_ =	strace $0x80000049;
	[dreg:$0x1] =	wrdreg $0xFFFFFFFF  }
0xa7: {  	s28 =	simm.s32 $_size_execute0_lowered;
	s3 =	sadd.s32 s3, s5;
	[dreg:$0x0] =	wrdreg $0x0  }
0xa8: {  	s5 =	sshll.u32 s28, $0x1;
	[dreg:$0x2] =	wrdreg s3  }
0xa9: {  	[dreg:$0x3] =	wrdreg s5  }
0xaa: {  	[dreg:$0x4] =	wrdreg $0xC0  }
0xab: {  	_ =	task [dreg:s7], $0x5FFFF  }
0xac: {  	[dreg:$0x1] =	wrdreg $0xFFFFFFFF  }
0xad: {  	[dreg:$0x0] =	wrdreg $0x60  }
0xae: {  	[dreg:$0x2] =	wrdreg s2  }
0xaf: {  	[dreg:$0x3] =	wrdreg s24  }
0xb0: {  	[dreg:$0x4] =	wrdreg $0x93000  }
0xb1: {  	[dreg:$0x5] =	wrdreg $0x9  }
0xb2: {  	_ =	task.clear_ibuf [dreg:s7], $0x6FFFF;
	_ =	strace $0x90000049  }
0xb3: {  	s29 =	simm.s32 $0x9;
	_ =	strace $0x8000004B  }
0xb4: {  	_ =	swait.ge [sflag:s29], $0x1  }
0xb5: {  	[sflag:s29] =	ssyncadd.s32 $0xFFFFFFFF  }
0xb6: {  	_ =	strace $0x9000004B  }
0xb7: {  	_ =	sfence  }
0xb8: {  	s30 =	sld [smem:$0x0];
	_ =	sdelay $0x2  }
0xb9: {  	s31 =	sshll.u32 s1, $0xD;
	s1 =	sshrl.u32 s1, $0x2  }
0xba: {  	s3 =	sand.u32 $0x4000, s31;
	s1 =	sadd.s32 s1, s30  }
0xbb: {  	s0 =	sor.u32 s3, s0;
	s1 =	sshll.u32 s1, $0x11  }
0xbc: {  	s0 =	sor.u32 s1, s0  }
0xbd: {  	s0 =	sadd.s32 $0x8F2B, s0  }
0xbe: {  	[sflag:s0] =	ssyncadd.remote.s32 $0x1  }
0xbf: {  	_ =	sfence.sel $0xFFFF  }
0xc0: {  	[dreg:$0x0] =	wrdreg $0xFFFFFFFF;
	(pc) =	sbr.abs _section_cstart, $3  }
0xc1: {  	[dreg:$0x1] =	wrdreg $0xFFFFFFFF  }
0xc2: {  	_ =	task.clear_ibuf [dreg:s7], $0x2FFFF;
	_ =	strace $0x9FFFFFFF  }
0xc3: {  	(tm) =	ssettm $0x7FFFFFFF  }
tec
execute0_lowered:
.L_overlay_start_1:
0x0: {  	(tag) =	ssettag $0x1  }
0x1: {  	s1 =	rddreg [dreg:$0x0]  }
0x2: {  	s0 =	rddreg [dreg:$0x1];
	s2 =	srdreg.scid  }
0x3: {  	s10 =	stileid.u32;
	s3 =	rddreg [dreg:$0x2];
	s4 =	simm.s32 $0x0  }
0x4: {  	s29 =	simm.s32 $0xC0;
	s30 =	simm.s32 $0x180;
	s5 =	smul.u32 $0x278, s10  }
0x5: {  	s31 =	simm.s32 $0x1;
	s2 =	sand.u32 $0x1, s2;
	s7 =	smul.u32 $0x4F000, s10  }
0x6: {  	[smem:$0x7FF] =	sst s4;
	s8 =	sadd.s32 $0x18800, s0;
	s20 =	smul.u32 $0x1440, s10  }
0x7: {  	s9 =	sshll.u32 s10, $0x1;
	s6 =	smul.u32 $0x2780, s2;
	_ =	strace $0x8000004A  }
0x8: {  	s12 =	ssub.s32 $0x2, s2;
	s14 =	sor.u32 s2, s9;
	s2 =	smul.u32 $0xA20, s2  }
0x9: {  	[dreg:$0x5] =	wrdreg s8;
	s7 =	sshrl.u32 s7, $0x2;
	s18 =	smul.u32 $0x5100, s14  }
0xa: {  	s13 =	sshrl.u32 s12, $0x1;
	s9 =	smul.u32 $0xA20, s14;
	s28 =	sadd.s32 s7, s3  }
0xb: {  	s14 =	smul.u32 $0x6C, s14;
	s15 =	sadd.s32 $0x3000, s28;
	[dreg:$0x6] =	wrdreg s28  }
0xc: {  	s6 =	sadd.s32 s5, s6;
	s16 =	sadd.s32 $0x6000, s28;
	[dreg:$0x7] =	wrdreg s15  }
0xd: {  	s5 =	sadd.s32 $0x4400, s0;
	s17 =	sadd.s32 $0x9000, s28;
	[dreg:$0x8] =	wrdreg s16  }
0xe: {  	s6 =	sshll.u32 s6, $0x4;
	s9 =	sadd.s32 s5, s9;
	[dreg:$0x9] =	wrdreg s17  }
0xf: {  	s11 =	sadd.s32 $0xF000, s28;
	s19 =	sshrl.u32 s18, $0x3;
	[dreg:$0xd] =	wrdreg s9  }
0x10: {  	s23 =	sadd.s32 s20, s5;
	s9 =	sadd.s32 $0x18, s9;
	[dreg:$0xb] =	wrdreg s11  }
0x11: {  	s0 =	sadd.s32 s6, s0;
	s2 =	sadd.s32 s2, s23;
	[dreg:$0xe] =	wrdreg s9  }
0x12: {  	s6 =	ssub.s32 s12, s13;
	s13 =	simm.s32 $0x0;
	[dreg:$0x4] =	wrdreg s2  }
0x13: {  	s12 =	sadd.s32 $0x12000, s28;
	s7 =	sadd.s32 s5, s19;
	[dreg:$0x18] =	wrdreg s13  }
0x14: {  	s18 =	simm.s32 $0x6300;
	s7 =	sadd.s32 $0x30, s7;
	[dreg:$0xc] =	wrdreg s12  }
0x15: {  	s20 =	simm.s32 $0x6;
	s21 =	sadd.s32 $0x18E00, s0;
	[dreg:$0xf] =	wrdreg s7  }
0x16: {  	s15 =	sadd.s32 $0xC000, s28;
	s22 =	sadd.s32 $0x19400, s0;
	[dreg:$0x10] =	wrdreg s21  }
0x17: {  	s16 =	simm.s32 $0x5;
	s24 =	sadd.s32 $0x19A00, s0;
	[dreg:$0x11] =	wrdreg s22  }
0x18: {  	s17 =	simm.s32 $0x3;
	s25 =	sadd.s32 $0x1A000, s0;
	[dreg:$0x12] =	wrdreg s24  }
0x19: {  	s19 =	simm.s32 $0x240;
	s26 =	sadd.s32 $0x1A600, s0;
	[dreg:$0x13] =	wrdreg s25  }
0x1a: {  	s23 =	simm.s32 $0x4;
	s8 =	sadd.s32 $0x1AC00, s0;
	[dreg:$0x14] =	wrdreg s26  }
0x1b: {  	s10 =	smov.u32 s15;
	s0 =	sadd.s32 $0x1B200, s0;
	[dreg:$0x15] =	wrdreg s8  }
0x1c: {  	s9 =	smax.u32 s6, $0x1;
	s2 =	simm.s32 $0x60;
	[dreg:$0x16] =	wrdreg s0  }
0x1d: {  	s6 =	simm.s32 $0x3300;
	s15 =	simm.s32 $0x9;
	[dreg:$0x17] =	wrdreg s9  }
0x1e: {  	s26 =	simm.s32 $0x300;
	s0 =	simm.s32 $0x2;
	s21 =	simm.s32 $0x120  }
0x1f: {  	s22 =	simm.s32 $0x8;
	s24 =	simm.s32 $0x7;
	s25 =	simm.s32 $0x1E0  }
0x20: {  	s8 =	simm.s32 $0x2A0;
	s9 =	simm.s32 $0xA;
	[dreg:$0xa] =	wrdreg s10  }
.LBB2_1:
0x21: {  	s13 =	simm.s32 $0xB;
	s7 =	rddreg [dreg:$0x5]  }
0x22: {  	[tilespmem:s26], [sflag:$0xB] =	stream.linear.gather [hbm4b:s7+s4], $0x3000, $0x38;
	[tilespmem:$0x1CF00] =	vst v63  }
0x23: {  	_ =	swait.ge [sflag:s13], $0x3000  }
0x24: {  	[sflag:s13] =	ssyncset.done $0x0  }
0x25: {  	[sflag:s13] =	ssyncadd.s32 $0xFFFFD000  }
0x26: {  	[spmem:s28] =	stream.linear.scatter [tilespmem:s26], [sflag:$0xB], $0x3000, $0x38;
	[tilespmem:$0x1CF00] =	vst v63  }
0x27: {  	_ =	swait.ge [sflag:s13], $0x3000  }
0x28: {  	[sflag:s13] =	ssyncset.done $0x0  }
0x29: {  	s28 =	rddreg [dreg:$0x7];
	[sflag:s13] =	ssyncadd.s32 $0xFFFFD000  }
0x2a: {  	[spmem:s28] =	stream.linear.scatter [tilespmem:s26], [sflag:$0xB], $0x3000, $0x38;
	[tilespmem:$0x1CF00] =	vst v63  }
0x2b: {  	_ =	swait.ge [sflag:s13], $0x3000  }
0x2c: {  	[sflag:s13] =	ssyncset.done $0x0  }
0x2d: {  	s28 =	rddreg [dreg:$0x8];
	[sflag:s13] =	ssyncadd.s32 $0xFFFFD000  }
0x2e: {  	[spmem:s28] =	stream.linear.scatter [tilespmem:s26], [sflag:$0xB], $0x3000, $0x38;
	[tilespmem:$0x1CF00] =	vst v63  }
0x2f: {  	_ =	swait.ge [sflag:s13], $0x3000  }
0x30: {  	[sflag:s13] =	ssyncset.done $0x0  }
0x31: {  	s28 =	rddreg [dreg:$0x9];
	[sflag:s13] =	ssyncadd.s32 $0xFFFFD000  }
0x32: {  	[spmem:s28] =	stream.linear.scatter [tilespmem:s26], [sflag:$0xB], $0x3000, $0x38;
	[tilespmem:$0x1CF00] =	vst v63  }
0x33: {  	_ =	swait.ge [sflag:s13], $0x3000  }
0x34: {  	[sflag:s13] =	ssyncset.done $0x0  }
0x35: {  	[sflag:s13] =	ssyncadd.s32 $0xFFFFD000  }
0x36: {  	[spmem:s10] =	stream.linear.scatter [tilespmem:s26], [sflag:$0xB], $0x3000, $0x38;
	[tilespmem:$0x1CF00] =	vst v63  }
0x37: {  	_ =	swait.ge [sflag:s13], $0x3000  }
0x38: {  	[sflag:s13] =	ssyncset.done $0x0  }
0x39: {  	[sflag:s13] =	ssyncadd.s32 $0xFFFFD000  }
0x3a: {  	[spmem:s11] =	stream.linear.scatter [tilespmem:s26], [sflag:$0xB], $0x3000, $0x38;
	[tilespmem:$0x1CF00] =	vst v63  }
0x3b: {  	_ =	swait.ge [sflag:s13], $0x3000  }
0x3c: {  	[sflag:s13] =	ssyncset.done $0x0  }
0x3d: {  	[sflag:s13] =	ssyncadd.s32 $0xFFFFD000  }
0x3e: {  	[spmem:s12] =	stream.linear.scatter [tilespmem:s26], [sflag:$0xB], $0x1C00, $0x38;
	[tilespmem:$0x1CF00] =	vst v63  }
0x3f: {  	_ =	swait.ge [sflag:s13], $0x1C00  }
0x40: {  	[sflag:s13] =	ssyncset.done $0x0  }
0x41: {  	[sflag:s13] =	ssyncadd.s32 $0xFFFFE400  }
0x42: {  	[bflag:$0x0] =	sbarrier.arrive $0xFFFF  }
0x43: {  	s11 =	rddreg [dreg:$0xd]  }
0x44: {  	[tilespmem:s4], [sflag:$0x1] =	stream.linear.gather [hbm4b:s11+s4], $0xC0, $0x38;
	[tilespmem:$0x1CF00] =	vst v63  }
0x45: {  	s12 =	rddreg [dreg:$0xe]  }
0x46: {  	[tilespmem:s29], [sflag:$0x2] =	stream.linear.gather [hbm4b:s12+s4], $0xC0, $0x38;
	[tilespmem:$0x1CF00] =	vst v63  }
0x47: {  	s13 =	rddreg [dreg:$0xf]  }
0x48: {  	[tilespmem:s30], [sflag:$0x3] =	stream.linear.gather [hbm4b:s13+s4], $0xC0, $0x38;
	[tilespmem:$0x1CF00] =	vst v63  }
0x49: {  	_ =	swait.ge [sflag:s31], $0xC0  }
0x4a: {  	[sflag:s31] =	ssyncset.done $0x0  }
0x4b: {  	[sflag:s31] =	ssyncadd.s32 $0xFFFFFF40  }
0x4c: {  	[tilespmem:s26], [sflag:$0x5] =	stream.indirect.gather [hbm4b:s1+s2], $0x80, s4, s2, $0xb8;
	[tilespmem:$0x1CF00] =	vst v63  }
0x4d: {  	_ =	swait.ge [sflag:s0], $0xC0  }
0x4e: {  	[sflag:s0] =	ssyncset.done $0x0  }
0x4f: {  	[sflag:s0] =	ssyncadd.s32 $0xFFFFFF40  }
0x50: {  	[tilespmem:s6], [sflag:$0x6] =	stream.indirect.gather [hbm4b:s1+s2], $0x80, s29, s2, $0xb8;
	[tilespmem:$0x1CF00] =	vst v63  }
0x51: {  	_ =	swait.ge [sflag:s16], $0x3000  }
0x52: {  	p0 =	por $0x1, $0x1;
	[sflag:s16] =	ssyncset.done $0x0  }
0x53: {  	s7 =	simm.s32 @!p0 $0xA;
	[sflag:s16] =	ssyncadd.s32 $0xFFFFD000  }
0x54: {  	[spmem:s3] =	stream.indirect.scatter.add.f32 [tilespmem:s26], [sflag:$0x8], $0x80, s2, s2, $0xb8;
	[tilespmem:$0x1CF00] =	vst v63  }
0x55: {  	_ =	swait.ge @!p0 [sflag:s7], $0x3000  }
0x56: {  	[sflag:s7] =	ssyncset.done @!p0 $0x0  }
0x57: {  	[sflag:s7] =	ssyncadd.s32 @!p0 $0xFFFFD000  }
0x58: {  	_ =	swait.ge [sflag:s17], $0xC0  }
0x59: {  	[sflag:s17] =	ssyncset.done $0x0;
	s28 =	rddreg [dreg:$0x4]  }
0x5a: {  	[sflag:s17] =	ssyncadd.s32 $0xFFFFFF40;
	s7 =	sadd.s32 $0x0, s28  }
0x5b: {  	[tilespmem:s18], [sflag:$0x7] =	stream.indirect.gather [hbm4b:s1+s2], $0x80, s30, s2, $0xb8;
	[tilespmem:$0x1CF00] =	vst v63  }
0x5c: {  	s10 =	sadd.s32 $0x48, s7  }
0x5d: {  	[tilespmem:s19], [sflag:$0x4] =	stream.linear.gather [hbm4b:s10+s4], $0xC0, $0x38;
	[tilespmem:$0x1CF00] =	vst v63  }
0x5e: {  	_ =	swait.ge [sflag:s20], $0x3000  }
0x5f: {  	[sflag:s20] =	ssyncset.done $0x0  }
0x60: {  	[sflag:s20] =	ssyncadd.s32 $0xFFFFD000  }
0x61: {  	[spmem:s3] =	stream.indirect.scatter.add.f32 [tilespmem:s6], [sflag:$0x9], $0x80, s21, s2, $0xb8;
	[tilespmem:$0x1CF00] =	vst v63  }
0x62: {  	_ =	swait.ge [sflag:s22], $0x3000  }
0x63: {  	[sflag:s22] =	ssyncset.done $0x0  }
0x64: {  	[sflag:s22] =	ssyncadd.s32 $0xFFFFD000  }
0x65: {  	_ =	swait.ge [sflag:s23], $0xC0  }
0x66: {  	[sflag:s23] =	ssyncset.done $0x0  }
0x67: {  	[sflag:s23] =	ssyncadd.s32 $0xFFFFFF40  }
0x68: {  	[tilespmem:s26], [sflag:$0x5] =	stream.indirect.gather [hbm4b:s1+s2], $0x80, s19, s2, $0xb8;
	[tilespmem:$0x1CF00] =	vst v63  }
0x69: {  	s12 =	sadd.s32 $0x60, s7  }
0x6a: {  	[tilespmem:s4], [sflag:$0x1] =	stream.linear.gather [hbm4b:s12+s4], $0xC0, $0x38;
	[tilespmem:$0x1CF00] =	vst v63  }
0x6b: {  	_ =	swait.ge [sflag:s24], $0x3000  }
0x6c: {  	[sflag:s24] =	ssyncset.done $0x0  }
0x6d: {  	[sflag:s24] =	ssyncadd.s32 $0xFFFFD000  }
0x6e: {  	[spmem:s3] =	stream.indirect.scatter.add.f32 [tilespmem:s18], [sflag:$0xA], $0x80, s25, s2, $0xb8;
	[tilespmem:$0x1CF00] =	vst v63  }
0x6f: {  	_ =	swait.ge [sflag:s15], $0x3000  }
0x70: {  	[sflag:s15] =	ssyncset.done $0x0  }
0x71: {  	[sflag:s15] =	ssyncadd.s32 $0xFFFFD000  }
0x72: {  	_ =	swait.ge [sflag:s31], $0xC0  }
0x73: {  	[sflag:s31] =	ssyncset.done $0x0  }
0x74: {  	[sflag:s31] =	ssyncadd.s32 $0xFFFFFF40  }
0x75: {  	[tilespmem:s6], [sflag:$0x6] =	stream.indirect.gather [hbm4b:s1+s2], $0x80, s4, s2, $0xb8;
	[tilespmem:$0x1CF00] =	vst v63  }
0x76: {  	s13 =	sadd.s32 $0x78, s7  }
0x77: {  	[tilespmem:s29], [sflag:$0x2] =	stream.linear.gather [hbm4b:s13+s4], $0xC0, $0x38;
	[tilespmem:$0x1CF00] =	vst v63  }
0x78: {  	_ =	swait.ge [sflag:s16], $0x3000  }
0x79: {  	[sflag:s16] =	ssyncset.done $0x0  }
0x7a: {  	[sflag:s16] =	ssyncadd.s32 $0xFFFFD000  }
0x7b: {  	[spmem:s3] =	stream.indirect.scatter.add.f32 [tilespmem:s26], [sflag:$0x8], $0x80, s8, s2, $0xb8;
	[tilespmem:$0x1CF00] =	vst v63  }
0x7c: {  	_ =	swait.ge [sflag:s9], $0x3000  }
0x7d: {  	[sflag:s9] =	ssyncset.done $0x0  }
0x7e: {  	[sflag:s9] =	ssyncadd.s32 $0xFFFFD000  }
0x7f: {  	_ =	swait.ge [sflag:s0], $0xC0  }
0x80: {  	[sflag:s0] =	ssyncset.done $0x0  }
0x81: {  	[sflag:s0] =	ssyncadd.s32 $0xFFFFFF40  }
0x82: {  	[tilespmem:s18], [sflag:$0x7] =	stream.indirect.gather [hbm4b:s1+s2], $0x80, s29, s2, $0xb8;
	[tilespmem:$0x1CF00] =	vst v63  }
0x83: {  	s28 =	sadd.s32 $0x90, s7  }
0x84: {  	[tilespmem:s30], [sflag:$0x3] =	stream.linear.gather [hbm4b:s28+s4], $0xC0, $0x38;
	[tilespmem:$0x1CF00] =	vst v63  }
0x85: {  	_ =	swait.ge [sflag:s20], $0x3000  }
0x86: {  	[sflag:s20] =	ssyncset.done $0x0  }
0x87: {  	[sflag:s20] =	ssyncadd.s32 $0xFFFFD000  }
0x88: {  	[spmem:s3] =	stream.indirect.scatter.add.f32 [tilespmem:s6], [sflag:$0x9], $0x80, s2, s2, $0xb8;
	[tilespmem:$0x1CF00] =	vst v63  }
0x89: {  	_ =	swait.ge [sflag:s22], $0x3000  }
0x8a: {  	[sflag:s22] =	ssyncset.done $0x0  }
0x8b: {  	[sflag:s22] =	ssyncadd.s32 $0xFFFFD000  }
0x8c: {  	_ =	swait.ge [sflag:s17], $0xC0  }
0x8d: {  	[sflag:s17] =	ssyncset.done $0x0  }
0x8e: {  	[sflag:s17] =	ssyncadd.s32 $0xFFFFFF40  }
0x8f: {  	[tilespmem:s26], [sflag:$0x5] =	stream.indirect.gather [hbm4b:s1+s2], $0x80, s30, s2, $0xb8;
	[tilespmem:$0x1CF00] =	vst v63  }
0x90: {  	s10 =	sadd.s32 $0xA8, s7  }
0x91: {  	[tilespmem:s19], [sflag:$0x4] =	stream.linear.gather [hbm4b:s10+s4], $0xC0, $0x38;
	[tilespmem:$0x1CF00] =	vst v63  }
0x92: {  	_ =	swait.ge [sflag:s24], $0x3000  }
0x93: {  	[sflag:s24] =	ssyncset.done $0x0  }
0x94: {  	[sflag:s24] =	ssyncadd.s32 $0xFFFFD000  }
0x95: {  	[spmem:s3] =	stream.indirect.scatter.add.f32 [tilespmem:s18], [sflag:$0xA], $0x80, s21, s2, $0xb8;
	[tilespmem:$0x1CF00] =	vst v63  }
0x96: {  	_ =	swait.ge [sflag:s15], $0x3000  }
0x97: {  	[sflag:s15] =	ssyncset.done $0x0  }
0x98: {  	[sflag:s15] =	ssyncadd.s32 $0xFFFFD000  }
0x99: {  	_ =	swait.ge [sflag:s23], $0xC0  }
0x9a: {  	[sflag:s23] =	ssyncset.done $0x0  }
0x9b: {  	[sflag:s23] =	ssyncadd.s32 $0xFFFFFF40  }
0x9c: {  	[tilespmem:s6], [sflag:$0x6] =	stream.indirect.gather [hbm4b:s1+s2], $0x80, s19, s2, $0xb8;
	[tilespmem:$0x1CF00] =	vst v63  }
0x9d: {  	s12 =	sadd.s32 $0xC0, s7  }
0x9e: {  	[tilespmem:s4], [sflag:$0x1] =	stream.linear.gather [hbm4b:s12+s4], $0xC0, $0x38;
	[tilespmem:$0x1CF00] =	vst v63  }
0x9f: {  	_ =	swait.ge [sflag:s16], $0x3000  }
0xa0: {  	[sflag:s16] =	ssyncset.done $0x0  }
0xa1: {  	[sflag:s16] =	ssyncadd.s32 $0xFFFFD000  }
0xa2: {  	[spmem:s3] =	stream.indirect.scatter.add.f32 [tilespmem:s26], [sflag:$0x8], $0x80, s25, s2, $0xb8;
	[tilespmem:$0x1CF00] =	vst v63  }
0xa3: {  	_ =	swait.ge [sflag:s9], $0x3000  }
0xa4: {  	[sflag:s9] =	ssyncset.done $0x0  }
0xa5: {  	[sflag:s9] =	ssyncadd.s32 $0xFFFFD000  }
0xa6: {  	_ =	swait.ge [sflag:s31], $0xC0  }
0xa7: {  	[sflag:s31] =	ssyncset.done $0x0  }
0xa8: {  	[sflag:s31] =	ssyncadd.s32 $0xFFFFFF40  }
0xa9: {  	[tilespmem:s18], [sflag:$0x7] =	stream.indirect.gather [hbm4b:s1+s2], $0x80, s4, s2, $0xb8;
	[tilespmem:$0x1CF00] =	vst v63  }
0xaa: {  	s13 =	sadd.s32 $0xD8, s7  }
0xab: {  	[tilespmem:s29], [sflag:$0x2] =	stream.linear.gather [hbm4b:s13+s4], $0xC0, $0x38;
	[tilespmem:$0x1CF00] =	vst v63  }
0xac: {  	_ =	swait.ge [sflag:s20], $0x3000  }
0xad: {  	[sflag:s20] =	ssyncset.done $0x0  }
0xae: {  	[sflag:s20] =	ssyncadd.s32 $0xFFFFD000  }
0xaf: {  	[spmem:s3] =	stream.indirect.scatter.add.f32 [tilespmem:s6], [sflag:$0x9], $0x80, s8, s2, $0xb8;
	[tilespmem:$0x1CF00] =	vst v63  }
0xb0: {  	_ =	swait.ge [sflag:s22], $0x3000  }
0xb1: {  	[sflag:s22] =	ssyncset.done $0x0  }
0xb2: {  	[sflag:s22] =	ssyncadd.s32 $0xFFFFD000  }
0xb3: {  	_ =	swait.ge [sflag:s0], $0xC0  }
0xb4: {  	[sflag:s0] =	ssyncset.done $0x0  }
0xb5: {  	[sflag:s0] =	ssyncadd.s32 $0xFFFFFF40  }
0xb6: {  	[tilespmem:s26], [sflag:$0x5] =	stream.indirect.gather [hbm4b:s1+s2], $0x80, s29, s2, $0xb8;
	[tilespmem:$0x1CF00] =	vst v63  }
0xb7: {  	s28 =	sadd.s32 $0xF0, s7  }
0xb8: {  	[tilespmem:s30], [sflag:$0x3] =	stream.linear.gather [hbm4b:s28+s4], $0xC0, $0x38;
	[tilespmem:$0x1CF00] =	vst v63  }
0xb9: {  	_ =	swait.ge [sflag:s24], $0x3000  }
0xba: {  	[sflag:s24] =	ssyncset.done $0x0  }
0xbb: {  	[sflag:s24] =	ssyncadd.s32 $0xFFFFD000  }
0xbc: {  	[spmem:s3] =	stream.indirect.scatter.add.f32 [tilespmem:s18], [sflag:$0xA], $0x80, s2, s2, $0xb8;
	[tilespmem:$0x1CF00] =	vst v63  }
0xbd: {  	_ =	swait.ge [sflag:s15], $0x3000  }
0xbe: {  	[sflag:s15] =	ssyncset.done $0x0  }
0xbf: {  	[sflag:s15] =	ssyncadd.s32 $0xFFFFD000  }
0xc0: {  	_ =	swait.ge [sflag:s17], $0xC0  }
0xc1: {  	[sflag:s17] =	ssyncset.done $0x0  }
0xc2: {  	[sflag:s17] =	ssyncadd.s32 $0xFFFFFF40  }
0xc3: {  	[tilespmem:s6], [sflag:$0x6] =	stream.indirect.gather [hbm4b:s1+s2], $0x80, s30, s2, $0xb8;
	[tilespmem:$0x1CF00] =	vst v63  }
0xc4: {  	s7 =	sadd.s32 $0x108, s7  }
0xc5: {  	[tilespmem:s19], [sflag:$0x4] =	stream.linear.gather [hbm4b:s7+s4], $0xC0, $0x38;
	[tilespmem:$0x1CF00] =	vst v63  }
0xc6: {  	_ =	swait.ge [sflag:s16], $0x3000  }
0xc7: {  	[sflag:s16] =	ssyncset.done $0x0  }
0xc8: {  	[sflag:s16] =	ssyncadd.s32 $0xFFFFD000  }
0xc9: {  	[spmem:s3] =	stream.indirect.scatter.add.f32 [tilespmem:s26], [sflag:$0x8], $0x80, s21, s2, $0xb8;
	[tilespmem:$0x1CF00] =	vst v63  }
0xca: {  	_ =	swait.ge [sflag:s9], $0x3000  }
0xcb: {  	[sflag:s9] =	ssyncset.done $0x0  }
0xcc: {  	p0 =	por $0x0, $0x0;
	s7 =	simm.s32 $0xC;
	[sflag:s9] =	ssyncadd.s32 $0xFFFFD000  }
0xcd: {  	s7 =	simm.s32 @p0 $0x0;
	_ =	swait.ge [sflag:s23], $0xC0  }
0xce: {  	s7 =	sadd.s32 s14, s7;
	[sflag:s23] =	ssyncset.done $0x0  }
0xcf: {  	s7 =	smul.u32 $0x18, s7;
	[sflag:s23] =	ssyncadd.s32 $0xFFFFFF40  }
0xd0: {  	[tilespmem:s18], [sflag:$0x7] =	stream.indirect.gather [hbm4b:s1+s2], $0x80, s19, s2, $0xb8;
	[tilespmem:$0x1CF00] =	vst v63  }
0xd1: {  	s7 =	sadd.s32 s5, s7  }
0xd2: {  	[tilespmem:s4], [sflag:$0x1] =	stream.linear.gather [hbm4b:s7+s4], $0xC0, $0x38;
	[tilespmem:$0x1CF00] =	vst v63  }
0xd3: {  	_ =	swait.ge [sflag:s20], $0x3000  }
0xd4: {  	[sflag:s20] =	ssyncset.done $0x0  }
0xd5: {  	[sflag:s20] =	ssyncadd.s32 $0xFFFFD000  }
0xd6: {  	[spmem:s3] =	stream.indirect.scatter.add.f32 [tilespmem:s6], [sflag:$0x9], $0x80, s25, s2, $0xb8;
	[tilespmem:$0x1CF00] =	vst v63  }
0xd7: {  	_ =	swait.ge [sflag:s22], $0x3000  }
0xd8: {  	[sflag:s22] =	ssyncset.done $0x0  }
0xd9: {  	s7 =	simm.s32 $0xD;
	[sflag:s22] =	ssyncadd.s32 $0xFFFFD000  }
0xda: {  	s7 =	simm.s32 @p0 $0x1;
	_ =	swait.ge [sflag:s31], $0xC0  }
0xdb: {  	s7 =	sadd.s32 s14, s7;
	[sflag:s31] =	ssyncset.done $0x0  }
0xdc: {  	s7 =	smul.u32 $0x18, s7;
	[sflag:s31] =	ssyncadd.s32 $0xFFFFFF40  }
0xdd: {  	[tilespmem:s26], [sflag:$0x5] =	stream.indirect.gather [hbm4b:s1+s2], $0x80, s4, s2, $0xb8;
	[tilespmem:$0x1CF00] =	vst v63  }
0xde: {  	s7 =	sadd.s32 s5, s7  }
0xdf: {  	[tilespmem:s29], [sflag:$0x2] =	stream.linear.gather [hbm4b:s7+s4], $0xC0, $0x38;
	[tilespmem:$0x1CF00] =	vst v63  }
0xe0: {  	_ =	swait.ge [sflag:s24], $0x3000  }
0xe1: {  	[sflag:s24] =	ssyncset.done $0x0  }
0xe2: {  	[sflag:s24] =	ssyncadd.s32 $0xFFFFD000  }
0xe3: {  	[spmem:s3] =	stream.indirect.scatter.add.f32 [tilespmem:s18], [sflag:$0xA], $0x80, s8, s2, $0xb8;
	[tilespmem:$0x1CF00] =	vst v63  }
0xe4: {  	s7 =	simm.s32 $0xE;
	_ =	swait.ge [sflag:s15], $0x3000  }
0xe5: {  	s7 =	simm.s32 @p0 $0x2;
	[sflag:s15] =	ssyncset.done $0x0  }
0xe6: {  	s7 =	sadd.s32 s14, s7;
	[sflag:s15] =	ssyncadd.s32 $0xFFFFD000  }
0xe7: {  	s7 =	smul.u32 $0x18, s7;
	_ =	swait.ge [sflag:s0], $0xC0  }
0xe8: {  	s11 =	simm.s32 $0x120;
	[sflag:s0] =	ssyncset.done $0x0  }
0xe9: {  	s12 =	simm.s32 $0x1A;
	s7 =	sadd.s32 s5, s7;
	[sflag:s0] =	ssyncadd.s32 $0xFFFFFF40  }
.LBB2_2:
0xea: {  	[tilespmem:s6], [sflag:$0x6] =	stream.indirect.gather [hbm4b:s1+s2], $0x80, s29, s2, $0xb8;
	[tilespmem:$0x1CF00] =	vst v63  }
0xeb: {  	_ = 	snop  }
0xec: {  	[tilespmem:s30], [sflag:$0x3] =	stream.linear.gather [hbm4b:s7+s4], $0xC0, $0x38;
	[tilespmem:$0x1CF00] =	vst v63  }
0xed: {  	s13 =	smov.u32 s11;
	_ =	swait.ge [sflag:s16], $0x3000  }
0xee: {  	p1 =	seq.s32 s13, $0x0;
	[sflag:s16] =	ssyncset.done $0x0  }
0xef: {  	s7 =	simm.s32 @!p1 $0xA;
	[sflag:s16] =	ssyncadd.s32 $0xFFFFD000  }
0xf0: {  	[spmem:s3] =	stream.indirect.scatter.add.f32 [tilespmem:s26], [sflag:$0x8], $0x80, s2, s2, $0xb8;
	[tilespmem:$0x1CF00] =	vst v63  }
0xf1: {  	_ =	swait.ge @!p1 [sflag:s7], $0x3000  }
0xf2: {  	[sflag:s7] =	ssyncset.done @!p1 $0x0  }
0xf3: {  	[sflag:s7] =	ssyncadd.s32 @!p1 $0xFFFFD000  }
0xf4: {  	_ =	swait.ge [sflag:s17], $0xC0  }
0xf5: {  	[sflag:s17] =	ssyncset.done $0x0;
	s10 =	rddreg [dreg:$0x4]  }
0xf6: {  	[sflag:s17] =	ssyncadd.s32 $0xFFFFFF40;
	s7 =	sadd.s32 s13, s10  }
0xf7: {  	[tilespmem:s18], [sflag:$0x7] =	stream.indirect.gather [hbm4b:s1+s2], $0x80, s30, s2, $0xb8;
	[tilespmem:$0x1CF00] =	vst v63  }
0xf8: {  	s10 =	sadd.s32 $0x48, s7  }
0xf9: {  	[tilespmem:s19], [sflag:$0x4] =	stream.linear.gather [hbm4b:s10+s4], $0xC0, $0x38;
	[tilespmem:$0x1CF00] =	vst v63  }
0xfa: {  	_ =	swait.ge [sflag:s20], $0x3000  }
0xfb: {  	[sflag:s20] =	ssyncset.done $0x0  }
0xfc: {  	[sflag:s20] =	ssyncadd.s32 $0xFFFFD000  }
0xfd: {  	[spmem:s3] =	stream.indirect.scatter.add.f32 [tilespmem:s6], [sflag:$0x9], $0x80, s21, s2, $0xb8;
	[tilespmem:$0x1CF00] =	vst v63  }
0xfe: {  	_ =	swait.ge [sflag:s22], $0x3000  }
0xff: {  	[sflag:s22] =	ssyncset.done $0x0  }
0x100: {  	[sflag:s22] =	ssyncadd.s32 $0xFFFFD000  }
0x101: {  	_ =	swait.ge [sflag:s23], $0xC0  }
0x102: {  	[sflag:s23] =	ssyncset.done $0x0  }
0x103: {  	[sflag:s23] =	ssyncadd.s32 $0xFFFFFF40  }
0x104: {  	[tilespmem:s26], [sflag:$0x5] =	stream.indirect.gather [hbm4b:s1+s2], $0x80, s19, s2, $0xb8;
	[tilespmem:$0x1CF00] =	vst v63  }
0x105: {  	s28 =	sadd.s32 $0x60, s7  }
0x106: {  	[tilespmem:s4], [sflag:$0x1] =	stream.linear.gather [hbm4b:s28+s4], $0xC0, $0x38;
	[tilespmem:$0x1CF00] =	vst v63  }
0x107: {  	_ =	swait.ge [sflag:s24], $0x3000  }
0x108: {  	[sflag:s24] =	ssyncset.done $0x0  }
0x109: {  	[sflag:s24] =	ssyncadd.s32 $0xFFFFD000  }
0x10a: {  	[spmem:s3] =	stream.indirect.scatter.add.f32 [tilespmem:s18], [sflag:$0xA], $0x80, s25, s2, $0xb8;
	[tilespmem:$0x1CF00] =	vst v63  }
0x10b: {  	_ =	swait.ge [sflag:s15], $0x3000  }
0x10c: {  	[sflag:s15] =	ssyncset.done $0x0  }
0x10d: {  	[sflag:s15] =	ssyncadd.s32 $0xFFFFD000  }
0x10e: {  	_ =	swait.ge [sflag:s31], $0xC0  }
0x10f: {  	[sflag:s31] =	ssyncset.done $0x0  }
0x110: {  	[sflag:s31] =	ssyncadd.s32 $0xFFFFFF40  }
0x111: {  	[tilespmem:s6], [sflag:$0x6] =	stream.indirect.gather [hbm4b:s1+s2], $0x80, s4, s2, $0xb8;
	[tilespmem:$0x1CF00] =	vst v63  }
0x112: {  	s28 =	sadd.s32 $0x78, s7  }
0x113: {  	[tilespmem:s29], [sflag:$0x2] =	stream.linear.gather [hbm4b:s28+s4], $0xC0, $0x38;
	[tilespmem:$0x1CF00] =	vst v63  }
0x114: {  	_ =	swait.ge [sflag:s16], $0x3000  }
0x115: {  	[sflag:s16] =	ssyncset.done $0x0  }
0x116: {  	[sflag:s16] =	ssyncadd.s32 $0xFFFFD000  }
0x117: {  	[spmem:s3] =	stream.indirect.scatter.add.f32 [tilespmem:s26], [sflag:$0x8], $0x80, s8, s2, $0xb8;
	[tilespmem:$0x1CF00] =	vst v63  }
0x118: {  	_ =	swait.ge [sflag:s9], $0x3000  }
0x119: {  	[sflag:s9] =	ssyncset.done $0x0  }
0x11a: {  	[sflag:s9] =	ssyncadd.s32 $0xFFFFD000  }
0x11b: {  	_ =	swait.ge [sflag:s0], $0xC0  }
0x11c: {  	[sflag:s0] =	ssyncset.done $0x0  }
0x11d: {  	[sflag:s0] =	ssyncadd.s32 $0xFFFFFF40  }
0x11e: {  	[tilespmem:s18], [sflag:$0x7] =	stream.indirect.gather [hbm4b:s1+s2], $0x80, s29, s2, $0xb8;
	[tilespmem:$0x1CF00] =	vst v63  }
0x11f: {  	s28 =	sadd.s32 $0x90, s7  }
0x120: {  	[tilespmem:s30], [sflag:$0x3] =	stream.linear.gather [hbm4b:s28+s4], $0xC0, $0x38;
	[tilespmem:$0x1CF00] =	vst v63  }
0x121: {  	_ =	swait.ge [sflag:s20], $0x3000  }
0x122: {  	[sflag:s20] =	ssyncset.done $0x0  }
0x123: {  	[sflag:s20] =	ssyncadd.s32 $0xFFFFD000  }
0x124: {  	[spmem:s3] =	stream.indirect.scatter.add.f32 [tilespmem:s6], [sflag:$0x9], $0x80, s2, s2, $0xb8;
	[tilespmem:$0x1CF00] =	vst v63  }
0x125: {  	_ =	swait.ge [sflag:s22], $0x3000  }
0x126: {  	[sflag:s22] =	ssyncset.done $0x0  }
0x127: {  	[sflag:s22] =	ssyncadd.s32 $0xFFFFD000  }
0x128: {  	_ =	swait.ge [sflag:s17], $0xC0  }
0x129: {  	[sflag:s17] =	ssyncset.done $0x0  }
0x12a: {  	[sflag:s17] =	ssyncadd.s32 $0xFFFFFF40  }
0x12b: {  	[tilespmem:s26], [sflag:$0x5] =	stream.indirect.gather [hbm4b:s1+s2], $0x80, s30, s2, $0xb8;
	[tilespmem:$0x1CF00] =	vst v63  }
0x12c: {  	s28 =	sadd.s32 $0xA8, s7  }
0x12d: {  	[tilespmem:s19], [sflag:$0x4] =	stream.linear.gather [hbm4b:s28+s4], $0xC0, $0x38;
	[tilespmem:$0x1CF00] =	vst v63  }
0x12e: {  	_ =	swait.ge [sflag:s24], $0x3000  }
0x12f: {  	[sflag:s24] =	ssyncset.done $0x0  }
0x130: {  	[sflag:s24] =	ssyncadd.s32 $0xFFFFD000  }
0x131: {  	[spmem:s3] =	stream.indirect.scatter.add.f32 [tilespmem:s18], [sflag:$0xA], $0x80, s21, s2, $0xb8;
	[tilespmem:$0x1CF00] =	vst v63  }
0x132: {  	_ =	swait.ge [sflag:s15], $0x3000  }
0x133: {  	[sflag:s15] =	ssyncset.done $0x0  }
0x134: {  	[sflag:s15] =	ssyncadd.s32 $0xFFFFD000  }
0x135: {  	_ =	swait.ge [sflag:s23], $0xC0  }
0x136: {  	[sflag:s23] =	ssyncset.done $0x0  }
0x137: {  	[sflag:s23] =	ssyncadd.s32 $0xFFFFFF40  }
0x138: {  	[tilespmem:s6], [sflag:$0x6] =	stream.indirect.gather [hbm4b:s1+s2], $0x80, s19, s2, $0xb8;
	[tilespmem:$0x1CF00] =	vst v63  }
0x139: {  	s28 =	sadd.s32 $0xC0, s7  }
0x13a: {  	[tilespmem:s4], [sflag:$0x1] =	stream.linear.gather [hbm4b:s28+s4], $0xC0, $0x38;
	[tilespmem:$0x1CF00] =	vst v63  }
0x13b: {  	_ =	swait.ge [sflag:s16], $0x3000  }
0x13c: {  	[sflag:s16] =	ssyncset.done $0x0  }
0x13d: {  	[sflag:s16] =	ssyncadd.s32 $0xFFFFD000  }
0x13e: {  	[spmem:s3] =	stream.indirect.scatter.add.f32 [tilespmem:s26], [sflag:$0x8], $0x80, s25, s2, $0xb8;
	[tilespmem:$0x1CF00] =	vst v63  }
0x13f: {  	_ =	swait.ge [sflag:s9], $0x3000  }
0x140: {  	[sflag:s9] =	ssyncset.done $0x0  }
0x141: {  	[sflag:s9] =	ssyncadd.s32 $0xFFFFD000  }
0x142: {  	_ =	swait.ge [sflag:s31], $0xC0  }
0x143: {  	[sflag:s31] =	ssyncset.done $0x0  }
0x144: {  	[sflag:s31] =	ssyncadd.s32 $0xFFFFFF40  }
0x145: {  	[tilespmem:s18], [sflag:$0x7] =	stream.indirect.gather [hbm4b:s1+s2], $0x80, s4, s2, $0xb8;
	[tilespmem:$0x1CF00] =	vst v63  }
0x146: {  	s28 =	sadd.s32 $0xD8, s7  }
0x147: {  	[tilespmem:s29], [sflag:$0x2] =	stream.linear.gather [hbm4b:s28+s4], $0xC0, $0x38;
	[tilespmem:$0x1CF00] =	vst v63  }
0x148: {  	_ =	swait.ge [sflag:s20], $0x3000  }
0x149: {  	[sflag:s20] =	ssyncset.done $0x0  }
0x14a: {  	[sflag:s20] =	ssyncadd.s32 $0xFFFFD000  }
0x14b: {  	[spmem:s3] =	stream.indirect.scatter.add.f32 [tilespmem:s6], [sflag:$0x9], $0x80, s8, s2, $0xb8;
	[tilespmem:$0x1CF00] =	vst v63  }
0x14c: {  	_ =	swait.ge [sflag:s22], $0x3000  }
0x14d: {  	[sflag:s22] =	ssyncset.done $0x0  }
0x14e: {  	[sflag:s22] =	ssyncadd.s32 $0xFFFFD000  }
0x14f: {  	_ =	swait.ge [sflag:s0], $0xC0  }
0x150: {  	[sflag:s0] =	ssyncset.done $0x0  }
0x151: {  	[sflag:s0] =	ssyncadd.s32 $0xFFFFFF40  }
0x152: {  	[tilespmem:s26], [sflag:$0x5] =	stream.indirect.gather [hbm4b:s1+s2], $0x80, s29, s2, $0xb8;
	[tilespmem:$0x1CF00] =	vst v63  }
0x153: {  	s28 =	sadd.s32 $0xF0, s7  }
0x154: {  	[tilespmem:s30], [sflag:$0x3] =	stream.linear.gather [hbm4b:s28+s4], $0xC0, $0x38;
	[tilespmem:$0x1CF00] =	vst v63  }
0x155: {  	_ =	swait.ge [sflag:s24], $0x3000  }
0x156: {  	[sflag:s24] =	ssyncset.done $0x0  }
0x157: {  	[sflag:s24] =	ssyncadd.s32 $0xFFFFD000  }
0x158: {  	[spmem:s3] =	stream.indirect.scatter.add.f32 [tilespmem:s18], [sflag:$0xA], $0x80, s2, s2, $0xb8;
	[tilespmem:$0x1CF00] =	vst v63  }
0x159: {  	_ =	swait.ge [sflag:s15], $0x3000  }
0x15a: {  	[sflag:s15] =	ssyncset.done $0x0  }
0x15b: {  	[sflag:s15] =	ssyncadd.s32 $0xFFFFD000  }
0x15c: {  	_ =	swait.ge [sflag:s17], $0xC0  }
0x15d: {  	[sflag:s17] =	ssyncset.done $0x0  }
0x15e: {  	[sflag:s17] =	ssyncadd.s32 $0xFFFFFF40  }
0x15f: {  	[tilespmem:s6], [sflag:$0x6] =	stream.indirect.gather [hbm4b:s1+s2], $0x80, s30, s2, $0xb8;
	[tilespmem:$0x1CF00] =	vst v63  }
0x160: {  	s7 =	sadd.s32 $0x108, s7  }
0x161: {  	[tilespmem:s19], [sflag:$0x4] =	stream.linear.gather [hbm4b:s7+s4], $0xC0, $0x38;
	[tilespmem:$0x1CF00] =	vst v63  }
0x162: {  	_ =	swait.ge [sflag:s16], $0x3000  }
0x163: {  	[sflag:s16] =	ssyncset.done $0x0  }
0x164: {  	[sflag:s16] =	ssyncadd.s32 $0xFFFFD000  }
0x165: {  	[spmem:s3] =	stream.indirect.scatter.add.f32 [tilespmem:s26], [sflag:$0x8], $0x80, s21, s2, $0xb8;
	[tilespmem:$0x1CF00] =	vst v63  }
0x166: {  	_ =	swait.ge [sflag:s9], $0x3000  }
0x167: {  	[sflag:s9] =	ssyncset.done $0x0  }
0x168: {  	p1 =	seq.s32 s13, $0x900;
	s7 =	sadd.s32 $0xFFFFFFFE, s12;
	[sflag:s9] =	ssyncadd.s32 $0xFFFFD000  }
0x169: {  	s7 =	simm.s32 @p1 $0x0;
	_ =	swait.ge [sflag:s23], $0xC0  }
0x16a: {  	s7 =	sadd.s32 s14, s7;
	[sflag:s23] =	ssyncset.done $0x0  }
0x16b: {  	s7 =	smul.u32 $0x18, s7;
	[sflag:s23] =	ssyncadd.s32 $0xFFFFFF40  }
0x16c: {  	[tilespmem:s18], [sflag:$0x7] =	stream.indirect.gather [hbm4b:s1+s2], $0x80, s19, s2, $0xb8;
	[tilespmem:$0x1CF00] =	vst v63  }
0x16d: {  	s28 =	sadd.s32 s5, s7  }
0x16e: {  	[tilespmem:s4], [sflag:$0x1] =	stream.linear.gather [hbm4b:s28+s4], $0xC0, $0x38;
	[tilespmem:$0x1CF00] =	vst v63  }
0x16f: {  	_ =	swait.ge [sflag:s20], $0x3000  }
0x170: {  	[sflag:s20] =	ssyncset.done $0x0  }
0x171: {  	[sflag:s20] =	ssyncadd.s32 $0xFFFFD000  }
0x172: {  	[spmem:s3] =	stream.indirect.scatter.add.f32 [tilespmem:s6], [sflag:$0x9], $0x80, s25, s2, $0xb8;
	[tilespmem:$0x1CF00] =	vst v63  }
0x173: {  	_ =	swait.ge [sflag:s22], $0x3000  }
0x174: {  	[sflag:s22] =	ssyncset.done $0x0  }
0x175: {  	s10 =	sadd.s32 $0xFFFFFFFF, s12;
	[sflag:s22] =	ssyncadd.s32 $0xFFFFD000  }
0x176: {  	s10 =	simm.s32 @p1 $0x1;
	_ =	swait.ge [sflag:s31], $0xC0  }
0x177: {  	s10 =	sadd.s32 s14, s10;
	[sflag:s31] =	ssyncset.done $0x0  }
0x178: {  	s10 =	smul.u32 $0x18, s10;
	[sflag:s31] =	ssyncadd.s32 $0xFFFFFF40  }
0x179: {  	[tilespmem:s26], [sflag:$0x5] =	stream.indirect.gather [hbm4b:s1+s2], $0x80, s4, s2, $0xb8;
	[tilespmem:$0x1CF00] =	vst v63  }
0x17a: {  	s10 =	sadd.s32 s5, s10  }
0x17b: {  	[tilespmem:s29], [sflag:$0x2] =	stream.linear.gather [hbm4b:s10+s4], $0xC0, $0x38;
	[tilespmem:$0x1CF00] =	vst v63  }
0x17c: {  	_ =	swait.ge [sflag:s24], $0x3000  }
0x17d: {  	[sflag:s24] =	ssyncset.done $0x0  }
0x17e: {  	s11 =	sadd.s32 $0x120, s11;
	[sflag:s24] =	ssyncadd.s32 $0xFFFFD000  }
0x17f: {  	[spmem:s3] =	stream.indirect.scatter.add.f32 [tilespmem:s18], [sflag:$0xA], $0x80, s8, s2, $0xb8;
	[tilespmem:$0x1CF00] =	vst v63  }
0x180: {  	p0 =	sne.s32 s11, $0xA20;
	s13 =	smov.u32 s12;
	_ =	swait.ge [sflag:s15], $0x3000  }
.Ltmp0:
0x181: {  	s13 =	simm.s32 @p1 $0x2;
	[sflag:s15] =	ssyncset.done $0x0;
	(pc) =	sbr.rel @p0 .LBB2_2-.Ltmp0, $4  }
0x182: {  	s13 =	sadd.s32 s14, s13;
	[sflag:s15] =	ssyncadd.s32 $0xFFFFD000  }
0x183: {  	s13 =	smul.u32 $0x18, s13;
	_ =	swait.ge [sflag:s0], $0xC0  }
0x184: {  	[sflag:s0] =	ssyncset.done $0x0  }
0x185: {  	s12 =	sadd.s32 $0xC, s12;
	s7 =	sadd.s32 s5, s13;
	[sflag:s0] =	ssyncadd.s32 $0xFFFFFF40  }
0x186: {  	[tilespmem:s6], [sflag:$0x6] =	stream.indirect.gather [hbm4b:s1+s2], $0x80, s29, s2, $0xb8;
	[tilespmem:$0x1CF00] =	vst v63  }
0x187: {  	_ = 	snop  }
0x188: {  	[tilespmem:s30], [sflag:$0x3] =	stream.linear.gather [hbm4b:s7+s4], $0xC0, $0x38;
	[tilespmem:$0x1CF00] =	vst v63  }
0x189: {  	_ =	swait.ge [sflag:s16], $0x3000  }
0x18a: {  	[sflag:s16] =	ssyncset.done $0x0  }
0x18b: {  	[sflag:s16] =	ssyncadd.s32 $0xFFFFD000  }
0x18c: {  	_ =	swait.ge [sflag:s20], $0x3000  }
0x18d: {  	[sflag:s20] =	ssyncset.done $0x0  }
0x18e: {  	[sflag:s20] =	ssyncadd.s32 $0xFFFFD000  }
0x18f: {  	_ =	swait.ge [sflag:s9], $0x3000  }
0x190: {  	[sflag:s9] =	ssyncset.done $0x0  }
0x191: {  	[sflag:s9] =	ssyncadd.s32 $0xFFFFD000  }
0x192: {  	_ =	swait.ge [sflag:s17], $0xC0  }
0x193: {  	[sflag:s17] =	ssyncset.done $0x0  }
0x194: {  	[sflag:s17] =	ssyncadd.s32 $0xFFFFFF40  }
0x195: {  	[bflag:$0x0] =	sbarrier.arrive $0xFFFF  }
0x196: {  	s13 =	rddreg [dreg:$0x6]  }
0x197: {  	[tilespmem:s26], [sflag:$0xB] =	stream.linear.gather [spmem:s13], $0x3000, $0x38;
	[tilespmem:$0x1CF00] =	vst v63  }
0x198: {  	s13 =	simm.s32 $0xB  }
0x199: {  	_ =	swait.ge [sflag:s13], $0x3000  }
0x19a: {  	[sflag:s13] =	ssyncset.done $0x0  }
0x19b: {  	s10 =	rddreg [dreg:$0x10];
	[sflag:s13] =	ssyncadd.s32 $0xFFFFD000  }
0x19c: {  	[hbm4b:s10+s4] =	stream.linear.scatter [tilespmem:s26], [sflag:$0xB], $0x3000, $0x38;
	[tilespmem:$0x1CF00] =	vst v63  }
0x19d: {  	_ =	swait.ge [sflag:s13], $0x3000  }
0x19e: {  	[sflag:s13] =	ssyncset.done $0x0  }
0x19f: {  	s11 =	rddreg [dreg:$0x7];
	[sflag:s13] =	ssyncadd.s32 $0xFFFFD000  }
0x1a0: {  	[tilespmem:s26], [sflag:$0xB] =	stream.linear.gather [spmem:s11], $0x3000, $0x38;
	[tilespmem:$0x1CF00] =	vst v63  }
0x1a1: {  	_ =	swait.ge [sflag:s13], $0x3000  }
0x1a2: {  	[sflag:s13] =	ssyncset.done $0x0  }
0x1a3: {  	s12 =	rddreg [dreg:$0x11];
	[sflag:s13] =	ssyncadd.s32 $0xFFFFD000  }
0x1a4: {  	[hbm4b:s12+s4] =	stream.linear.scatter [tilespmem:s26], [sflag:$0xB], $0x3000, $0x38;
	[tilespmem:$0x1CF00] =	vst v63  }
0x1a5: {  	_ =	swait.ge [sflag:s13], $0x3000  }
0x1a6: {  	[sflag:s13] =	ssyncset.done $0x0  }
0x1a7: {  	s10 =	rddreg [dreg:$0x8];
	[sflag:s13] =	ssyncadd.s32 $0xFFFFD000  }
0x1a8: {  	[tilespmem:s26], [sflag:$0xB] =	stream.linear.gather [spmem:s10], $0x3000, $0x38;
	[tilespmem:$0x1CF00] =	vst v63  }
0x1a9: {  	_ =	swait.ge [sflag:s13], $0x3000  }
0x1aa: {  	[sflag:s13] =	ssyncset.done $0x0  }
0x1ab: {  	s11 =	rddreg [dreg:$0x12];
	[sflag:s13] =	ssyncadd.s32 $0xFFFFD000  }
0x1ac: {  	[hbm4b:s11+s4] =	stream.linear.scatter [tilespmem:s26], [sflag:$0xB], $0x3000, $0x38;
	[tilespmem:$0x1CF00] =	vst v63  }
0x1ad: {  	_ =	swait.ge [sflag:s13], $0x3000  }
0x1ae: {  	[sflag:s13] =	ssyncset.done $0x0  }
0x1af: {  	s12 =	rddreg [dreg:$0x9];
	[sflag:s13] =	ssyncadd.s32 $0xFFFFD000  }
0x1b0: {  	[tilespmem:s26], [sflag:$0xB] =	stream.linear.gather [spmem:s12], $0x3000, $0x38;
	[tilespmem:$0x1CF00] =	vst v63  }
0x1b1: {  	_ =	swait.ge [sflag:s13], $0x3000  }
0x1b2: {  	[sflag:s13] =	ssyncset.done $0x0  }
0x1b3: {  	s10 =	rddreg [dreg:$0x13];
	[sflag:s13] =	ssyncadd.s32 $0xFFFFD000  }
0x1b4: {  	[hbm4b:s10+s4] =	stream.linear.scatter [tilespmem:s26], [sflag:$0xB], $0x3000, $0x38;
	[tilespmem:$0x1CF00] =	vst v63  }
0x1b5: {  	_ =	swait.ge [sflag:s13], $0x3000  }
0x1b6: {  	[sflag:s13] =	ssyncset.done $0x0  }
0x1b7: {  	s10 =	rddreg [dreg:$0xa];
	[sflag:s13] =	ssyncadd.s32 $0xFFFFD000  }
0x1b8: {  	[tilespmem:s26], [sflag:$0xB] =	stream.linear.gather [spmem:s10], $0x3000, $0x38;
	[tilespmem:$0x1CF00] =	vst v63  }
0x1b9: {  	_ =	swait.ge [sflag:s13], $0x3000  }
0x1ba: {  	[sflag:s13] =	ssyncset.done $0x0  }
0x1bb: {  	s11 =	rddreg [dreg:$0x14];
	[sflag:s13] =	ssyncadd.s32 $0xFFFFD000  }
0x1bc: {  	[hbm4b:s11+s4] =	stream.linear.scatter [tilespmem:s26], [sflag:$0xB], $0x3000, $0x38;
	[tilespmem:$0x1CF00] =	vst v63  }
0x1bd: {  	_ =	swait.ge [sflag:s13], $0x3000  }
0x1be: {  	[sflag:s13] =	ssyncset.done $0x0  }
0x1bf: {  	s11 =	rddreg [dreg:$0xb];
	[sflag:s13] =	ssyncadd.s32 $0xFFFFD000  }
0x1c0: {  	[tilespmem:s26], [sflag:$0xB] =	stream.linear.gather [spmem:s11], $0x3000, $0x38;
	[tilespmem:$0x1CF00] =	vst v63  }
0x1c1: {  	_ =	swait.ge [sflag:s13], $0x3000  }
0x1c2: {  	[sflag:s13] =	ssyncset.done $0x0  }
0x1c3: {  	s12 =	rddreg [dreg:$0x15];
	[sflag:s13] =	ssyncadd.s32 $0xFFFFD000  }
0x1c4: {  	[hbm4b:s12+s4] =	stream.linear.scatter [tilespmem:s26], [sflag:$0xB], $0x3000, $0x38;
	[tilespmem:$0x1CF00] =	vst v63  }
0x1c5: {  	_ =	swait.ge [sflag:s13], $0x3000  }
0x1c6: {  	[sflag:s13] =	ssyncset.done $0x0  }
0x1c7: {  	s12 =	rddreg [dreg:$0xc];
	[sflag:s13] =	ssyncadd.s32 $0xFFFFD000  }
0x1c8: {  	[tilespmem:s26], [sflag:$0xB] =	stream.linear.gather [spmem:s12], $0x1C00, $0x38;
	[tilespmem:$0x1CF00] =	vst v63  }
0x1c9: {  	_ =	swait.ge [sflag:s13], $0x1C00  }
0x1ca: {  	[sflag:s13] =	ssyncset.done $0x0  }
0x1cb: {  	s7 =	rddreg [dreg:$0x16];
	[sflag:s13] =	ssyncadd.s32 $0xFFFFE400  }
0x1cc: {  	[hbm4b:s7+s4] =	stream.linear.scatter [tilespmem:s26], [sflag:$0xB], $0x1C00, $0x38;
	[tilespmem:$0x1CF00] =	vst v63  }
0x1cd: {  	_ =	swait.ge [sflag:s13], $0x1C00  }
0x1ce: {  	s28 =	rddreg [dreg:$0x18]  }
0x1cf: {  	[sflag:s13] =	ssyncset.done $0x0;
	s13 =	rddreg [dreg:$0x17];
	s28 =	sadd.s32 $0x1, s28  }
0x1d0: {  	p0 =	sne.s32 s28, s13  }
.Ltmp1:
0x1d1: {  	_ = 	snop;
	(pc) =	sbr.rel @p0 .LBB2_1-.Ltmp1, $3  }
0x1d2: {  	_ =	sdelay $0x1  }
0x1d3: {  	[dreg:$0x18] =	wrdreg s28;
	s13 =	simm.s32 $0xB  }
0x1d4: {  	s28 =	rddreg [dreg:$0x6];
	[sflag:s13] =	ssyncadd.s32 $0xFFFFE400  }
0x1d5: {  	_ =	sfence.sel $0x180000  }
0x1d6: {  	[bflag:$0x0] =	sbarrier.arrive $0xFFFF  }
0x1d7: {  	_ =	strace $0x9000004A  }
0x1d8: {  	s0 =	stileid.u32;
	[bflag:$0x2] =	sbarrier.arrive $0xFFFF  }
0x1d9: {  	p0 =	sne.s32 s0, $0x0;
	s0 =	rddreg [dreg:$0x3]  }
0x1da: {  	s0 =	sadd.s32 @!p0 $0x100000, s0  }
0x1db: {  	[sflag:s0] =	ssyncadd.tile.s32 @!p0 $0x1;
	_ =	shalt  }
.Lfunc_end2:
_tile_overlayer_lowered:
.L_overlay_start_2:
0x1dc: {  	(tag) =	ssettag $0x2  }
0x1dd: {  	s0 =	rddreg [dreg:$0x0];
	s2 =	stileid.u32  }
0x1de: {  	s1 =	rddreg [dreg:$0x1];
	p0 =	sne.s32 s2, $0x0  }
0x1df: {  	s3 =	rddreg [dreg:$0x2];
	[bflag:$0x3] =	sbarrier.arrive $0xFFFF;
	s2 =	simm.s32 @!p0 $0x1C0B  }
0x1e0: {  	[timem:s3], [sflag:s2] =	dma.local @!p0 [hbm:s0], s1  }
0x1e1: {  	s0 =	simm.s32 @!p0 $0xB  }
0x1e2: {  	_ =	swait.ge @!p0 [sflag:s0], s1  }
0x1e3: {  	s1 =	ssub.s32 @!p0 $0x0, s1;
	[sflag:s0] =	ssyncset.done @!p0 $0x0  }
0x1e4: {  	[sflag:s0] =	ssyncadd.s32 @!p0 s1  }
0x1e5: {  	[bflag:$0x3] =	sbarrier.arrive $0xFFFF  }
0x1e6: {  	_ =	shalt  }

// kernel: kernel.7.cloned.1.call-start
scs
__scs_entry_jumppad:
0x0: {  	(pc) =	sbr.rel $0x88, $3  }
0x1: {  	(tag) =	ssettag $0x0;
	lr =	simm.s32 $0x1  }
0x2: {  	[smem:$0x3F8F] =	sst lr;
	_ =	strace $0xD0000000  }
0x3: {  	_ = 	snop  }
0x4: {  	_ = 	snop  }
0x5: {  	_ = 	snop  }
0x6: {  	_ = 	snop  }
0x7: {  	_ = 	snop  }
__scs_overlays_trampoline_lowered:
0x8: {  	[smem:$0x3F9E] =	sst s0  }
0x9: {  	[smem:$0x3F9F] =	sst s1  }
0xa: {  	[smem:$0x3FA0] =	sst s2  }
0xb: {  	[smem:$0x3FA1] =	sst s3  }
0xc: {  	[smem:$0x3FA2] =	sst s4  }
0xd: {  	[smem:$0x3FA3] =	sst s5  }
0xe: {  	[smem:$0x3FA4] =	sst s6  }
0xf: {  	[smem:$0x3FA5] =	sst s7  }
0x10: {  	[smem:$0x3FA6] =	sst s8  }
0x11: {  	[smem:$0x3FA7] =	sst s9;
	s0 =	simm.s32 @!p0 $0x0  }
0x12: {  	s1 =	sld [smem:$0x3F8D];
	s0 =	simm.s32 @p0 $0x1  }
0x13: {  	[smem:$0x3FA8] =	sst s0;
	s0 =	simm.s32 @!p1 $0x0  }
0x14: {  	s2 =	sld [smem:$0x3F8C];
	s0 =	simm.s32 @p1 $0x1  }
0x15: {  	[smem:$0x3FA9] =	sst s0;
	s0 =	simm.s32 @!p2 $0x0  }
0x16: {  	s3 =	sld [smem:$0x3FDB];
	s0 =	simm.s32 @p2 $0x1  }
0x17: {  	s4 =	simm.s32 $0x1BF5;
	[smem:$0x3FAB] =	sst s0  }
0x18: {  	s0 =	sld [smem:$0x3F8E];
	_ =	swait.ge [sflag:s4], $0x0  }
0x19: {  	s7 =	sld [smem:$0x3F8F]  }
0x1a: {  	s8 =	sadd.s32 $0xFFFFE003, lr  }
0x1b: {  	s9 =	sadd.s32 $0xFFFFFEF7, lr;
	s5 =	simm.s32 $0xFFFFFFFF;
	p2 =	slt.u32 s8, $0xFFFFF086  }
0x1c: {  	p1 =	slt.u32 s9, $0xF7A;
	s5 =	simm.s32 @!p2 $0x0  }
0x1d: {  	s5 =	simm.s32 @p1 $0x1;
	p0 =	seq.s32 s7, s2  }
0x1e: {  	s7 =	smul.u32 @!p0 $0xF7A, s2;
	p2 =	seq.s32 @!p0 s5, $0x0  }
0x1f: {  	s9 =	smul.u32 $0xF7A, s1;
	s8 =	simm.s32 @!p0 $0x1BF5;
	p2 =	por !p2, p0  }
0x20: {  	[sflag:s8] =	ssyncset.s32 @!p0 $0xFFFFF086;
	s6 =	sadd.s32 @!p0 s3, s7;
	s7 =	simm.s32 @!p0 $0x108  }
0x21: {  	s3 =	sadd.s32 s3, s9;
	s6 =	sadd.s32 @!p0 $0x88, s6;
	s7 =	simm.s32 @p2 $0x1082  }
0x22: {  	[simem:s7], [sflag:s8] =	dma.local @!p0 [hbm:s6], $0xF7A  }
0x23: {  	s9 =	sor.u32 $0xD0000000, s2;
	s6 =	simm.s32 $0x108;
	_ =	swait.ge @!p0 [sflag:s8], $0x0  }
0x24: {  	s3 =	sadd.s32 $0x88, s3;
	s6 =	simm.s32 @!p1 $0x1082;
	[sflag:s4] =	ssyncset.s32 $0xFFFFF086  }
0x25: {  	[simem:s6], [sflag:s4] =	dma.local [hbm:s3], $0xF7A  }
0x26: {  	[smem:$0x3F8F] =	sst s1;
	(tag) =	ssettag s2;
	_ =	strace s9  }
0x27: {  	s1 =	sld [smem:$0x3F9F]  }
0x28: {  	s2 =	sld [smem:$0x3FA0]  }
0x29: {  	s4 =	sld [smem:$0x3FA2]  }
0x2a: {  	p0 =	seq.s32 s5, $0x0;
	s5 =	sld [smem:$0x3FA3]  }
0x2b: {  	s6 =	sld [smem:$0x3FA4]  }
0x2c: {  	s7 =	sld [smem:$0x3FA5]  }
0x2d: {  	s3 =	simm.s32 $0x108;
	s8 =	sld [smem:$0x3FA6]  }
0x2e: {  	s3 =	simm.s32 @!p0 $0x1082;
	s9 =	sld [smem:$0x3FA7]  }
0x2f: {  	lr =	sadd.s32 s0, s3;
	s0 =	sld [smem:$0x3F9E]  }
0x30: {  	s3 =	sld [smem:$0x3FA1]  }
0x31: {  	[smem:$0x3FAA] =	sst s10  }
0x32: {  	s10 =	sld [smem:$0x3FA8];
	_ =	sdelay $0x3  }
0x33: {  	p0 =	seq.s32 s10, $0x1;
	s10 =	sld [smem:$0x3FAA];
	_ =	sdelay $0x3  }
0x34: {  	[smem:$0x3FAA] =	sst s10  }
0x35: {  	s10 =	sld [smem:$0x3FA9];
	_ =	sdelay $0x3  }
0x36: {  	p1 =	seq.s32 s10, $0x1;
	s10 =	sld [smem:$0x3FAA];
	_ =	sdelay $0x3  }
0x37: {  	[smem:$0x3FAA] =	sst s10  }
0x38: {  	s10 =	sld [smem:$0x3FAB]  }
0x39: {  	_ = 	snop;
	(pc) =	sbr.ind lr, $3  }
0x3a: {  	_ = 	snop  }
0x3b: {  	_ = 	snop  }
0x3c: {  	p2 =	seq.s32 s10, $0x1;
	s10 =	sld [smem:$0x3FAA]  }
0x3d: {  	_ =	shalt  }
0x3e: {  	_ =	shalt  }
0x3f: {  	_ =	shalt  }
0x40: {  	_ =	shalt  }
0x41: {  	_ =	shalt  }
0x42: {  	_ =	shalt  }
0x43: {  	_ =	shalt  }
0x44: {  	_ =	shalt  }
0x45: {  	_ =	shalt  }
0x46: {  	_ =	shalt  }
0x47: {  	_ =	shalt  }
0x48: {  	_ =	shalt  }
0x49: {  	_ =	shalt  }
0x4a: {  	_ =	shalt  }
0x4b: {  	_ =	shalt  }
0x4c: {  	_ =	shalt  }
0x4d: {  	_ =	shalt  }
0x4e: {  	_ =	shalt  }
0x4f: {  	_ =	shalt  }
0x50: {  	_ =	shalt  }
0x51: {  	_ =	shalt  }
0x52: {  	_ =	shalt  }
0x53: {  	_ =	shalt  }
0x54: {  	_ =	shalt  }
0x55: {  	_ =	shalt  }
0x56: {  	_ =	shalt  }
0x57: {  	_ =	shalt  }
0x58: {  	_ =	shalt  }
0x59: {  	_ =	shalt  }
0x5a: {  	_ =	shalt  }
0x5b: {  	_ =	shalt  }
0x5c: {  	_ =	shalt  }
0x5d: {  	_ =	shalt  }
0x5e: {  	_ =	shalt  }
0x5f: {  	_ =	shalt  }
0x60: {  	_ =	shalt  }
0x61: {  	_ =	shalt  }
0x62: {  	_ =	shalt  }
0x63: {  	_ =	shalt  }
0x64: {  	_ =	shalt  }
0x65: {  	_ =	shalt  }
0x66: {  	_ =	shalt  }
0x67: {  	_ =	shalt  }
0x68: {  	_ =	shalt  }
0x69: {  	_ =	shalt  }
0x6a: {  	_ =	shalt  }
0x6b: {  	_ =	shalt  }
0x6c: {  	_ =	shalt  }
0x6d: {  	_ =	shalt  }
0x6e: {  	_ =	shalt  }
0x6f: {  	_ =	shalt  }
0x70: {  	_ =	shalt  }
0x71: {  	_ =	shalt  }
0x72: {  	_ =	shalt  }
0x73: {  	_ =	shalt  }
0x74: {  	_ =	shalt  }
0x75: {  	_ =	shalt  }
0x76: {  	_ =	shalt  }
0x77: {  	_ =	shalt  }
0x78: {  	_ =	shalt  }
0x79: {  	_ =	shalt  }
0x7a: {  	_ =	shalt  }
0x7b: {  	_ =	shalt  }
0x7c: {  	_ =	shalt  }
0x7d: {  	_ =	shalt  }
0x7e: {  	_ =	shalt  }
0x7f: {  	_ =	shalt  }
0x80: {  	_ =	shalt  }
0x81: {  	_ =	shalt  }
0x82: {  	_ =	shalt  }
0x83: {  	_ =	shalt  }
0x84: {  	_ =	shalt  }
0x85: {  	_ =	shalt  }
0x86: {  	_ =	shalt  }
0x87: {  	_ =	shalt  }
.Lfunc_end0:
.L_simem_size_0:
called_computation_lowered:
.L_overlay_start_0:
0x88: {  	s2 =	sld [smem:$0x3FD9]  }
0x89: {  	s3 =	sld [smem:$0x3FFE];
	_ =	sdelay $0x1  }
0x8a: {  	s1 =	srdreg.scid  }
0x8b: {  	s0 =	sand.u32 $0x1, s1  }
0x8c: {  	s17 =	sshll.u32 s0, $0xA;
	s2 =	sadd.s32 s3, s2  }
0x8d: {  	s2 =	sadd.s32 s2, s17  }
0x8e: {  	[smem:$0x3FB6] =	sst s2  }
0x8f: {  	_ = 	snop  }
0x90: {  	s2 =	sld [smem:$0x3FC9]  }
0x91: {  	s18 =	sld [smem:$0x3FD0];
	(tm) =	ssettm $0x1  }
0x92: {  	s4 =	sld [smem:$0x3FFB];
	_ =	sdelay $0x3  }
0x93: {  	_ =	strace s4  }
0x94: {  	s4 =	sld [smem:$0x3FFC];
	_ =	sdelay $0x3  }
0x95: {  	_ =	strace s4  }
0x96: {  	s4 =	sld [smem:$0x3FFD];
	_ =	sdelay $0x3  }
0x97: {  	_ =	strace s4  }
0x98: {  	_ =	strace $0x8FFFFFFF  }
0x99: {  	s19 =	sld [smem:$0x3FDB];
	_ =	sdelay $0x1  }
0x9a: {  	s5 =	simm.s32 $_scs_section_size  }
0x9b: {  	s6 =	simm.s32 $_size__tile_overlayer_lowered;
	s7 =	simm.s32 $_tile_overlayer_lowered  }
0x9c: {  	s22 =	simm.s32 $0x1BFF;
	s21 =	sshll.u32 s7, $0x1;
	s4 =	sadd.s32 s5, s19  }
0x9d: {  	s8 =	simm.s32 $0x0;
	s20 =	sshll.u32 s6, $0x1;
	s6 =	sadd.s32 s21, s4  }
0x9e: {  	[timem:s8], [sflag:s22] =	dma.local [hbm:s6], s20  }
0x9f: {  	_ =	swait.ge [sflag:s22], s20  }
0xa0: {  	s5 =	ssub.s32 $0x0, s20;
	[sflag:s22] =	ssyncset.done $0x0  }
0xa1: {  	[sflag:s22] =	ssyncadd.s32 s5;
	_ =	sdelay $0x1  }
0xa2: {  	s23 =	simm.s32 $0x1B8B  }
0xa3: {  	_ =	swait.ge [sflag:s23], $0x1  }
0xa4: {  	[sflag:s23] =	ssyncset.done $0x0  }
0xa5: {  	s25 =	simm.s32 $0x1B8E;
	s24 =	sld [smem:$0x3FFE];
	[sflag:s23] =	ssyncadd.s32 $0xFFFFFFFF  }
0xa6: {  	s26 =	simm.s32 $execute0_lowered;
	[smem:$0x3FD2] =	sst s25  }
0xa7: {  	s6 =	sshll.u32 s26, $0x1;
	_ =	strace $0x80000046;
	[dreg:$0x1] =	wrdreg $0xFFFFFFFF  }
0xa8: {  	s28 =	simm.s32 $_size_execute0_lowered;
	s4 =	sadd.s32 s4, s6;
	[dreg:$0x0] =	wrdreg $0x0  }
0xa9: {  	s6 =	sshll.u32 s28, $0x1;
	[dreg:$0x2] =	wrdreg s4  }
0xaa: {  	[dreg:$0x3] =	wrdreg s6  }
0xab: {  	[dreg:$0x4] =	wrdreg $0xC0  }
0xac: {  	_ =	task [dreg:s8], $0x5FFFF  }
0xad: {  	[dreg:$0x1] =	wrdreg $0xFFFFFFFF  }
0xae: {  	[dreg:$0x0] =	wrdreg $0x60  }
0xaf: {  	[dreg:$0x2] =	wrdreg s2  }
0xb0: {  	[dreg:$0x3] =	wrdreg s24  }
0xb1: {  	[dreg:$0x4] =	wrdreg s18  }
0xb2: {  	[dreg:$0x5] =	wrdreg $0x93000  }
0xb3: {  	[dreg:$0x6] =	wrdreg $0x1D5000  }
0xb4: {  	[dreg:$0x7] =	wrdreg $0x9  }
0xb5: {  	_ =	task.clear_ibuf [dreg:s8], $0x8FFFF;
	_ =	strace $0x90000046  }
0xb6: {  	s29 =	simm.s32 $0x9;
	_ =	strace $0x80000048  }
0xb7: {  	_ =	swait.ge [sflag:s29], $0x1  }
0xb8: {  	[sflag:s29] =	ssyncadd.s32 $0xFFFFFFFF  }
0xb9: {  	_ =	strace $0x90000048  }
0xba: {  	_ =	sfence  }
0xbb: {  	s30 =	sld [smem:$0x0];
	_ =	sdelay $0x2  }
0xbc: {  	s31 =	sshll.u32 s1, $0xD;
	s1 =	sshrl.u32 s1, $0x2  }
0xbd: {  	s3 =	sand.u32 $0x4000, s31;
	s1 =	sadd.s32 s1, s30  }
0xbe: {  	s0 =	sor.u32 s3, s0;
	s1 =	sshll.u32 s1, $0x11  }
0xbf: {  	s0 =	sor.u32 s1, s0  }
0xc0: {  	s0 =	sadd.s32 $0x8F2B, s0  }
0xc1: {  	[sflag:s0] =	ssyncadd.remote.s32 $0x1  }
0xc2: {  	_ =	sfence.sel $0xFFFF  }
0xc3: {  	[dreg:$0x0] =	wrdreg $0xFFFFFFFF;
	(pc) =	sbr.abs _section_cstart, $3  }
0xc4: {  	[dreg:$0x1] =	wrdreg $0xFFFFFFFF  }
0xc5: {  	_ =	task.clear_ibuf [dreg:s8], $0x2FFFF;
	_ =	strace $0x9FFFFFFF  }
0xc6: {  	(tm) =	ssettm $0x7FFFFFFF  }
0xc7: {  	_ =	shalt  }
tec
execute0_lowered:
.L_overlay_start_1:
0x0: {  	(tag) =	ssettag $0x1  }
0x1: {  	s6 =	rddreg [dreg:$0x1]  }
0x2: {  	s7 =	rddreg [dreg:$0x2]  }
0x3: {  	s0 =	rddreg [dreg:$0x3]  }
0x4: {  	s1 =	srdreg.scid;
	s20 =	stileid.u32;
	s2 =	simm.s32 $0x0  }
0x5: {  	s28 =	simm.s32 $0x240;
	s29 =	simm.s32 $0x8;
	s5 =	smul.u32 $0x278, s20  }
0x6: {  	s8 =	sand.u32 $0x1, s1;
	[smem:$0x7FF] =	sst s2;
	s12 =	smul.u32 $0x1440, s20  }
0x7: {  	s21 =	sadd.s32 $0x4400, s6;
	s1 =	ssub.s32 $0x2, s8;
	s4 =	smul.u32 $0x2780, s8  }
0x8: {  	s9 =	sadd.s32 $0x19200, s6;
	s19 =	sshll.u32 s20, $0x1;
	s10 =	sshrl.u32 s1, $0x1  }
0x9: {  	s18 =	sadd.s32 s12, s21;
	s1 =	ssub.s32 s1, s10;
	s11 =	sadd.s32 s5, s4  }
0xa: {  	s4 =	sor.u32 s8, s19;
	s8 =	smul.u32 $0xA20, s8;
	s22 =	sshll.u32 s11, $0x4  }
0xb: {  	s13 =	sadd.s32 $0x60, s11;
	s14 =	sadd.s32 $0xC0, s11;
	s15 =	sadd.s32 $0x120, s11  }
0xc: {  	s16 =	sadd.s32 $0x180, s11;
	s17 =	sadd.s32 $0x1E0, s11;
	s3 =	sadd.s32 $0x240, s11  }
0xd: {  	s11 =	sshll.u32 s11, $0x1;
	s10 =	sadd.s32 s9, s22;
	s23 =	sshll.u32 s13, $0x4  }
0xe: {  	s24 =	sshll.u32 s14, $0x4;
	[dreg:$0xa] =	wrdreg s10;
	s10 =	sadd.s32 s9, s23  }
0xf: {  	s25 =	sshll.u32 s15, $0x4;
	[dreg:$0xb] =	wrdreg s10;
	s10 =	sadd.s32 s9, s24  }
0x10: {  	s26 =	sshll.u32 s16, $0x4;
	[dreg:$0xc] =	wrdreg s10;
	s10 =	sadd.s32 s9, s25  }
0x11: {  	s1 =	smax.u32 s1, $0x1;
	[dreg:$0xd] =	wrdreg s10;
	s10 =	sadd.s32 s9, s26  }
0x12: {  	s2 =	sshll.u32 s17, $0x4;
	s19 =	sshll.u32 s3, $0x4;
	[dreg:$0xe] =	wrdreg s10  }
0x13: {  	s8 =	sadd.s32 s8, s18;
	s10 =	sadd.s32 s9, s2;
	s2 =	rddreg [dreg:$0x4]  }
0x14: {  	s12 =	sshll.u32 s13, $0x1;
	s9 =	sadd.s32 s9, s19;
	[dreg:$0xf] =	wrdreg s10  }
0x15: {  	s18 =	sshll.u32 s16, $0x1;
	[dreg:$0x10] =	wrdreg s9;
	s9 =	sadd.s32 s7, s11  }
0x16: {  	s13 =	sadd.s32 s7, s12;
	_ =	strace $0x80000047;
	[dreg:$0x11] =	wrdreg s9  }
0x17: {  	s14 =	sshll.u32 s14, $0x1;
	s19 =	sadd.s32 s7, s18;
	[dreg:$0x12] =	wrdreg s13  }
0x18: {  	s15 =	sshll.u32 s15, $0x1;
	s22 =	sshll.u32 s17, $0x1;
	[dreg:$0x15] =	wrdreg s19  }
0x19: {  	s24 =	smul.u32 $0x4F000, s20;
	s25 =	sadd.s32 $0x18800, s6;
	[dreg:$0x6] =	wrdreg s8  }
0x1a: {  	s23 =	sshll.u32 s3, $0x1;
	s26 =	sadd.s32 $0x19000, s6;
	[dreg:$0x18] =	wrdreg s25  }
0x1b: {  	s6 =	sadd.s32 $0x18E00, s6;
	s3 =	sshrl.u32 s24, $0x2;
	[dreg:$0x19] =	wrdreg s26  }
0x1c: {  	s12 =	sadd.s32 s3, s0;
	s18 =	smul.u32 $0x9E00, s20;
	[dreg:$0x1a] =	wrdreg s6  }
0x1d: {  	s10 =	sadd.s32 $0xC0, s5;
	s9 =	sadd.s32 s7, s14;
	[smem:$0x7F2] =	sst s1  }
0x1e: {  	s24 =	sshll.u32 s10, $0x7;
	s25 =	sadd.s32 $0x120, s5;
	[dreg:$0x1b] =	wrdreg s12  }
0x1f: {  	[dreg:$0x13] =	wrdreg s9;
	s9 =	sadd.s32 s7, s15;
	s16 =	sadd.s32 s24, s0  }
0x20: {  	s14 =	sshll.u32 s25, $0x7;
	s25 =	sshll.u32 s25, $0x4;
	[dreg:$0x14] =	wrdreg s9  }
0x21: {  	s9 =	sadd.s32 s7, s22;
	s7 =	sadd.s32 s7, s23;
	s3 =	sadd.s32 s14, s0  }
0x22: {  	s22 =	sadd.s32 $0x180, s5;
	s13 =	smov.u32 s16;
	[dreg:$0x16] =	wrdreg s9  }
0x23: {  	s14 =	smul.u32 $0xA20, s4;
	[dreg:$0x17] =	wrdreg s7;
	s7 =	sadd.s32 $0x60, s5  }
0x24: {  	s9 =	sadd.s32 $0x1E0, s5;
	s5 =	sadd.s32 $0x240, s5;
	[dreg:$0x1d] =	wrdreg s13  }
0x25: {  	s17 =	sshll.u32 s22, $0x7;
	[dreg:$0x1e] =	wrdreg s3;
	s23 =	sshll.u32 s7, $0x7  }
0x26: {  	s26 =	sadd.s32 s17, s0;
	s19 =	sshll.u32 s9, $0x7;
	s6 =	sshll.u32 s7, $0x4  }
0x27: {  	s7 =	sshll.u32 s10, $0x4;
	s10 =	smul.u32 $0x5100, s4;
	s17 =	sadd.s32 s21, s14  }
0x28: {  	s4 =	smul.u32 $0x6C, s4;
	s15 =	sadd.s32 s23, s0;
	[smem:$0x7F3] =	sst s17  }
0x29: {  	s23 =	sshrl.u32 s18, $0x2;
	s18 =	sadd.s32 s7, s2;
	[dreg:$0x1f] =	wrdreg s26  }
0x2a: {  	s7 =	sadd.s32 s25, s2;
	s25 =	sadd.s32 $0x18, s17;
	[dreg:$0x7] =	wrdreg s4  }
0x2b: {  	s20 =	sshll.u32 s5, $0x7;
	s24 =	sadd.s32 s19, s0;
	[smem:$0x7F4] =	sst s25  }
0x2c: {  	s30 =	simm.s32 $0x4;
	s31 =	sadd.s32 s20, s0;
	[smem:$0x7F5] =	sst s24  }
0x2d: {  	s9 =	sshll.u32 s9, $0x4;
	s8 =	sadd.s32 s6, s2;
	[smem:$0x7F6] =	sst s31  }
0x2e: {  	s5 =	sshll.u32 s5, $0x4;
	s0 =	sshll.u32 s22, $0x4;
	[smem:$0x7F8] =	sst s8  }
0x2f: {  	s9 =	sadd.s32 s9, s2;
	s19 =	sadd.s32 s23, s2;
	[smem:$0x7F9] =	sst s18  }
0x30: {  	s20 =	sadd.s32 s0, s2;
	s11 =	sshrl.u32 s10, $0x3;
	[smem:$0x7FA] =	sst s7  }
0x31: {  	s10 =	sadd.s32 s5, s2;
	s2 =	smov.u32 s15;
	[smem:$0x7FC] =	sst s9  }
0x32: {  	s1 =	simm.s32 $0x9;
	s14 =	simm.s32 $0x7;
	[dreg:$0x1c] =	wrdreg s2  }
0x33: {  	s22 =	simm.s32 $0x6;
	s25 =	simm.s32 $0xB;
	[smem:$0x7F7] =	sst s19  }
0x34: {  	s0 =	simm.s32 $0x180;
	s23 =	simm.s32 $0x60;
	[smem:$0x7FB] =	sst s20  }
0x35: {  	s16 =	sadd.s32 s21, s11;
	s21 =	smov.u32 s21;
	[smem:$0x7FD] =	sst s10  }
0x36: {  	s5 =	simm.s32 $0xA;
	s4 =	sadd.s32 $0x30, s16;
	[dreg:$0x8] =	wrdreg s21  }
0x37: {  	s15 =	simm.s32 $0x0;
	s11 =	simm.s32 $0x120;
	[smem:$0x7F1] =	sst s4  }
.LBB2_1:
0x38: {  	[smem:$0x7F0] =	sst s15  }
0x39: {  	s4 =	rddreg [dreg:$0x18];
	s15 =	simm.s32 $0x300;
	s21 =	simm.s32 $0x0  }
0x3a: {  	[tilespmem:s15], [sflag:$0xB] =	stream.linear.gather [hbm4b:s4+s21], $0x3000, $0x38;
	[tilespmem:$0x1FC80] =	vst v63  }
0x3b: {  	_ =	swait.ge [sflag:s25], $0x3000  }
0x3c: {  	[sflag:s25] =	ssyncset.done $0x0  }
0x3d: {  	[sflag:s25] =	ssyncadd.s32 $0xFFFFD000  }
0x3e: {  	[spmem:s12] =	stream.linear.scatter [tilespmem:s15], [sflag:$0xB], $0x3000, $0x38;
	[tilespmem:$0x1FC80] =	vst v63  }
0x3f: {  	_ =	swait.ge [sflag:s25], $0x3000  }
0x40: {  	[sflag:s25] =	ssyncset.done $0x0  }
0x41: {  	[sflag:s25] =	ssyncadd.s32 $0xFFFFD000  }
0x42: {  	[spmem:s2] =	stream.linear.scatter [tilespmem:s15], [sflag:$0xB], $0x3000, $0x38;
	[tilespmem:$0x1FC80] =	vst v63  }
0x43: {  	_ =	swait.ge [sflag:s25], $0x3000  }
0x44: {  	[sflag:s25] =	ssyncset.done $0x0  }
0x45: {  	[sflag:s25] =	ssyncadd.s32 $0xFFFFD000  }
0x46: {  	[spmem:s13] =	stream.linear.scatter [tilespmem:s15], [sflag:$0xB], $0x3000, $0x38;
	[tilespmem:$0x1FC80] =	vst v63  }
0x47: {  	_ =	swait.ge [sflag:s25], $0x3000  }
0x48: {  	[sflag:s25] =	ssyncset.done $0x0  }
0x49: {  	s6 =	smov.u32 s3;
	[sflag:s25] =	ssyncadd.s32 $0xFFFFD000  }
0x4a: {  	[spmem:s6] =	stream.linear.scatter [tilespmem:s15], [sflag:$0xB], $0x3000, $0x38;
	[tilespmem:$0x1FC80] =	vst v63  }
0x4b: {  	_ =	swait.ge [sflag:s25], $0x3000  }
0x4c: {  	[sflag:s25] =	ssyncset.done $0x0  }
0x4d: {  	[sflag:s25] =	ssyncadd.s32 $0xFFFFD000  }
0x4e: {  	[spmem:s26] =	stream.linear.scatter [tilespmem:s15], [sflag:$0xB], $0x3000, $0x38;
	[tilespmem:$0x1FC80] =	vst v63  }
0x4f: {  	_ =	swait.ge [sflag:s25], $0x3000  }
0x50: {  	[sflag:s25] =	ssyncset.done $0x0  }
0x51: {  	[sflag:s25] =	ssyncadd.s32 $0xFFFFD000  }
0x52: {  	[spmem:s24] =	stream.linear.scatter [tilespmem:s15], [sflag:$0xB], $0x3000, $0x38;
	[tilespmem:$0x1FC80] =	vst v63  }
0x53: {  	_ =	swait.ge [sflag:s25], $0x3000  }
0x54: {  	[sflag:s25] =	ssyncset.done $0x0  }
0x55: {  	[sflag:s25] =	ssyncadd.s32 $0xFFFFD000  }
0x56: {  	[spmem:s31] =	stream.linear.scatter [tilespmem:s15], [sflag:$0xB], $0x1C00, $0x38;
	[tilespmem:$0x1FC80] =	vst v63  }
0x57: {  	_ =	swait.ge [sflag:s25], $0x1C00  }
0x58: {  	[sflag:s25] =	ssyncset.done $0x0  }
0x59: {  	s6 =	simm.s32 $0x1CF00;
	s2 =	rddreg [dreg:$0x19];
	[sflag:s25] =	ssyncadd.s32 $0xFFFFE400  }
0x5a: {  	[tilespmem:s6], [sflag:$0xB] =	stream.linear.gather [hbm4b:s2+s21], $0x600, $0x38;
	[tilespmem:$0x1FC80] =	vst v63  }
0x5b: {  	_ =	swait.ge [sflag:s25], $0x600  }
0x5c: {  	[sflag:s25] =	ssyncset.done $0x0  }
0x5d: {  	[sflag:s25] =	ssyncadd.s32 $0xFFFFFA00  }
0x5e: {  	[spmem:s19] =	stream.linear.scatter [tilespmem:s6], [sflag:$0xB], $0x600, $0x38;
	[tilespmem:$0x1FC80] =	vst v63  }
0x5f: {  	_ =	swait.ge [sflag:s25], $0x600  }
0x60: {  	[sflag:s25] =	ssyncset.done $0x0  }
0x61: {  	[sflag:s25] =	ssyncadd.s32 $0xFFFFFA00  }
0x62: {  	[spmem:s8] =	stream.linear.scatter [tilespmem:s6], [sflag:$0xB], $0x600, $0x38;
	[tilespmem:$0x1FC80] =	vst v63  }
0x63: {  	_ =	swait.ge [sflag:s25], $0x600  }
0x64: {  	[sflag:s25] =	ssyncset.done $0x0  }
0x65: {  	[sflag:s25] =	ssyncadd.s32 $0xFFFFFA00  }
0x66: {  	[spmem:s18] =	stream.linear.scatter [tilespmem:s6], [sflag:$0xB], $0x600, $0x38;
	[tilespmem:$0x1FC80] =	vst v63  }
0x67: {  	_ =	swait.ge [sflag:s25], $0x600  }
0x68: {  	[sflag:s25] =	ssyncset.done $0x0  }
0x69: {  	[sflag:s25] =	ssyncadd.s32 $0xFFFFFA00  }
0x6a: {  	[spmem:s7] =	stream.linear.scatter [tilespmem:s6], [sflag:$0xB], $0x600, $0x38;
	[tilespmem:$0x1FC80] =	vst v63  }
0x6b: {  	_ =	swait.ge [sflag:s25], $0x600  }
0x6c: {  	[sflag:s25] =	ssyncset.done $0x0  }
0x6d: {  	[sflag:s25] =	ssyncadd.s32 $0xFFFFFA00  }
0x6e: {  	[spmem:s20] =	stream.linear.scatter [tilespmem:s6], [sflag:$0xB], $0x600, $0x38;
	[tilespmem:$0x1FC80] =	vst v63  }
0x6f: {  	_ =	swait.ge [sflag:s25], $0x600  }
0x70: {  	[sflag:s25] =	ssyncset.done $0x0  }
0x71: {  	[sflag:s25] =	ssyncadd.s32 $0xFFFFFA00  }
0x72: {  	[spmem:s9] =	stream.linear.scatter [tilespmem:s6], [sflag:$0xB], $0x600, $0x38;
	[tilespmem:$0x1FC80] =	vst v63  }
0x73: {  	_ =	swait.ge [sflag:s25], $0x600  }
0x74: {  	[sflag:s25] =	ssyncset.done $0x0  }
0x75: {  	[sflag:s25] =	ssyncadd.s32 $0xFFFFFA00  }
0x76: {  	[spmem:s10] =	stream.linear.scatter [tilespmem:s6], [sflag:$0xB], $0x380, $0x38;
	[tilespmem:$0x1FC80] =	vst v63  }
0x77: {  	_ =	swait.ge [sflag:s25], $0x380  }
0x78: {  	[sflag:s25] =	ssyncset.done $0x0  }
0x79: {  	s10 =	rddreg [dreg:$0x1a];
	[sflag:s25] =	ssyncadd.s32 $0xFFFFFC80  }
0x7a: {  	[tilespmem:s6], [sflag:$0xB] =	stream.linear.gather [hbm4b:s10+s21], $0x600, $0x38;
	[tilespmem:$0x1FC80] =	vst v63  }
0x7b: {  	_ =	swait.ge [sflag:s25], $0x600  }
0x7c: {  	[sflag:s25] =	ssyncset.done $0x0  }
0x7d: {  	[sflag:s25] =	ssyncadd.s32 $0xFFFFFA00  }
0x7e: {  	[bflag:$0x0] =	sbarrier.arrive $0xFFFF  }
0x7f: {  	s12 =	sld [smem:$0x7F3];
	_ =	sdelay $0x1  }
0x80: {  	s13 =	sld [smem:$0x7F4]  }
0x81: {  	[tilespmem:s21], [sflag:$0x1] =	stream.linear.gather [hbm4b:s12+s21], $0xC0, $0x38;
	[tilespmem:$0x1FC80] =	vst v63  }
0x82: {  	s16 =	simm.s32 $0xC0;
	s17 =	sld [smem:$0x7F1]  }
0x83: {  	[tilespmem:s16], [sflag:$0x2] =	stream.linear.gather [hbm4b:s13+s21], $0xC0, $0x38;
	[tilespmem:$0x1FC80] =	vst v63  }
0x84: {  	s18 =	simm.s32 $0x1  }
0x85: {  	[tilespmem:s0], [sflag:$0x3] =	stream.linear.gather [hbm4b:s17+s21], $0xC0, $0x38;
	[tilespmem:$0x1FC80] =	vst v63  }
0x86: {  	_ =	swait.ge [sflag:s18], $0xC0  }
0x87: {  	[sflag:s18] =	ssyncset.done $0x0  }
0x88: {  	[sflag:s18] =	ssyncadd.s32 $0xFFFFFF40  }
0x89: {  	s20 =	simm.s32 $0x2;
	s19 =	rddreg [dreg:$0x0]  }
0x8a: {  	[tilespmem:s15], [sflag:$0x5] =	stream.indirect.gather [hbm4b:s19+s23], $0x80, s21, s23, $0xb8;
	[tilespmem:$0x1FC80] =	vst v63  }
0x8b: {  	_ =	swait.ge [sflag:s20], $0xC0  }
0x8c: {  	[sflag:s20] =	ssyncset.done $0x0  }
0x8d: {  	s24 =	simm.s32 $0x5;
	s21 =	simm.s32 $0x3300;
	[sflag:s20] =	ssyncadd.s32 $0xFFFFFF40  }
0x8e: {  	[tilespmem:s21], [sflag:$0x6] =	stream.indirect.gather [hbm4b:s19+s23], $0x80, s16, s23, $0xb8;
	[tilespmem:$0x1FC80] =	vst v63  }
0x8f: {  	_ =	swait.ge [sflag:s24], $0x3000  }
0x90: {  	[sflag:s24] =	ssyncset.done $0x0  }
0x91: {  	[sflag:s24] =	ssyncadd.s32 $0xFFFFD000  }
0x92: {  	p0 =	por $0x1, $0x1;
	s0 =	rddreg [dreg:$0x3]  }
0x93: {  	[spmem:s0] =	stream.indirect.scatter.add.f32 [tilespmem:s15], [sflag:$0x8], $0x80, s23, s23, $0xb8;
	[tilespmem:$0x1FC80] =	vst v63  }
0x94: {  	s4 =	simm.s32 @!p0 $0xA;
	s25 =	rddreg [dreg:$0x4]  }
0x95: {  	[spmem:s25] =	stream.indirect.scatter.add.f32 [tilespmem:s6], [sflag:$0x8], $0x10, s23, s23, $0xb8;
	[tilespmem:$0x1FC80] =	vst v63  }
0x96: {  	_ =	swait.ge @!p0 [sflag:s4], $0x3000  }
0x97: {  	[sflag:s4] =	ssyncset.done @!p0 $0x0  }
0x98: {  	[sflag:s4] =	ssyncadd.s32 @!p0 $0xFFFFD000  }
0x99: {  	_ =	swait.ge @!p0 [sflag:s4], $0x600  }
0x9a: {  	s26 =	simm.s32 $0x3;
	[sflag:s4] =	ssyncset.done @!p0 $0x0  }
0x9b: {  	s8 =	simm.s32 $0xE;
	s7 =	simm.s32 $0x120;
	[sflag:s4] =	ssyncadd.s32 @!p0 $0xFFFFFA00  }
0x9c: {  	s9 =	simm.s32 $0x0;
	s17 =	simm.s32 $0x1E0;
	_ =	swait.ge [sflag:s26], $0xC0  }
0x9d: {  	s18 =	simm.s32 $0x1A;
	s31 =	rddreg [dreg:$0x6];
	[sflag:s26] =	ssyncset.done $0x0  }
0x9e: {  	s20 =	simm.s32 $0x6300;
	[sflag:s26] =	ssyncadd.s32 $0xFFFFFF40;
	s4 =	sadd.s32 $0x0, s31  }
.LBB2_2:
0x9f: {  	s0 =	simm.s32 $0x180;
	s2 =	rddreg [dreg:$0x0];
	s24 =	smov.u32 s7  }
0xa0: {  	[tilespmem:s20], [sflag:$0x7] =	stream.indirect.gather [hbm4b:s2+s23], $0x80, s0, s23, $0xb8;
	[tilespmem:$0x1FC80] =	vst v63  }
0xa1: {  	s21 =	sadd.s32 $0x48, s4;
	s6 =	simm.s32 $0x0;
	[dreg:$0x9] =	wrdreg s24  }
0xa2: {  	[tilespmem:s28], [sflag:$0x4] =	stream.linear.gather [hbm4b:s21+s6], $0xC0, $0x38;
	[tilespmem:$0x1FC80] =	vst v63  }
0xa3: {  	_ =	swait.ge [sflag:s22], $0x3000  }
0xa4: {  	[sflag:s22] =	ssyncset.done $0x0  }
0xa5: {  	[sflag:s22] =	ssyncadd.s32 $0xFFFFD000  }
0xa6: {  	s24 =	simm.s32 $0x3300;
	s12 =	rddreg [dreg:$0x3]  }
0xa7: {  	[spmem:s12] =	stream.indirect.scatter.add.f32 [tilespmem:s24], [sflag:$0x9], $0x80, s11, s23, $0xb8;
	[tilespmem:$0x1FC80] =	vst v63  }
0xa8: {  	s16 =	simm.s32 $0x1CF00;
	s19 =	rddreg [dreg:$0x4]  }
0xa9: {  	[spmem:s19] =	stream.indirect.scatter.add.f32 [tilespmem:s16], [sflag:$0x9], $0x10, s11, s23, $0xb8;
	[tilespmem:$0x1FC80] =	vst v63  }
0xaa: {  	_ =	swait.ge [sflag:s29], $0x3000  }
0xab: {  	[sflag:s29] =	ssyncset.done $0x0  }
0xac: {  	[sflag:s29] =	ssyncadd.s32 $0xFFFFD000  }
0xad: {  	_ =	swait.ge [sflag:s29], $0x600  }
0xae: {  	[sflag:s29] =	ssyncset.done $0x0  }
0xaf: {  	[sflag:s29] =	ssyncadd.s32 $0xFFFFFA00  }
0xb0: {  	_ =	swait.ge [sflag:s30], $0xC0  }
0xb1: {  	[sflag:s30] =	ssyncset.done $0x0  }
0xb2: {  	s15 =	simm.s32 $0x300;
	[sflag:s30] =	ssyncadd.s32 $0xFFFFFF40  }
0xb3: {  	[tilespmem:s15], [sflag:$0x5] =	stream.indirect.gather [hbm4b:s2+s23], $0x80, s28, s23, $0xb8;
	[tilespmem:$0x1FC80] =	vst v63  }
0xb4: {  	s26 =	sadd.s32 $0x60, s4  }
0xb5: {  	[tilespmem:s6], [sflag:$0x1] =	stream.linear.gather [hbm4b:s26+s6], $0xC0, $0x38;
	[tilespmem:$0x1FC80] =	vst v63  }
0xb6: {  	_ =	swait.ge [sflag:s14], $0x3000  }
0xb7: {  	[sflag:s14] =	ssyncset.done $0x0  }
0xb8: {  	s25 =	simm.s32 $0x6300;
	[sflag:s14] =	ssyncadd.s32 $0xFFFFD000  }
0xb9: {  	[spmem:s12] =	stream.indirect.scatter.add.f32 [tilespmem:s25], [sflag:$0xA], $0x80, s17, s23, $0xb8;
	[tilespmem:$0x1FC80] =	vst v63  }
0xba: {  	_ = 	snop  }
0xbb: {  	[spmem:s19] =	stream.indirect.scatter.add.f32 [tilespmem:s16], [sflag:$0xA], $0x10, s17, s23, $0xb8;
	[tilespmem:$0x1FC80] =	vst v63  }
0xbc: {  	_ =	swait.ge [sflag:s1], $0x3000  }
0xbd: {  	[sflag:s1] =	ssyncset.done $0x0  }
0xbe: {  	[sflag:s1] =	ssyncadd.s32 $0xFFFFD000  }
0xbf: {  	_ =	swait.ge [sflag:s1], $0x600  }
0xc0: {  	[sflag:s1] =	ssyncset.done $0x0  }
0xc1: {  	s14 =	simm.s32 $0x1;
	[sflag:s1] =	ssyncadd.s32 $0xFFFFFA00  }
0xc2: {  	_ =	swait.ge [sflag:s14], $0xC0  }
0xc3: {  	[sflag:s14] =	ssyncset.done $0x0  }
0xc4: {  	[sflag:s14] =	ssyncadd.s32 $0xFFFFFF40  }
0xc5: {  	[tilespmem:s24], [sflag:$0x6] =	stream.indirect.gather [hbm4b:s2+s23], $0x80, s6, s23, $0xb8;
	[tilespmem:$0x1FC80] =	vst v63  }
0xc6: {  	s31 =	sadd.s32 $0x78, s4;
	s28 =	simm.s32 $0xC0;
	s26 =	simm.s32 $0x5  }
0xc7: {  	[tilespmem:s28], [sflag:$0x2] =	stream.linear.gather [hbm4b:s31+s6], $0xC0, $0x38;
	[tilespmem:$0x1FC80] =	vst v63  }
0xc8: {  	_ =	swait.ge [sflag:s26], $0x3000  }
0xc9: {  	[sflag:s26] =	ssyncset.done $0x0  }
0xca: {  	s31 =	simm.s32 $0x2A0;
	[sflag:s26] =	ssyncadd.s32 $0xFFFFD000  }
0xcb: {  	[spmem:s12] =	stream.indirect.scatter.add.f32 [tilespmem:s15], [sflag:$0x8], $0x80, s31, s23, $0xb8;
	[tilespmem:$0x1FC80] =	vst v63  }
0xcc: {  	_ = 	snop  }
0xcd: {  	[spmem:s19] =	stream.indirect.scatter.add.f32 [tilespmem:s16], [sflag:$0x8], $0x10, s31, s23, $0xb8;
	[tilespmem:$0x1FC80] =	vst v63  }
0xce: {  	_ =	swait.ge [sflag:s5], $0x3000  }
0xcf: {  	[sflag:s5] =	ssyncset.done $0x0  }
0xd0: {  	[sflag:s5] =	ssyncadd.s32 $0xFFFFD000  }
0xd1: {  	_ =	swait.ge [sflag:s5], $0x600  }
0xd2: {  	[sflag:s5] =	ssyncset.done $0x0  }
0xd3: {  	s13 =	simm.s32 $0x2;
	[sflag:s5] =	ssyncadd.s32 $0xFFFFFA00  }
0xd4: {  	_ =	swait.ge [sflag:s13], $0xC0  }
0xd5: {  	[sflag:s13] =	ssyncset.done $0x0  }
0xd6: {  	[sflag:s13] =	ssyncadd.s32 $0xFFFFFF40  }
0xd7: {  	[tilespmem:s25], [sflag:$0x7] =	stream.indirect.gather [hbm4b:s2+s23], $0x80, s28, s23, $0xb8;
	[tilespmem:$0x1FC80] =	vst v63  }
0xd8: {  	s0 =	sadd.s32 $0x90, s4;
	s11 =	simm.s32 $0x180  }
0xd9: {  	[tilespmem:s11], [sflag:$0x3] =	stream.linear.gather [hbm4b:s0+s6], $0xC0, $0x38;
	[tilespmem:$0x1FC80] =	vst v63  }
0xda: {  	_ =	swait.ge [sflag:s22], $0x3000  }
0xdb: {  	[sflag:s22] =	ssyncset.done $0x0  }
0xdc: {  	[sflag:s22] =	ssyncadd.s32 $0xFFFFD000  }
0xdd: {  	[spmem:s12] =	stream.indirect.scatter.add.f32 [tilespmem:s24], [sflag:$0x9], $0x80, s23, s23, $0xb8;
	[tilespmem:$0x1FC80] =	vst v63  }
0xde: {  	_ = 	snop  }
0xdf: {  	[spmem:s19] =	stream.indirect.scatter.add.f32 [tilespmem:s16], [sflag:$0x9], $0x10, s23, s23, $0xb8;
	[tilespmem:$0x1FC80] =	vst v63  }
0xe0: {  	_ =	swait.ge [sflag:s29], $0x3000  }
0xe1: {  	[sflag:s29] =	ssyncset.done $0x0  }
0xe2: {  	[sflag:s29] =	ssyncadd.s32 $0xFFFFD000  }
0xe3: {  	_ =	swait.ge [sflag:s29], $0x600  }
0xe4: {  	[sflag:s29] =	ssyncset.done $0x0  }
0xe5: {  	s30 =	simm.s32 $0x3;
	[sflag:s29] =	ssyncadd.s32 $0xFFFFFA00  }
0xe6: {  	_ =	swait.ge [sflag:s30], $0xC0  }
0xe7: {  	[sflag:s30] =	ssyncset.done $0x0  }
0xe8: {  	[sflag:s30] =	ssyncadd.s32 $0xFFFFFF40  }
0xe9: {  	[tilespmem:s15], [sflag:$0x5] =	stream.indirect.gather [hbm4b:s2+s23], $0x80, s11, s23, $0xb8;
	[tilespmem:$0x1FC80] =	vst v63  }
0xea: {  	s3 =	simm.s32 $0x7;
	s10 =	simm.s32 $0x240;
	s11 =	sadd.s32 $0xA8, s4  }
0xeb: {  	[tilespmem:s10], [sflag:$0x4] =	stream.linear.gather [hbm4b:s11+s6], $0xC0, $0x38;
	[tilespmem:$0x1FC80] =	vst v63  }
0xec: {  	_ =	swait.ge [sflag:s3], $0x3000  }
0xed: {  	[sflag:s3] =	ssyncset.done $0x0  }
0xee: {  	s17 =	simm.s32 $0x120;
	[sflag:s3] =	ssyncadd.s32 $0xFFFFD000  }
0xef: {  	[spmem:s12] =	stream.indirect.scatter.add.f32 [tilespmem:s25], [sflag:$0xA], $0x80, s17, s23, $0xb8;
	[tilespmem:$0x1FC80] =	vst v63  }
0xf0: {  	_ = 	snop  }
0xf1: {  	[spmem:s19] =	stream.indirect.scatter.add.f32 [tilespmem:s16], [sflag:$0xA], $0x10, s17, s23, $0xb8;
	[tilespmem:$0x1FC80] =	vst v63  }
0xf2: {  	_ =	swait.ge [sflag:s1], $0x3000  }
0xf3: {  	[sflag:s1] =	ssyncset.done $0x0  }
0xf4: {  	[sflag:s1] =	ssyncadd.s32 $0xFFFFD000  }
0xf5: {  	_ =	swait.ge [sflag:s1], $0x600  }
0xf6: {  	[sflag:s1] =	ssyncset.done $0x0  }
0xf7: {  	s0 =	simm.s32 $0x4;
	[sflag:s1] =	ssyncadd.s32 $0xFFFFFA00  }
0xf8: {  	_ =	swait.ge [sflag:s0], $0xC0  }
0xf9: {  	[sflag:s0] =	ssyncset.done $0x0  }
0xfa: {  	[sflag:s0] =	ssyncadd.s32 $0xFFFFFF40  }
0xfb: {  	[tilespmem:s24], [sflag:$0x6] =	stream.indirect.gather [hbm4b:s2+s23], $0x80, s10, s23, $0xb8;
	[tilespmem:$0x1FC80] =	vst v63  }
0xfc: {  	s11 =	sadd.s32 $0xC0, s4  }
0xfd: {  	[tilespmem:s6], [sflag:$0x1] =	stream.linear.gather [hbm4b:s11+s6], $0xC0, $0x38;
	[tilespmem:$0x1FC80] =	vst v63  }
0xfe: {  	_ =	swait.ge [sflag:s26], $0x3000  }
0xff: {  	[sflag:s26] =	ssyncset.done $0x0  }
0x100: {  	s21 =	simm.s32 $0x1E0;
	[sflag:s26] =	ssyncadd.s32 $0xFFFFD000  }
0x101: {  	[spmem:s12] =	stream.indirect.scatter.add.f32 [tilespmem:s15], [sflag:$0x8], $0x80, s21, s23, $0xb8;
	[tilespmem:$0x1FC80] =	vst v63  }
0x102: {  	_ = 	snop  }
0x103: {  	[spmem:s19] =	stream.indirect.scatter.add.f32 [tilespmem:s16], [sflag:$0x8], $0x10, s21, s23, $0xb8;
	[tilespmem:$0x1FC80] =	vst v63  }
0x104: {  	_ =	swait.ge [sflag:s5], $0x3000  }
0x105: {  	[sflag:s5] =	ssyncset.done $0x0  }
0x106: {  	[sflag:s5] =	ssyncadd.s32 $0xFFFFD000  }
0x107: {  	_ =	swait.ge [sflag:s5], $0x600  }
0x108: {  	[sflag:s5] =	ssyncset.done $0x0  }
0x109: {  	[sflag:s5] =	ssyncadd.s32 $0xFFFFFA00  }
0x10a: {  	_ =	swait.ge [sflag:s14], $0xC0  }
0x10b: {  	[sflag:s14] =	ssyncset.done $0x0  }
0x10c: {  	[sflag:s14] =	ssyncadd.s32 $0xFFFFFF40  }
0x10d: {  	[tilespmem:s25], [sflag:$0x7] =	stream.indirect.gather [hbm4b:s2+s23], $0x80, s6, s23, $0xb8;
	[tilespmem:$0x1FC80] =	vst v63  }
0x10e: {  	s11 =	sadd.s32 $0xD8, s4  }
0x10f: {  	[tilespmem:s28], [sflag:$0x2] =	stream.linear.gather [hbm4b:s11+s6], $0xC0, $0x38;
	[tilespmem:$0x1FC80] =	vst v63  }
0x110: {  	_ =	swait.ge [sflag:s22], $0x3000  }
0x111: {  	[sflag:s22] =	ssyncset.done $0x0  }
0x112: {  	[sflag:s22] =	ssyncadd.s32 $0xFFFFD000  }
0x113: {  	[spmem:s12] =	stream.indirect.scatter.add.f32 [tilespmem:s24], [sflag:$0x9], $0x80, s31, s23, $0xb8;
	[tilespmem:$0x1FC80] =	vst v63  }
0x114: {  	_ = 	snop  }
0x115: {  	[spmem:s19] =	stream.indirect.scatter.add.f32 [tilespmem:s16], [sflag:$0x9], $0x10, s31, s23, $0xb8;
	[tilespmem:$0x1FC80] =	vst v63  }
0x116: {  	_ =	swait.ge [sflag:s29], $0x3000  }
0x117: {  	[sflag:s29] =	ssyncset.done $0x0  }
0x118: {  	[sflag:s29] =	ssyncadd.s32 $0xFFFFD000  }
0x119: {  	_ =	swait.ge [sflag:s29], $0x600  }
0x11a: {  	[sflag:s29] =	ssyncset.done $0x0  }
0x11b: {  	[sflag:s29] =	ssyncadd.s32 $0xFFFFFA00  }
0x11c: {  	_ =	swait.ge [sflag:s13], $0xC0  }
0x11d: {  	[sflag:s13] =	ssyncset.done $0x0  }
0x11e: {  	[sflag:s13] =	ssyncadd.s32 $0xFFFFFF40  }
0x11f: {  	[tilespmem:s15], [sflag:$0x5] =	stream.indirect.gather [hbm4b:s2+s23], $0x80, s28, s23, $0xb8;
	[tilespmem:$0x1FC80] =	vst v63  }
0x120: {  	s21 =	sadd.s32 $0xF0, s4;
	s22 =	simm.s32 $0x180  }
0x121: {  	[tilespmem:s22], [sflag:$0x3] =	stream.linear.gather [hbm4b:s21+s6], $0xC0, $0x38;
	[tilespmem:$0x1FC80] =	vst v63  }
0x122: {  	_ =	swait.ge [sflag:s3], $0x3000  }
0x123: {  	[sflag:s3] =	ssyncset.done $0x0  }
0x124: {  	[sflag:s3] =	ssyncadd.s32 $0xFFFFD000  }
0x125: {  	[spmem:s12] =	stream.indirect.scatter.add.f32 [tilespmem:s25], [sflag:$0xA], $0x80, s23, s23, $0xb8;
	[tilespmem:$0x1FC80] =	vst v63  }
0x126: {  	_ = 	snop  }
0x127: {  	[spmem:s19] =	stream.indirect.scatter.add.f32 [tilespmem:s16], [sflag:$0xA], $0x10, s23, s23, $0xb8;
	[tilespmem:$0x1FC80] =	vst v63  }
0x128: {  	_ =	swait.ge [sflag:s1], $0x3000  }
0x129: {  	[sflag:s1] =	ssyncset.done $0x0  }
0x12a: {  	[sflag:s1] =	ssyncadd.s32 $0xFFFFD000  }
0x12b: {  	_ =	swait.ge [sflag:s1], $0x600  }
0x12c: {  	[sflag:s1] =	ssyncset.done $0x0  }
0x12d: {  	[sflag:s1] =	ssyncadd.s32 $0xFFFFFA00  }
0x12e: {  	_ =	swait.ge [sflag:s30], $0xC0  }
0x12f: {  	[sflag:s30] =	ssyncset.done $0x0  }
0x130: {  	[sflag:s30] =	ssyncadd.s32 $0xFFFFFF40  }
0x131: {  	[tilespmem:s24], [sflag:$0x6] =	stream.indirect.gather [hbm4b:s2+s23], $0x80, s22, s23, $0xb8;
	[tilespmem:$0x1FC80] =	vst v63  }
0x132: {  	s20 =	sadd.s32 $0x108, s4  }
0x133: {  	[tilespmem:s10], [sflag:$0x4] =	stream.linear.gather [hbm4b:s20+s6], $0xC0, $0x38;
	[tilespmem:$0x1FC80] =	vst v63  }
0x134: {  	_ =	swait.ge [sflag:s26], $0x3000  }
0x135: {  	[sflag:s26] =	ssyncset.done $0x0  }
0x136: {  	[sflag:s26] =	ssyncadd.s32 $0xFFFFD000  }
0x137: {  	[spmem:s12] =	stream.indirect.scatter.add.f32 [tilespmem:s15], [sflag:$0x8], $0x80, s17, s23, $0xb8;
	[tilespmem:$0x1FC80] =	vst v63  }
0x138: {  	_ = 	snop  }
0x139: {  	[spmem:s19] =	stream.indirect.scatter.add.f32 [tilespmem:s16], [sflag:$0x8], $0x10, s17, s23, $0xb8;
	[tilespmem:$0x1FC80] =	vst v63  }
0x13a: {  	_ =	swait.ge [sflag:s5], $0x3000  }
0x13b: {  	[sflag:s5] =	ssyncset.done $0x0  }
0x13c: {  	[sflag:s5] =	ssyncadd.s32 $0xFFFFD000  }
0x13d: {  	_ =	swait.ge [sflag:s5], $0x600  }
0x13e: {  	[sflag:s5] =	ssyncset.done $0x0  }
0x13f: {  	[sflag:s5] =	ssyncadd.s32 $0xFFFFFA00  }
0x140: {  	p1 =	seq.s32 s9, $0x900;
	s20 =	sadd.s32 $0xFFFFFFFE, s8;
	_ =	swait.ge [sflag:s0], $0xC0  }
0x141: {  	s20 =	simm.s32 @p1 $0x0;
	s22 =	rddreg [dreg:$0x7]  }
0x142: {  	s4 =	sadd.s32 $0xFFFFFFFF, s8;
	[sflag:s0] =	ssyncset.done $0x0;
	s21 =	sadd.s32 s22, s20  }
0x143: {  	s4 =	simm.s32 @p1 $0x1;
	[sflag:s0] =	ssyncadd.s32 $0xFFFFFF40;
	s9 =	smul.u32 $0x18, s21  }
0x144: {  	[tilespmem:s25], [sflag:$0x7] =	stream.indirect.gather [hbm4b:s2+s23], $0x80, s10, s23, $0xb8;
	[tilespmem:$0x1FC80] =	vst v63  }
0x145: {  	s8 =	simm.s32 @p1 $0x2;
	s4 =	sadd.s32 s22, s4;
	s21 =	rddreg [dreg:$0x8]  }
0x146: {  	s8 =	sadd.s32 s22, s8;
	s22 =	simm.s32 $0x6;
	s9 =	sadd.s32 s21, s9  }
0x147: {  	[tilespmem:s6], [sflag:$0x1] =	stream.linear.gather [hbm4b:s9+s6], $0xC0, $0x38;
	[tilespmem:$0x1FC80] =	vst v63  }
0x148: {  	_ =	swait.ge [sflag:s22], $0x3000  }
0x149: {  	[sflag:s22] =	ssyncset.done $0x0  }
0x14a: {  	s17 =	simm.s32 $0x1E0;
	[sflag:s22] =	ssyncadd.s32 $0xFFFFD000  }
0x14b: {  	[spmem:s12] =	stream.indirect.scatter.add.f32 [tilespmem:s24], [sflag:$0x9], $0x80, s17, s23, $0xb8;
	[tilespmem:$0x1FC80] =	vst v63  }
0x14c: {  	_ = 	snop  }
0x14d: {  	[spmem:s19] =	stream.indirect.scatter.add.f32 [tilespmem:s16], [sflag:$0x9], $0x10, s17, s23, $0xb8;
	[tilespmem:$0x1FC80] =	vst v63  }
0x14e: {  	s10 =	rddreg [dreg:$0x9];
	_ =	swait.ge [sflag:s29], $0x3000  }
0x14f: {  	[sflag:s29] =	ssyncset.done $0x0  }
0x150: {  	[sflag:s29] =	ssyncadd.s32 $0xFFFFD000  }
0x151: {  	_ =	swait.ge [sflag:s29], $0x600  }
0x152: {  	[sflag:s29] =	ssyncset.done $0x0  }
0x153: {  	[sflag:s29] =	ssyncadd.s32 $0xFFFFFA00  }
0x154: {  	_ =	swait.ge [sflag:s14], $0xC0  }
0x155: {  	[sflag:s14] =	ssyncset.done $0x0  }
0x156: {  	s25 =	smul.u32 $0x18, s4;
	[sflag:s14] =	ssyncadd.s32 $0xFFFFFF40  }
0x157: {  	[tilespmem:s15], [sflag:$0x5] =	stream.indirect.gather [hbm4b:s2+s23], $0x80, s6, s23, $0xb8;
	[tilespmem:$0x1FC80] =	vst v63  }
0x158: {  	s25 =	sadd.s32 s21, s25;
	s14 =	simm.s32 $0x7  }
0x159: {  	[tilespmem:s28], [sflag:$0x2] =	stream.linear.gather [hbm4b:s25+s6], $0xC0, $0x38;
	[tilespmem:$0x1FC80] =	vst v63  }
0x15a: {  	_ =	swait.ge [sflag:s14], $0x3000  }
0x15b: {  	[sflag:s14] =	ssyncset.done $0x0  }
0x15c: {  	s20 =	simm.s32 $0x6300;
	[sflag:s14] =	ssyncadd.s32 $0xFFFFD000  }
0x15d: {  	[spmem:s12] =	stream.indirect.scatter.add.f32 [tilespmem:s20], [sflag:$0xA], $0x80, s31, s23, $0xb8;
	[tilespmem:$0x1FC80] =	vst v63  }
0x15e: {  	_ = 	snop  }
0x15f: {  	[spmem:s19] =	stream.indirect.scatter.add.f32 [tilespmem:s16], [sflag:$0xA], $0x10, s31, s23, $0xb8;
	[tilespmem:$0x1FC80] =	vst v63  }
0x160: {  	_ =	swait.ge [sflag:s1], $0x3000  }
0x161: {  	[sflag:s1] =	ssyncset.done $0x0  }
0x162: {  	[sflag:s1] =	ssyncadd.s32 $0xFFFFD000  }
0x163: {  	_ =	swait.ge [sflag:s1], $0x600  }
0x164: {  	[sflag:s1] =	ssyncset.done $0x0  }
0x165: {  	[sflag:s1] =	ssyncadd.s32 $0xFFFFFA00  }
0x166: {  	_ =	swait.ge [sflag:s13], $0xC0  }
0x167: {  	[sflag:s13] =	ssyncset.done $0x0  }
0x168: {  	s4 =	smul.u32 $0x18, s8;
	[sflag:s13] =	ssyncadd.s32 $0xFFFFFF40  }
0x169: {  	[tilespmem:s24], [sflag:$0x6] =	stream.indirect.gather [hbm4b:s2+s23], $0x80, s28, s23, $0xb8;
	[tilespmem:$0x1FC80] =	vst v63  }
0x16a: {  	s3 =	simm.s32 $0x180;
	s4 =	sadd.s32 s21, s4  }
0x16b: {  	[tilespmem:s3], [sflag:$0x3] =	stream.linear.gather [hbm4b:s4+s6], $0xC0, $0x38;
	[tilespmem:$0x1FC80] =	vst v63  }
0x16c: {  	_ =	swait.ge [sflag:s26], $0x3000  }
0x16d: {  	s9 =	smov.u32 s10;
	[sflag:s26] =	ssyncset.done $0x0  }
0x16e: {  	p1 =	seq.s32 s9, $0x0;
	[sflag:s26] =	ssyncadd.s32 $0xFFFFD000  }
0x16f: {  	[spmem:s12] =	stream.indirect.scatter.add.f32 [tilespmem:s15], [sflag:$0x8], $0x80, s23, s23, $0xb8;
	[tilespmem:$0x1FC80] =	vst v63  }
0x170: {  	s4 =	simm.s32 @!p1 $0xA  }
0x171: {  	[spmem:s19] =	stream.indirect.scatter.add.f32 [tilespmem:s16], [sflag:$0x8], $0x10, s23, s23, $0xb8;
	[tilespmem:$0x1FC80] =	vst v63  }
0x172: {  	_ =	swait.ge @!p1 [sflag:s4], $0x3000  }
0x173: {  	[sflag:s4] =	ssyncset.done @!p1 $0x0  }
0x174: {  	s7 =	sadd.s32 $0x120, s7;
	[sflag:s4] =	ssyncadd.s32 @!p1 $0xFFFFD000  }
0x175: {  	p0 =	sne.s32 s7, $0xA20;
	_ =	swait.ge @!p1 [sflag:s4], $0x600  }
.Ltmp0:
0x176: {  	[sflag:s4] =	ssyncset.done @!p1 $0x0;
	(pc) =	sbr.rel @p0 .LBB2_2-.Ltmp0, $4  }
0x177: {  	s11 =	simm.s32 $0x120;
	[sflag:s4] =	ssyncadd.s32 @!p1 $0xFFFFFA00  }
0x178: {  	s8 =	smov.u32 s18;
	s18 =	sadd.s32 $0xC, s18;
	_ =	swait.ge [sflag:s30], $0xC0  }
0x179: {  	s28 =	simm.s32 $0x240;
	s31 =	rddreg [dreg:$0x6];
	[sflag:s30] =	ssyncset.done $0x0  }
0x17a: {  	[sflag:s30] =	ssyncadd.s32 $0xFFFFFF40;
	s30 =	simm.s32 $0x4;
	s4 =	sadd.s32 s9, s31  }
0x17b: {  	s18 =	simm.s32 $0x180;
	s0 =	rddreg [dreg:$0x0]  }
0x17c: {  	[tilespmem:s20], [sflag:$0x7] =	stream.indirect.gather [hbm4b:s0+s23], $0x80, s18, s23, $0xb8;
	[tilespmem:$0x1FC80] =	vst v63  }
0x17d: {  	s7 =	sadd.s32 $0x48, s4;
	s6 =	simm.s32 $0x0  }
0x17e: {  	[tilespmem:s28], [sflag:$0x4] =	stream.linear.gather [hbm4b:s7+s6], $0xC0, $0x38;
	[tilespmem:$0x1FC80] =	vst v63  }
0x17f: {  	_ =	swait.ge [sflag:s22], $0x3000  }
0x180: {  	[sflag:s22] =	ssyncset.done $0x0  }
0x181: {  	[sflag:s22] =	ssyncadd.s32 $0xFFFFD000  }
0x182: {  	s26 =	simm.s32 $0x3300;
	s2 =	rddreg [dreg:$0x3]  }
0x183: {  	[spmem:s2] =	stream.indirect.scatter.add.f32 [tilespmem:s26], [sflag:$0x9], $0x80, s11, s23, $0xb8;
	[tilespmem:$0x1FC80] =	vst v63  }
0x184: {  	s16 =	simm.s32 $0x1CF00;
	s12 =	rddreg [dreg:$0x4]  }
0x185: {  	[spmem:s12] =	stream.indirect.scatter.add.f32 [tilespmem:s16], [sflag:$0x9], $0x10, s11, s23, $0xb8;
	[tilespmem:$0x1FC80] =	vst v63  }
0x186: {  	_ =	swait.ge [sflag:s29], $0x3000  }
0x187: {  	[sflag:s29] =	ssyncset.done $0x0  }
0x188: {  	[sflag:s29] =	ssyncadd.s32 $0xFFFFD000  }
0x189: {  	_ =	swait.ge [sflag:s29], $0x600  }
0x18a: {  	[sflag:s29] =	ssyncset.done $0x0  }
0x18b: {  	[sflag:s29] =	ssyncadd.s32 $0xFFFFFA00  }
0x18c: {  	_ =	swait.ge [sflag:s30], $0xC0  }
0x18d: {  	[sflag:s30] =	ssyncset.done $0x0  }
0x18e: {  	s15 =	simm.s32 $0x300;
	[sflag:s30] =	ssyncadd.s32 $0xFFFFFF40  }
0x18f: {  	[tilespmem:s15], [sflag:$0x5] =	stream.indirect.gather [hbm4b:s0+s23], $0x80, s28, s23, $0xb8;
	[tilespmem:$0x1FC80] =	vst v63  }
0x190: {  	s21 =	sadd.s32 $0x60, s4  }
0x191: {  	[tilespmem:s6], [sflag:$0x1] =	stream.linear.gather [hbm4b:s21+s6], $0xC0, $0x38;
	[tilespmem:$0x1FC80] =	vst v63  }
0x192: {  	_ =	swait.ge [sflag:s14], $0x3000  }
0x193: {  	[sflag:s14] =	ssyncset.done $0x0  }
0x194: {  	[sflag:s14] =	ssyncadd.s32 $0xFFFFD000  }
0x195: {  	[spmem:s2] =	stream.indirect.scatter.add.f32 [tilespmem:s20], [sflag:$0xA], $0x80, s17, s23, $0xb8;
	[tilespmem:$0x1FC80] =	vst v63  }
0x196: {  	_ = 	snop  }
0x197: {  	[spmem:s12] =	stream.indirect.scatter.add.f32 [tilespmem:s16], [sflag:$0xA], $0x10, s17, s23, $0xb8;
	[tilespmem:$0x1FC80] =	vst v63  }
0x198: {  	_ =	swait.ge [sflag:s1], $0x3000  }
0x199: {  	[sflag:s1] =	ssyncset.done $0x0  }
0x19a: {  	[sflag:s1] =	ssyncadd.s32 $0xFFFFD000  }
0x19b: {  	_ =	swait.ge [sflag:s1], $0x600  }
0x19c: {  	[sflag:s1] =	ssyncset.done $0x0  }
0x19d: {  	s14 =	simm.s32 $0x1;
	[sflag:s1] =	ssyncadd.s32 $0xFFFFFA00  }
0x19e: {  	_ =	swait.ge [sflag:s14], $0xC0  }
0x19f: {  	[sflag:s14] =	ssyncset.done $0x0  }
0x1a0: {  	[sflag:s14] =	ssyncadd.s32 $0xFFFFFF40  }
0x1a1: {  	[tilespmem:s26], [sflag:$0x6] =	stream.indirect.gather [hbm4b:s0+s23], $0x80, s6, s23, $0xb8;
	[tilespmem:$0x1FC80] =	vst v63  }
0x1a2: {  	s24 =	sadd.s32 $0x78, s4;
	s10 =	simm.s32 $0xC0;
	s19 =	simm.s32 $0x5  }
0x1a3: {  	[tilespmem:s10], [sflag:$0x2] =	stream.linear.gather [hbm4b:s24+s6], $0xC0, $0x38;
	[tilespmem:$0x1FC80] =	vst v63  }
0x1a4: {  	_ =	swait.ge [sflag:s19], $0x3000  }
0x1a5: {  	[sflag:s19] =	ssyncset.done $0x0  }
0x1a6: {  	s21 =	simm.s32 $0x2A0;
	[sflag:s19] =	ssyncadd.s32 $0xFFFFD000  }
0x1a7: {  	[spmem:s2] =	stream.indirect.scatter.add.f32 [tilespmem:s15], [sflag:$0x8], $0x80, s21, s23, $0xb8;
	[tilespmem:$0x1FC80] =	vst v63  }
0x1a8: {  	_ = 	snop  }
0x1a9: {  	[spmem:s12] =	stream.indirect.scatter.add.f32 [tilespmem:s16], [sflag:$0x8], $0x10, s21, s23, $0xb8;
	[tilespmem:$0x1FC80] =	vst v63  }
0x1aa: {  	_ =	swait.ge [sflag:s5], $0x3000  }
0x1ab: {  	[sflag:s5] =	ssyncset.done $0x0  }
0x1ac: {  	[sflag:s5] =	ssyncadd.s32 $0xFFFFD000  }
0x1ad: {  	_ =	swait.ge [sflag:s5], $0x600  }
0x1ae: {  	[sflag:s5] =	ssyncset.done $0x0  }
0x1af: {  	s13 =	simm.s32 $0x2;
	[sflag:s5] =	ssyncadd.s32 $0xFFFFFA00  }
0x1b0: {  	_ =	swait.ge [sflag:s13], $0xC0  }
0x1b1: {  	[sflag:s13] =	ssyncset.done $0x0  }
0x1b2: {  	[sflag:s13] =	ssyncadd.s32 $0xFFFFFF40  }
0x1b3: {  	[tilespmem:s20], [sflag:$0x7] =	stream.indirect.gather [hbm4b:s0+s23], $0x80, s10, s23, $0xb8;
	[tilespmem:$0x1FC80] =	vst v63  }
0x1b4: {  	s25 =	sadd.s32 $0x90, s4  }
0x1b5: {  	[tilespmem:s18], [sflag:$0x3] =	stream.linear.gather [hbm4b:s25+s6], $0xC0, $0x38;
	[tilespmem:$0x1FC80] =	vst v63  }
0x1b6: {  	_ =	swait.ge [sflag:s22], $0x3000  }
0x1b7: {  	[sflag:s22] =	ssyncset.done $0x0  }
0x1b8: {  	[sflag:s22] =	ssyncadd.s32 $0xFFFFD000  }
0x1b9: {  	[spmem:s2] =	stream.indirect.scatter.add.f32 [tilespmem:s26], [sflag:$0x9], $0x80, s23, s23, $0xb8;
	[tilespmem:$0x1FC80] =	vst v63  }
0x1ba: {  	_ = 	snop  }
0x1bb: {  	[spmem:s12] =	stream.indirect.scatter.add.f32 [tilespmem:s16], [sflag:$0x9], $0x10, s23, s23, $0xb8;
	[tilespmem:$0x1FC80] =	vst v63  }
0x1bc: {  	_ =	swait.ge [sflag:s29], $0x3000  }
0x1bd: {  	[sflag:s29] =	ssyncset.done $0x0  }
0x1be: {  	[sflag:s29] =	ssyncadd.s32 $0xFFFFD000  }
0x1bf: {  	_ =	swait.ge [sflag:s29], $0x600  }
0x1c0: {  	[sflag:s29] =	ssyncset.done $0x0  }
0x1c1: {  	s22 =	simm.s32 $0x3;
	[sflag:s29] =	ssyncadd.s32 $0xFFFFFA00  }
0x1c2: {  	_ =	swait.ge [sflag:s22], $0xC0  }
0x1c3: {  	[sflag:s22] =	ssyncset.done $0x0  }
0x1c4: {  	[sflag:s22] =	ssyncadd.s32 $0xFFFFFF40  }
0x1c5: {  	[tilespmem:s15], [sflag:$0x5] =	stream.indirect.gather [hbm4b:s0+s23], $0x80, s18, s23, $0xb8;
	[tilespmem:$0x1FC80] =	vst v63  }
0x1c6: {  	s3 =	simm.s32 $0x7;
	s24 =	sadd.s32 $0xA8, s4  }
0x1c7: {  	[tilespmem:s28], [sflag:$0x4] =	stream.linear.gather [hbm4b:s24+s6], $0xC0, $0x38;
	[tilespmem:$0x1FC80] =	vst v63  }
0x1c8: {  	_ =	swait.ge [sflag:s3], $0x3000  }
0x1c9: {  	[sflag:s3] =	ssyncset.done $0x0  }
0x1ca: {  	[sflag:s3] =	ssyncadd.s32 $0xFFFFD000  }
0x1cb: {  	[spmem:s2] =	stream.indirect.scatter.add.f32 [tilespmem:s20], [sflag:$0xA], $0x80, s11, s23, $0xb8;
	[tilespmem:$0x1FC80] =	vst v63  }
0x1cc: {  	_ = 	snop  }
0x1cd: {  	[spmem:s12] =	stream.indirect.scatter.add.f32 [tilespmem:s16], [sflag:$0xA], $0x10, s11, s23, $0xb8;
	[tilespmem:$0x1FC80] =	vst v63  }
0x1ce: {  	_ =	swait.ge [sflag:s1], $0x3000  }
0x1cf: {  	[sflag:s1] =	ssyncset.done $0x0  }
0x1d0: {  	[sflag:s1] =	ssyncadd.s32 $0xFFFFD000  }
0x1d1: {  	_ =	swait.ge [sflag:s1], $0x600  }
0x1d2: {  	[sflag:s1] =	ssyncset.done $0x0  }
0x1d3: {  	[sflag:s1] =	ssyncadd.s32 $0xFFFFFA00  }
0x1d4: {  	_ =	swait.ge [sflag:s30], $0xC0  }
0x1d5: {  	[sflag:s30] =	ssyncset.done $0x0  }
0x1d6: {  	[sflag:s30] =	ssyncadd.s32 $0xFFFFFF40  }
0x1d7: {  	[tilespmem:s26], [sflag:$0x6] =	stream.indirect.gather [hbm4b:s0+s23], $0x80, s28, s23, $0xb8;
	[tilespmem:$0x1FC80] =	vst v63  }
0x1d8: {  	s24 =	sadd.s32 $0xC0, s4  }
0x1d9: {  	[tilespmem:s6], [sflag:$0x1] =	stream.linear.gather [hbm4b:s24+s6], $0xC0, $0x38;
	[tilespmem:$0x1FC80] =	vst v63  }
0x1da: {  	_ =	swait.ge [sflag:s19], $0x3000  }
0x1db: {  	[sflag:s19] =	ssyncset.done $0x0  }
0x1dc: {  	[sflag:s19] =	ssyncadd.s32 $0xFFFFD000  }
0x1dd: {  	[spmem:s2] =	stream.indirect.scatter.add.f32 [tilespmem:s15], [sflag:$0x8], $0x80, s17, s23, $0xb8;
	[tilespmem:$0x1FC80] =	vst v63  }
0x1de: {  	_ = 	snop  }
0x1df: {  	[spmem:s12] =	stream.indirect.scatter.add.f32 [tilespmem:s16], [sflag:$0x8], $0x10, s17, s23, $0xb8;
	[tilespmem:$0x1FC80] =	vst v63  }
0x1e0: {  	_ =	swait.ge [sflag:s5], $0x3000  }
0x1e1: {  	[sflag:s5] =	ssyncset.done $0x0  }
0x1e2: {  	[sflag:s5] =	ssyncadd.s32 $0xFFFFD000  }
0x1e3: {  	_ =	swait.ge [sflag:s5], $0x600  }
0x1e4: {  	[sflag:s5] =	ssyncset.done $0x0  }
0x1e5: {  	[sflag:s5] =	ssyncadd.s32 $0xFFFFFA00  }
0x1e6: {  	_ =	swait.ge [sflag:s14], $0xC0  }
0x1e7: {  	[sflag:s14] =	ssyncset.done $0x0  }
0x1e8: {  	[sflag:s14] =	ssyncadd.s32 $0xFFFFFF40  }
0x1e9: {  	[tilespmem:s20], [sflag:$0x7] =	stream.indirect.gather [hbm4b:s0+s23], $0x80, s6, s23, $0xb8;
	[tilespmem:$0x1FC80] =	vst v63  }
0x1ea: {  	s25 =	simm.s32 $0x6;
	s24 =	sadd.s32 $0xD8, s4  }
0x1eb: {  	[tilespmem:s10], [sflag:$0x2] =	stream.linear.gather [hbm4b:s24+s6], $0xC0, $0x38;
	[tilespmem:$0x1FC80] =	vst v63  }
0x1ec: {  	_ =	swait.ge [sflag:s25], $0x3000  }
0x1ed: {  	[sflag:s25] =	ssyncset.done $0x0  }
0x1ee: {  	[sflag:s25] =	ssyncadd.s32 $0xFFFFD000  }
0x1ef: {  	[spmem:s2] =	stream.indirect.scatter.add.f32 [tilespmem:s26], [sflag:$0x9], $0x80, s21, s23, $0xb8;
	[tilespmem:$0x1FC80] =	vst v63  }
0x1f0: {  	_ = 	snop  }
0x1f1: {  	[spmem:s12] =	stream.indirect.scatter.add.f32 [tilespmem:s16], [sflag:$0x9], $0x10, s21, s23, $0xb8;
	[tilespmem:$0x1FC80] =	vst v63  }
0x1f2: {  	_ =	swait.ge [sflag:s29], $0x3000  }
0x1f3: {  	[sflag:s29] =	ssyncset.done $0x0  }
0x1f4: {  	[sflag:s29] =	ssyncadd.s32 $0xFFFFD000  }
0x1f5: {  	_ =	swait.ge [sflag:s29], $0x600  }
0x1f6: {  	[sflag:s29] =	ssyncset.done $0x0  }
0x1f7: {  	[sflag:s29] =	ssyncadd.s32 $0xFFFFFA00  }
0x1f8: {  	_ =	swait.ge [sflag:s13], $0xC0  }
0x1f9: {  	[sflag:s13] =	ssyncset.done $0x0  }
0x1fa: {  	[sflag:s13] =	ssyncadd.s32 $0xFFFFFF40  }
0x1fb: {  	[tilespmem:s15], [sflag:$0x5] =	stream.indirect.gather [hbm4b:s0+s23], $0x80, s10, s23, $0xb8;
	[tilespmem:$0x1FC80] =	vst v63  }
0x1fc: {  	s24 =	sadd.s32 $0xF0, s4  }
0x1fd: {  	[tilespmem:s18], [sflag:$0x3] =	stream.linear.gather [hbm4b:s24+s6], $0xC0, $0x38;
	[tilespmem:$0x1FC80] =	vst v63  }
0x1fe: {  	_ =	swait.ge [sflag:s3], $0x3000  }
0x1ff: {  	[sflag:s3] =	ssyncset.done $0x0  }
0x200: {  	[sflag:s3] =	ssyncadd.s32 $0xFFFFD000  }
0x201: {  	[spmem:s2] =	stream.indirect.scatter.add.f32 [tilespmem:s20], [sflag:$0xA], $0x80, s23, s23, $0xb8;
	[tilespmem:$0x1FC80] =	vst v63  }
0x202: {  	_ = 	snop  }
0x203: {  	[spmem:s12] =	stream.indirect.scatter.add.f32 [tilespmem:s16], [sflag:$0xA], $0x10, s23, s23, $0xb8;
	[tilespmem:$0x1FC80] =	vst v63  }
0x204: {  	_ =	swait.ge [sflag:s1], $0x3000  }
0x205: {  	[sflag:s1] =	ssyncset.done $0x0  }
0x206: {  	[sflag:s1] =	ssyncadd.s32 $0xFFFFD000  }
0x207: {  	_ =	swait.ge [sflag:s1], $0x600  }
0x208: {  	[sflag:s1] =	ssyncset.done $0x0  }
0x209: {  	[sflag:s1] =	ssyncadd.s32 $0xFFFFFA00  }
0x20a: {  	_ =	swait.ge [sflag:s22], $0xC0  }
0x20b: {  	[sflag:s22] =	ssyncset.done $0x0  }
0x20c: {  	[sflag:s22] =	ssyncadd.s32 $0xFFFFFF40  }
0x20d: {  	[tilespmem:s26], [sflag:$0x6] =	stream.indirect.gather [hbm4b:s0+s23], $0x80, s18, s23, $0xb8;
	[tilespmem:$0x1FC80] =	vst v63  }
0x20e: {  	s7 =	sadd.s32 $0x108, s4  }
0x20f: {  	[tilespmem:s28], [sflag:$0x4] =	stream.linear.gather [hbm4b:s7+s6], $0xC0, $0x38;
	[tilespmem:$0x1FC80] =	vst v63  }
0x210: {  	_ =	swait.ge [sflag:s19], $0x3000  }
0x211: {  	[sflag:s19] =	ssyncset.done $0x0  }
0x212: {  	[sflag:s19] =	ssyncadd.s32 $0xFFFFD000  }
0x213: {  	[spmem:s2] =	stream.indirect.scatter.add.f32 [tilespmem:s15], [sflag:$0x8], $0x80, s11, s23, $0xb8;
	[tilespmem:$0x1FC80] =	vst v63  }
0x214: {  	_ = 	snop  }
0x215: {  	[spmem:s12] =	stream.indirect.scatter.add.f32 [tilespmem:s16], [sflag:$0x8], $0x10, s11, s23, $0xb8;
	[tilespmem:$0x1FC80] =	vst v63  }
0x216: {  	_ =	swait.ge [sflag:s5], $0x3000  }
0x217: {  	[sflag:s5] =	ssyncset.done $0x0  }
0x218: {  	[sflag:s5] =	ssyncadd.s32 $0xFFFFD000  }
0x219: {  	_ =	swait.ge [sflag:s5], $0x600  }
0x21a: {  	[sflag:s5] =	ssyncset.done $0x0  }
0x21b: {  	[sflag:s5] =	ssyncadd.s32 $0xFFFFFA00  }
0x21c: {  	p0 =	seq.s32 s9, $0x900;
	s4 =	sadd.s32 $0xFFFFFFFE, s8;
	_ =	swait.ge [sflag:s30], $0xC0  }
0x21d: {  	s4 =	simm.s32 @p0 $0x0;
	s9 =	rddreg [dreg:$0x7]  }
0x21e: {  	[sflag:s30] =	ssyncset.done $0x0;
	s4 =	sadd.s32 s9, s4  }
0x21f: {  	s24 =	rddreg [dreg:$0x8];
	[sflag:s30] =	ssyncadd.s32 $0xFFFFFF40;
	s4 =	smul.u32 $0x18, s4  }
0x220: {  	[tilespmem:s20], [sflag:$0x7] =	stream.indirect.gather [hbm4b:s0+s23], $0x80, s28, s23, $0xb8;
	[tilespmem:$0x1FC80] =	vst v63  }
0x221: {  	s4 =	sadd.s32 s24, s4  }
0x222: {  	[tilespmem:s6], [sflag:$0x1] =	stream.linear.gather [hbm4b:s4+s6], $0xC0, $0x38;
	[tilespmem:$0x1FC80] =	vst v63  }
0x223: {  	_ =	swait.ge [sflag:s25], $0x3000  }
0x224: {  	[sflag:s25] =	ssyncset.done $0x0  }
0x225: {  	[sflag:s25] =	ssyncadd.s32 $0xFFFFD000  }
0x226: {  	[spmem:s2] =	stream.indirect.scatter.add.f32 [tilespmem:s26], [sflag:$0x9], $0x80, s17, s23, $0xb8;
	[tilespmem:$0x1FC80] =	vst v63  }
0x227: {  	_ = 	snop  }
0x228: {  	[spmem:s12] =	stream.indirect.scatter.add.f32 [tilespmem:s16], [sflag:$0x9], $0x10, s17, s23, $0xb8;
	[tilespmem:$0x1FC80] =	vst v63  }
0x229: {  	_ =	swait.ge [sflag:s29], $0x3000  }
0x22a: {  	[sflag:s29] =	ssyncset.done $0x0  }
0x22b: {  	[sflag:s29] =	ssyncadd.s32 $0xFFFFD000  }
0x22c: {  	_ =	swait.ge [sflag:s29], $0x600  }
0x22d: {  	[sflag:s29] =	ssyncset.done $0x0  }
0x22e: {  	s4 =	sadd.s32 $0xFFFFFFFF, s8;
	[sflag:s29] =	ssyncadd.s32 $0xFFFFFA00  }
0x22f: {  	s4 =	simm.s32 @p0 $0x1;
	_ =	swait.ge [sflag:s14], $0xC0  }
0x230: {  	s4 =	sadd.s32 s9, s4;
	[sflag:s14] =	ssyncset.done $0x0  }
0x231: {  	s4 =	smul.u32 $0x18, s4;
	[sflag:s14] =	ssyncadd.s32 $0xFFFFFF40  }
0x232: {  	[tilespmem:s15], [sflag:$0x5] =	stream.indirect.gather [hbm4b:s0+s23], $0x80, s6, s23, $0xb8;
	[tilespmem:$0x1FC80] =	vst v63  }
0x233: {  	s4 =	sadd.s32 s24, s4;
	s14 =	simm.s32 $0x7  }
0x234: {  	[tilespmem:s10], [sflag:$0x2] =	stream.linear.gather [hbm4b:s4+s6], $0xC0, $0x38;
	[tilespmem:$0x1FC80] =	vst v63  }
0x235: {  	_ =	swait.ge [sflag:s14], $0x3000  }
0x236: {  	[sflag:s14] =	ssyncset.done $0x0  }
0x237: {  	[sflag:s14] =	ssyncadd.s32 $0xFFFFD000  }
0x238: {  	[spmem:s2] =	stream.indirect.scatter.add.f32 [tilespmem:s20], [sflag:$0xA], $0x80, s21, s23, $0xb8;
	[tilespmem:$0x1FC80] =	vst v63  }
0x239: {  	_ = 	snop  }
0x23a: {  	[spmem:s12] =	stream.indirect.scatter.add.f32 [tilespmem:s16], [sflag:$0xA], $0x10, s21, s23, $0xb8;
	[tilespmem:$0x1FC80] =	vst v63  }
0x23b: {  	_ =	swait.ge [sflag:s1], $0x3000  }
0x23c: {  	[sflag:s1] =	ssyncset.done $0x0  }
0x23d: {  	[sflag:s1] =	ssyncadd.s32 $0xFFFFD000  }
0x23e: {  	_ =	swait.ge [sflag:s1], $0x600  }
0x23f: {  	[sflag:s1] =	ssyncset.done $0x0  }
0x240: {  	[sflag:s1] =	ssyncadd.s32 $0xFFFFFA00  }
0x241: {  	s8 =	simm.s32 @p0 $0x2;
	_ =	swait.ge [sflag:s13], $0xC0  }
0x242: {  	s21 =	sadd.s32 s9, s8;
	[sflag:s13] =	ssyncset.done $0x0  }
0x243: {  	s4 =	smul.u32 $0x18, s21;
	[sflag:s13] =	ssyncadd.s32 $0xFFFFFF40  }
0x244: {  	[tilespmem:s26], [sflag:$0x6] =	stream.indirect.gather [hbm4b:s0+s23], $0x80, s10, s23, $0xb8;
	[tilespmem:$0x1FC80] =	vst v63  }
0x245: {  	s4 =	sadd.s32 s24, s4  }
0x246: {  	[tilespmem:s18], [sflag:$0x3] =	stream.linear.gather [hbm4b:s4+s6], $0xC0, $0x38;
	[tilespmem:$0x1FC80] =	vst v63  }
0x247: {  	_ =	swait.ge [sflag:s19], $0x3000  }
0x248: {  	[sflag:s19] =	ssyncset.done $0x0  }
0x249: {  	[sflag:s19] =	ssyncadd.s32 $0xFFFFD000  }
0x24a: {  	_ =	swait.ge [sflag:s25], $0x3000  }
0x24b: {  	[sflag:s25] =	ssyncset.done $0x0  }
0x24c: {  	[sflag:s25] =	ssyncadd.s32 $0xFFFFD000  }
0x24d: {  	_ =	swait.ge [sflag:s5], $0x3000  }
0x24e: {  	[sflag:s5] =	ssyncset.done $0x0  }
0x24f: {  	[sflag:s5] =	ssyncadd.s32 $0xFFFFD000  }
0x250: {  	_ =	swait.ge [sflag:s5], $0x600  }
0x251: {  	[sflag:s5] =	ssyncset.done $0x0  }
0x252: {  	[sflag:s5] =	ssyncadd.s32 $0xFFFFFA00  }
0x253: {  	_ =	swait.ge [sflag:s22], $0xC0  }
0x254: {  	[sflag:s22] =	ssyncset.done $0x0  }
0x255: {  	[sflag:s22] =	ssyncadd.s32 $0xFFFFFF40  }
0x256: {  	[bflag:$0x0] =	sbarrier.arrive $0xFFFF  }
0x257: {  	s25 =	simm.s32 $0xB;
	s12 =	rddreg [dreg:$0x1b]  }
0x258: {  	[tilespmem:s15], [sflag:$0xB] =	stream.linear.gather [spmem:s12], $0x3000, $0x38;
	[tilespmem:$0x1FC80] =	vst v63  }
0x259: {  	_ =	swait.ge [sflag:s25], $0x3000  }
0x25a: {  	[sflag:s25] =	ssyncset.done $0x0  }
0x25b: {  	s24 =	rddreg [dreg:$0xa];
	[sflag:s25] =	ssyncadd.s32 $0xFFFFD000  }
0x25c: {  	[hbm4b:s24+s6] =	stream.linear.scatter [tilespmem:s15], [sflag:$0xB], $0x3000, $0x38;
	[tilespmem:$0x1FC80] =	vst v63  }
0x25d: {  	_ =	swait.ge [sflag:s25], $0x3000  }
0x25e: {  	[sflag:s25] =	ssyncset.done $0x0  }
0x25f: {  	s2 =	rddreg [dreg:$0x1c];
	[sflag:s25] =	ssyncadd.s32 $0xFFFFD000  }
0x260: {  	[tilespmem:s15], [sflag:$0xB] =	stream.linear.gather [spmem:s2], $0x3000, $0x38;
	[tilespmem:$0x1FC80] =	vst v63  }
0x261: {  	_ =	swait.ge [sflag:s25], $0x3000  }
0x262: {  	[sflag:s25] =	ssyncset.done $0x0  }
0x263: {  	s26 =	rddreg [dreg:$0xb];
	[sflag:s25] =	ssyncadd.s32 $0xFFFFD000  }
0x264: {  	[hbm4b:s26+s6] =	stream.linear.scatter [tilespmem:s15], [sflag:$0xB], $0x3000, $0x38;
	[tilespmem:$0x1FC80] =	vst v63  }
0x265: {  	_ =	swait.ge [sflag:s25], $0x3000  }
0x266: {  	[sflag:s25] =	ssyncset.done $0x0  }
0x267: {  	s13 =	rddreg [dreg:$0x1d];
	[sflag:s25] =	ssyncadd.s32 $0xFFFFD000  }
0x268: {  	[tilespmem:s15], [sflag:$0xB] =	stream.linear.gather [spmem:s13], $0x3000, $0x38;
	[tilespmem:$0x1FC80] =	vst v63  }
0x269: {  	_ =	swait.ge [sflag:s25], $0x3000  }
0x26a: {  	[sflag:s25] =	ssyncset.done $0x0  }
0x26b: {  	s3 =	rddreg [dreg:$0xc];
	[sflag:s25] =	ssyncadd.s32 $0xFFFFD000  }
0x26c: {  	[hbm4b:s3+s6] =	stream.linear.scatter [tilespmem:s15], [sflag:$0xB], $0x3000, $0x38;
	[tilespmem:$0x1FC80] =	vst v63  }
0x26d: {  	_ =	swait.ge [sflag:s25], $0x3000  }
0x26e: {  	[sflag:s25] =	ssyncset.done $0x0  }
0x26f: {  	s3 =	rddreg [dreg:$0x1e];
	[sflag:s25] =	ssyncadd.s32 $0xFFFFD000  }
0x270: {  	[tilespmem:s15], [sflag:$0xB] =	stream.linear.gather [spmem:s3], $0x3000, $0x38;
	[tilespmem:$0x1FC80] =	vst v63  }
0x271: {  	_ =	swait.ge [sflag:s25], $0x3000  }
0x272: {  	[sflag:s25] =	ssyncset.done $0x0  }
0x273: {  	s7 =	rddreg [dreg:$0xd];
	[sflag:s25] =	ssyncadd.s32 $0xFFFFD000  }
0x274: {  	[hbm4b:s7+s6] =	stream.linear.scatter [tilespmem:s15], [sflag:$0xB], $0x3000, $0x38;
	[tilespmem:$0x1FC80] =	vst v63  }
0x275: {  	_ =	swait.ge [sflag:s25], $0x3000  }
0x276: {  	[sflag:s25] =	ssyncset.done $0x0  }
0x277: {  	s26 =	rddreg [dreg:$0x1f];
	[sflag:s25] =	ssyncadd.s32 $0xFFFFD000  }
0x278: {  	[tilespmem:s15], [sflag:$0xB] =	stream.linear.gather [spmem:s26], $0x3000, $0x38;
	[tilespmem:$0x1FC80] =	vst v63  }
0x279: {  	_ =	swait.ge [sflag:s25], $0x3000  }
0x27a: {  	[sflag:s25] =	ssyncset.done $0x0  }
0x27b: {  	s8 =	rddreg [dreg:$0xe];
	[sflag:s25] =	ssyncadd.s32 $0xFFFFD000  }
0x27c: {  	[hbm4b:s8+s6] =	stream.linear.scatter [tilespmem:s15], [sflag:$0xB], $0x3000, $0x38;
	[tilespmem:$0x1FC80] =	vst v63  }
0x27d: {  	_ =	swait.ge [sflag:s25], $0x3000  }
0x27e: {  	s24 =	sld [smem:$0x7F5]  }
0x27f: {  	[sflag:s25] =	ssyncset.done $0x0  }
0x280: {  	[sflag:s25] =	ssyncadd.s32 $0xFFFFD000  }
0x281: {  	[tilespmem:s15], [sflag:$0xB] =	stream.linear.gather [spmem:s24], $0x3000, $0x38;
	[tilespmem:$0x1FC80] =	vst v63  }
0x282: {  	_ =	swait.ge [sflag:s25], $0x3000  }
0x283: {  	[sflag:s25] =	ssyncset.done $0x0  }
0x284: {  	s9 =	rddreg [dreg:$0xf];
	[sflag:s25] =	ssyncadd.s32 $0xFFFFD000  }
0x285: {  	[hbm4b:s9+s6] =	stream.linear.scatter [tilespmem:s15], [sflag:$0xB], $0x3000, $0x38;
	[tilespmem:$0x1FC80] =	vst v63  }
0x286: {  	_ =	swait.ge [sflag:s25], $0x3000  }
0x287: {  	s31 =	sld [smem:$0x7F6]  }
0x288: {  	[sflag:s25] =	ssyncset.done $0x0  }
0x289: {  	[sflag:s25] =	ssyncadd.s32 $0xFFFFD000  }
0x28a: {  	[tilespmem:s15], [sflag:$0xB] =	stream.linear.gather [spmem:s31], $0x1C00, $0x38;
	[tilespmem:$0x1FC80] =	vst v63  }
0x28b: {  	_ =	swait.ge [sflag:s25], $0x1C00  }
0x28c: {  	[sflag:s25] =	ssyncset.done $0x0  }
0x28d: {  	s10 =	rddreg [dreg:$0x10];
	[sflag:s25] =	ssyncadd.s32 $0xFFFFE400  }
0x28e: {  	[hbm4b:s10+s6] =	stream.linear.scatter [tilespmem:s15], [sflag:$0xB], $0x1C00, $0x38;
	[tilespmem:$0x1FC80] =	vst v63  }
0x28f: {  	_ =	swait.ge [sflag:s25], $0x1C00  }
0x290: {  	s19 =	sld [smem:$0x7F7]  }
0x291: {  	[sflag:s25] =	ssyncset.done $0x0  }
0x292: {  	[sflag:s25] =	ssyncadd.s32 $0xFFFFE400  }
0x293: {  	[tilespmem:s16], [sflag:$0xB] =	stream.linear.gather [spmem:s19], $0x600, $0x38;
	[tilespmem:$0x1FC80] =	vst v63  }
0x294: {  	_ =	swait.ge [sflag:s25], $0x600  }
0x295: {  	[sflag:s25] =	ssyncset.done $0x0  }
0x296: {  	s17 =	rddreg [dreg:$0x11];
	[sflag:s25] =	ssyncadd.s32 $0xFFFFFA00  }
0x297: {  	[hbm4b:s17+s6] =	stream.linear.scatter [tilespmem:s16], [sflag:$0xB], $0x600, $0x38;
	[tilespmem:$0x1FC80] =	vst v63  }
0x298: {  	_ =	swait.ge [sflag:s25], $0x600  }
0x299: {  	s8 =	sld [smem:$0x7F8]  }
0x29a: {  	[sflag:s25] =	ssyncset.done $0x0  }
0x29b: {  	[sflag:s25] =	ssyncadd.s32 $0xFFFFFA00  }
0x29c: {  	[tilespmem:s16], [sflag:$0xB] =	stream.linear.gather [spmem:s8], $0x600, $0x38;
	[tilespmem:$0x1FC80] =	vst v63  }
0x29d: {  	_ =	swait.ge [sflag:s25], $0x600  }
0x29e: {  	[sflag:s25] =	ssyncset.done $0x0  }
0x29f: {  	s18 =	rddreg [dreg:$0x12];
	[sflag:s25] =	ssyncadd.s32 $0xFFFFFA00  }
0x2a0: {  	[hbm4b:s18+s6] =	stream.linear.scatter [tilespmem:s16], [sflag:$0xB], $0x600, $0x38;
	[tilespmem:$0x1FC80] =	vst v63  }
0x2a1: {  	_ =	swait.ge [sflag:s25], $0x600  }
0x2a2: {  	s18 =	sld [smem:$0x7F9]  }
0x2a3: {  	[sflag:s25] =	ssyncset.done $0x0  }
0x2a4: {  	[sflag:s25] =	ssyncadd.s32 $0xFFFFFA00  }
0x2a5: {  	[tilespmem:s16], [sflag:$0xB] =	stream.linear.gather [spmem:s18], $0x600, $0x38;
	[tilespmem:$0x1FC80] =	vst v63  }
0x2a6: {  	_ =	swait.ge [sflag:s25], $0x600  }
0x2a7: {  	[sflag:s25] =	ssyncset.done $0x0  }
0x2a8: {  	s20 =	rddreg [dreg:$0x13];
	[sflag:s25] =	ssyncadd.s32 $0xFFFFFA00  }
0x2a9: {  	[hbm4b:s20+s6] =	stream.linear.scatter [tilespmem:s16], [sflag:$0xB], $0x600, $0x38;
	[tilespmem:$0x1FC80] =	vst v63  }
0x2aa: {  	_ =	swait.ge [sflag:s25], $0x600  }
0x2ab: {  	s7 =	sld [smem:$0x7FA]  }
0x2ac: {  	[sflag:s25] =	ssyncset.done $0x0  }
0x2ad: {  	[sflag:s25] =	ssyncadd.s32 $0xFFFFFA00  }
0x2ae: {  	[tilespmem:s16], [sflag:$0xB] =	stream.linear.gather [spmem:s7], $0x600, $0x38;
	[tilespmem:$0x1FC80] =	vst v63  }
0x2af: {  	_ =	swait.ge [sflag:s25], $0x600  }
0x2b0: {  	[sflag:s25] =	ssyncset.done $0x0  }
0x2b1: {  	s21 =	rddreg [dreg:$0x14];
	[sflag:s25] =	ssyncadd.s32 $0xFFFFFA00  }
0x2b2: {  	[hbm4b:s21+s6] =	stream.linear.scatter [tilespmem:s16], [sflag:$0xB], $0x600, $0x38;
	[tilespmem:$0x1FC80] =	vst v63  }
0x2b3: {  	_ =	swait.ge [sflag:s25], $0x600  }
0x2b4: {  	s20 =	sld [smem:$0x7FB]  }
0x2b5: {  	[sflag:s25] =	ssyncset.done $0x0  }
0x2b6: {  	[sflag:s25] =	ssyncadd.s32 $0xFFFFFA00  }
0x2b7: {  	[tilespmem:s16], [sflag:$0xB] =	stream.linear.gather [spmem:s20], $0x600, $0x38;
	[tilespmem:$0x1FC80] =	vst v63  }
0x2b8: {  	_ =	swait.ge [sflag:s25], $0x600  }
0x2b9: {  	[sflag:s25] =	ssyncset.done $0x0  }
0x2ba: {  	s9 =	rddreg [dreg:$0x15];
	[sflag:s25] =	ssyncadd.s32 $0xFFFFFA00  }
0x2bb: {  	[hbm4b:s9+s6] =	stream.linear.scatter [tilespmem:s16], [sflag:$0xB], $0x600, $0x38;
	[tilespmem:$0x1FC80] =	vst v63  }
0x2bc: {  	_ =	swait.ge [sflag:s25], $0x600  }
0x2bd: {  	s9 =	sld [smem:$0x7FC]  }
0x2be: {  	[sflag:s25] =	ssyncset.done $0x0  }
0x2bf: {  	[sflag:s25] =	ssyncadd.s32 $0xFFFFFA00  }
0x2c0: {  	[tilespmem:s16], [sflag:$0xB] =	stream.linear.gather [spmem:s9], $0x600, $0x38;
	[tilespmem:$0x1FC80] =	vst v63  }
0x2c1: {  	_ =	swait.ge [sflag:s25], $0x600  }
0x2c2: {  	[sflag:s25] =	ssyncset.done $0x0  }
0x2c3: {  	s10 =	rddreg [dreg:$0x16];
	[sflag:s25] =	ssyncadd.s32 $0xFFFFFA00  }
0x2c4: {  	[hbm4b:s10+s6] =	stream.linear.scatter [tilespmem:s16], [sflag:$0xB], $0x600, $0x38;
	[tilespmem:$0x1FC80] =	vst v63  }
0x2c5: {  	_ =	swait.ge [sflag:s25], $0x600  }
0x2c6: {  	s10 =	sld [smem:$0x7FD]  }
0x2c7: {  	[sflag:s25] =	ssyncset.done $0x0  }
0x2c8: {  	[sflag:s25] =	ssyncadd.s32 $0xFFFFFA00  }
0x2c9: {  	[tilespmem:s16], [sflag:$0xB] =	stream.linear.gather [spmem:s10], $0x380, $0x38;
	[tilespmem:$0x1FC80] =	vst v63  }
0x2ca: {  	_ =	swait.ge [sflag:s25], $0x380  }
0x2cb: {  	[sflag:s25] =	ssyncset.done $0x0  }
0x2cc: {  	s15 =	rddreg [dreg:$0x17];
	[sflag:s25] =	ssyncadd.s32 $0xFFFFFC80  }
0x2cd: {  	[hbm4b:s15+s6] =	stream.linear.scatter [tilespmem:s16], [sflag:$0xB], $0x380, $0x38;
	[tilespmem:$0x1FC80] =	vst v63  }
0x2ce: {  	_ =	swait.ge [sflag:s25], $0x380  }
0x2cf: {  	s17 =	sld [smem:$0x7F0]  }
0x2d0: {  	s21 =	sld [smem:$0x7F2];
	_ =	sdelay $0x1  }
0x2d1: {  	s15 =	sadd.s32 $0x1, s17  }
0x2d2: {  	p0 =	sne.s32 s15, s21  }
.Ltmp1:
0x2d3: {  	_ = 	snop;
	(pc) =	sbr.rel @p0 .LBB2_1-.Ltmp1, $3  }
0x2d4: {  	_ =	sdelay $0x1  }
0x2d5: {  	[sflag:s25] =	ssyncset.done $0x0  }
0x2d6: {  	s0 =	simm.s32 $0x180;
	s22 =	simm.s32 $0x6;
	[sflag:s25] =	ssyncadd.s32 $0xFFFFFC80  }
0x2d7: {  	_ =	sfence.sel $0x180000  }
0x2d8: {  	[bflag:$0x0] =	sbarrier.arrive $0xFFFF  }
0x2d9: {  	_ =	strace $0x90000047  }
0x2da: {  	s0 =	stileid.u32;
	[bflag:$0x2] =	sbarrier.arrive $0xFFFF  }
0x2db: {  	p0 =	sne.s32 s0, $0x0;
	s0 =	rddreg [dreg:$0x5]  }
0x2dc: {  	s0 =	sadd.s32 @!p0 $0x100000, s0  }
0x2dd: {  	[sflag:s0] =	ssyncadd.tile.s32 @!p0 $0x1;
	_ =	shalt  }
.Lfunc_end2:
_tile_overlayer_lowered:
.L_overlay_start_2:
0x2de: {  	(tag) =	ssettag $0x2  }
0x2df: {  	s0 =	rddreg [dreg:$0x0];
	s2 =	stileid.u32  }
0x2e0: {  	s1 =	rddreg [dreg:$0x1];
	p0 =	sne.s32 s2, $0x0  }
0x2e1: {  	s3 =	rddreg [dreg:$0x2];
	[bflag:$0x3] =	sbarrier.arrive $0xFFFF;
	s2 =	simm.s32 @!p0 $0x1C0B  }
0x2e2: {  	[timem:s3], [sflag:s2] =	dma.local @!p0 [hbm:s0], s1  }
0x2e3: {  	s0 =	simm.s32 @!p0 $0xB  }
0x2e4: {  	_ =	swait.ge @!p0 [sflag:s0], s1  }
0x2e5: {  	s1 =	ssub.s32 @!p0 $0x0, s1;
	[sflag:s0] =	ssyncset.done @!p0 $0x0  }
0x2e6: {  	[sflag:s0] =	ssyncadd.s32 @!p0 s1  }
0x2e7: {  	[bflag:$0x3] =	sbarrier.arrive $0xFFFF  }
0x2e8: {  	_ =	shalt  }

</sc_bundles>
